<compile_context>
chip_gen: v7x
topology: tpu7x:2x2x1
jax: 0.10.2.dev20260603
libtpu: 0.0.44.dev20260713+nightly
codegen_flags: <defaults>
</compile_context>

<pallas_src>
import functools

import jax
import jax.numpy as jnp
from jax import lax
from jax.experimental import pallas as pl
from jax.experimental.pallas import tpu as pltpu
from jax.experimental.pallas import tpu_sc as plsc

_N = 10000
_E = 160000
_G = 64
_DIN = 256
_H = 512

_NC, _NS = 2, 16
_CH = 128
_EPAD = 163840
_EPW_DEG = _EPAD // 32
_EPT = _EPAD // _NS
_NROW = 624

_R = 1000
_NB = _N // _R

_f32 = jnp.float32


def _sc_mesh():
    return plsc.VectorSubcoreMesh(
        core_axis_name="c", subcore_axis_name="s",
        num_cores=_NC, num_subcores=_NS)


def _sc_degree(dst_p, ones_tab):
    @functools.partial(
        pl.kernel,
        out_type=jax.ShapeDtypeStruct((_NC * _N, 128), _f32),
        mesh=_sc_mesh(),
        scratch_types=[
            pltpu.VMEM((_CH,), jnp.int32),
            pltpu.VMEM((_CH, 128), _f32),
            pltpu.VMEM_SHARED((_N + 16, 128), _f32),
        ],
    )
    def k(dstr, onr, out, dst_v, ones_v, dacc):
        c = lax.axis_index("c")
        s = lax.axis_index("s")
        pltpu.sync_copy(onr.at[pl.ds(0, _CH)], ones_v)
        r0 = s * _NROW
        base = c * _N
        pltpu.sync_copy(onr.at[pl.ds(r0, _NROW)], dacc.at[pl.ds(r0, _NROW)])

        @pl.when(s == 0)
        def _():
            pltpu.sync_copy(onr.at[pl.ds(9984, 16)], dacc.at[pl.ds(9984, 16)])

        plsc.subcore_barrier()

        def body(i, carry):
            off = (s * _NC + c) * _EPW_DEG + i * _CH
            pltpu.sync_copy(dstr.at[pl.ds(off, _CH)], dst_v)
            pltpu.sync_copy(ones_v, dacc.at[dst_v], add=True)
            return carry

        lax.fori_loop(0, _EPW_DEG // _CH, body, 0)
        plsc.subcore_barrier()
        pltpu.sync_copy(dacc.at[pl.ds(r0, _NROW)], out.at[pl.ds(base + r0, _NROW)])

        @pl.when(s == 0)
        def _():
            pltpu.sync_copy(dacc.at[pl.ds(9984, 16)], out.at[pl.ds(base + 9984, 16)])

    return k(dst_p, ones_tab)


_NCHUNK = _EPT // _CH


def _sc_gs(hbarf, src_p, dst_p):
    @functools.partial(
        pl.kernel,
        out_type=jax.ShapeDtypeStruct((4 * _N, 128), _f32),
        mesh=_sc_mesh(),
        scratch_types=[
            pltpu.VMEM((_EPT,), jnp.int32),
            pltpu.VMEM((_CH,), jnp.int32),
            pltpu.VMEM((_CH,), jnp.int32),
            pltpu.VMEM((_CH, 128), _f32),
            pltpu.VMEM((_CH, 128), _f32),
            pltpu.VMEM_SHARED((_N + 16, 128), _f32),
            pltpu.SemaphoreType.DMA,
            pltpu.SemaphoreType.DMA,
            pltpu.SemaphoreType.DMA,
        ],
    )
    def k(hb, srcr, dstr, out, src_all, dst_v0, dst_v1, rows0, rows1, acc, gsem, ss0, ss1):
        c = lax.axis_index("c")
        s = lax.axis_index("s")
        r0 = s * _NROW
        pltpu.sync_copy(srcr.at[pl.ds(s * _EPT, _EPT)], src_all)
        rows = (rows0, rows1)
        dstv = (dst_v0, dst_v1)
        ssem = (ss0, ss1)
        for p in range(2):
            j = 2 * c + p
            jrow = j * _N
            delta = jrow if p == 0 else _N
            def adj(kk, carry):
                sl = pl.ds(kk * 16, 16)
                src_all[sl] = src_all[sl] + delta
                return carry
            lax.fori_loop(0, _EPT // 16, adj, 0)

            pltpu.sync_copy(hb.at[pl.ds(jrow + r0, _NROW)], acc.at[pl.ds(r0, _NROW)])

            @pl.when(s == 0)
            def _():
                pltpu.sync_copy(hb.at[pl.ds(jrow + 9984, 16)], acc.at[pl.ds(9984, 16)])

            plsc.subcore_barrier()

            pltpu.sync_copy(dstr.at[pl.ds(s * _EPT, _CH)], dstv[0])
            pltpu.async_copy(hb.at[src_all.at[pl.ds(0, _CH)]], rows[0], gsem)

            def body(o, carry):
                for b in range(2):
                    i = 2 * o + b
                    bn = 1 - b
                    pltpu.make_async_copy(
                        hb.at[src_all.at[pl.ds(i * _CH, _CH)]], rows[b],
                        gsem).wait()
                    pltpu.async_copy(rows[b], acc.at[dstv[b]], ssem[b],
                                     add=True)

                    @pl.when(i > 0)
                    def _():
                        pltpu.make_async_copy(
                            rows[bn], acc.at[dstv[bn]], ssem[bn]).wait()

                    @pl.when(i < _NCHUNK - 1)
                    def _():
                        pltpu.sync_copy(
                            dstr.at[pl.ds(s * _EPT + (i + 1) * _CH, _CH)],
                            dstv[bn])
                        pltpu.async_copy(
                            hb.at[src_all.at[pl.ds((i + 1) * _CH, _CH)]],
                            rows[bn], gsem)
                return carry

            lax.fori_loop(0, _NCHUNK // 2, body, 0)
            pltpu.make_async_copy(rows[1], acc.at[dstv[1]], ssem[1]).wait()
            plsc.subcore_barrier()
            pltpu.sync_copy(acc.at[pl.ds(r0, _NROW)], out.at[pl.ds(jrow + r0, _NROW)])

            @pl.when(s == 0)
            def _():
                pltpu.sync_copy(acc.at[pl.ds(9984, 16)], out.at[pl.ds(jrow + 9984, 16)])

            plsc.subcore_barrier()

    return k(hbarf, src_p, dst_p)


def _h0_body(x_ref, w_ref, out_ref):
    h = jnp.dot(x_ref[...], w_ref[...], preferred_element_type=_f32)
    for jj in range(4):
        out_ref[jj] = h[:, jj * 128:(jj + 1) * 128]


def _tc_h0(x, w):
    return pl.pallas_call(
        _h0_body,
        grid=(_NB,),
        in_specs=[
            pl.BlockSpec((_R, _DIN), lambda i: (i, 0)),
            pl.BlockSpec((_DIN, _H), lambda i: (0, 0)),
        ],
        out_specs=pl.BlockSpec((4, _R, 128), lambda i: (0, i, 0)),
        out_shape=jax.ShapeDtypeStruct((4, _N, 128), _f32),
    )(x, w)


def _scale_body(degp_ref, h_ref, dinv_ref, out_ref):
    d = degp_ref[...]
    deg = d[0, :, 0] + d[1, :, 0] - 1.0
    dinv = (1.0 / jnp.sqrt(deg))[:, None]
    dinv_ref[...] = dinv
    for jj in range(4):
        out_ref[jj] = h_ref[jj] * dinv


def _tc_scale(degp, h04):
    return pl.pallas_call(
        _scale_body,
        grid=(_NB,),
        in_specs=[
            pl.BlockSpec((_NC, _R, 128), lambda i: (0, i, 0)),
            pl.BlockSpec((4, _R, 128), lambda i: (0, i, 0)),
        ],
        out_specs=[
            pl.BlockSpec((_R, 1), lambda i: (i, 0)),
            pl.BlockSpec((4, _R, 128), lambda i: (0, i, 0)),
        ],
        out_shape=[
            jax.ShapeDtypeStruct((_N, 1), _f32),
            jax.ShapeDtypeStruct((4, _N, 128), _f32),
        ],
    )(degp, h04)


def _layer_body(y_ref, dinv_ref, b_ref, w_ref, out_ref):
    dinv = dinv_ref[...]
    y = jnp.concatenate([y_ref[jj] for jj in range(4)], axis=1)
    a = jnp.maximum(y * dinv + b_ref[...], 0.0)
    acc = jnp.dot(a, w_ref[...], preferred_element_type=_f32)
    hb = acc * dinv
    for jj in range(4):
        out_ref[jj] = hb[:, jj * 128:(jj + 1) * 128]


def _tc_layer(ys, dinv, b_row, w):
    return pl.pallas_call(
        _layer_body,
        grid=(_NB,),
        in_specs=[
            pl.BlockSpec((4, _R, 128), lambda i: (0, i, 0)),
            pl.BlockSpec((_R, 1), lambda i: (i, 0)),
            pl.BlockSpec((1, _H), lambda i: (0, 0)),
            pl.BlockSpec((_H, _H), lambda i: (0, 0)),
        ],
        out_specs=pl.BlockSpec((4, _R, 128), lambda i: (0, i, 0)),
        out_shape=jax.ShapeDtypeStruct((4, _N, 128), _f32),
    )(ys, dinv, b_row, w)


def _pool_body(y_ref, dinv_ref, b_ref, bi_ref, feat_ref, smax_s, ssum_s, cnt_s):
    i = pl.program_id(0)

    @pl.when(i == 0)
    def _():
        smax_s[...] = jnp.full((_G, _H), -jnp.inf, _f32)
        ssum_s[...] = jnp.zeros((_G, _H), _f32)
        cnt_s[...] = jnp.zeros((_G, 1), _f32)

    dinv = dinv_ref[...]
    parts = [y_ref[jj] * dinv + b_ref[jj][None, :] for jj in range(4)]
    h3 = jnp.concatenate(parts, axis=1)
    bi = bi_ref[...][:, 0]
    onehot = (bi[None, :] == lax.broadcasted_iota(jnp.int32, (_G, _R), 0)).astype(_f32)
    ssum_s[...] += jnp.dot(onehot, h3, preferred_element_type=_f32,
                           precision=lax.Precision.HIGHEST)
    cnt_s[...] += jnp.sum(onehot, axis=1, keepdims=True)

    glo = bi_ref[0, 0]
    ghi = bi_ref[_R - 1, 0]

    def gbody(g, carry):
        mask = (bi == g)[:, None]
        m = jnp.max(jnp.where(mask, h3, -jnp.inf), axis=0, keepdims=True)
        cur = smax_s[pl.ds(g, 1), :]
        smax_s[pl.ds(g, 1), :] = jnp.maximum(cur, m)
        return carry

    lax.fori_loop(glo, ghi + 1, gbody, 0)

    @pl.when(i == _NB - 1)
    def _():
        cnt = cnt_s[...]
        feat_ref[:, :_H] = jnp.where(cnt > 0, smax_s[...], 0.0)
        feat_ref[:, _H:] = ssum_s[...] / jnp.maximum(cnt, 1.0)


def _tc_pool(ys, dinv, b4, bi):
    return pl.pallas_call(
        _pool_body,
        grid=(_NB,),
        in_specs=[
            pl.BlockSpec((4, _R, 128), lambda i: (0, i, 0)),
            pl.BlockSpec((_R, 1), lambda i: (i, 0)),
            pl.BlockSpec((4, 128), lambda i: (0, 0)),
            pl.BlockSpec((_R, 1), lambda i: (i, 0)),
        ],
        out_specs=pl.BlockSpec((_G, 2 * _H), lambda i: (0, 0)),
        out_shape=jax.ShapeDtypeStruct((_G, 2 * _H), _f32),
        scratch_shapes=[
            pltpu.VMEM((_G, _H), _f32),
            pltpu.VMEM((_G, _H), _f32),
            pltpu.VMEM((_G, 1), _f32),
        ],
    )(ys, dinv, b4, bi)


def _head_body(f_ref, w1, b1, g1, be1, w2, b2, g2, be2, w3, b3, out_ref):
    def bn(y, g, b):
        m = jnp.mean(y, axis=0, keepdims=True)
        v = jnp.mean((y - m) ** 2, axis=0, keepdims=True)
        return g[...] * (y - m) / jnp.sqrt(v + 1e-5) + b[...]

    y = jnp.dot(f_ref[...], w1[...], preferred_element_type=_f32) + b1[...]
    y = jnp.maximum(bn(y, g1, be1), 0.0)
    y = jnp.dot(y, w2[...], preferred_element_type=_f32) + b2[...]
    y = jnp.maximum(bn(y, g2, be2), 0.0)
    out_ref[...] = jnp.dot(y, w3[...], preferred_element_type=_f32) + b3[...]


def _tc_head(feat, w1, b1, g1, be1, w2, b2, g2, be2, w3p, b3p):
    args = (feat, w1, b1, g1, be1, w2, b2, g2, be2, w3p, b3p)
    return pl.pallas_call(
        _head_body,
        grid=(1,),
        in_specs=[pl.BlockSpec(a.shape, lambda i: tuple(0 for _ in a.shape))
                  for a in args],
        out_specs=pl.BlockSpec((_G, 128), lambda i: (0, 0)),
        out_shape=jax.ShapeDtypeStruct((_G, 128), _f32),
    )(*args)


def kernel(x, edge_index, batch_index, Wg0, bg0, Wg1, bg1, Wg2, bg2,
           W1, b1, g1, be1, W2, b2, g2, be2, W3, b3):
    src = edge_index[0].astype(jnp.int32)
    dst = edge_index[1].astype(jnp.int32)
    pad = _EPAD - _E
    src_p = jnp.concatenate([src, jnp.zeros((pad,), jnp.int32)])
    dst_p = jnp.concatenate([dst, jnp.full((pad,), _N, jnp.int32)])
    ones_tab = jnp.ones((_N, 128), _f32)

    degp = _sc_degree(dst_p, ones_tab).reshape(_NC, _N, 128)
    h04 = _tc_h0(x, Wg0)
    dinv, hbar0 = _tc_scale(degp, h04)

    ys0 = _sc_gs(hbar0.reshape(4 * _N, 128), src_p, dst_p).reshape(4, _N, 128)
    hbar1 = _tc_layer(ys0, dinv, bg0.reshape(1, _H), Wg1)
    ys1 = _sc_gs(hbar1.reshape(4 * _N, 128), src_p, dst_p).reshape(4, _N, 128)
    hbar2 = _tc_layer(ys1, dinv, bg1.reshape(1, _H), Wg2)
    ys2 = _sc_gs(hbar2.reshape(4 * _N, 128), src_p, dst_p).reshape(4, _N, 128)

    feat = _tc_pool(ys2, dinv, bg2.reshape(4, 128),
                    batch_index.reshape(_N, 1).astype(jnp.int32))

    w3p = jnp.pad(W3, ((0, 0), (0, 127)))
    b3p = jnp.pad(b3, (0, 127)).reshape(1, 128)
    y = _tc_head(feat, W1, b1.reshape(1, _H), g1.reshape(1, _H),
                 be1.reshape(1, _H), W2, b2.reshape(1, _H // 2),
                 g2.reshape(1, _H // 2), be2.reshape(1, _H // 2), w3p, b3p)
    return y[:, :1]

# --- scband reference (transcript-rebuilt; emitter-appended) ---
"""Pipeline reference for scband-gcn-27685359190280 (READ-ONLY COPY).

The authoritative reference and input builder live on the scoring server;
editing this copy changes nothing except your own understanding.
"""

import jax, jax.numpy as jnp
import numpy as np

N = 10000
E = 160000
G = 64
D_IN = 256
H = 512

def _glorot(key, shape):
    lim = float(np.sqrt(6.0 / (shape[0] + shape[1])))
    return jax.random.uniform(key, shape, jnp.float32, -lim, lim)

def setup_inputs(seed: int = 0) -> dict:
    key = jax.random.key(seed)
    ks = jax.random.split(key, 24)
    x = jax.random.normal(ks[0], (N, D_IN), jnp.float32)
    edge_index = jax.random.randint(ks[1], (2, E), 0, N)
    batch_index = jnp.sort(jax.random.randint(ks[2], (N,), 0, G))
    inp = {
        'x': x,
        'edge_index': edge_index,
        'batch_index': batch_index,
        'Wg0': _glorot(ks[3], (D_IN, H)), 'bg0': jnp.zeros((H,), jnp.float32),
        'Wg1': _glorot(ks[4], (H, H)),   'bg1': jnp.zeros((H,), jnp.float32),
        'Wg2': _glorot(ks[5], (H, H)),   'bg2': jnp.zeros((H,), jnp.float32),
        'W1': _glorot(ks[6], (2 * H, H)), 'b1': jnp.zeros((H,), jnp.float32),
        'g1': jnp.ones((H,), jnp.float32), 'be1': jnp.zeros((H,), jnp.float32),
        'W2': _glorot(ks[7], (H, H // 2)), 'b2': jnp.zeros((H // 2,), jnp.float32),
        'g2': jnp.ones((H // 2,), jnp.float32), 'be2': jnp.zeros((H // 2,), jnp.float32),
        'W3': _glorot(ks[8], (H // 2, 1)), 'b3': jnp.zeros((1,), jnp.float32),
    }
    return inp

def _gcn_conv(x, W, b, src, dst):
    loop = jnp.arange(N)
    s = jnp.concatenate([src, loop])
    d = jnp.concatenate([dst, loop])
    deg = jnp.zeros((N,), x.dtype).at[d].add(1.0)
    dinv = jnp.where(deg > 0, 1.0 / jnp.sqrt(deg), 0.0)
    norm = dinv[s] * dinv[d]
    h = x @ W
    msg = h[s] * norm[:, None]
    out = jnp.zeros((N, W.shape[1]), x.dtype).at[d].add(msg)
    return out + b

def _batchnorm(y, g, b):
    m = y.mean(axis=0)
    v = y.var(axis=0)
    return g * (y - m) / jnp.sqrt(v + 1e-5) + b

def reference(x, edge_index, batch_index, Wg0, bg0, Wg1, bg1, Wg2, bg2, W1, b1, g1, be1, W2, b2, g2, be2, W3, b3):
    src = edge_index[0]
    dst = edge_index[1]
    h = _gcn_conv(x, Wg0, bg0, src, dst)
    h = jax.nn.relu(h)
    h = _gcn_conv(h, Wg1, bg1, src, dst)
    h = jax.nn.relu(h)
    h = _gcn_conv(h, Wg2, bg2, src, dst)
    counts = jax.ops.segment_sum(jnp.ones((N,), h.dtype), batch_index, num_segments=G)
    smax = jax.ops.segment_max(h, batch_index, num_segments=G)
    smax = jnp.where(counts[:, None] > 0, smax, 0.0)
    ssum = jax.ops.segment_sum(h, batch_index, num_segments=G)
    smean = ssum / jnp.maximum(counts, 1.0)[:, None]
    feat = jnp.concatenate([smax, smean], axis=1)
    y = feat @ W1 + b1
    y = _batchnorm(y, g1, be1)
    y = jax.nn.relu(y)
    y = y @ W2 + b2
    y = _batchnorm(y, g2, be2)
    y = jax.nn.relu(y)
    y = y @ W3 + b3
    return y

if __name__ == "__main__":
    import jax
    _d = setup_inputs()
    print(jax.jit(kernel)(*tuple(_d.values())))

</pallas_src>

<mosaic_0001>
#map = affine_map<(d0, d1) -> (0, 0)>
#map1 = affine_map<(d0, d1) -> (0)>
module attributes {stable_mosaic.version = 14 : i64} {
  func.func @k(%arg0: i32, %arg1: i32, %arg2: memref<40000x128xf32, #tpu.memory_space<hbm>>, %arg3: memref<163840xi32, #tpu.memory_space<hbm>>, %arg4: memref<163840xi32, #tpu.memory_space<hbm>>, %arg5: memref<40000x128xf32, #tpu.memory_space<hbm>>, %arg6: memref<10240xi32, #tpu.memory_space<vmem>>, %arg7: memref<128xi32, #tpu.memory_space<vmem>>, %arg8: memref<128xi32, #tpu.memory_space<vmem>>, %arg9: memref<128x128xf32, #tpu.memory_space<vmem>>, %arg10: memref<128x128xf32, #tpu.memory_space<vmem>>, %arg11: memref<10016x128xf32, #tpu.memory_space<vmem_shared>>, %arg12: memref<!tpu.dma_semaphore, #tpu.memory_space<semaphore_mem>>, %arg13: memref<!tpu.dma_semaphore, #tpu.memory_space<semaphore_mem>>, %arg14: memref<!tpu.dma_semaphore, #tpu.memory_space<semaphore_mem>>) attributes {dimension_semantics = [#tpu.dimension_semantics<core_parallel>, #tpu.dimension_semantics<subcore_parallel>], iteration_bounds = array<i64: 2, 16>, scalar_prefetch = 0 : i64, scratch_operands = 9 : i64, tpu.core_type = #tpu.core_type<sc_vector_subcore>, window_params = [{transform_indices = #map}, {transform_indices = #map1}, {transform_indices = #map1}, {transform_indices = #map}]} {
    %mul3A = arith.constant 624 : i32
    %mul3A_0 = arith.muli %arg1, %mul3A : i32
    %mul3A_1 = arith.constant 10240 : i32
    %mul3A_2 = arith.muli %arg1, %mul3A_1 : i32
    "tpu.region"() ({
      %run_scoped3A = tpu.sem_alloc : memref<!tpu.dma_semaphore, #tpu.memory_space<semaphore_mem>>
      %dma_start3A_81 = tpu.memref_slice %arg3[%mul3A_2] : memref<163840xi32, #tpu.memory_space<hbm>> -> memref<10240xi32, #tpu.memory_space<hbm>>
      %dma_start3A_82 = tpu.memref_slice %arg3[%mul3A_2] : memref<163840xi32, #tpu.memory_space<hbm>> -> memref<10240xi32, #tpu.memory_space<hbm>>
      tpu.enqueue_dma source(%dma_start3A_82 : memref<10240xi32, #tpu.memory_space<hbm>>) target(%arg6 : memref<10240xi32, #tpu.memory_space<vmem>>) target_semaphore(%run_scoped3A : memref<!tpu.dma_semaphore, #tpu.memory_space<semaphore_mem>>)
      %dma_wait3A_83 = tpu.memref_slice %arg3[%mul3A_2] : memref<163840xi32, #tpu.memory_space<hbm>> -> memref<10240xi32, #tpu.memory_space<hbm>>
      %dma_wait3A_84 = tpu.memref_slice %arg3[%mul3A_2] : memref<163840xi32, #tpu.memory_space<hbm>> -> memref<10240xi32, #tpu.memory_space<hbm>>
      tpu.wait_dma2 semaphore(%run_scoped3A : memref<!tpu.dma_semaphore, #tpu.memory_space<semaphore_mem>>) src(%dma_wait3A_84 : memref<10240xi32, #tpu.memory_space<hbm>>) dst(%arg6 : memref<10240xi32, #tpu.memory_space<vmem>>)
      tpu.yield
    }) : () -> ()
    %mul3A_3 = arith.constant 2 : i32
    %mul3A_4 = arith.muli %mul3A_3, %arg0 : i32
    %add3A = arith.constant 0 : i32
    %add3A_5 = arith.addi %mul3A_4, %add3A : i32
    %mul3A_6 = arith.constant 10000 : i32
    %mul3A_7 = arith.muli %add3A_5, %mul3A_6 : i32
    %scan3A = arith.constant 0 : i32
    %scan3A_8 = arith.constant 0 : i32
    %scan3A_9 = arith.constant 640 : i32
    %scan3A_10 = arith.addi %scan3A_8, %scan3A_9 : i32
    %scan3A_11 = arith.constant 1 : i32
    scf.for %scan3A_81 = %scan3A_8 to %scan3A_10 step %scan3A_11  : i32 {
      %mul3A_82 = arith.constant 16 : i32
      %mul3A_83 = arith.muli %scan3A_81, %mul3A_82 : i32
      %get3A = arith.index_cast %mul3A_83 : i32 to index
      %get3A_84 = tpu.vector_load %arg6[%get3A] {strides = array<i32>} : memref<10240xi32, #tpu.memory_space<vmem>>, vector<16xi32>,
      %get3A_85 = vector.shape_cast %get3A_84 : vector<16xi32> to vector<16xi32>
      %add3A_86 = vector.broadcast %mul3A_7 : i32 to vector<16xi32>
      %add3A_87 = arith.addi %get3A_85, %add3A_86 : vector<16xi32>
      %swap3A = arith.index_cast %mul3A_83 : i32 to index
      %swap3A_88 = tpu.vector_load %arg6[%swap3A] {strides = array<i32>} : memref<10240xi32, #tpu.memory_space<vmem>>, vector<16xi32>,
      %swap3A_89 = vector.shape_cast %swap3A_88 : vector<16xi32> to vector<16xi32>
      %swap3A_90 = vector.shape_cast %add3A_87 : vector<16xi32> to vector<16xi32>
      tpu.vector_store %arg6[%swap3A], %swap3A_90 {strides = array<i32>} : memref<10240xi32, #tpu.memory_space<vmem>>, vector<16xi32>,
    }
    %scan3A_12 = arith.constant 640 : i32
    %add3A_13 = arith.addi %mul3A_7, %mul3A_0 : i32
    "tpu.region"() ({
      %run_scoped3A = tpu.sem_alloc : memref<!tpu.dma_semaphore, #tpu.memory_space<semaphore_mem>>
      %dma_start3A_81 = arith.constant 0 : i32
      %dma_start3A_82 = tpu.memref_slice %arg11[%mul3A_0, %dma_start3A_81] : memref<10016x128xf32, #tpu.memory_space<vmem_shared>> -> memref<624x128xf32, #tpu.memory_space<vmem_shared>>
      %dma_start3A_83 = arith.constant 0 : i32
      %dma_start3A_84 = tpu.memref_slice %arg2[%add3A_13, %dma_start3A_83] : memref<40000x128xf32, #tpu.memory_space<hbm>> -> memref<624x128xf32, #tpu.memory_space<hbm>>
      tpu.enqueue_dma source(%dma_start3A_84 : memref<624x128xf32, #tpu.memory_space<hbm>>) target(%dma_start3A_82 : memref<624x128xf32, #tpu.memory_space<vmem_shared>>) target_semaphore(%run_scoped3A : memref<!tpu.dma_semaphore, #tpu.memory_space<semaphore_mem>>)
      %dma_wait3A_85 = arith.constant 0 : i32
      %dma_wait3A_86 = tpu.memref_slice %arg11[%mul3A_0, %dma_wait3A_85] : memref<10016x128xf32, #tpu.memory_space<vmem_shared>> -> memref<624x128xf32, #tpu.memory_space<vmem_shared>>
      %dma_wait3A_87 = arith.constant 0 : i32
      %dma_wait3A_88 = tpu.memref_slice %arg2[%add3A_13, %dma_wait3A_87] : memref<40000x128xf32, #tpu.memory_space<hbm>> -> memref<624x128xf32, #tpu.memory_space<hbm>>
      tpu.wait_dma2 semaphore(%run_scoped3A : memref<!tpu.dma_semaphore, #tpu.memory_space<semaphore_mem>>) src(%dma_wait3A_88 : memref<624x128xf32, #tpu.memory_space<hbm>>) dst(%dma_wait3A_86 : memref<624x128xf32, #tpu.memory_space<vmem_shared>>)
      tpu.yield
    }) : () -> ()
    %eq3A = arith.constant 0 : i32
    %eq3A_14 = arith.cmpi eq, %arg1, %eq3A : i32
    %convert_element_type3A = arith.extui %eq3A_14 : i1 to i32
    %cond3A = arith.constant 0 : i32
    %cond3A_15 = arith.cmpi ne, %convert_element_type3A, %cond3A : i32
    scf.if %cond3A_15 {
      %add3A_81 = arith.constant 9984 : i32
      %add3A_82 = arith.addi %mul3A_7, %add3A_81 : i32
      "tpu.region"() ({
        %run_scoped3A = tpu.sem_alloc : memref<!tpu.dma_semaphore, #tpu.memory_space<semaphore_mem>>
        %dma_start3A_83 = arith.constant 9984 : i32
        %dma_start3A_84 = arith.constant 0 : i32
        %dma_start3A_85 = tpu.memref_slice %arg11[%dma_start3A_83, %dma_start3A_84] : memref<10016x128xf32, #tpu.memory_space<vmem_shared>> -> memref<16x128xf32, #tpu.memory_space<vmem_shared>>
        %dma_start3A_86 = arith.constant 0 : i32
        %dma_start3A_87 = tpu.memref_slice %arg2[%add3A_82, %dma_start3A_86] : memref<40000x128xf32, #tpu.memory_space<hbm>> -> memref<16x128xf32, #tpu.memory_space<hbm>>
        tpu.enqueue_dma source(%dma_start3A_87 : memref<16x128xf32, #tpu.memory_space<hbm>>) target(%dma_start3A_85 : memref<16x128xf32, #tpu.memory_space<vmem_shared>>) target_semaphore(%run_scoped3A : memref<!tpu.dma_semaphore, #tpu.memory_space<semaphore_mem>>)
        %dma_wait3A_88 = arith.constant 9984 : i32
        %dma_wait3A_89 = arith.constant 0 : i32
        %dma_wait3A_90 = tpu.memref_slice %arg11[%dma_wait3A_88, %dma_wait3A_89] : memref<10016x128xf32, #tpu.memory_space<vmem_shared>> -> memref<16x128xf32, #tpu.memory_space<vmem_shared>>
        %dma_wait3A_91 = arith.constant 0 : i32
        %dma_wait3A_92 = tpu.memref_slice %arg2[%add3A_82, %dma_wait3A_91] : memref<40000x128xf32, #tpu.memory_space<hbm>> -> memref<16x128xf32, #tpu.memory_space<hbm>>
        tpu.wait_dma2 semaphore(%run_scoped3A : memref<!tpu.dma_semaphore, #tpu.memory_space<semaphore_mem>>) src(%dma_wait3A_92 : memref<16x128xf32, #tpu.memory_space<hbm>>) dst(%dma_wait3A_90 : memref<16x128xf32, #tpu.memory_space<vmem_shared>>)
        tpu.yield
      }) : () -> ()
    } else {
    }
    %barrier3A = arith.constant 0 : index
    tpu.barrier barrier_id(%barrier3A)
    %mul3A_16 = arith.constant 10240 : i32
    %mul3A_17 = arith.muli %arg1, %mul3A_16 : i32
    "tpu.region"() ({
      %run_scoped3A = tpu.sem_alloc : memref<!tpu.dma_semaphore, #tpu.memory_space<semaphore_mem>>
      %dma_start3A_81 = tpu.memref_slice %arg4[%mul3A_17] : memref<163840xi32, #tpu.memory_space<hbm>> -> memref<128xi32, #tpu.memory_space<hbm>>
      %dma_start3A_82 = tpu.memref_slice %arg4[%mul3A_17] : memref<163840xi32, #tpu.memory_space<hbm>> -> memref<128xi32, #tpu.memory_space<hbm>>
      tpu.enqueue_dma source(%dma_start3A_82 : memref<128xi32, #tpu.memory_space<hbm>>) target(%arg7 : memref<128xi32, #tpu.memory_space<vmem>>) target_semaphore(%run_scoped3A : memref<!tpu.dma_semaphore, #tpu.memory_space<semaphore_mem>>)
      %dma_wait3A_83 = tpu.memref_slice %arg4[%mul3A_17] : memref<163840xi32, #tpu.memory_space<hbm>> -> memref<128xi32, #tpu.memory_space<hbm>>
      %dma_wait3A_84 = tpu.memref_slice %arg4[%mul3A_17] : memref<163840xi32, #tpu.memory_space<hbm>> -> memref<128xi32, #tpu.memory_space<hbm>>
      tpu.wait_dma2 semaphore(%run_scoped3A : memref<!tpu.dma_semaphore, #tpu.memory_space<semaphore_mem>>) src(%dma_wait3A_84 : memref<128xi32, #tpu.memory_space<hbm>>) dst(%arg7 : memref<128xi32, #tpu.memory_space<vmem>>)
      tpu.yield
    }) : () -> ()
    %dma_start3A = arith.constant 0 : i32
    %dma_start3A_18 = tpu.memref_slice %arg6[%dma_start3A] : memref<10240xi32, #tpu.memory_space<vmem>> -> memref<128xi32, #tpu.memory_space<vmem>>
    %dma_start3A_19 = arith.constant 0 : i32
    %dma_start3A_20 = arith.constant 0 : i32
    %dma_start3A_21 = tpu.memref_slice %arg2[%dma_start3A_19, %dma_start3A_20] : memref<40000x128xf32, #tpu.memory_space<hbm>> -> memref<40000x128xf32, #tpu.memory_space<hbm>>
    tpu.enqueue_indirect_dma source(%dma_start3A_21 : memref<40000x128xf32, #tpu.memory_space<hbm>>) target(%arg9 : memref<128x128xf32, #tpu.memory_space<vmem>>) offsets(%dma_start3A_18 : memref<128xi32, #tpu.memory_space<vmem>>) semaphore(%arg12 : memref<!tpu.dma_semaphore, #tpu.memory_space<semaphore_mem>>)
    %scan3A_22 = arith.constant 0 : i32
    %scan3A_23 = arith.constant 0 : i32
    %scan3A_24 = arith.constant 40 : i32
    %scan3A_25 = arith.addi %scan3A_23, %scan3A_24 : i32
    %scan3A_26 = arith.constant 1 : i32
    scf.for %scan3A_81 = %scan3A_23 to %scan3A_25 step %scan3A_26  : i32 {
      %mul3A_82 = arith.constant 2 : i32
      %mul3A_83 = arith.muli %mul3A_82, %scan3A_81 : i32
      %add3A_84 = arith.constant 0 : i32
      %add3A_85 = arith.addi %mul3A_83, %add3A_84 : i32
      %mul3A_86 = arith.constant 128 : i32
      %mul3A_87 = arith.muli %add3A_85, %mul3A_86 : i32
      %dma_wait3A_88 = tpu.memref_slice %arg6[%mul3A_87] : memref<10240xi32, #tpu.memory_space<vmem>> -> memref<128xi32, #tpu.memory_space<vmem>>
      %dma_wait3A_89 = arith.constant 0 : i32
      %dma_wait3A_90 = arith.constant 0 : i32
      %dma_wait3A_91 = tpu.memref_slice %arg2[%dma_wait3A_89, %dma_wait3A_90] : memref<40000x128xf32, #tpu.memory_space<hbm>> -> memref<40000x128xf32, #tpu.memory_space<hbm>>
      tpu.wait_indirect_dma semaphore(%arg12 : memref<!tpu.dma_semaphore, #tpu.memory_space<semaphore_mem>>) src(%dma_wait3A_91 : memref<40000x128xf32, #tpu.memory_space<hbm>>) dst(%arg9 : memref<128x128xf32, #tpu.memory_space<vmem>>)
      %dma_start3A_92 = arith.constant 0 : i32
      %dma_start3A_93 = arith.constant 0 : i32
      %dma_start3A_94 = tpu.memref_slice %arg11[%dma_start3A_92, %dma_start3A_93] : memref<10016x128xf32, #tpu.memory_space<vmem_shared>> -> memref<10016x128xf32, #tpu.memory_space<vmem_shared>>
      tpu.enqueue_indirect_dma source(%arg9 : memref<128x128xf32, #tpu.memory_space<vmem>>) target(%dma_start3A_94 : memref<10016x128xf32, #tpu.memory_space<vmem_shared>>) offsets(%arg7 : memref<128xi32, #tpu.memory_space<vmem>>) semaphore(%arg13 : memref<!tpu.dma_semaphore, #tpu.memory_space<semaphore_mem>>) {add = true}
      %gt3A = arith.constant 0 : i32
      %gt3A_95 = arith.cmpi sgt, %add3A_85, %gt3A : i32
      %convert_element_type3A_96 = arith.extui %gt3A_95 : i1 to i32
      %cond3A_97 = arith.constant 0 : i32
      %cond3A_98 = arith.cmpi ne, %convert_element_type3A_96, %cond3A_97 : i32
      scf.if %cond3A_98 {
        %dma_wait3A_126 = arith.constant 0 : i32
        %dma_wait3A_127 = arith.constant 0 : i32
        %dma_wait3A_128 = tpu.memref_slice %arg11[%dma_wait3A_126, %dma_wait3A_127] : memref<10016x128xf32, #tpu.memory_space<vmem_shared>> -> memref<10016x128xf32, #tpu.memory_space<vmem_shared>>
        tpu.wait_indirect_dma semaphore(%arg14 : memref<!tpu.dma_semaphore, #tpu.memory_space<semaphore_mem>>) src(%arg10 : memref<128x128xf32, #tpu.memory_space<vmem>>) dst(%dma_wait3A_128 : memref<10016x128xf32, #tpu.memory_space<vmem_shared>>)
      } else {
      }
      %lt3A = arith.constant 79 : i32
      %lt3A_99 = arith.cmpi slt, %add3A_85, %lt3A : i32
      %convert_element_type3A_100 = arith.extui %lt3A_99 : i1 to i32
      %cond3A_101 = arith.constant 0 : i32
      %cond3A_102 = arith.cmpi ne, %convert_element_type3A_100, %cond3A_101 : i32
      scf.if %cond3A_102 {
        %mul3A_126 = arith.constant 10240 : i32
        %mul3A_127 = arith.muli %arg1, %mul3A_126 : i32
        %add3A_128 = arith.constant 1 : i32
        %add3A_129 = arith.addi %add3A_85, %add3A_128 : i32
        %mul3A_130 = arith.constant 128 : i32
        %mul3A_131 = arith.muli %add3A_129, %mul3A_130 : i32
        %add3A_132 = arith.addi %mul3A_127, %mul3A_131 : i32
        "tpu.region"() ({
          %run_scoped3A = tpu.sem_alloc : memref<!tpu.dma_semaphore, #tpu.memory_space<semaphore_mem>>
          %dma_start3A_141 = tpu.memref_slice %arg4[%add3A_132] : memref<163840xi32, #tpu.memory_space<hbm>> -> memref<128xi32, #tpu.memory_space<hbm>>
          %dma_start3A_142 = tpu.memref_slice %arg4[%add3A_132] : memref<163840xi32, #tpu.memory_space<hbm>> -> memref<128xi32, #tpu.memory_space<hbm>>
          tpu.enqueue_dma source(%dma_start3A_142 : memref<128xi32, #tpu.memory_space<hbm>>) target(%arg8 : memref<128xi32, #tpu.memory_space<vmem>>) target_semaphore(%run_scoped3A : memref<!tpu.dma_semaphore, #tpu.memory_space<semaphore_mem>>)
          %dma_wait3A_143 = tpu.memref_slice %arg4[%add3A_132] : memref<163840xi32, #tpu.memory_space<hbm>> -> memref<128xi32, #tpu.memory_space<hbm>>
          %dma_wait3A_144 = tpu.memref_slice %arg4[%add3A_132] : memref<163840xi32, #tpu.memory_space<hbm>> -> memref<128xi32, #tpu.memory_space<hbm>>
          tpu.wait_dma2 semaphore(%run_scoped3A : memref<!tpu.dma_semaphore, #tpu.memory_space<semaphore_mem>>) src(%dma_wait3A_144 : memref<128xi32, #tpu.memory_space<hbm>>) dst(%arg8 : memref<128xi32, #tpu.memory_space<vmem>>)
          tpu.yield
        }) : () -> ()
        %add3A_133 = arith.constant 1 : i32
        %add3A_134 = arith.addi %add3A_85, %add3A_133 : i32
        %mul3A_135 = arith.constant 128 : i32
        %mul3A_136 = arith.muli %add3A_134, %mul3A_135 : i32
        %dma_start3A_137 = tpu.memref_slice %arg6[%mul3A_136] : memref<10240xi32, #tpu.memory_space<vmem>> -> memref<128xi32, #tpu.memory_space<vmem>>
        %dma_start3A_138 = arith.constant 0 : i32
        %dma_start3A_139 = arith.constant 0 : i32
        %dma_start3A_140 = tpu.memref_slice %arg2[%dma_start3A_138, %dma_start3A_139] : memref<40000x128xf32, #tpu.memory_space<hbm>> -> memref<40000x128xf32, #tpu.memory_space<hbm>>
        tpu.enqueue_indirect_dma source(%dma_start3A_140 : memref<40000x128xf32, #tpu.memory_space<hbm>>) target(%arg10 : memref<128x128xf32, #tpu.memory_space<vmem>>) offsets(%dma_start3A_137 : memref<128xi32, #tpu.memory_space<vmem>>) semaphore(%arg12 : memref<!tpu.dma_semaphore, #tpu.memory_space<semaphore_mem>>)
      } else {
      }
      %mul3A_103 = arith.constant 2 : i32
      %mul3A_104 = arith.muli %mul3A_103, %scan3A_81 : i32
      %add3A_105 = arith.constant 1 : i32
      %add3A_106 = arith.addi %mul3A_104, %add3A_105 : i32
      %mul3A_107 = arith.constant 128 : i32
      %mul3A_108 = arith.muli %add3A_106, %mul3A_107 : i32
      %dma_wait3A_109 = tpu.memref_slice %arg6[%mul3A_108] : memref<10240xi32, #tpu.memory_space<vmem>> -> memref<128xi32, #tpu.memory_space<vmem>>
      %dma_wait3A_110 = arith.constant 0 : i32
      %dma_wait3A_111 = arith.constant 0 : i32
      %dma_wait3A_112 = tpu.memref_slice %arg2[%dma_wait3A_110, %dma_wait3A_111] : memref<40000x128xf32, #tpu.memory_space<hbm>> -> memref<40000x128xf32, #tpu.memory_space<hbm>>
      tpu.wait_indirect_dma semaphore(%arg12 : memref<!tpu.dma_semaphore, #tpu.memory_space<semaphore_mem>>) src(%dma_wait3A_112 : memref<40000x128xf32, #tpu.memory_space<hbm>>) dst(%arg10 : memref<128x128xf32, #tpu.memory_space<vmem>>)
      %dma_start3A_113 = arith.constant 0 : i32
      %dma_start3A_114 = arith.constant 0 : i32
      %dma_start3A_115 = tpu.memref_slice %arg11[%dma_start3A_113, %dma_start3A_114] : memref<10016x128xf32, #tpu.memory_space<vmem_shared>> -> memref<10016x128xf32, #tpu.memory_space<vmem_shared>>
      tpu.enqueue_indirect_dma source(%arg10 : memref<128x128xf32, #tpu.memory_space<vmem>>) target(%dma_start3A_115 : memref<10016x128xf32, #tpu.memory_space<vmem_shared>>) offsets(%arg8 : memref<128xi32, #tpu.memory_space<vmem>>) semaphore(%arg14 : memref<!tpu.dma_semaphore, #tpu.memory_space<semaphore_mem>>) {add = true}
      %gt3A_116 = arith.constant 0 : i32
      %gt3A_117 = arith.cmpi sgt, %add3A_106, %gt3A_116 : i32
      %convert_element_type3A_118 = arith.extui %gt3A_117 : i1 to i32
      %cond3A_119 = arith.constant 0 : i32
      %cond3A_120 = arith.cmpi ne, %convert_element_type3A_118, %cond3A_119 : i32
      scf.if %cond3A_120 {
        %dma_wait3A_126 = arith.constant 0 : i32
        %dma_wait3A_127 = arith.constant 0 : i32
        %dma_wait3A_128 = tpu.memref_slice %arg11[%dma_wait3A_126, %dma_wait3A_127] : memref<10016x128xf32, #tpu.memory_space<vmem_shared>> -> memref<10016x128xf32, #tpu.memory_space<vmem_shared>>
        tpu.wait_indirect_dma semaphore(%arg13 : memref<!tpu.dma_semaphore, #tpu.memory_space<semaphore_mem>>) src(%arg9 : memref<128x128xf32, #tpu.memory_space<vmem>>) dst(%dma_wait3A_128 : memref<10016x128xf32, #tpu.memory_space<vmem_shared>>)
      } else {
      }
      %lt3A_121 = arith.constant 79 : i32
      %lt3A_122 = arith.cmpi slt, %add3A_106, %lt3A_121 : i32
      %convert_element_type3A_123 = arith.extui %lt3A_122 : i1 to i32
      %cond3A_124 = arith.constant 0 : i32
      %cond3A_125 = arith.cmpi ne, %convert_element_type3A_123, %cond3A_124 : i32
      scf.if %cond3A_125 {
        %mul3A_126 = arith.constant 10240 : i32
        %mul3A_127 = arith.muli %arg1, %mul3A_126 : i32
        %add3A_128 = arith.constant 1 : i32
        %add3A_129 = arith.addi %add3A_106, %add3A_128 : i32
        %mul3A_130 = arith.constant 128 : i32
        %mul3A_131 = arith.muli %add3A_129, %mul3A_130 : i32
        %add3A_132 = arith.addi %mul3A_127, %mul3A_131 : i32
        "tpu.region"() ({
          %run_scoped3A = tpu.sem_alloc : memref<!tpu.dma_semaphore, #tpu.memory_space<semaphore_mem>>
          %dma_start3A_141 = tpu.memref_slice %arg4[%add3A_132] : memref<163840xi32, #tpu.memory_space<hbm>> -> memref<128xi32, #tpu.memory_space<hbm>>
          %dma_start3A_142 = tpu.memref_slice %arg4[%add3A_132] : memref<163840xi32, #tpu.memory_space<hbm>> -> memref<128xi32, #tpu.memory_space<hbm>>
          tpu.enqueue_dma source(%dma_start3A_142 : memref<128xi32, #tpu.memory_space<hbm>>) target(%arg7 : memref<128xi32, #tpu.memory_space<vmem>>) target_semaphore(%run_scoped3A : memref<!tpu.dma_semaphore, #tpu.memory_space<semaphore_mem>>)
          %dma_wait3A_143 = tpu.memref_slice %arg4[%add3A_132] : memref<163840xi32, #tpu.memory_space<hbm>> -> memref<128xi32, #tpu.memory_space<hbm>>
          %dma_wait3A_144 = tpu.memref_slice %arg4[%add3A_132] : memref<163840xi32, #tpu.memory_space<hbm>> -> memref<128xi32, #tpu.memory_space<hbm>>
          tpu.wait_dma2 semaphore(%run_scoped3A : memref<!tpu.dma_semaphore, #tpu.memory_space<semaphore_mem>>) src(%dma_wait3A_144 : memref<128xi32, #tpu.memory_space<hbm>>) dst(%arg7 : memref<128xi32, #tpu.memory_space<vmem>>)
          tpu.yield
        }) : () -> ()
        %add3A_133 = arith.constant 1 : i32
        %add3A_134 = arith.addi %add3A_106, %add3A_133 : i32
        %mul3A_135 = arith.constant 128 : i32
        %mul3A_136 = arith.muli %add3A_134, %mul3A_135 : i32
        %dma_start3A_137 = tpu.memref_slice %arg6[%mul3A_136] : memref<10240xi32, #tpu.memory_space<vmem>> -> memref<128xi32, #tpu.memory_space<vmem>>
        %dma_start3A_138 = arith.constant 0 : i32
        %dma_start3A_139 = arith.constant 0 : i32
        %dma_start3A_140 = tpu.memref_slice %arg2[%dma_start3A_138, %dma_start3A_139] : memref<40000x128xf32, #tpu.memory_space<hbm>> -> memref<40000x128xf32, #tpu.memory_space<hbm>>
        tpu.enqueue_indirect_dma source(%dma_start3A_140 : memref<40000x128xf32, #tpu.memory_space<hbm>>) target(%arg9 : memref<128x128xf32, #tpu.memory_space<vmem>>) offsets(%dma_start3A_137 : memref<128xi32, #tpu.memory_space<vmem>>) semaphore(%arg12 : memref<!tpu.dma_semaphore, #tpu.memory_space<semaphore_mem>>)
      } else {
      }
    }
    %scan3A_27 = arith.constant 40 : i32
    %dma_wait3A = arith.constant 0 : i32
    %dma_wait3A_28 = arith.constant 0 : i32
    %dma_wait3A_29 = tpu.memref_slice %arg11[%dma_wait3A, %dma_wait3A_28] : memref<10016x128xf32, #tpu.memory_space<vmem_shared>> -> memref<10016x128xf32, #tpu.memory_space<vmem_shared>>
    tpu.wait_indirect_dma semaphore(%arg14 : memref<!tpu.dma_semaphore, #tpu.memory_space<semaphore_mem>>) src(%arg10 : memref<128x128xf32, #tpu.memory_space<vmem>>) dst(%dma_wait3A_29 : memref<10016x128xf32, #tpu.memory_space<vmem_shared>>)
    %barrier3A_30 = arith.constant 0 : index
    tpu.barrier barrier_id(%barrier3A_30)
    %add3A_31 = arith.addi %mul3A_7, %mul3A_0 : i32
    "tpu.region"() ({
      %run_scoped3A = tpu.sem_alloc : memref<!tpu.dma_semaphore, #tpu.memory_space<semaphore_mem>>
      %dma_start3A_81 = arith.constant 0 : i32
      %dma_start3A_82 = tpu.memref_slice %arg5[%add3A_31, %dma_start3A_81] : memref<40000x128xf32, #tpu.memory_space<hbm>> -> memref<624x128xf32, #tpu.memory_space<hbm>>
      %dma_start3A_83 = arith.constant 0 : i32
      %dma_start3A_84 = tpu.memref_slice %arg11[%mul3A_0, %dma_start3A_83] : memref<10016x128xf32, #tpu.memory_space<vmem_shared>> -> memref<624x128xf32, #tpu.memory_space<vmem_shared>>
      tpu.enqueue_dma source(%dma_start3A_84 : memref<624x128xf32, #tpu.memory_space<vmem_shared>>) target(%dma_start3A_82 : memref<624x128xf32, #tpu.memory_space<hbm>>) target_semaphore(%run_scoped3A : memref<!tpu.dma_semaphore, #tpu.memory_space<semaphore_mem>>)
      %dma_wait3A_85 = arith.constant 0 : i32
      %dma_wait3A_86 = tpu.memref_slice %arg5[%add3A_31, %dma_wait3A_85] : memref<40000x128xf32, #tpu.memory_space<hbm>> -> memref<624x128xf32, #tpu.memory_space<hbm>>
      %dma_wait3A_87 = arith.constant 0 : i32
      %dma_wait3A_88 = tpu.memref_slice %arg11[%mul3A_0, %dma_wait3A_87] : memref<10016x128xf32, #tpu.memory_space<vmem_shared>> -> memref<624x128xf32, #tpu.memory_space<vmem_shared>>
      tpu.wait_dma2 semaphore(%run_scoped3A : memref<!tpu.dma_semaphore, #tpu.memory_space<semaphore_mem>>) src(%dma_wait3A_88 : memref<624x128xf32, #tpu.memory_space<vmem_shared>>) dst(%dma_wait3A_86 : memref<624x128xf32, #tpu.memory_space<hbm>>)
      tpu.yield
    }) : () -> ()
    %eq3A_32 = arith.constant 0 : i32
    %eq3A_33 = arith.cmpi eq, %arg1, %eq3A_32 : i32
    %convert_element_type3A_34 = arith.extui %eq3A_33 : i1 to i32
    %cond3A_35 = arith.constant 0 : i32
    %cond3A_36 = arith.cmpi ne, %convert_element_type3A_34, %cond3A_35 : i32
    scf.if %cond3A_36 {
      %add3A_81 = arith.constant 9984 : i32
      %add3A_82 = arith.addi %mul3A_7, %add3A_81 : i32
      "tpu.region"() ({
        %run_scoped3A = tpu.sem_alloc : memref<!tpu.dma_semaphore, #tpu.memory_space<semaphore_mem>>
        %dma_start3A_83 = arith.constant 0 : i32
        %dma_start3A_84 = tpu.memref_slice %arg5[%add3A_82, %dma_start3A_83] : memref<40000x128xf32, #tpu.memory_space<hbm>> -> memref<16x128xf32, #tpu.memory_space<hbm>>
        %dma_start3A_85 = arith.constant 9984 : i32
        %dma_start3A_86 = arith.constant 0 : i32
        %dma_start3A_87 = tpu.memref_slice %arg11[%dma_start3A_85, %dma_start3A_86] : memref<10016x128xf32, #tpu.memory_space<vmem_shared>> -> memref<16x128xf32, #tpu.memory_space<vmem_shared>>
        tpu.enqueue_dma source(%dma_start3A_87 : memref<16x128xf32, #tpu.memory_space<vmem_shared>>) target(%dma_start3A_84 : memref<16x128xf32, #tpu.memory_space<hbm>>) target_semaphore(%run_scoped3A : memref<!tpu.dma_semaphore, #tpu.memory_space<semaphore_mem>>)
        %dma_wait3A_88 = arith.constant 0 : i32
        %dma_wait3A_89 = tpu.memref_slice %arg5[%add3A_82, %dma_wait3A_88] : memref<40000x128xf32, #tpu.memory_space<hbm>> -> memref<16x128xf32, #tpu.memory_space<hbm>>
        %dma_wait3A_90 = arith.constant 9984 : i32
        %dma_wait3A_91 = arith.constant 0 : i32
        %dma_wait3A_92 = tpu.memref_slice %arg11[%dma_wait3A_90, %dma_wait3A_91] : memref<10016x128xf32, #tpu.memory_space<vmem_shared>> -> memref<16x128xf32, #tpu.memory_space<vmem_shared>>
        tpu.wait_dma2 semaphore(%run_scoped3A : memref<!tpu.dma_semaphore, #tpu.memory_space<semaphore_mem>>) src(%dma_wait3A_92 : memref<16x128xf32, #tpu.memory_space<vmem_shared>>) dst(%dma_wait3A_89 : memref<16x128xf32, #tpu.memory_space<hbm>>)
        tpu.yield
      }) : () -> ()
    } else {
    }
    %barrier3A_37 = arith.constant 0 : index
    tpu.barrier barrier_id(%barrier3A_37)
    %mul3A_38 = arith.constant 2 : i32
    %mul3A_39 = arith.muli %mul3A_38, %arg0 : i32
    %add3A_40 = arith.constant 1 : i32
    %add3A_41 = arith.addi %mul3A_39, %add3A_40 : i32
    %mul3A_42 = arith.constant 10000 : i32
    %mul3A_43 = arith.muli %add3A_41, %mul3A_42 : i32
    %scan3A_44 = arith.constant 0 : i32
    %scan3A_45 = arith.constant 0 : i32
    %scan3A_46 = arith.constant 640 : i32
    %scan3A_47 = arith.addi %scan3A_45, %scan3A_46 : i32
    %scan3A_48 = arith.constant 1 : i32
    scf.for %scan3A_81 = %scan3A_45 to %scan3A_47 step %scan3A_48  : i32 {
      %mul3A_82 = arith.constant 16 : i32
      %mul3A_83 = arith.muli %scan3A_81, %mul3A_82 : i32
      %get3A = arith.index_cast %mul3A_83 : i32 to index
      %get3A_84 = tpu.vector_load %arg6[%get3A] {strides = array<i32>} : memref<10240xi32, #tpu.memory_space<vmem>>, vector<16xi32>,
      %get3A_85 = vector.shape_cast %get3A_84 : vector<16xi32> to vector<16xi32>
      %add3A_86 = arith.constant 10000 : i32
      %add3A_87 = vector.broadcast %add3A_86 : i32 to vector<16xi32>
      %add3A_88 = arith.addi %get3A_85, %add3A_87 : vector<16xi32>
      %swap3A = arith.index_cast %mul3A_83 : i32 to index
      %swap3A_89 = tpu.vector_load %arg6[%swap3A] {strides = array<i32>} : memref<10240xi32, #tpu.memory_space<vmem>>, vector<16xi32>,
      %swap3A_90 = vector.shape_cast %swap3A_89 : vector<16xi32> to vector<16xi32>
      %swap3A_91 = vector.shape_cast %add3A_88 : vector<16xi32> to vector<16xi32>
      tpu.vector_store %arg6[%swap3A], %swap3A_91 {strides = array<i32>} : memref<10240xi32, #tpu.memory_space<vmem>>, vector<16xi32>,
    }
    %scan3A_49 = arith.constant 640 : i32
    %add3A_50 = arith.addi %mul3A_43, %mul3A_0 : i32
    "tpu.region"() ({
      %run_scoped3A = tpu.sem_alloc : memref<!tpu.dma_semaphore, #tpu.memory_space<semaphore_mem>>
      %dma_start3A_81 = arith.constant 0 : i32
      %dma_start3A_82 = tpu.memref_slice %arg11[%mul3A_0, %dma_start3A_81] : memref<10016x128xf32, #tpu.memory_space<vmem_shared>> -> memref<624x128xf32, #tpu.memory_space<vmem_shared>>
      %dma_start3A_83 = arith.constant 0 : i32
      %dma_start3A_84 = tpu.memref_slice %arg2[%add3A_50, %dma_start3A_83] : memref<40000x128xf32, #tpu.memory_space<hbm>> -> memref<624x128xf32, #tpu.memory_space<hbm>>
      tpu.enqueue_dma source(%dma_start3A_84 : memref<624x128xf32, #tpu.memory_space<hbm>>) target(%dma_start3A_82 : memref<624x128xf32, #tpu.memory_space<vmem_shared>>) target_semaphore(%run_scoped3A : memref<!tpu.dma_semaphore, #tpu.memory_space<semaphore_mem>>)
      %dma_wait3A_85 = arith.constant 0 : i32
      %dma_wait3A_86 = tpu.memref_slice %arg11[%mul3A_0, %dma_wait3A_85] : memref<10016x128xf32, #tpu.memory_space<vmem_shared>> -> memref<624x128xf32, #tpu.memory_space<vmem_shared>>
      %dma_wait3A_87 = arith.constant 0 : i32
      %dma_wait3A_88 = tpu.memref_slice %arg2[%add3A_50, %dma_wait3A_87] : memref<40000x128xf32, #tpu.memory_space<hbm>> -> memref<624x128xf32, #tpu.memory_space<hbm>>
      tpu.wait_dma2 semaphore(%run_scoped3A : memref<!tpu.dma_semaphore, #tpu.memory_space<semaphore_mem>>) src(%dma_wait3A_88 : memref<624x128xf32, #tpu.memory_space<hbm>>) dst(%dma_wait3A_86 : memref<624x128xf32, #tpu.memory_space<vmem_shared>>)
      tpu.yield
    }) : () -> ()
    %eq3A_51 = arith.constant 0 : i32
    %eq3A_52 = arith.cmpi eq, %arg1, %eq3A_51 : i32
    %convert_element_type3A_53 = arith.extui %eq3A_52 : i1 to i32
    %cond3A_54 = arith.constant 0 : i32
    %cond3A_55 = arith.cmpi ne, %convert_element_type3A_53, %cond3A_54 : i32
    scf.if %cond3A_55 {
      %add3A_81 = arith.constant 9984 : i32
      %add3A_82 = arith.addi %mul3A_43, %add3A_81 : i32
      "tpu.region"() ({
        %run_scoped3A = tpu.sem_alloc : memref<!tpu.dma_semaphore, #tpu.memory_space<semaphore_mem>>
        %dma_start3A_83 = arith.constant 9984 : i32
        %dma_start3A_84 = arith.constant 0 : i32
        %dma_start3A_85 = tpu.memref_slice %arg11[%dma_start3A_83, %dma_start3A_84] : memref<10016x128xf32, #tpu.memory_space<vmem_shared>> -> memref<16x128xf32, #tpu.memory_space<vmem_shared>>
        %dma_start3A_86 = arith.constant 0 : i32
        %dma_start3A_87 = tpu.memref_slice %arg2[%add3A_82, %dma_start3A_86] : memref<40000x128xf32, #tpu.memory_space<hbm>> -> memref<16x128xf32, #tpu.memory_space<hbm>>
        tpu.enqueue_dma source(%dma_start3A_87 : memref<16x128xf32, #tpu.memory_space<hbm>>) target(%dma_start3A_85 : memref<16x128xf32, #tpu.memory_space<vmem_shared>>) target_semaphore(%run_scoped3A : memref<!tpu.dma_semaphore, #tpu.memory_space<semaphore_mem>>)
        %dma_wait3A_88 = arith.constant 9984 : i32
        %dma_wait3A_89 = arith.constant 0 : i32
        %dma_wait3A_90 = tpu.memref_slice %arg11[%dma_wait3A_88, %dma_wait3A_89] : memref<10016x128xf32, #tpu.memory_space<vmem_shared>> -> memref<16x128xf32, #tpu.memory_space<vmem_shared>>
        %dma_wait3A_91 = arith.constant 0 : i32
        %dma_wait3A_92 = tpu.memref_slice %arg2[%add3A_82, %dma_wait3A_91] : memref<40000x128xf32, #tpu.memory_space<hbm>> -> memref<16x128xf32, #tpu.memory_space<hbm>>
        tpu.wait_dma2 semaphore(%run_scoped3A : memref<!tpu.dma_semaphore, #tpu.memory_space<semaphore_mem>>) src(%dma_wait3A_92 : memref<16x128xf32, #tpu.memory_space<hbm>>) dst(%dma_wait3A_90 : memref<16x128xf32, #tpu.memory_space<vmem_shared>>)
        tpu.yield
      }) : () -> ()
    } else {
    }
    %barrier3A_56 = arith.constant 0 : index
    tpu.barrier barrier_id(%barrier3A_56)
    %mul3A_57 = arith.constant 10240 : i32
    %mul3A_58 = arith.muli %arg1, %mul3A_57 : i32
    "tpu.region"() ({
      %run_scoped3A = tpu.sem_alloc : memref<!tpu.dma_semaphore, #tpu.memory_space<semaphore_mem>>
      %dma_start3A_81 = tpu.memref_slice %arg4[%mul3A_58] : memref<163840xi32, #tpu.memory_space<hbm>> -> memref<128xi32, #tpu.memory_space<hbm>>
      %dma_start3A_82 = tpu.memref_slice %arg4[%mul3A_58] : memref<163840xi32, #tpu.memory_space<hbm>> -> memref<128xi32, #tpu.memory_space<hbm>>
      tpu.enqueue_dma source(%dma_start3A_82 : memref<128xi32, #tpu.memory_space<hbm>>) target(%arg7 : memref<128xi32, #tpu.memory_space<vmem>>) target_semaphore(%run_scoped3A : memref<!tpu.dma_semaphore, #tpu.memory_space<semaphore_mem>>)
      %dma_wait3A_83 = tpu.memref_slice %arg4[%mul3A_58] : memref<163840xi32, #tpu.memory_space<hbm>> -> memref<128xi32, #tpu.memory_space<hbm>>
      %dma_wait3A_84 = tpu.memref_slice %arg4[%mul3A_58] : memref<163840xi32, #tpu.memory_space<hbm>> -> memref<128xi32, #tpu.memory_space<hbm>>
      tpu.wait_dma2 semaphore(%run_scoped3A : memref<!tpu.dma_semaphore, #tpu.memory_space<semaphore_mem>>) src(%dma_wait3A_84 : memref<128xi32, #tpu.memory_space<hbm>>) dst(%arg7 : memref<128xi32, #tpu.memory_space<vmem>>)
      tpu.yield
    }) : () -> ()
    %dma_start3A_59 = arith.constant 0 : i32
    %dma_start3A_60 = tpu.memref_slice %arg6[%dma_start3A_59] : memref<10240xi32, #tpu.memory_space<vmem>> -> memref<128xi32, #tpu.memory_space<vmem>>
    %dma_start3A_61 = arith.constant 0 : i32
    %dma_start3A_62 = arith.constant 0 : i32
    %dma_start3A_63 = tpu.memref_slice %arg2[%dma_start3A_61, %dma_start3A_62] : memref<40000x128xf32, #tpu.memory_space<hbm>> -> memref<40000x128xf32, #tpu.memory_space<hbm>>
    tpu.enqueue_indirect_dma source(%dma_start3A_63 : memref<40000x128xf32, #tpu.memory_space<hbm>>) target(%arg9 : memref<128x128xf32, #tpu.memory_space<vmem>>) offsets(%dma_start3A_60 : memref<128xi32, #tpu.memory_space<vmem>>) semaphore(%arg12 : memref<!tpu.dma_semaphore, #tpu.memory_space<semaphore_mem>>)
    %scan3A_64 = arith.constant 0 : i32
    %scan3A_65 = arith.constant 0 : i32
    %scan3A_66 = arith.constant 40 : i32
    %scan3A_67 = arith.addi %scan3A_65, %scan3A_66 : i32
    %scan3A_68 = arith.constant 1 : i32
    scf.for %scan3A_81 = %scan3A_65 to %scan3A_67 step %scan3A_68  : i32 {
      %mul3A_82 = arith.constant 2 : i32
      %mul3A_83 = arith.muli %mul3A_82, %scan3A_81 : i32
      %add3A_84 = arith.constant 0 : i32
      %add3A_85 = arith.addi %mul3A_83, %add3A_84 : i32
      %mul3A_86 = arith.constant 128 : i32
      %mul3A_87 = arith.muli %add3A_85, %mul3A_86 : i32
      %dma_wait3A_88 = tpu.memref_slice %arg6[%mul3A_87] : memref<10240xi32, #tpu.memory_space<vmem>> -> memref<128xi32, #tpu.memory_space<vmem>>
      %dma_wait3A_89 = arith.constant 0 : i32
      %dma_wait3A_90 = arith.constant 0 : i32
      %dma_wait3A_91 = tpu.memref_slice %arg2[%dma_wait3A_89, %dma_wait3A_90] : memref<40000x128xf32, #tpu.memory_space<hbm>> -> memref<40000x128xf32, #tpu.memory_space<hbm>>
      tpu.wait_indirect_dma semaphore(%arg12 : memref<!tpu.dma_semaphore, #tpu.memory_space<semaphore_mem>>) src(%dma_wait3A_91 : memref<40000x128xf32, #tpu.memory_space<hbm>>) dst(%arg9 : memref<128x128xf32, #tpu.memory_space<vmem>>)
      %dma_start3A_92 = arith.constant 0 : i32
      %dma_start3A_93 = arith.constant 0 : i32
      %dma_start3A_94 = tpu.memref_slice %arg11[%dma_start3A_92, %dma_start3A_93] : memref<10016x128xf32, #tpu.memory_space<vmem_shared>> -> memref<10016x128xf32, #tpu.memory_space<vmem_shared>>
      tpu.enqueue_indirect_dma source(%arg9 : memref<128x128xf32, #tpu.memory_space<vmem>>) target(%dma_start3A_94 : memref<10016x128xf32, #tpu.memory_space<vmem_shared>>) offsets(%arg7 : memref<128xi32, #tpu.memory_space<vmem>>) semaphore(%arg13 : memref<!tpu.dma_semaphore, #tpu.memory_space<semaphore_mem>>) {add = true}
      %gt3A = arith.constant 0 : i32
      %gt3A_95 = arith.cmpi sgt, %add3A_85, %gt3A : i32
      %convert_element_type3A_96 = arith.extui %gt3A_95 : i1 to i32
      %cond3A_97 = arith.constant 0 : i32
      %cond3A_98 = arith.cmpi ne, %convert_element_type3A_96, %cond3A_97 : i32
      scf.if %cond3A_98 {
        %dma_wait3A_126 = arith.constant 0 : i32
        %dma_wait3A_127 = arith.constant 0 : i32
        %dma_wait3A_128 = tpu.memref_slice %arg11[%dma_wait3A_126, %dma_wait3A_127] : memref<10016x128xf32, #tpu.memory_space<vmem_shared>> -> memref<10016x128xf32, #tpu.memory_space<vmem_shared>>
        tpu.wait_indirect_dma semaphore(%arg14 : memref<!tpu.dma_semaphore, #tpu.memory_space<semaphore_mem>>) src(%arg10 : memref<128x128xf32, #tpu.memory_space<vmem>>) dst(%dma_wait3A_128 : memref<10016x128xf32, #tpu.memory_space<vmem_shared>>)
      } else {
      }
      %lt3A = arith.constant 79 : i32
      %lt3A_99 = arith.cmpi slt, %add3A_85, %lt3A : i32
      %convert_element_type3A_100 = arith.extui %lt3A_99 : i1 to i32
      %cond3A_101 = arith.constant 0 : i32
      %cond3A_102 = arith.cmpi ne, %convert_element_type3A_100, %cond3A_101 : i32
      scf.if %cond3A_102 {
        %mul3A_126 = arith.constant 10240 : i32
        %mul3A_127 = arith.muli %arg1, %mul3A_126 : i32
        %add3A_128 = arith.constant 1 : i32
        %add3A_129 = arith.addi %add3A_85, %add3A_128 : i32
        %mul3A_130 = arith.constant 128 : i32
        %mul3A_131 = arith.muli %add3A_129, %mul3A_130 : i32
        %add3A_132 = arith.addi %mul3A_127, %mul3A_131 : i32
        "tpu.region"() ({
          %run_scoped3A = tpu.sem_alloc : memref<!tpu.dma_semaphore, #tpu.memory_space<semaphore_mem>>
          %dma_start3A_141 = tpu.memref_slice %arg4[%add3A_132] : memref<163840xi32, #tpu.memory_space<hbm>> -> memref<128xi32, #tpu.memory_space<hbm>>
          %dma_start3A_142 = tpu.memref_slice %arg4[%add3A_132] : memref<163840xi32, #tpu.memory_space<hbm>> -> memref<128xi32, #tpu.memory_space<hbm>>
          tpu.enqueue_dma source(%dma_start3A_142 : memref<128xi32, #tpu.memory_space<hbm>>) target(%arg8 : memref<128xi32, #tpu.memory_space<vmem>>) target_semaphore(%run_scoped3A : memref<!tpu.dma_semaphore, #tpu.memory_space<semaphore_mem>>)
          %dma_wait3A_143 = tpu.memref_slice %arg4[%add3A_132] : memref<163840xi32, #tpu.memory_space<hbm>> -> memref<128xi32, #tpu.memory_space<hbm>>
          %dma_wait3A_144 = tpu.memref_slice %arg4[%add3A_132] : memref<163840xi32, #tpu.memory_space<hbm>> -> memref<128xi32, #tpu.memory_space<hbm>>
          tpu.wait_dma2 semaphore(%run_scoped3A : memref<!tpu.dma_semaphore, #tpu.memory_space<semaphore_mem>>) src(%dma_wait3A_144 : memref<128xi32, #tpu.memory_space<hbm>>) dst(%arg8 : memref<128xi32, #tpu.memory_space<vmem>>)
          tpu.yield
        }) : () -> ()
        %add3A_133 = arith.constant 1 : i32
        %add3A_134 = arith.addi %add3A_85, %add3A_133 : i32
        %mul3A_135 = arith.constant 128 : i32
        %mul3A_136 = arith.muli %add3A_134, %mul3A_135 : i32
        %dma_start3A_137 = tpu.memref_slice %arg6[%mul3A_136] : memref<10240xi32, #tpu.memory_space<vmem>> -> memref<128xi32, #tpu.memory_space<vmem>>
        %dma_start3A_138 = arith.constant 0 : i32
        %dma_start3A_139 = arith.constant 0 : i32
        %dma_start3A_140 = tpu.memref_slice %arg2[%dma_start3A_138, %dma_start3A_139] : memref<40000x128xf32, #tpu.memory_space<hbm>> -> memref<40000x128xf32, #tpu.memory_space<hbm>>
        tpu.enqueue_indirect_dma source(%dma_start3A_140 : memref<40000x128xf32, #tpu.memory_space<hbm>>) target(%arg10 : memref<128x128xf32, #tpu.memory_space<vmem>>) offsets(%dma_start3A_137 : memref<128xi32, #tpu.memory_space<vmem>>) semaphore(%arg12 : memref<!tpu.dma_semaphore, #tpu.memory_space<semaphore_mem>>)
      } else {
      }
      %mul3A_103 = arith.constant 2 : i32
      %mul3A_104 = arith.muli %mul3A_103, %scan3A_81 : i32
      %add3A_105 = arith.constant 1 : i32
      %add3A_106 = arith.addi %mul3A_104, %add3A_105 : i32
      %mul3A_107 = arith.constant 128 : i32
      %mul3A_108 = arith.muli %add3A_106, %mul3A_107 : i32
      %dma_wait3A_109 = tpu.memref_slice %arg6[%mul3A_108] : memref<10240xi32, #tpu.memory_space<vmem>> -> memref<128xi32, #tpu.memory_space<vmem>>
      %dma_wait3A_110 = arith.constant 0 : i32
      %dma_wait3A_111 = arith.constant 0 : i32
      %dma_wait3A_112 = tpu.memref_slice %arg2[%dma_wait3A_110, %dma_wait3A_111] : memref<40000x128xf32, #tpu.memory_space<hbm>> -> memref<40000x128xf32, #tpu.memory_space<hbm>>
      tpu.wait_indirect_dma semaphore(%arg12 : memref<!tpu.dma_semaphore, #tpu.memory_space<semaphore_mem>>) src(%dma_wait3A_112 : memref<40000x128xf32, #tpu.memory_space<hbm>>) dst(%arg10 : memref<128x128xf32, #tpu.memory_space<vmem>>)
      %dma_start3A_113 = arith.constant 0 : i32
      %dma_start3A_114 = arith.constant 0 : i32
      %dma_start3A_115 = tpu.memref_slice %arg11[%dma_start3A_113, %dma_start3A_114] : memref<10016x128xf32, #tpu.memory_space<vmem_shared>> -> memref<10016x128xf32, #tpu.memory_space<vmem_shared>>
      tpu.enqueue_indirect_dma source(%arg10 : memref<128x128xf32, #tpu.memory_space<vmem>>) target(%dma_start3A_115 : memref<10016x128xf32, #tpu.memory_space<vmem_shared>>) offsets(%arg8 : memref<128xi32, #tpu.memory_space<vmem>>) semaphore(%arg14 : memref<!tpu.dma_semaphore, #tpu.memory_space<semaphore_mem>>) {add = true}
      %gt3A_116 = arith.constant 0 : i32
      %gt3A_117 = arith.cmpi sgt, %add3A_106, %gt3A_116 : i32
      %convert_element_type3A_118 = arith.extui %gt3A_117 : i1 to i32
      %cond3A_119 = arith.constant 0 : i32
      %cond3A_120 = arith.cmpi ne, %convert_element_type3A_118, %cond3A_119 : i32
      scf.if %cond3A_120 {
        %dma_wait3A_126 = arith.constant 0 : i32
        %dma_wait3A_127 = arith.constant 0 : i32
        %dma_wait3A_128 = tpu.memref_slice %arg11[%dma_wait3A_126, %dma_wait3A_127] : memref<10016x128xf32, #tpu.memory_space<vmem_shared>> -> memref<10016x128xf32, #tpu.memory_space<vmem_shared>>
        tpu.wait_indirect_dma semaphore(%arg13 : memref<!tpu.dma_semaphore, #tpu.memory_space<semaphore_mem>>) src(%arg9 : memref<128x128xf32, #tpu.memory_space<vmem>>) dst(%dma_wait3A_128 : memref<10016x128xf32, #tpu.memory_space<vmem_shared>>)
      } else {
      }
      %lt3A_121 = arith.constant 79 : i32
      %lt3A_122 = arith.cmpi slt, %add3A_106, %lt3A_121 : i32
      %convert_element_type3A_123 = arith.extui %lt3A_122 : i1 to i32
      %cond3A_124 = arith.constant 0 : i32
      %cond3A_125 = arith.cmpi ne, %convert_element_type3A_123, %cond3A_124 : i32
      scf.if %cond3A_125 {
        %mul3A_126 = arith.constant 10240 : i32
        %mul3A_127 = arith.muli %arg1, %mul3A_126 : i32
        %add3A_128 = arith.constant 1 : i32
        %add3A_129 = arith.addi %add3A_106, %add3A_128 : i32
        %mul3A_130 = arith.constant 128 : i32
        %mul3A_131 = arith.muli %add3A_129, %mul3A_130 : i32
        %add3A_132 = arith.addi %mul3A_127, %mul3A_131 : i32
        "tpu.region"() ({
          %run_scoped3A = tpu.sem_alloc : memref<!tpu.dma_semaphore, #tpu.memory_space<semaphore_mem>>
          %dma_start3A_141 = tpu.memref_slice %arg4[%add3A_132] : memref<163840xi32, #tpu.memory_space<hbm>> -> memref<128xi32, #tpu.memory_space<hbm>>
          %dma_start3A_142 = tpu.memref_slice %arg4[%add3A_132] : memref<163840xi32, #tpu.memory_space<hbm>> -> memref<128xi32, #tpu.memory_space<hbm>>
          tpu.enqueue_dma source(%dma_start3A_142 : memref<128xi32, #tpu.memory_space<hbm>>) target(%arg7 : memref<128xi32, #tpu.memory_space<vmem>>) target_semaphore(%run_scoped3A : memref<!tpu.dma_semaphore, #tpu.memory_space<semaphore_mem>>)
          %dma_wait3A_143 = tpu.memref_slice %arg4[%add3A_132] : memref<163840xi32, #tpu.memory_space<hbm>> -> memref<128xi32, #tpu.memory_space<hbm>>
          %dma_wait3A_144 = tpu.memref_slice %arg4[%add3A_132] : memref<163840xi32, #tpu.memory_space<hbm>> -> memref<128xi32, #tpu.memory_space<hbm>>
          tpu.wait_dma2 semaphore(%run_scoped3A : memref<!tpu.dma_semaphore, #tpu.memory_space<semaphore_mem>>) src(%dma_wait3A_144 : memref<128xi32, #tpu.memory_space<hbm>>) dst(%arg7 : memref<128xi32, #tpu.memory_space<vmem>>)
          tpu.yield
        }) : () -> ()
        %add3A_133 = arith.constant 1 : i32
        %add3A_134 = arith.addi %add3A_106, %add3A_133 : i32
        %mul3A_135 = arith.constant 128 : i32
        %mul3A_136 = arith.muli %add3A_134, %mul3A_135 : i32
        %dma_start3A_137 = tpu.memref_slice %arg6[%mul3A_136] : memref<10240xi32, #tpu.memory_space<vmem>> -> memref<128xi32, #tpu.memory_space<vmem>>
        %dma_start3A_138 = arith.constant 0 : i32
        %dma_start3A_139 = arith.constant 0 : i32
        %dma_start3A_140 = tpu.memref_slice %arg2[%dma_start3A_138, %dma_start3A_139] : memref<40000x128xf32, #tpu.memory_space<hbm>> -> memref<40000x128xf32, #tpu.memory_space<hbm>>
        tpu.enqueue_indirect_dma source(%dma_start3A_140 : memref<40000x128xf32, #tpu.memory_space<hbm>>) target(%arg9 : memref<128x128xf32, #tpu.memory_space<vmem>>) offsets(%dma_start3A_137 : memref<128xi32, #tpu.memory_space<vmem>>) semaphore(%arg12 : memref<!tpu.dma_semaphore, #tpu.memory_space<semaphore_mem>>)
      } else {
      }
    }
    %scan3A_69 = arith.constant 40 : i32
    %dma_wait3A_70 = arith.constant 0 : i32
    %dma_wait3A_71 = arith.constant 0 : i32
    %dma_wait3A_72 = tpu.memref_slice %arg11[%dma_wait3A_70, %dma_wait3A_71] : memref<10016x128xf32, #tpu.memory_space<vmem_shared>> -> memref<10016x128xf32, #tpu.memory_space<vmem_shared>>
    tpu.wait_indirect_dma semaphore(%arg14 : memref<!tpu.dma_semaphore, #tpu.memory_space<semaphore_mem>>) src(%arg10 : memref<128x128xf32, #tpu.memory_space<vmem>>) dst(%dma_wait3A_72 : memref<10016x128xf32, #tpu.memory_space<vmem_shared>>)
    %barrier3A_73 = arith.constant 0 : index
    tpu.barrier barrier_id(%barrier3A_73)
    %add3A_74 = arith.addi %mul3A_43, %mul3A_0 : i32
    "tpu.region"() ({
      %run_scoped3A = tpu.sem_alloc : memref<!tpu.dma_semaphore, #tpu.memory_space<semaphore_mem>>
      %dma_start3A_81 = arith.constant 0 : i32
      %dma_start3A_82 = tpu.memref_slice %arg5[%add3A_74, %dma_start3A_81] : memref<40000x128xf32, #tpu.memory_space<hbm>> -> memref<624x128xf32, #tpu.memory_space<hbm>>
      %dma_start3A_83 = arith.constant 0 : i32
      %dma_start3A_84 = tpu.memref_slice %arg11[%mul3A_0, %dma_start3A_83] : memref<10016x128xf32, #tpu.memory_space<vmem_shared>> -> memref<624x128xf32, #tpu.memory_space<vmem_shared>>
      tpu.enqueue_dma source(%dma_start3A_84 : memref<624x128xf32, #tpu.memory_space<vmem_shared>>) target(%dma_start3A_82 : memref<624x128xf32, #tpu.memory_space<hbm>>) target_semaphore(%run_scoped3A : memref<!tpu.dma_semaphore, #tpu.memory_space<semaphore_mem>>)
      %dma_wait3A_85 = arith.constant 0 : i32
      %dma_wait3A_86 = tpu.memref_slice %arg5[%add3A_74, %dma_wait3A_85] : memref<40000x128xf32, #tpu.memory_space<hbm>> -> memref<624x128xf32, #tpu.memory_space<hbm>>
      %dma_wait3A_87 = arith.constant 0 : i32
      %dma_wait3A_88 = tpu.memref_slice %arg11[%mul3A_0, %dma_wait3A_87] : memref<10016x128xf32, #tpu.memory_space<vmem_shared>> -> memref<624x128xf32, #tpu.memory_space<vmem_shared>>
      tpu.wait_dma2 semaphore(%run_scoped3A : memref<!tpu.dma_semaphore, #tpu.memory_space<semaphore_mem>>) src(%dma_wait3A_88 : memref<624x128xf32, #tpu.memory_space<vmem_shared>>) dst(%dma_wait3A_86 : memref<624x128xf32, #tpu.memory_space<hbm>>)
      tpu.yield
    }) : () -> ()
    %eq3A_75 = arith.constant 0 : i32
    %eq3A_76 = arith.cmpi eq, %arg1, %eq3A_75 : i32
    %convert_element_type3A_77 = arith.extui %eq3A_76 : i1 to i32
    %cond3A_78 = arith.constant 0 : i32
    %cond3A_79 = arith.cmpi ne, %convert_element_type3A_77, %cond3A_78 : i32
    scf.if %cond3A_79 {
      %add3A_81 = arith.constant 9984 : i32
      %add3A_82 = arith.addi %mul3A_43, %add3A_81 : i32
      "tpu.region"() ({
        %run_scoped3A = tpu.sem_alloc : memref<!tpu.dma_semaphore, #tpu.memory_space<semaphore_mem>>
        %dma_start3A_83 = arith.constant 0 : i32
        %dma_start3A_84 = tpu.memref_slice %arg5[%add3A_82, %dma_start3A_83] : memref<40000x128xf32, #tpu.memory_space<hbm>> -> memref<16x128xf32, #tpu.memory_space<hbm>>
        %dma_start3A_85 = arith.constant 9984 : i32
        %dma_start3A_86 = arith.constant 0 : i32
        %dma_start3A_87 = tpu.memref_slice %arg11[%dma_start3A_85, %dma_start3A_86] : memref<10016x128xf32, #tpu.memory_space<vmem_shared>> -> memref<16x128xf32, #tpu.memory_space<vmem_shared>>
        tpu.enqueue_dma source(%dma_start3A_87 : memref<16x128xf32, #tpu.memory_space<vmem_shared>>) target(%dma_start3A_84 : memref<16x128xf32, #tpu.memory_space<hbm>>) target_semaphore(%run_scoped3A : memref<!tpu.dma_semaphore, #tpu.memory_space<semaphore_mem>>)
        %dma_wait3A_88 = arith.constant 0 : i32
        %dma_wait3A_89 = tpu.memref_slice %arg5[%add3A_82, %dma_wait3A_88] : memref<40000x128xf32, #tpu.memory_space<hbm>> -> memref<16x128xf32, #tpu.memory_space<hbm>>
        %dma_wait3A_90 = arith.constant 9984 : i32
        %dma_wait3A_91 = arith.constant 0 : i32
        %dma_wait3A_92 = tpu.memref_slice %arg11[%dma_wait3A_90, %dma_wait3A_91] : memref<10016x128xf32, #tpu.memory_space<vmem_shared>> -> memref<16x128xf32, #tpu.memory_space<vmem_shared>>
        tpu.wait_dma2 semaphore(%run_scoped3A : memref<!tpu.dma_semaphore, #tpu.memory_space<semaphore_mem>>) src(%dma_wait3A_92 : memref<16x128xf32, #tpu.memory_space<vmem_shared>>) dst(%dma_wait3A_89 : memref<16x128xf32, #tpu.memory_space<hbm>>)
        tpu.yield
      }) : () -> ()
    } else {
    }
    %barrier3A_80 = arith.constant 0 : index
    tpu.barrier barrier_id(%barrier3A_80)
    return
  }
}

#map = affine_map<(d0, d1) -> (0)>
#map1 = affine_map<(d0, d1) -> (0, 0)>
module attributes {stable_mosaic.version = 14 : i64} {
  func.func @k(%arg0: i32, %arg1: i32, %arg2: memref<163840xi32, #tpu.memory_space<hbm>>, %arg3: memref<10000x128xf32, #tpu.memory_space<hbm>>, %arg4: memref<20000x128xf32, #tpu.memory_space<hbm>>, %arg5: memref<128xi32, #tpu.memory_space<vmem>>, %arg6: memref<128x128xf32, #tpu.memory_space<vmem>>, %arg7: memref<10016x128xf32, #tpu.memory_space<vmem_shared>>) attributes {dimension_semantics = [#tpu.dimension_semantics<core_parallel>, #tpu.dimension_semantics<subcore_parallel>], iteration_bounds = array<i64: 2, 16>, scalar_prefetch = 0 : i64, scratch_operands = 3 : i64, tpu.core_type = #tpu.core_type<sc_vector_subcore>, window_params = [{transform_indices = #map}, {transform_indices = #map1}, {transform_indices = #map1}]} {
    "tpu.region"() ({
      %run_scoped3A = tpu.sem_alloc : memref<!tpu.dma_semaphore, #tpu.memory_space<semaphore_mem>>
      %dma_start3A = arith.constant 0 : i32
      %dma_start3A_16 = arith.constant 0 : i32
      %dma_start3A_17 = tpu.memref_slice %arg3[%dma_start3A, %dma_start3A_16] : memref<10000x128xf32, #tpu.memory_space<hbm>> -> memref<128x128xf32, #tpu.memory_space<hbm>>
      %dma_start3A_18 = arith.constant 0 : i32
      %dma_start3A_19 = arith.constant 0 : i32
      %dma_start3A_20 = tpu.memref_slice %arg3[%dma_start3A_18, %dma_start3A_19] : memref<10000x128xf32, #tpu.memory_space<hbm>> -> memref<128x128xf32, #tpu.memory_space<hbm>>
      tpu.enqueue_dma source(%dma_start3A_20 : memref<128x128xf32, #tpu.memory_space<hbm>>) target(%arg6 : memref<128x128xf32, #tpu.memory_space<vmem>>) target_semaphore(%run_scoped3A : memref<!tpu.dma_semaphore, #tpu.memory_space<semaphore_mem>>)
      %dma_wait3A = arith.constant 0 : i32
      %dma_wait3A_21 = arith.constant 0 : i32
      %dma_wait3A_22 = tpu.memref_slice %arg3[%dma_wait3A, %dma_wait3A_21] : memref<10000x128xf32, #tpu.memory_space<hbm>> -> memref<128x128xf32, #tpu.memory_space<hbm>>
      %dma_wait3A_23 = arith.constant 0 : i32
      %dma_wait3A_24 = arith.constant 0 : i32
      %dma_wait3A_25 = tpu.memref_slice %arg3[%dma_wait3A_23, %dma_wait3A_24] : memref<10000x128xf32, #tpu.memory_space<hbm>> -> memref<128x128xf32, #tpu.memory_space<hbm>>
      tpu.wait_dma2 semaphore(%run_scoped3A : memref<!tpu.dma_semaphore, #tpu.memory_space<semaphore_mem>>) src(%dma_wait3A_25 : memref<128x128xf32, #tpu.memory_space<hbm>>) dst(%arg6 : memref<128x128xf32, #tpu.memory_space<vmem>>)
      tpu.yield
    }) : () -> ()
    %mul3A = arith.constant 624 : i32
    %mul3A_0 = arith.muli %arg1, %mul3A : i32
    %mul3A_1 = arith.constant 10000 : i32
    %mul3A_2 = arith.muli %arg0, %mul3A_1 : i32
    "tpu.region"() ({
      %run_scoped3A = tpu.sem_alloc : memref<!tpu.dma_semaphore, #tpu.memory_space<semaphore_mem>>
      %dma_start3A = arith.constant 0 : i32
      %dma_start3A_16 = tpu.memref_slice %arg7[%mul3A_0, %dma_start3A] : memref<10016x128xf32, #tpu.memory_space<vmem_shared>> -> memref<624x128xf32, #tpu.memory_space<vmem_shared>>
      %dma_start3A_17 = arith.constant 0 : i32
      %dma_start3A_18 = tpu.memref_slice %arg3[%mul3A_0, %dma_start3A_17] : memref<10000x128xf32, #tpu.memory_space<hbm>> -> memref<624x128xf32, #tpu.memory_space<hbm>>
      tpu.enqueue_dma source(%dma_start3A_18 : memref<624x128xf32, #tpu.memory_space<hbm>>) target(%dma_start3A_16 : memref<624x128xf32, #tpu.memory_space<vmem_shared>>) target_semaphore(%run_scoped3A : memref<!tpu.dma_semaphore, #tpu.memory_space<semaphore_mem>>)
      %dma_wait3A = arith.constant 0 : i32
      %dma_wait3A_19 = tpu.memref_slice %arg7[%mul3A_0, %dma_wait3A] : memref<10016x128xf32, #tpu.memory_space<vmem_shared>> -> memref<624x128xf32, #tpu.memory_space<vmem_shared>>
      %dma_wait3A_20 = arith.constant 0 : i32
      %dma_wait3A_21 = tpu.memref_slice %arg3[%mul3A_0, %dma_wait3A_20] : memref<10000x128xf32, #tpu.memory_space<hbm>> -> memref<624x128xf32, #tpu.memory_space<hbm>>
      tpu.wait_dma2 semaphore(%run_scoped3A : memref<!tpu.dma_semaphore, #tpu.memory_space<semaphore_mem>>) src(%dma_wait3A_21 : memref<624x128xf32, #tpu.memory_space<hbm>>) dst(%dma_wait3A_19 : memref<624x128xf32, #tpu.memory_space<vmem_shared>>)
      tpu.yield
    }) : () -> ()
    %eq3A = arith.constant 0 : i32
    %eq3A_3 = arith.cmpi eq, %arg1, %eq3A : i32
    %convert_element_type3A = arith.extui %eq3A_3 : i1 to i32
    %cond3A = arith.constant 0 : i32
    %cond3A_4 = arith.cmpi ne, %convert_element_type3A, %cond3A : i32
    scf.if %cond3A_4 {
      "tpu.region"() ({
        %run_scoped3A = tpu.sem_alloc : memref<!tpu.dma_semaphore, #tpu.memory_space<semaphore_mem>>
        %dma_start3A = arith.constant 9984 : i32
        %dma_start3A_16 = arith.constant 0 : i32
        %dma_start3A_17 = tpu.memref_slice %arg7[%dma_start3A, %dma_start3A_16] : memref<10016x128xf32, #tpu.memory_space<vmem_shared>> -> memref<16x128xf32, #tpu.memory_space<vmem_shared>>
        %dma_start3A_18 = arith.constant 9984 : i32
        %dma_start3A_19 = arith.constant 0 : i32
        %dma_start3A_20 = tpu.memref_slice %arg3[%dma_start3A_18, %dma_start3A_19] : memref<10000x128xf32, #tpu.memory_space<hbm>> -> memref<16x128xf32, #tpu.memory_space<hbm>>
        tpu.enqueue_dma source(%dma_start3A_20 : memref<16x128xf32, #tpu.memory_space<hbm>>) target(%dma_start3A_17 : memref<16x128xf32, #tpu.memory_space<vmem_shared>>) target_semaphore(%run_scoped3A : memref<!tpu.dma_semaphore, #tpu.memory_space<semaphore_mem>>)
        %dma_wait3A = arith.constant 9984 : i32
        %dma_wait3A_21 = arith.constant 0 : i32
        %dma_wait3A_22 = tpu.memref_slice %arg7[%dma_wait3A, %dma_wait3A_21] : memref<10016x128xf32, #tpu.memory_space<vmem_shared>> -> memref<16x128xf32, #tpu.memory_space<vmem_shared>>
        %dma_wait3A_23 = arith.constant 9984 : i32
        %dma_wait3A_24 = arith.constant 0 : i32
        %dma_wait3A_25 = tpu.memref_slice %arg3[%dma_wait3A_23, %dma_wait3A_24] : memref<10000x128xf32, #tpu.memory_space<hbm>> -> memref<16x128xf32, #tpu.memory_space<hbm>>
        tpu.wait_dma2 semaphore(%run_scoped3A : memref<!tpu.dma_semaphore, #tpu.memory_space<semaphore_mem>>) src(%dma_wait3A_25 : memref<16x128xf32, #tpu.memory_space<hbm>>) dst(%dma_wait3A_22 : memref<16x128xf32, #tpu.memory_space<vmem_shared>>)
        tpu.yield
      }) : () -> ()
    } else {
    }
    %barrier3A = arith.constant 0 : index
    tpu.barrier barrier_id(%barrier3A)
    %scan3A = arith.constant 0 : i32
    %scan3A_5 = arith.constant 0 : i32
    %scan3A_6 = arith.constant 40 : i32
    %scan3A_7 = arith.addi %scan3A_5, %scan3A_6 : i32
    %scan3A_8 = arith.constant 1 : i32
    scf.for %scan3A_16 = %scan3A_5 to %scan3A_7 step %scan3A_8  : i32 {
      %mul3A_17 = arith.constant 2 : i32
      %mul3A_18 = arith.muli %arg1, %mul3A_17 : i32
      %add3A_19 = arith.addi %mul3A_18, %arg0 : i32
      %mul3A_20 = arith.constant 5120 : i32
      %mul3A_21 = arith.muli %add3A_19, %mul3A_20 : i32
      %mul3A_22 = arith.constant 128 : i32
      %mul3A_23 = arith.muli %scan3A_16, %mul3A_22 : i32
      %add3A_24 = arith.addi %mul3A_21, %mul3A_23 : i32
      "tpu.region"() ({
        %run_scoped3A = tpu.sem_alloc : memref<!tpu.dma_semaphore, #tpu.memory_space<semaphore_mem>>
        %dma_start3A = tpu.memref_slice %arg2[%add3A_24] : memref<163840xi32, #tpu.memory_space<hbm>> -> memref<128xi32, #tpu.memory_space<hbm>>
        %dma_start3A_25 = tpu.memref_slice %arg2[%add3A_24] : memref<163840xi32, #tpu.memory_space<hbm>> -> memref<128xi32, #tpu.memory_space<hbm>>
        tpu.enqueue_dma source(%dma_start3A_25 : memref<128xi32, #tpu.memory_space<hbm>>) target(%arg5 : memref<128xi32, #tpu.memory_space<vmem>>) target_semaphore(%run_scoped3A : memref<!tpu.dma_semaphore, #tpu.memory_space<semaphore_mem>>)
        %dma_wait3A = tpu.memref_slice %arg2[%add3A_24] : memref<163840xi32, #tpu.memory_space<hbm>> -> memref<128xi32, #tpu.memory_space<hbm>>
        %dma_wait3A_26 = tpu.memref_slice %arg2[%add3A_24] : memref<163840xi32, #tpu.memory_space<hbm>> -> memref<128xi32, #tpu.memory_space<hbm>>
        tpu.wait_dma2 semaphore(%run_scoped3A : memref<!tpu.dma_semaphore, #tpu.memory_space<semaphore_mem>>) src(%dma_wait3A_26 : memref<128xi32, #tpu.memory_space<hbm>>) dst(%arg5 : memref<128xi32, #tpu.memory_space<vmem>>)
        tpu.yield
      }) : () -> ()
      "tpu.region"() ({
        %run_scoped3A = tpu.sem_alloc : memref<!tpu.dma_semaphore, #tpu.memory_space<semaphore_mem>>
        %dma_start3A = arith.constant 0 : i32
        %dma_start3A_25 = arith.constant 0 : i32
        %dma_start3A_26 = tpu.memref_slice %arg7[%dma_start3A, %dma_start3A_25] : memref<10016x128xf32, #tpu.memory_space<vmem_shared>> -> memref<10016x128xf32, #tpu.memory_space<vmem_shared>>
        tpu.enqueue_indirect_dma source(%arg6 : memref<128x128xf32, #tpu.memory_space<vmem>>) target(%dma_start3A_26 : memref<10016x128xf32, #tpu.memory_space<vmem_shared>>) offsets(%arg5 : memref<128xi32, #tpu.memory_space<vmem>>) semaphore(%run_scoped3A : memref<!tpu.dma_semaphore, #tpu.memory_space<semaphore_mem>>) {add = true}
        %dma_wait3A = arith.constant 0 : i32
        %dma_wait3A_27 = arith.constant 0 : i32
        %dma_wait3A_28 = tpu.memref_slice %arg7[%dma_wait3A, %dma_wait3A_27] : memref<10016x128xf32, #tpu.memory_space<vmem_shared>> -> memref<10016x128xf32, #tpu.memory_space<vmem_shared>>
        tpu.wait_indirect_dma semaphore(%run_scoped3A : memref<!tpu.dma_semaphore, #tpu.memory_space<semaphore_mem>>) src(%arg6 : memref<128x128xf32, #tpu.memory_space<vmem>>) dst(%dma_wait3A_28 : memref<10016x128xf32, #tpu.memory_space<vmem_shared>>)
        tpu.yield
      }) : () -> ()
    }
    %scan3A_9 = arith.constant 40 : i32
    %barrier3A_10 = arith.constant 0 : index
    tpu.barrier barrier_id(%barrier3A_10)
    %add3A = arith.addi %mul3A_2, %mul3A_0 : i32
    "tpu.region"() ({
      %run_scoped3A = tpu.sem_alloc : memref<!tpu.dma_semaphore, #tpu.memory_space<semaphore_mem>>
      %dma_start3A = arith.constant 0 : i32
      %dma_start3A_16 = tpu.memref_slice %arg4[%add3A, %dma_start3A] : memref<20000x128xf32, #tpu.memory_space<hbm>> -> memref<624x128xf32, #tpu.memory_space<hbm>>
      %dma_start3A_17 = arith.constant 0 : i32
      %dma_start3A_18 = tpu.memref_slice %arg7[%mul3A_0, %dma_start3A_17] : memref<10016x128xf32, #tpu.memory_space<vmem_shared>> -> memref<624x128xf32, #tpu.memory_space<vmem_shared>>
      tpu.enqueue_dma source(%dma_start3A_18 : memref<624x128xf32, #tpu.memory_space<vmem_shared>>) target(%dma_start3A_16 : memref<624x128xf32, #tpu.memory_space<hbm>>) target_semaphore(%run_scoped3A : memref<!tpu.dma_semaphore, #tpu.memory_space<semaphore_mem>>)
      %dma_wait3A = arith.constant 0 : i32
      %dma_wait3A_19 = tpu.memref_slice %arg4[%add3A, %dma_wait3A] : memref<20000x128xf32, #tpu.memory_space<hbm>> -> memref<624x128xf32, #tpu.memory_space<hbm>>
      %dma_wait3A_20 = arith.constant 0 : i32
      %dma_wait3A_21 = tpu.memref_slice %arg7[%mul3A_0, %dma_wait3A_20] : memref<10016x128xf32, #tpu.memory_space<vmem_shared>> -> memref<624x128xf32, #tpu.memory_space<vmem_shared>>
      tpu.wait_dma2 semaphore(%run_scoped3A : memref<!tpu.dma_semaphore, #tpu.memory_space<semaphore_mem>>) src(%dma_wait3A_21 : memref<624x128xf32, #tpu.memory_space<vmem_shared>>) dst(%dma_wait3A_19 : memref<624x128xf32, #tpu.memory_space<hbm>>)
      tpu.yield
    }) : () -> ()
    %eq3A_11 = arith.constant 0 : i32
    %eq3A_12 = arith.cmpi eq, %arg1, %eq3A_11 : i32
    %convert_element_type3A_13 = arith.extui %eq3A_12 : i1 to i32
    %cond3A_14 = arith.constant 0 : i32
    %cond3A_15 = arith.cmpi ne, %convert_element_type3A_13, %cond3A_14 : i32
    scf.if %cond3A_15 {
      %add3A_16 = arith.constant 9984 : i32
      %add3A_17 = arith.addi %mul3A_2, %add3A_16 : i32
      "tpu.region"() ({
        %run_scoped3A = tpu.sem_alloc : memref<!tpu.dma_semaphore, #tpu.memory_space<semaphore_mem>>
        %dma_start3A = arith.constant 0 : i32
        %dma_start3A_18 = tpu.memref_slice %arg4[%add3A_17, %dma_start3A] : memref<20000x128xf32, #tpu.memory_space<hbm>> -> memref<16x128xf32, #tpu.memory_space<hbm>>
        %dma_start3A_19 = arith.constant 9984 : i32
        %dma_start3A_20 = arith.constant 0 : i32
        %dma_start3A_21 = tpu.memref_slice %arg7[%dma_start3A_19, %dma_start3A_20] : memref<10016x128xf32, #tpu.memory_space<vmem_shared>> -> memref<16x128xf32, #tpu.memory_space<vmem_shared>>
        tpu.enqueue_dma source(%dma_start3A_21 : memref<16x128xf32, #tpu.memory_space<vmem_shared>>) target(%dma_start3A_18 : memref<16x128xf32, #tpu.memory_space<hbm>>) target_semaphore(%run_scoped3A : memref<!tpu.dma_semaphore, #tpu.memory_space<semaphore_mem>>)
        %dma_wait3A = arith.constant 0 : i32
        %dma_wait3A_22 = tpu.memref_slice %arg4[%add3A_17, %dma_wait3A] : memref<20000x128xf32, #tpu.memory_space<hbm>> -> memref<16x128xf32, #tpu.memory_space<hbm>>
        %dma_wait3A_23 = arith.constant 9984 : i32
        %dma_wait3A_24 = arith.constant 0 : i32
        %dma_wait3A_25 = tpu.memref_slice %arg7[%dma_wait3A_23, %dma_wait3A_24] : memref<10016x128xf32, #tpu.memory_space<vmem_shared>> -> memref<16x128xf32, #tpu.memory_space<vmem_shared>>
        tpu.wait_dma2 semaphore(%run_scoped3A : memref<!tpu.dma_semaphore, #tpu.memory_space<semaphore_mem>>) src(%dma_wait3A_25 : memref<16x128xf32, #tpu.memory_space<vmem_shared>>) dst(%dma_wait3A_22 : memref<16x128xf32, #tpu.memory_space<hbm>>)
        tpu.yield
      }) : () -> ()
    } else {
    }
    return
  }
}

#map = affine_map<(d0, d1) -> (0, 0)>
#map1 = affine_map<(d0, d1) -> (0)>
module attributes {stable_mosaic.version = 14 : i64} {
  func.func @k(%arg0: i32, %arg1: i32, %arg2: memref<40000x128xf32, #tpu.memory_space<hbm>>, %arg3: memref<163840xi32, #tpu.memory_space<hbm>>, %arg4: memref<163840xi32, #tpu.memory_space<hbm>>, %arg5: memref<40000x128xf32, #tpu.memory_space<hbm>>, %arg6: memref<10240xi32, #tpu.memory_space<vmem>>, %arg7: memref<128xi32, #tpu.memory_space<vmem>>, %arg8: memref<128xi32, #tpu.memory_space<vmem>>, %arg9: memref<128x128xf32, #tpu.memory_space<vmem>>, %arg10: memref<128x128xf32, #tpu.memory_space<vmem>>, %arg11: memref<10016x128xf32, #tpu.memory_space<vmem_shared>>, %arg12: memref<!tpu.dma_semaphore, #tpu.memory_space<semaphore_mem>>, %arg13: memref<!tpu.dma_semaphore, #tpu.memory_space<semaphore_mem>>, %arg14: memref<!tpu.dma_semaphore, #tpu.memory_space<semaphore_mem>>) attributes {dimension_semantics = [#tpu.dimension_semantics<core_parallel>, #tpu.dimension_semantics<subcore_parallel>], iteration_bounds = array<i64: 2, 16>, scalar_prefetch = 0 : i64, scratch_operands = 9 : i64, tpu.core_type = #tpu.core_type<sc_vector_subcore>, window_params = [{transform_indices = #map}, {transform_indices = #map1}, {transform_indices = #map1}, {transform_indices = #map}]} {
    %mul3A = arith.constant 624 : i32
    %mul3A_0 = arith.muli %arg1, %mul3A : i32
    %mul3A_1 = arith.constant 10240 : i32
    %mul3A_2 = arith.muli %arg1, %mul3A_1 : i32
    "tpu.region"() ({
      %run_scoped3A = tpu.sem_alloc : memref<!tpu.dma_semaphore, #tpu.memory_space<semaphore_mem>>
      %dma_start3A_81 = tpu.memref_slice %arg3[%mul3A_2] : memref<163840xi32, #tpu.memory_space<hbm>> -> memref<10240xi32, #tpu.memory_space<hbm>>
      %dma_start3A_82 = tpu.memref_slice %arg3[%mul3A_2] : memref<163840xi32, #tpu.memory_space<hbm>> -> memref<10240xi32, #tpu.memory_space<hbm>>
      tpu.enqueue_dma source(%dma_start3A_82 : memref<10240xi32, #tpu.memory_space<hbm>>) target(%arg6 : memref<10240xi32, #tpu.memory_space<vmem>>) target_semaphore(%run_scoped3A : memref<!tpu.dma_semaphore, #tpu.memory_space<semaphore_mem>>)
      %dma_wait3A_83 = tpu.memref_slice %arg3[%mul3A_2] : memref<163840xi32, #tpu.memory_space<hbm>> -> memref<10240xi32, #tpu.memory_space<hbm>>
      %dma_wait3A_84 = tpu.memref_slice %arg3[%mul3A_2] : memref<163840xi32, #tpu.memory_space<hbm>> -> memref<10240xi32, #tpu.memory_space<hbm>>
      tpu.wait_dma2 semaphore(%run_scoped3A : memref<!tpu.dma_semaphore, #tpu.memory_space<semaphore_mem>>) src(%dma_wait3A_84 : memref<10240xi32, #tpu.memory_space<hbm>>) dst(%arg6 : memref<10240xi32, #tpu.memory_space<vmem>>)
      tpu.yield
    }) : () -> ()
    %mul3A_3 = arith.constant 2 : i32
    %mul3A_4 = arith.muli %mul3A_3, %arg0 : i32
    %add3A = arith.constant 0 : i32
    %add3A_5 = arith.addi %mul3A_4, %add3A : i32
    %mul3A_6 = arith.constant 10000 : i32
    %mul3A_7 = arith.muli %add3A_5, %mul3A_6 : i32
    %scan3A = arith.constant 0 : i32
    %scan3A_8 = arith.constant 0 : i32
    %scan3A_9 = arith.constant 640 : i32
    %scan3A_10 = arith.addi %scan3A_8, %scan3A_9 : i32
    %scan3A_11 = arith.constant 1 : i32
    scf.for %scan3A_81 = %scan3A_8 to %scan3A_10 step %scan3A_11  : i32 {
      %mul3A_82 = arith.constant 16 : i32
      %mul3A_83 = arith.muli %scan3A_81, %mul3A_82 : i32
      %get3A = arith.index_cast %mul3A_83 : i32 to index
      %get3A_84 = tpu.vector_load %arg6[%get3A] {strides = array<i32>} : memref<10240xi32, #tpu.memory_space<vmem>>, vector<16xi32>,
      %get3A_85 = vector.shape_cast %get3A_84 : vector<16xi32> to vector<16xi32>
      %add3A_86 = vector.broadcast %mul3A_7 : i32 to vector<16xi32>
      %add3A_87 = arith.addi %get3A_85, %add3A_86 : vector<16xi32>
      %swap3A = arith.index_cast %mul3A_83 : i32 to index
      %swap3A_88 = tpu.vector_load %arg6[%swap3A] {strides = array<i32>} : memref<10240xi32, #tpu.memory_space<vmem>>, vector<16xi32>,
      %swap3A_89 = vector.shape_cast %swap3A_88 : vector<16xi32> to vector<16xi32>
      %swap3A_90 = vector.shape_cast %add3A_87 : vector<16xi32> to vector<16xi32>
      tpu.vector_store %arg6[%swap3A], %swap3A_90 {strides = array<i32>} : memref<10240xi32, #tpu.memory_space<vmem>>, vector<16xi32>,
    }
    %scan3A_12 = arith.constant 640 : i32
    %add3A_13 = arith.addi %mul3A_7, %mul3A_0 : i32
    "tpu.region"() ({
      %run_scoped3A = tpu.sem_alloc : memref<!tpu.dma_semaphore, #tpu.memory_space<semaphore_mem>>
      %dma_start3A_81 = arith.constant 0 : i32
      %dma_start3A_82 = tpu.memref_slice %arg11[%mul3A_0, %dma_start3A_81] : memref<10016x128xf32, #tpu.memory_space<vmem_shared>> -> memref<624x128xf32, #tpu.memory_space<vmem_shared>>
      %dma_start3A_83 = arith.constant 0 : i32
      %dma_start3A_84 = tpu.memref_slice %arg2[%add3A_13, %dma_start3A_83] : memref<40000x128xf32, #tpu.memory_space<hbm>> -> memref<624x128xf32, #tpu.memory_space<hbm>>
      tpu.enqueue_dma source(%dma_start3A_84 : memref<624x128xf32, #tpu.memory_space<hbm>>) target(%dma_start3A_82 : memref<624x128xf32, #tpu.memory_space<vmem_shared>>) target_semaphore(%run_scoped3A : memref<!tpu.dma_semaphore, #tpu.memory_space<semaphore_mem>>)
      %dma_wait3A_85 = arith.constant 0 : i32
      %dma_wait3A_86 = tpu.memref_slice %arg11[%mul3A_0, %dma_wait3A_85] : memref<10016x128xf32, #tpu.memory_space<vmem_shared>> -> memref<624x128xf32, #tpu.memory_space<vmem_shared>>
      %dma_wait3A_87 = arith.constant 0 : i32
      %dma_wait3A_88 = tpu.memref_slice %arg2[%add3A_13, %dma_wait3A_87] : memref<40000x128xf32, #tpu.memory_space<hbm>> -> memref<624x128xf32, #tpu.memory_space<hbm>>
      tpu.wait_dma2 semaphore(%run_scoped3A : memref<!tpu.dma_semaphore, #tpu.memory_space<semaphore_mem>>) src(%dma_wait3A_88 : memref<624x128xf32, #tpu.memory_space<hbm>>) dst(%dma_wait3A_86 : memref<624x128xf32, #tpu.memory_space<vmem_shared>>)
      tpu.yield
    }) : () -> ()
    %eq3A = arith.constant 0 : i32
    %eq3A_14 = arith.cmpi eq, %arg1, %eq3A : i32
    %convert_element_type3A = arith.extui %eq3A_14 : i1 to i32
    %cond3A = arith.constant 0 : i32
    %cond3A_15 = arith.cmpi ne, %convert_element_type3A, %cond3A : i32
    scf.if %cond3A_15 {
      %add3A_81 = arith.constant 9984 : i32
      %add3A_82 = arith.addi %mul3A_7, %add3A_81 : i32
      "tpu.region"() ({
        %run_scoped3A = tpu.sem_alloc : memref<!tpu.dma_semaphore, #tpu.memory_space<semaphore_mem>>
        %dma_start3A_83 = arith.constant 9984 : i32
        %dma_start3A_84 = arith.constant 0 : i32
        %dma_start3A_85 = tpu.memref_slice %arg11[%dma_start3A_83, %dma_start3A_84] : memref<10016x128xf32, #tpu.memory_space<vmem_shared>> -> memref<16x128xf32, #tpu.memory_space<vmem_shared>>
        %dma_start3A_86 = arith.constant 0 : i32
        %dma_start3A_87 = tpu.memref_slice %arg2[%add3A_82, %dma_start3A_86] : memref<40000x128xf32, #tpu.memory_space<hbm>> -> memref<16x128xf32, #tpu.memory_space<hbm>>
        tpu.enqueue_dma source(%dma_start3A_87 : memref<16x128xf32, #tpu.memory_space<hbm>>) target(%dma_start3A_85 : memref<16x128xf32, #tpu.memory_space<vmem_shared>>) target_semaphore(%run_scoped3A : memref<!tpu.dma_semaphore, #tpu.memory_space<semaphore_mem>>)
        %dma_wait3A_88 = arith.constant 9984 : i32
        %dma_wait3A_89 = arith.constant 0 : i32
        %dma_wait3A_90 = tpu.memref_slice %arg11[%dma_wait3A_88, %dma_wait3A_89] : memref<10016x128xf32, #tpu.memory_space<vmem_shared>> -> memref<16x128xf32, #tpu.memory_space<vmem_shared>>
        %dma_wait3A_91 = arith.constant 0 : i32
        %dma_wait3A_92 = tpu.memref_slice %arg2[%add3A_82, %dma_wait3A_91] : memref<40000x128xf32, #tpu.memory_space<hbm>> -> memref<16x128xf32, #tpu.memory_space<hbm>>
        tpu.wait_dma2 semaphore(%run_scoped3A : memref<!tpu.dma_semaphore, #tpu.memory_space<semaphore_mem>>) src(%dma_wait3A_92 : memref<16x128xf32, #tpu.memory_space<hbm>>) dst(%dma_wait3A_90 : memref<16x128xf32, #tpu.memory_space<vmem_shared>>)
        tpu.yield
      }) : () -> ()
    } else {
    }
    %barrier3A = arith.constant 0 : index
    tpu.barrier barrier_id(%barrier3A)
    %mul3A_16 = arith.constant 10240 : i32
    %mul3A_17 = arith.muli %arg1, %mul3A_16 : i32
    "tpu.region"() ({
      %run_scoped3A = tpu.sem_alloc : memref<!tpu.dma_semaphore, #tpu.memory_space<semaphore_mem>>
      %dma_start3A_81 = tpu.memref_slice %arg4[%mul3A_17] : memref<163840xi32, #tpu.memory_space<hbm>> -> memref<128xi32, #tpu.memory_space<hbm>>
      %dma_start3A_82 = tpu.memref_slice %arg4[%mul3A_17] : memref<163840xi32, #tpu.memory_space<hbm>> -> memref<128xi32, #tpu.memory_space<hbm>>
      tpu.enqueue_dma source(%dma_start3A_82 : memref<128xi32, #tpu.memory_space<hbm>>) target(%arg7 : memref<128xi32, #tpu.memory_space<vmem>>) target_semaphore(%run_scoped3A : memref<!tpu.dma_semaphore, #tpu.memory_space<semaphore_mem>>)
      %dma_wait3A_83 = tpu.memref_slice %arg4[%mul3A_17] : memref<163840xi32, #tpu.memory_space<hbm>> -> memref<128xi32, #tpu.memory_space<hbm>>
      %dma_wait3A_84 = tpu.memref_slice %arg4[%mul3A_17] : memref<163840xi32, #tpu.memory_space<hbm>> -> memref<128xi32, #tpu.memory_space<hbm>>
      tpu.wait_dma2 semaphore(%run_scoped3A : memref<!tpu.dma_semaphore, #tpu.memory_space<semaphore_mem>>) src(%dma_wait3A_84 : memref<128xi32, #tpu.memory_space<hbm>>) dst(%arg7 : memref<128xi32, #tpu.memory_space<vmem>>)
      tpu.yield
    }) : () -> ()
    %dma_start3A = arith.constant 0 : i32
    %dma_start3A_18 = tpu.memref_slice %arg6[%dma_start3A] : memref<10240xi32, #tpu.memory_space<vmem>> -> memref<128xi32, #tpu.memory_space<vmem>>
    %dma_start3A_19 = arith.constant 0 : i32
    %dma_start3A_20 = arith.constant 0 : i32
    %dma_start3A_21 = tpu.memref_slice %arg2[%dma_start3A_19, %dma_start3A_20] : memref<40000x128xf32, #tpu.memory_space<hbm>> -> memref<40000x128xf32, #tpu.memory_space<hbm>>
    tpu.enqueue_indirect_dma source(%dma_start3A_21 : memref<40000x128xf32, #tpu.memory_space<hbm>>) target(%arg9 : memref<128x128xf32, #tpu.memory_space<vmem>>) offsets(%dma_start3A_18 : memref<128xi32, #tpu.memory_space<vmem>>) semaphore(%arg12 : memref<!tpu.dma_semaphore, #tpu.memory_space<semaphore_mem>>)
    %scan3A_22 = arith.constant 0 : i32
    %scan3A_23 = arith.constant 0 : i32
    %scan3A_24 = arith.constant 40 : i32
    %scan3A_25 = arith.addi %scan3A_23, %scan3A_24 : i32
    %scan3A_26 = arith.constant 1 : i32
    scf.for %scan3A_81 = %scan3A_23 to %scan3A_25 step %scan3A_26  : i32 {
      %mul3A_82 = arith.constant 2 : i32
      %mul3A_83 = arith.muli %mul3A_82, %scan3A_81 : i32
      %add3A_84 = arith.constant 0 : i32
      %add3A_85 = arith.addi %mul3A_83, %add3A_84 : i32
      %mul3A_86 = arith.constant 128 : i32
      %mul3A_87 = arith.muli %add3A_85, %mul3A_86 : i32
      %dma_wait3A_88 = tpu.memref_slice %arg6[%mul3A_87] : memref<10240xi32, #tpu.memory_space<vmem>> -> memref<128xi32, #tpu.memory_space<vmem>>
      %dma_wait3A_89 = arith.constant 0 : i32
      %dma_wait3A_90 = arith.constant 0 : i32
      %dma_wait3A_91 = tpu.memref_slice %arg2[%dma_wait3A_89, %dma_wait3A_90] : memref<40000x128xf32, #tpu.memory_space<hbm>> -> memref<40000x128xf32, #tpu.memory_space<hbm>>
      tpu.wait_indirect_dma semaphore(%arg12 : memref<!tpu.dma_semaphore, #tpu.memory_space<semaphore_mem>>) src(%dma_wait3A_91 : memref<40000x128xf32, #tpu.memory_space<hbm>>) dst(%arg9 : memref<128x128xf32, #tpu.memory_space<vmem>>)
      %dma_start3A_92 = arith.constant 0 : i32
      %dma_start3A_93 = arith.constant 0 : i32
      %dma_start3A_94 = tpu.memref_slice %arg11[%dma_start3A_92, %dma_start3A_93] : memref<10016x128xf32, #tpu.memory_space<vmem_shared>> -> memref<10016x128xf32, #tpu.memory_space<vmem_shared>>
      tpu.enqueue_indirect_dma source(%arg9 : memref<128x128xf32, #tpu.memory_space<vmem>>) target(%dma_start3A_94 : memref<10016x128xf32, #tpu.memory_space<vmem_shared>>) offsets(%arg7 : memref<128xi32, #tpu.memory_space<vmem>>) semaphore(%arg13 : memref<!tpu.dma_semaphore, #tpu.memory_space<semaphore_mem>>) {add = true}
      %gt3A = arith.constant 0 : i32
      %gt3A_95 = arith.cmpi sgt, %add3A_85, %gt3A : i32
      %convert_element_type3A_96 = arith.extui %gt3A_95 : i1 to i32
      %cond3A_97 = arith.constant 0 : i32
      %cond3A_98 = arith.cmpi ne, %convert_element_type3A_96, %cond3A_97 : i32
      scf.if %cond3A_98 {
        %dma_wait3A_126 = arith.constant 0 : i32
        %dma_wait3A_127 = arith.constant 0 : i32
        %dma_wait3A_128 = tpu.memref_slice %arg11[%dma_wait3A_126, %dma_wait3A_127] : memref<10016x128xf32, #tpu.memory_space<vmem_shared>> -> memref<10016x128xf32, #tpu.memory_space<vmem_shared>>
        tpu.wait_indirect_dma semaphore(%arg14 : memref<!tpu.dma_semaphore, #tpu.memory_space<semaphore_mem>>) src(%arg10 : memref<128x128xf32, #tpu.memory_space<vmem>>) dst(%dma_wait3A_128 : memref<10016x128xf32, #tpu.memory_space<vmem_shared>>)
      } else {
      }
      %lt3A = arith.constant 79 : i32
      %lt3A_99 = arith.cmpi slt, %add3A_85, %lt3A : i32
      %convert_element_type3A_100 = arith.extui %lt3A_99 : i1 to i32
      %cond3A_101 = arith.constant 0 : i32
      %cond3A_102 = arith.cmpi ne, %convert_element_type3A_100, %cond3A_101 : i32
      scf.if %cond3A_102 {
        %mul3A_126 = arith.constant 10240 : i32
        %mul3A_127 = arith.muli %arg1, %mul3A_126 : i32
        %add3A_128 = arith.constant 1 : i32
        %add3A_129 = arith.addi %add3A_85, %add3A_128 : i32
        %mul3A_130 = arith.constant 128 : i32
        %mul3A_131 = arith.muli %add3A_129, %mul3A_130 : i32
        %add3A_132 = arith.addi %mul3A_127, %mul3A_131 : i32
        "tpu.region"() ({
          %run_scoped3A = tpu.sem_alloc : memref<!tpu.dma_semaphore, #tpu.memory_space<semaphore_mem>>
          %dma_start3A_141 = tpu.memref_slice %arg4[%add3A_132] : memref<163840xi32, #tpu.memory_space<hbm>> -> memref<128xi32, #tpu.memory_space<hbm>>
          %dma_start3A_142 = tpu.memref_slice %arg4[%add3A_132] : memref<163840xi32, #tpu.memory_space<hbm>> -> memref<128xi32, #tpu.memory_space<hbm>>
          tpu.enqueue_dma source(%dma_start3A_142 : memref<128xi32, #tpu.memory_space<hbm>>) target(%arg8 : memref<128xi32, #tpu.memory_space<vmem>>) target_semaphore(%run_scoped3A : memref<!tpu.dma_semaphore, #tpu.memory_space<semaphore_mem>>)
          %dma_wait3A_143 = tpu.memref_slice %arg4[%add3A_132] : memref<163840xi32, #tpu.memory_space<hbm>> -> memref<128xi32, #tpu.memory_space<hbm>>
          %dma_wait3A_144 = tpu.memref_slice %arg4[%add3A_132] : memref<163840xi32, #tpu.memory_space<hbm>> -> memref<128xi32, #tpu.memory_space<hbm>>
          tpu.wait_dma2 semaphore(%run_scoped3A : memref<!tpu.dma_semaphore, #tpu.memory_space<semaphore_mem>>) src(%dma_wait3A_144 : memref<128xi32, #tpu.memory_space<hbm>>) dst(%arg8 : memref<128xi32, #tpu.memory_space<vmem>>)
          tpu.yield
        }) : () -> ()
        %add3A_133 = arith.constant 1 : i32
        %add3A_134 = arith.addi %add3A_85, %add3A_133 : i32
        %mul3A_135 = arith.constant 128 : i32
        %mul3A_136 = arith.muli %add3A_134, %mul3A_135 : i32
        %dma_start3A_137 = tpu.memref_slice %arg6[%mul3A_136] : memref<10240xi32, #tpu.memory_space<vmem>> -> memref<128xi32, #tpu.memory_space<vmem>>
        %dma_start3A_138 = arith.constant 0 : i32
        %dma_start3A_139 = arith.constant 0 : i32
        %dma_start3A_140 = tpu.memref_slice %arg2[%dma_start3A_138, %dma_start3A_139] : memref<40000x128xf32, #tpu.memory_space<hbm>> -> memref<40000x128xf32, #tpu.memory_space<hbm>>
        tpu.enqueue_indirect_dma source(%dma_start3A_140 : memref<40000x128xf32, #tpu.memory_space<hbm>>) target(%arg10 : memref<128x128xf32, #tpu.memory_space<vmem>>) offsets(%dma_start3A_137 : memref<128xi32, #tpu.memory_space<vmem>>) semaphore(%arg12 : memref<!tpu.dma_semaphore, #tpu.memory_space<semaphore_mem>>)
      } else {
      }
      %mul3A_103 = arith.constant 2 : i32
      %mul3A_104 = arith.muli %mul3A_103, %scan3A_81 : i32
      %add3A_105 = arith.constant 1 : i32
      %add3A_106 = arith.addi %mul3A_104, %add3A_105 : i32
      %mul3A_107 = arith.constant 128 : i32
      %mul3A_108 = arith.muli %add3A_106, %mul3A_107 : i32
      %dma_wait3A_109 = tpu.memref_slice %arg6[%mul3A_108] : memref<10240xi32, #tpu.memory_space<vmem>> -> memref<128xi32, #tpu.memory_space<vmem>>
      %dma_wait3A_110 = arith.constant 0 : i32
      %dma_wait3A_111 = arith.constant 0 : i32
      %dma_wait3A_112 = tpu.memref_slice %arg2[%dma_wait3A_110, %dma_wait3A_111] : memref<40000x128xf32, #tpu.memory_space<hbm>> -> memref<40000x128xf32, #tpu.memory_space<hbm>>
      tpu.wait_indirect_dma semaphore(%arg12 : memref<!tpu.dma_semaphore, #tpu.memory_space<semaphore_mem>>) src(%dma_wait3A_112 : memref<40000x128xf32, #tpu.memory_space<hbm>>) dst(%arg10 : memref<128x128xf32, #tpu.memory_space<vmem>>)
      %dma_start3A_113 = arith.constant 0 : i32
      %dma_start3A_114 = arith.constant 0 : i32
      %dma_start3A_115 = tpu.memref_slice %arg11[%dma_start3A_113, %dma_start3A_114] : memref<10016x128xf32, #tpu.memory_space<vmem_shared>> -> memref<10016x128xf32, #tpu.memory_space<vmem_shared>>
      tpu.enqueue_indirect_dma source(%arg10 : memref<128x128xf32, #tpu.memory_space<vmem>>) target(%dma_start3A_115 : memref<10016x128xf32, #tpu.memory_space<vmem_shared>>) offsets(%arg8 : memref<128xi32, #tpu.memory_space<vmem>>) semaphore(%arg14 : memref<!tpu.dma_semaphore, #tpu.memory_space<semaphore_mem>>) {add = true}
      %gt3A_116 = arith.constant 0 : i32
      %gt3A_117 = arith.cmpi sgt, %add3A_106, %gt3A_116 : i32
      %convert_element_type3A_118 = arith.extui %gt3A_117 : i1 to i32
      %cond3A_119 = arith.constant 0 : i32
      %cond3A_120 = arith.cmpi ne, %convert_element_type3A_118, %cond3A_119 : i32
      scf.if %cond3A_120 {
        %dma_wait3A_126 = arith.constant 0 : i32
        %dma_wait3A_127 = arith.constant 0 : i32
        %dma_wait3A_128 = tpu.memref_slice %arg11[%dma_wait3A_126, %dma_wait3A_127] : memref<10016x128xf32, #tpu.memory_space<vmem_shared>> -> memref<10016x128xf32, #tpu.memory_space<vmem_shared>>
        tpu.wait_indirect_dma semaphore(%arg13 : memref<!tpu.dma_semaphore, #tpu.memory_space<semaphore_mem>>) src(%arg9 : memref<128x128xf32, #tpu.memory_space<vmem>>) dst(%dma_wait3A_128 : memref<10016x128xf32, #tpu.memory_space<vmem_shared>>)
      } else {
      }
      %lt3A_121 = arith.constant 79 : i32
      %lt3A_122 = arith.cmpi slt, %add3A_106, %lt3A_121 : i32
      %convert_element_type3A_123 = arith.extui %lt3A_122 : i1 to i32
      %cond3A_124 = arith.constant 0 : i32
      %cond3A_125 = arith.cmpi ne, %convert_element_type3A_123, %cond3A_124 : i32
      scf.if %cond3A_125 {
        %mul3A_126 = arith.constant 10240 : i32
        %mul3A_127 = arith.muli %arg1, %mul3A_126 : i32
        %add3A_128 = arith.constant 1 : i32
        %add3A_129 = arith.addi %add3A_106, %add3A_128 : i32
        %mul3A_130 = arith.constant 128 : i32
        %mul3A_131 = arith.muli %add3A_129, %mul3A_130 : i32
        %add3A_132 = arith.addi %mul3A_127, %mul3A_131 : i32
        "tpu.region"() ({
          %run_scoped3A = tpu.sem_alloc : memref<!tpu.dma_semaphore, #tpu.memory_space<semaphore_mem>>
          %dma_start3A_141 = tpu.memref_slice %arg4[%add3A_132] : memref<163840xi32, #tpu.memory_space<hbm>> -> memref<128xi32, #tpu.memory_space<hbm>>
          %dma_start3A_142 = tpu.memref_slice %arg4[%add3A_132] : memref<163840xi32, #tpu.memory_space<hbm>> -> memref<128xi32, #tpu.memory_space<hbm>>
          tpu.enqueue_dma source(%dma_start3A_142 : memref<128xi32, #tpu.memory_space<hbm>>) target(%arg7 : memref<128xi32, #tpu.memory_space<vmem>>) target_semaphore(%run_scoped3A : memref<!tpu.dma_semaphore, #tpu.memory_space<semaphore_mem>>)
          %dma_wait3A_143 = tpu.memref_slice %arg4[%add3A_132] : memref<163840xi32, #tpu.memory_space<hbm>> -> memref<128xi32, #tpu.memory_space<hbm>>
          %dma_wait3A_144 = tpu.memref_slice %arg4[%add3A_132] : memref<163840xi32, #tpu.memory_space<hbm>> -> memref<128xi32, #tpu.memory_space<hbm>>
          tpu.wait_dma2 semaphore(%run_scoped3A : memref<!tpu.dma_semaphore, #tpu.memory_space<semaphore_mem>>) src(%dma_wait3A_144 : memref<128xi32, #tpu.memory_space<hbm>>) dst(%arg7 : memref<128xi32, #tpu.memory_space<vmem>>)
          tpu.yield
        }) : () -> ()
        %add3A_133 = arith.constant 1 : i32
        %add3A_134 = arith.addi %add3A_106, %add3A_133 : i32
        %mul3A_135 = arith.constant 128 : i32
        %mul3A_136 = arith.muli %add3A_134, %mul3A_135 : i32
        %dma_start3A_137 = tpu.memref_slice %arg6[%mul3A_136] : memref<10240xi32, #tpu.memory_space<vmem>> -> memref<128xi32, #tpu.memory_space<vmem>>
        %dma_start3A_138 = arith.constant 0 : i32
        %dma_start3A_139 = arith.constant 0 : i32
        %dma_start3A_140 = tpu.memref_slice %arg2[%dma_start3A_138, %dma_start3A_139] : memref<40000x128xf32, #tpu.memory_space<hbm>> -> memref<40000x128xf32, #tpu.memory_space<hbm>>
        tpu.enqueue_indirect_dma source(%dma_start3A_140 : memref<40000x128xf32, #tpu.memory_space<hbm>>) target(%arg9 : memref<128x128xf32, #tpu.memory_space<vmem>>) offsets(%dma_start3A_137 : memref<128xi32, #tpu.memory_space<vmem>>) semaphore(%arg12 : memref<!tpu.dma_semaphore, #tpu.memory_space<semaphore_mem>>)
      } else {
      }
    }
    %scan3A_27 = arith.constant 40 : i32
    %dma_wait3A = arith.constant 0 : i32
    %dma_wait3A_28 = arith.constant 0 : i32
    %dma_wait3A_29 = tpu.memref_slice %arg11[%dma_wait3A, %dma_wait3A_28] : memref<10016x128xf32, #tpu.memory_space<vmem_shared>> -> memref<10016x128xf32, #tpu.memory_space<vmem_shared>>
    tpu.wait_indirect_dma semaphore(%arg14 : memref<!tpu.dma_semaphore, #tpu.memory_space<semaphore_mem>>) src(%arg10 : memref<128x128xf32, #tpu.memory_space<vmem>>) dst(%dma_wait3A_29 : memref<10016x128xf32, #tpu.memory_space<vmem_shared>>)
    %barrier3A_30 = arith.constant 0 : index
    tpu.barrier barrier_id(%barrier3A_30)
    %add3A_31 = arith.addi %mul3A_7, %mul3A_0 : i32
    "tpu.region"() ({
      %run_scoped3A = tpu.sem_alloc : memref<!tpu.dma_semaphore, #tpu.memory_space<semaphore_mem>>
      %dma_start3A_81 = arith.constant 0 : i32
      %dma_start3A_82 = tpu.memref_slice %arg5[%add3A_31, %dma_start3A_81] : memref<40000x128xf32, #tpu.memory_space<hbm>> -> memref<624x128xf32, #tpu.memory_space<hbm>>
      %dma_start3A_83 = arith.constant 0 : i32
      %dma_start3A_84 = tpu.memref_slice %arg11[%mul3A_0, %dma_start3A_83] : memref<10016x128xf32, #tpu.memory_space<vmem_shared>> -> memref<624x128xf32, #tpu.memory_space<vmem_shared>>
      tpu.enqueue_dma source(%dma_start3A_84 : memref<624x128xf32, #tpu.memory_space<vmem_shared>>) target(%dma_start3A_82 : memref<624x128xf32, #tpu.memory_space<hbm>>) target_semaphore(%run_scoped3A : memref<!tpu.dma_semaphore, #tpu.memory_space<semaphore_mem>>)
      %dma_wait3A_85 = arith.constant 0 : i32
      %dma_wait3A_86 = tpu.memref_slice %arg5[%add3A_31, %dma_wait3A_85] : memref<40000x128xf32, #tpu.memory_space<hbm>> -> memref<624x128xf32, #tpu.memory_space<hbm>>
      %dma_wait3A_87 = arith.constant 0 : i32
      %dma_wait3A_88 = tpu.memref_slice %arg11[%mul3A_0, %dma_wait3A_87] : memref<10016x128xf32, #tpu.memory_space<vmem_shared>> -> memref<624x128xf32, #tpu.memory_space<vmem_shared>>
      tpu.wait_dma2 semaphore(%run_scoped3A : memref<!tpu.dma_semaphore, #tpu.memory_space<semaphore_mem>>) src(%dma_wait3A_88 : memref<624x128xf32, #tpu.memory_space<vmem_shared>>) dst(%dma_wait3A_86 : memref<624x128xf32, #tpu.memory_space<hbm>>)
      tpu.yield
    }) : () -> ()
    %eq3A_32 = arith.constant 0 : i32
    %eq3A_33 = arith.cmpi eq, %arg1, %eq3A_32 : i32
    %convert_element_type3A_34 = arith.extui %eq3A_33 : i1 to i32
    %cond3A_35 = arith.constant 0 : i32
    %cond3A_36 = arith.cmpi ne, %convert_element_type3A_34, %cond3A_35 : i32
    scf.if %cond3A_36 {
      %add3A_81 = arith.constant 9984 : i32
      %add3A_82 = arith.addi %mul3A_7, %add3A_81 : i32
      "tpu.region"() ({
        %run_scoped3A = tpu.sem_alloc : memref<!tpu.dma_semaphore, #tpu.memory_space<semaphore_mem>>
        %dma_start3A_83 = arith.constant 0 : i32
        %dma_start3A_84 = tpu.memref_slice %arg5[%add3A_82, %dma_start3A_83] : memref<40000x128xf32, #tpu.memory_space<hbm>> -> memref<16x128xf32, #tpu.memory_space<hbm>>
        %dma_start3A_85 = arith.constant 9984 : i32
        %dma_start3A_86 = arith.constant 0 : i32
        %dma_start3A_87 = tpu.memref_slice %arg11[%dma_start3A_85, %dma_start3A_86] : memref<10016x128xf32, #tpu.memory_space<vmem_shared>> -> memref<16x128xf32, #tpu.memory_space<vmem_shared>>
        tpu.enqueue_dma source(%dma_start3A_87 : memref<16x128xf32, #tpu.memory_space<vmem_shared>>) target(%dma_start3A_84 : memref<16x128xf32, #tpu.memory_space<hbm>>) target_semaphore(%run_scoped3A : memref<!tpu.dma_semaphore, #tpu.memory_space<semaphore_mem>>)
        %dma_wait3A_88 = arith.constant 0 : i32
        %dma_wait3A_89 = tpu.memref_slice %arg5[%add3A_82, %dma_wait3A_88] : memref<40000x128xf32, #tpu.memory_space<hbm>> -> memref<16x128xf32, #tpu.memory_space<hbm>>
        %dma_wait3A_90 = arith.constant 9984 : i32
        %dma_wait3A_91 = arith.constant 0 : i32
        %dma_wait3A_92 = tpu.memref_slice %arg11[%dma_wait3A_90, %dma_wait3A_91] : memref<10016x128xf32, #tpu.memory_space<vmem_shared>> -> memref<16x128xf32, #tpu.memory_space<vmem_shared>>
        tpu.wait_dma2 semaphore(%run_scoped3A : memref<!tpu.dma_semaphore, #tpu.memory_space<semaphore_mem>>) src(%dma_wait3A_92 : memref<16x128xf32, #tpu.memory_space<vmem_shared>>) dst(%dma_wait3A_89 : memref<16x128xf32, #tpu.memory_space<hbm>>)
        tpu.yield
      }) : () -> ()
    } else {
    }
    %barrier3A_37 = arith.constant 0 : index
    tpu.barrier barrier_id(%barrier3A_37)
    %mul3A_38 = arith.constant 2 : i32
    %mul3A_39 = arith.muli %mul3A_38, %arg0 : i32
    %add3A_40 = arith.constant 1 : i32
    %add3A_41 = arith.addi %mul3A_39, %add3A_40 : i32
    %mul3A_42 = arith.constant 10000 : i32
    %mul3A_43 = arith.muli %add3A_41, %mul3A_42 : i32
    %scan3A_44 = arith.constant 0 : i32
    %scan3A_45 = arith.constant 0 : i32
    %scan3A_46 = arith.constant 640 : i32
    %scan3A_47 = arith.addi %scan3A_45, %scan3A_46 : i32
    %scan3A_48 = arith.constant 1 : i32
    scf.for %scan3A_81 = %scan3A_45 to %scan3A_47 step %scan3A_48  : i32 {
      %mul3A_82 = arith.constant 16 : i32
      %mul3A_83 = arith.muli %scan3A_81, %mul3A_82 : i32
      %get3A = arith.index_cast %mul3A_83 : i32 to index
      %get3A_84 = tpu.vector_load %arg6[%get3A] {strides = array<i32>} : memref<10240xi32, #tpu.memory_space<vmem>>, vector<16xi32>,
      %get3A_85 = vector.shape_cast %get3A_84 : vector<16xi32> to vector<16xi32>
      %add3A_86 = arith.constant 10000 : i32
      %add3A_87 = vector.broadcast %add3A_86 : i32 to vector<16xi32>
      %add3A_88 = arith.addi %get3A_85, %add3A_87 : vector<16xi32>
      %swap3A = arith.index_cast %mul3A_83 : i32 to index
      %swap3A_89 = tpu.vector_load %arg6[%swap3A] {strides = array<i32>} : memref<10240xi32, #tpu.memory_space<vmem>>, vector<16xi32>,
      %swap3A_90 = vector.shape_cast %swap3A_89 : vector<16xi32> to vector<16xi32>
      %swap3A_91 = vector.shape_cast %add3A_88 : vector<16xi32> to vector<16xi32>
      tpu.vector_store %arg6[%swap3A], %swap3A_91 {strides = array<i32>} : memref<10240xi32, #tpu.memory_space<vmem>>, vector<16xi32>,
    }
    %scan3A_49 = arith.constant 640 : i32
    %add3A_50 = arith.addi %mul3A_43, %mul3A_0 : i32
    "tpu.region"() ({
      %run_scoped3A = tpu.sem_alloc : memref<!tpu.dma_semaphore, #tpu.memory_space<semaphore_mem>>
      %dma_start3A_81 = arith.constant 0 : i32
      %dma_start3A_82 = tpu.memref_slice %arg11[%mul3A_0, %dma_start3A_81] : memref<10016x128xf32, #tpu.memory_space<vmem_shared>> -> memref<624x128xf32, #tpu.memory_space<vmem_shared>>
      %dma_start3A_83 = arith.constant 0 : i32
      %dma_start3A_84 = tpu.memref_slice %arg2[%add3A_50, %dma_start3A_83] : memref<40000x128xf32, #tpu.memory_space<hbm>> -> memref<624x128xf32, #tpu.memory_space<hbm>>
      tpu.enqueue_dma source(%dma_start3A_84 : memref<624x128xf32, #tpu.memory_space<hbm>>) target(%dma_start3A_82 : memref<624x128xf32, #tpu.memory_space<vmem_shared>>) target_semaphore(%run_scoped3A : memref<!tpu.dma_semaphore, #tpu.memory_space<semaphore_mem>>)
      %dma_wait3A_85 = arith.constant 0 : i32
      %dma_wait3A_86 = tpu.memref_slice %arg11[%mul3A_0, %dma_wait3A_85] : memref<10016x128xf32, #tpu.memory_space<vmem_shared>> -> memref<624x128xf32, #tpu.memory_space<vmem_shared>>
      %dma_wait3A_87 = arith.constant 0 : i32
      %dma_wait3A_88 = tpu.memref_slice %arg2[%add3A_50, %dma_wait3A_87] : memref<40000x128xf32, #tpu.memory_space<hbm>> -> memref<624x128xf32, #tpu.memory_space<hbm>>
      tpu.wait_dma2 semaphore(%run_scoped3A : memref<!tpu.dma_semaphore, #tpu.memory_space<semaphore_mem>>) src(%dma_wait3A_88 : memref<624x128xf32, #tpu.memory_space<hbm>>) dst(%dma_wait3A_86 : memref<624x128xf32, #tpu.memory_space<vmem_shared>>)
      tpu.yield
    }) : () -> ()
    %eq3A_51 = arith.constant 0 : i32
    %eq3A_52 = arith.cmpi eq, %arg1, %eq3A_51 : i32
    %convert_element_type3A_53 = arith.extui %eq3A_52 : i1 to i32
    %cond3A_54 = arith.constant 0 : i32
    %cond3A_55 = arith.cmpi ne, %convert_element_type3A_53, %cond3A_54 : i32
    scf.if %cond3A_55 {
      %add3A_81 = arith.constant 9984 : i32
      %add3A_82 = arith.addi %mul3A_43, %add3A_81 : i32
      "tpu.region"() ({
        %run_scoped3A = tpu.sem_alloc : memref<!tpu.dma_semaphore, #tpu.memory_space<semaphore_mem>>
        %dma_start3A_83 = arith.constant 9984 : i32
        %dma_start3A_84 = arith.constant 0 : i32
        %dma_start3A_85 = tpu.memref_slice %arg11[%dma_start3A_83, %dma_start3A_84] : memref<10016x128xf32, #tpu.memory_space<vmem_shared>> -> memref<16x128xf32, #tpu.memory_space<vmem_shared>>
        %dma_start3A_86 = arith.constant 0 : i32
        %dma_start3A_87 = tpu.memref_slice %arg2[%add3A_82, %dma_start3A_86] : memref<40000x128xf32, #tpu.memory_space<hbm>> -> memref<16x128xf32, #tpu.memory_space<hbm>>
        tpu.enqueue_dma source(%dma_start3A_87 : memref<16x128xf32, #tpu.memory_space<hbm>>) target(%dma_start3A_85 : memref<16x128xf32, #tpu.memory_space<vmem_shared>>) target_semaphore(%run_scoped3A : memref<!tpu.dma_semaphore, #tpu.memory_space<semaphore_mem>>)
        %dma_wait3A_88 = arith.constant 9984 : i32
        %dma_wait3A_89 = arith.constant 0 : i32
        %dma_wait3A_90 = tpu.memref_slice %arg11[%dma_wait3A_88, %dma_wait3A_89] : memref<10016x128xf32, #tpu.memory_space<vmem_shared>> -> memref<16x128xf32, #tpu.memory_space<vmem_shared>>
        %dma_wait3A_91 = arith.constant 0 : i32
        %dma_wait3A_92 = tpu.memref_slice %arg2[%add3A_82, %dma_wait3A_91] : memref<40000x128xf32, #tpu.memory_space<hbm>> -> memref<16x128xf32, #tpu.memory_space<hbm>>
        tpu.wait_dma2 semaphore(%run_scoped3A : memref<!tpu.dma_semaphore, #tpu.memory_space<semaphore_mem>>) src(%dma_wait3A_92 : memref<16x128xf32, #tpu.memory_space<hbm>>) dst(%dma_wait3A_90 : memref<16x128xf32, #tpu.memory_space<vmem_shared>>)
        tpu.yield
      }) : () -> ()
    } else {
    }
    %barrier3A_56 = arith.constant 0 : index
    tpu.barrier barrier_id(%barrier3A_56)
    %mul3A_57 = arith.constant 10240 : i32
    %mul3A_58 = arith.muli %arg1, %mul3A_57 : i32
    "tpu.region"() ({
      %run_scoped3A = tpu.sem_alloc : memref<!tpu.dma_semaphore, #tpu.memory_space<semaphore_mem>>
      %dma_start3A_81 = tpu.memref_slice %arg4[%mul3A_58] : memref<163840xi32, #tpu.memory_space<hbm>> -> memref<128xi32, #tpu.memory_space<hbm>>
      %dma_start3A_82 = tpu.memref_slice %arg4[%mul3A_58] : memref<163840xi32, #tpu.memory_space<hbm>> -> memref<128xi32, #tpu.memory_space<hbm>>
      tpu.enqueue_dma source(%dma_start3A_82 : memref<128xi32, #tpu.memory_space<hbm>>) target(%arg7 : memref<128xi32, #tpu.memory_space<vmem>>) target_semaphore(%run_scoped3A : memref<!tpu.dma_semaphore, #tpu.memory_space<semaphore_mem>>)
      %dma_wait3A_83 = tpu.memref_slice %arg4[%mul3A_58] : memref<163840xi32, #tpu.memory_space<hbm>> -> memref<128xi32, #tpu.memory_space<hbm>>
      %dma_wait3A_84 = tpu.memref_slice %arg4[%mul3A_58] : memref<163840xi32, #tpu.memory_space<hbm>> -> memref<128xi32, #tpu.memory_space<hbm>>
      tpu.wait_dma2 semaphore(%run_scoped3A : memref<!tpu.dma_semaphore, #tpu.memory_space<semaphore_mem>>) src(%dma_wait3A_84 : memref<128xi32, #tpu.memory_space<hbm>>) dst(%arg7 : memref<128xi32, #tpu.memory_space<vmem>>)
      tpu.yield
    }) : () -> ()
    %dma_start3A_59 = arith.constant 0 : i32
    %dma_start3A_60 = tpu.memref_slice %arg6[%dma_start3A_59] : memref<10240xi32, #tpu.memory_space<vmem>> -> memref<128xi32, #tpu.memory_space<vmem>>
    %dma_start3A_61 = arith.constant 0 : i32
    %dma_start3A_62 = arith.constant 0 : i32
    %dma_start3A_63 = tpu.memref_slice %arg2[%dma_start3A_61, %dma_start3A_62] : memref<40000x128xf32, #tpu.memory_space<hbm>> -> memref<40000x128xf32, #tpu.memory_space<hbm>>
    tpu.enqueue_indirect_dma source(%dma_start3A_63 : memref<40000x128xf32, #tpu.memory_space<hbm>>) target(%arg9 : memref<128x128xf32, #tpu.memory_space<vmem>>) offsets(%dma_start3A_60 : memref<128xi32, #tpu.memory_space<vmem>>) semaphore(%arg12 : memref<!tpu.dma_semaphore, #tpu.memory_space<semaphore_mem>>)
    %scan3A_64 = arith.constant 0 : i32
    %scan3A_65 = arith.constant 0 : i32
    %scan3A_66 = arith.constant 40 : i32
    %scan3A_67 = arith.addi %scan3A_65, %scan3A_66 : i32
    %scan3A_68 = arith.constant 1 : i32
    scf.for %scan3A_81 = %scan3A_65 to %scan3A_67 step %scan3A_68  : i32 {
      %mul3A_82 = arith.constant 2 : i32
      %mul3A_83 = arith.muli %mul3A_82, %scan3A_81 : i32
      %add3A_84 = arith.constant 0 : i32
      %add3A_85 = arith.addi %mul3A_83, %add3A_84 : i32
      %mul3A_86 = arith.constant 128 : i32
      %mul3A_87 = arith.muli %add3A_85, %mul3A_86 : i32
      %dma_wait3A_88 = tpu.memref_slice %arg6[%mul3A_87] : memref<10240xi32, #tpu.memory_space<vmem>> -> memref<128xi32, #tpu.memory_space<vmem>>
      %dma_wait3A_89 = arith.constant 0 : i32
      %dma_wait3A_90 = arith.constant 0 : i32
      %dma_wait3A_91 = tpu.memref_slice %arg2[%dma_wait3A_89, %dma_wait3A_90] : memref<40000x128xf32, #tpu.memory_space<hbm>> -> memref<40000x128xf32, #tpu.memory_space<hbm>>
      tpu.wait_indirect_dma semaphore(%arg12 : memref<!tpu.dma_semaphore, #tpu.memory_space<semaphore_mem>>) src(%dma_wait3A_91 : memref<40000x128xf32, #tpu.memory_space<hbm>>) dst(%arg9 : memref<128x128xf32, #tpu.memory_space<vmem>>)
      %dma_start3A_92 = arith.constant 0 : i32
      %dma_start3A_93 = arith.constant 0 : i32
      %dma_start3A_94 = tpu.memref_slice %arg11[%dma_start3A_92, %dma_start3A_93] : memref<10016x128xf32, #tpu.memory_space<vmem_shared>> -> memref<10016x128xf32, #tpu.memory_space<vmem_shared>>
      tpu.enqueue_indirect_dma source(%arg9 : memref<128x128xf32, #tpu.memory_space<vmem>>) target(%dma_start3A_94 : memref<10016x128xf32, #tpu.memory_space<vmem_shared>>) offsets(%arg7 : memref<128xi32, #tpu.memory_space<vmem>>) semaphore(%arg13 : memref<!tpu.dma_semaphore, #tpu.memory_space<semaphore_mem>>) {add = true}
      %gt3A = arith.constant 0 : i32
      %gt3A_95 = arith.cmpi sgt, %add3A_85, %gt3A : i32
      %convert_element_type3A_96 = arith.extui %gt3A_95 : i1 to i32
      %cond3A_97 = arith.constant 0 : i32
      %cond3A_98 = arith.cmpi ne, %convert_element_type3A_96, %cond3A_97 : i32
      scf.if %cond3A_98 {
        %dma_wait3A_126 = arith.constant 0 : i32
        %dma_wait3A_127 = arith.constant 0 : i32
        %dma_wait3A_128 = tpu.memref_slice %arg11[%dma_wait3A_126, %dma_wait3A_127] : memref<10016x128xf32, #tpu.memory_space<vmem_shared>> -> memref<10016x128xf32, #tpu.memory_space<vmem_shared>>
        tpu.wait_indirect_dma semaphore(%arg14 : memref<!tpu.dma_semaphore, #tpu.memory_space<semaphore_mem>>) src(%arg10 : memref<128x128xf32, #tpu.memory_space<vmem>>) dst(%dma_wait3A_128 : memref<10016x128xf32, #tpu.memory_space<vmem_shared>>)
      } else {
      }
      %lt3A = arith.constant 79 : i32
      %lt3A_99 = arith.cmpi slt, %add3A_85, %lt3A : i32
      %convert_element_type3A_100 = arith.extui %lt3A_99 : i1 to i32
      %cond3A_101 = arith.constant 0 : i32
      %cond3A_102 = arith.cmpi ne, %convert_element_type3A_100, %cond3A_101 : i32
      scf.if %cond3A_102 {
        %mul3A_126 = arith.constant 10240 : i32
        %mul3A_127 = arith.muli %arg1, %mul3A_126 : i32
        %add3A_128 = arith.constant 1 : i32
        %add3A_129 = arith.addi %add3A_85, %add3A_128 : i32
        %mul3A_130 = arith.constant 128 : i32
        %mul3A_131 = arith.muli %add3A_129, %mul3A_130 : i32
        %add3A_132 = arith.addi %mul3A_127, %mul3A_131 : i32
        "tpu.region"() ({
          %run_scoped3A = tpu.sem_alloc : memref<!tpu.dma_semaphore, #tpu.memory_space<semaphore_mem>>
          %dma_start3A_141 = tpu.memref_slice %arg4[%add3A_132] : memref<163840xi32, #tpu.memory_space<hbm>> -> memref<128xi32, #tpu.memory_space<hbm>>
          %dma_start3A_142 = tpu.memref_slice %arg4[%add3A_132] : memref<163840xi32, #tpu.memory_space<hbm>> -> memref<128xi32, #tpu.memory_space<hbm>>
          tpu.enqueue_dma source(%dma_start3A_142 : memref<128xi32, #tpu.memory_space<hbm>>) target(%arg8 : memref<128xi32, #tpu.memory_space<vmem>>) target_semaphore(%run_scoped3A : memref<!tpu.dma_semaphore, #tpu.memory_space<semaphore_mem>>)
          %dma_wait3A_143 = tpu.memref_slice %arg4[%add3A_132] : memref<163840xi32, #tpu.memory_space<hbm>> -> memref<128xi32, #tpu.memory_space<hbm>>
          %dma_wait3A_144 = tpu.memref_slice %arg4[%add3A_132] : memref<163840xi32, #tpu.memory_space<hbm>> -> memref<128xi32, #tpu.memory_space<hbm>>
          tpu.wait_dma2 semaphore(%run_scoped3A : memref<!tpu.dma_semaphore, #tpu.memory_space<semaphore_mem>>) src(%dma_wait3A_144 : memref<128xi32, #tpu.memory_space<hbm>>) dst(%arg8 : memref<128xi32, #tpu.memory_space<vmem>>)
          tpu.yield
        }) : () -> ()
        %add3A_133 = arith.constant 1 : i32
        %add3A_134 = arith.addi %add3A_85, %add3A_133 : i32
        %mul3A_135 = arith.constant 128 : i32
        %mul3A_136 = arith.muli %add3A_134, %mul3A_135 : i32
        %dma_start3A_137 = tpu.memref_slice %arg6[%mul3A_136] : memref<10240xi32, #tpu.memory_space<vmem>> -> memref<128xi32, #tpu.memory_space<vmem>>
        %dma_start3A_138 = arith.constant 0 : i32
        %dma_start3A_139 = arith.constant 0 : i32
        %dma_start3A_140 = tpu.memref_slice %arg2[%dma_start3A_138, %dma_start3A_139] : memref<40000x128xf32, #tpu.memory_space<hbm>> -> memref<40000x128xf32, #tpu.memory_space<hbm>>
        tpu.enqueue_indirect_dma source(%dma_start3A_140 : memref<40000x128xf32, #tpu.memory_space<hbm>>) target(%arg10 : memref<128x128xf32, #tpu.memory_space<vmem>>) offsets(%dma_start3A_137 : memref<128xi32, #tpu.memory_space<vmem>>) semaphore(%arg12 : memref<!tpu.dma_semaphore, #tpu.memory_space<semaphore_mem>>)
      } else {
      }
      %mul3A_103 = arith.constant 2 : i32
      %mul3A_104 = arith.muli %mul3A_103, %scan3A_81 : i32
      %add3A_105 = arith.constant 1 : i32
      %add3A_106 = arith.addi %mul3A_104, %add3A_105 : i32
      %mul3A_107 = arith.constant 128 : i32
      %mul3A_108 = arith.muli %add3A_106, %mul3A_107 : i32
      %dma_wait3A_109 = tpu.memref_slice %arg6[%mul3A_108] : memref<10240xi32, #tpu.memory_space<vmem>> -> memref<128xi32, #tpu.memory_space<vmem>>
      %dma_wait3A_110 = arith.constant 0 : i32
      %dma_wait3A_111 = arith.constant 0 : i32
      %dma_wait3A_112 = tpu.memref_slice %arg2[%dma_wait3A_110, %dma_wait3A_111] : memref<40000x128xf32, #tpu.memory_space<hbm>> -> memref<40000x128xf32, #tpu.memory_space<hbm>>
      tpu.wait_indirect_dma semaphore(%arg12 : memref<!tpu.dma_semaphore, #tpu.memory_space<semaphore_mem>>) src(%dma_wait3A_112 : memref<40000x128xf32, #tpu.memory_space<hbm>>) dst(%arg10 : memref<128x128xf32, #tpu.memory_space<vmem>>)
      %dma_start3A_113 = arith.constant 0 : i32
      %dma_start3A_114 = arith.constant 0 : i32
      %dma_start3A_115 = tpu.memref_slice %arg11[%dma_start3A_113, %dma_start3A_114] : memref<10016x128xf32, #tpu.memory_space<vmem_shared>> -> memref<10016x128xf32, #tpu.memory_space<vmem_shared>>
      tpu.enqueue_indirect_dma source(%arg10 : memref<128x128xf32, #tpu.memory_space<vmem>>) target(%dma_start3A_115 : memref<10016x128xf32, #tpu.memory_space<vmem_shared>>) offsets(%arg8 : memref<128xi32, #tpu.memory_space<vmem>>) semaphore(%arg14 : memref<!tpu.dma_semaphore, #tpu.memory_space<semaphore_mem>>) {add = true}
      %gt3A_116 = arith.constant 0 : i32
      %gt3A_117 = arith.cmpi sgt, %add3A_106, %gt3A_116 : i32
      %convert_element_type3A_118 = arith.extui %gt3A_117 : i1 to i32
      %cond3A_119 = arith.constant 0 : i32
      %cond3A_120 = arith.cmpi ne, %convert_element_type3A_118, %cond3A_119 : i32
      scf.if %cond3A_120 {
        %dma_wait3A_126 = arith.constant 0 : i32
        %dma_wait3A_127 = arith.constant 0 : i32
        %dma_wait3A_128 = tpu.memref_slice %arg11[%dma_wait3A_126, %dma_wait3A_127] : memref<10016x128xf32, #tpu.memory_space<vmem_shared>> -> memref<10016x128xf32, #tpu.memory_space<vmem_shared>>
        tpu.wait_indirect_dma semaphore(%arg13 : memref<!tpu.dma_semaphore, #tpu.memory_space<semaphore_mem>>) src(%arg9 : memref<128x128xf32, #tpu.memory_space<vmem>>) dst(%dma_wait3A_128 : memref<10016x128xf32, #tpu.memory_space<vmem_shared>>)
      } else {
      }
      %lt3A_121 = arith.constant 79 : i32
      %lt3A_122 = arith.cmpi slt, %add3A_106, %lt3A_121 : i32
      %convert_element_type3A_123 = arith.extui %lt3A_122 : i1 to i32
      %cond3A_124 = arith.constant 0 : i32
      %cond3A_125 = arith.cmpi ne, %convert_element_type3A_123, %cond3A_124 : i32
      scf.if %cond3A_125 {
        %mul3A_126 = arith.constant 10240 : i32
        %mul3A_127 = arith.muli %arg1, %mul3A_126 : i32
        %add3A_128 = arith.constant 1 : i32
        %add3A_129 = arith.addi %add3A_106, %add3A_128 : i32
        %mul3A_130 = arith.constant 128 : i32
        %mul3A_131 = arith.muli %add3A_129, %mul3A_130 : i32
        %add3A_132 = arith.addi %mul3A_127, %mul3A_131 : i32
        "tpu.region"() ({
          %run_scoped3A = tpu.sem_alloc : memref<!tpu.dma_semaphore, #tpu.memory_space<semaphore_mem>>
          %dma_start3A_141 = tpu.memref_slice %arg4[%add3A_132] : memref<163840xi32, #tpu.memory_space<hbm>> -> memref<128xi32, #tpu.memory_space<hbm>>
          %dma_start3A_142 = tpu.memref_slice %arg4[%add3A_132] : memref<163840xi32, #tpu.memory_space<hbm>> -> memref<128xi32, #tpu.memory_space<hbm>>
          tpu.enqueue_dma source(%dma_start3A_142 : memref<128xi32, #tpu.memory_space<hbm>>) target(%arg7 : memref<128xi32, #tpu.memory_space<vmem>>) target_semaphore(%run_scoped3A : memref<!tpu.dma_semaphore, #tpu.memory_space<semaphore_mem>>)
          %dma_wait3A_143 = tpu.memref_slice %arg4[%add3A_132] : memref<163840xi32, #tpu.memory_space<hbm>> -> memref<128xi32, #tpu.memory_space<hbm>>
          %dma_wait3A_144 = tpu.memref_slice %arg4[%add3A_132] : memref<163840xi32, #tpu.memory_space<hbm>> -> memref<128xi32, #tpu.memory_space<hbm>>
          tpu.wait_dma2 semaphore(%run_scoped3A : memref<!tpu.dma_semaphore, #tpu.memory_space<semaphore_mem>>) src(%dma_wait3A_144 : memref<128xi32, #tpu.memory_space<hbm>>) dst(%arg7 : memref<128xi32, #tpu.memory_space<vmem>>)
          tpu.yield
        }) : () -> ()
        %add3A_133 = arith.constant 1 : i32
        %add3A_134 = arith.addi %add3A_106, %add3A_133 : i32
        %mul3A_135 = arith.constant 128 : i32
        %mul3A_136 = arith.muli %add3A_134, %mul3A_135 : i32
        %dma_start3A_137 = tpu.memref_slice %arg6[%mul3A_136] : memref<10240xi32, #tpu.memory_space<vmem>> -> memref<128xi32, #tpu.memory_space<vmem>>
        %dma_start3A_138 = arith.constant 0 : i32
        %dma_start3A_139 = arith.constant 0 : i32
        %dma_start3A_140 = tpu.memref_slice %arg2[%dma_start3A_138, %dma_start3A_139] : memref<40000x128xf32, #tpu.memory_space<hbm>> -> memref<40000x128xf32, #tpu.memory_space<hbm>>
        tpu.enqueue_indirect_dma source(%dma_start3A_140 : memref<40000x128xf32, #tpu.memory_space<hbm>>) target(%arg9 : memref<128x128xf32, #tpu.memory_space<vmem>>) offsets(%dma_start3A_137 : memref<128xi32, #tpu.memory_space<vmem>>) semaphore(%arg12 : memref<!tpu.dma_semaphore, #tpu.memory_space<semaphore_mem>>)
      } else {
      }
    }
    %scan3A_69 = arith.constant 40 : i32
    %dma_wait3A_70 = arith.constant 0 : i32
    %dma_wait3A_71 = arith.constant 0 : i32
    %dma_wait3A_72 = tpu.memref_slice %arg11[%dma_wait3A_70, %dma_wait3A_71] : memref<10016x128xf32, #tpu.memory_space<vmem_shared>> -> memref<10016x128xf32, #tpu.memory_space<vmem_shared>>
    tpu.wait_indirect_dma semaphore(%arg14 : memref<!tpu.dma_semaphore, #tpu.memory_space<semaphore_mem>>) src(%arg10 : memref<128x128xf32, #tpu.memory_space<vmem>>) dst(%dma_wait3A_72 : memref<10016x128xf32, #tpu.memory_space<vmem_shared>>)
    %barrier3A_73 = arith.constant 0 : index
    tpu.barrier barrier_id(%barrier3A_73)
    %add3A_74 = arith.addi %mul3A_43, %mul3A_0 : i32
    "tpu.region"() ({
      %run_scoped3A = tpu.sem_alloc : memref<!tpu.dma_semaphore, #tpu.memory_space<semaphore_mem>>
      %dma_start3A_81 = arith.constant 0 : i32
      %dma_start3A_82 = tpu.memref_slice %arg5[%add3A_74, %dma_start3A_81] : memref<40000x128xf32, #tpu.memory_space<hbm>> -> memref<624x128xf32, #tpu.memory_space<hbm>>
      %dma_start3A_83 = arith.constant 0 : i32
      %dma_start3A_84 = tpu.memref_slice %arg11[%mul3A_0, %dma_start3A_83] : memref<10016x128xf32, #tpu.memory_space<vmem_shared>> -> memref<624x128xf32, #tpu.memory_space<vmem_shared>>
      tpu.enqueue_dma source(%dma_start3A_84 : memref<624x128xf32, #tpu.memory_space<vmem_shared>>) target(%dma_start3A_82 : memref<624x128xf32, #tpu.memory_space<hbm>>) target_semaphore(%run_scoped3A : memref<!tpu.dma_semaphore, #tpu.memory_space<semaphore_mem>>)
      %dma_wait3A_85 = arith.constant 0 : i32
      %dma_wait3A_86 = tpu.memref_slice %arg5[%add3A_74, %dma_wait3A_85] : memref<40000x128xf32, #tpu.memory_space<hbm>> -> memref<624x128xf32, #tpu.memory_space<hbm>>
      %dma_wait3A_87 = arith.constant 0 : i32
      %dma_wait3A_88 = tpu.memref_slice %arg11[%mul3A_0, %dma_wait3A_87] : memref<10016x128xf32, #tpu.memory_space<vmem_shared>> -> memref<624x128xf32, #tpu.memory_space<vmem_shared>>
      tpu.wait_dma2 semaphore(%run_scoped3A : memref<!tpu.dma_semaphore, #tpu.memory_space<semaphore_mem>>) src(%dma_wait3A_88 : memref<624x128xf32, #tpu.memory_space<vmem_shared>>) dst(%dma_wait3A_86 : memref<624x128xf32, #tpu.memory_space<hbm>>)
      tpu.yield
    }) : () -> ()
    %eq3A_75 = arith.constant 0 : i32
    %eq3A_76 = arith.cmpi eq, %arg1, %eq3A_75 : i32
    %convert_element_type3A_77 = arith.extui %eq3A_76 : i1 to i32
    %cond3A_78 = arith.constant 0 : i32
    %cond3A_79 = arith.cmpi ne, %convert_element_type3A_77, %cond3A_78 : i32
    scf.if %cond3A_79 {
      %add3A_81 = arith.constant 9984 : i32
      %add3A_82 = arith.addi %mul3A_43, %add3A_81 : i32
      "tpu.region"() ({
        %run_scoped3A = tpu.sem_alloc : memref<!tpu.dma_semaphore, #tpu.memory_space<semaphore_mem>>
        %dma_start3A_83 = arith.constant 0 : i32
        %dma_start3A_84 = tpu.memref_slice %arg5[%add3A_82, %dma_start3A_83] : memref<40000x128xf32, #tpu.memory_space<hbm>> -> memref<16x128xf32, #tpu.memory_space<hbm>>
        %dma_start3A_85 = arith.constant 9984 : i32
        %dma_start3A_86 = arith.constant 0 : i32
        %dma_start3A_87 = tpu.memref_slice %arg11[%dma_start3A_85, %dma_start3A_86] : memref<10016x128xf32, #tpu.memory_space<vmem_shared>> -> memref<16x128xf32, #tpu.memory_space<vmem_shared>>
        tpu.enqueue_dma source(%dma_start3A_87 : memref<16x128xf32, #tpu.memory_space<vmem_shared>>) target(%dma_start3A_84 : memref<16x128xf32, #tpu.memory_space<hbm>>) target_semaphore(%run_scoped3A : memref<!tpu.dma_semaphore, #tpu.memory_space<semaphore_mem>>)
        %dma_wait3A_88 = arith.constant 0 : i32
        %dma_wait3A_89 = tpu.memref_slice %arg5[%add3A_82, %dma_wait3A_88] : memref<40000x128xf32, #tpu.memory_space<hbm>> -> memref<16x128xf32, #tpu.memory_space<hbm>>
        %dma_wait3A_90 = arith.constant 9984 : i32
        %dma_wait3A_91 = arith.constant 0 : i32
        %dma_wait3A_92 = tpu.memref_slice %arg11[%dma_wait3A_90, %dma_wait3A_91] : memref<10016x128xf32, #tpu.memory_space<vmem_shared>> -> memref<16x128xf32, #tpu.memory_space<vmem_shared>>
        tpu.wait_dma2 semaphore(%run_scoped3A : memref<!tpu.dma_semaphore, #tpu.memory_space<semaphore_mem>>) src(%dma_wait3A_92 : memref<16x128xf32, #tpu.memory_space<vmem_shared>>) dst(%dma_wait3A_89 : memref<16x128xf32, #tpu.memory_space<hbm>>)
        tpu.yield
      }) : () -> ()
    } else {
    }
    %barrier3A_80 = arith.constant 0 : index
    tpu.barrier barrier_id(%barrier3A_80)
    return
  }
}

#map = affine_map<(d0, d1) -> (0, 0)>
#map1 = affine_map<(d0, d1) -> (0)>
module attributes {stable_mosaic.version = 14 : i64} {
  func.func @k(%arg0: i32, %arg1: i32, %arg2: memref<40000x128xf32, #tpu.memory_space<hbm>>, %arg3: memref<163840xi32, #tpu.memory_space<hbm>>, %arg4: memref<163840xi32, #tpu.memory_space<hbm>>, %arg5: memref<40000x128xf32, #tpu.memory_space<hbm>>, %arg6: memref<10240xi32, #tpu.memory_space<vmem>>, %arg7: memref<128xi32, #tpu.memory_space<vmem>>, %arg8: memref<128xi32, #tpu.memory_space<vmem>>, %arg9: memref<128x128xf32, #tpu.memory_space<vmem>>, %arg10: memref<128x128xf32, #tpu.memory_space<vmem>>, %arg11: memref<10016x128xf32, #tpu.memory_space<vmem_shared>>, %arg12: memref<!tpu.dma_semaphore, #tpu.memory_space<semaphore_mem>>, %arg13: memref<!tpu.dma_semaphore, #tpu.memory_space<semaphore_mem>>, %arg14: memref<!tpu.dma_semaphore, #tpu.memory_space<semaphore_mem>>) attributes {dimension_semantics = [#tpu.dimension_semantics<core_parallel>, #tpu.dimension_semantics<subcore_parallel>], iteration_bounds = array<i64: 2, 16>, scalar_prefetch = 0 : i64, scratch_operands = 9 : i64, tpu.core_type = #tpu.core_type<sc_vector_subcore>, window_params = [{transform_indices = #map}, {transform_indices = #map1}, {transform_indices = #map1}, {transform_indices = #map}]} {
    %mul3A = arith.constant 624 : i32
    %mul3A_0 = arith.muli %arg1, %mul3A : i32
    %mul3A_1 = arith.constant 10240 : i32
    %mul3A_2 = arith.muli %arg1, %mul3A_1 : i32
    "tpu.region"() ({
      %run_scoped3A = tpu.sem_alloc : memref<!tpu.dma_semaphore, #tpu.memory_space<semaphore_mem>>
      %dma_start3A_81 = tpu.memref_slice %arg3[%mul3A_2] : memref<163840xi32, #tpu.memory_space<hbm>> -> memref<10240xi32, #tpu.memory_space<hbm>>
      %dma_start3A_82 = tpu.memref_slice %arg3[%mul3A_2] : memref<163840xi32, #tpu.memory_space<hbm>> -> memref<10240xi32, #tpu.memory_space<hbm>>
      tpu.enqueue_dma source(%dma_start3A_82 : memref<10240xi32, #tpu.memory_space<hbm>>) target(%arg6 : memref<10240xi32, #tpu.memory_space<vmem>>) target_semaphore(%run_scoped3A : memref<!tpu.dma_semaphore, #tpu.memory_space<semaphore_mem>>)
      %dma_wait3A_83 = tpu.memref_slice %arg3[%mul3A_2] : memref<163840xi32, #tpu.memory_space<hbm>> -> memref<10240xi32, #tpu.memory_space<hbm>>
      %dma_wait3A_84 = tpu.memref_slice %arg3[%mul3A_2] : memref<163840xi32, #tpu.memory_space<hbm>> -> memref<10240xi32, #tpu.memory_space<hbm>>
      tpu.wait_dma2 semaphore(%run_scoped3A : memref<!tpu.dma_semaphore, #tpu.memory_space<semaphore_mem>>) src(%dma_wait3A_84 : memref<10240xi32, #tpu.memory_space<hbm>>) dst(%arg6 : memref<10240xi32, #tpu.memory_space<vmem>>)
      tpu.yield
    }) : () -> ()
    %mul3A_3 = arith.constant 2 : i32
    %mul3A_4 = arith.muli %mul3A_3, %arg0 : i32
    %add3A = arith.constant 0 : i32
    %add3A_5 = arith.addi %mul3A_4, %add3A : i32
    %mul3A_6 = arith.constant 10000 : i32
    %mul3A_7 = arith.muli %add3A_5, %mul3A_6 : i32
    %scan3A = arith.constant 0 : i32
    %scan3A_8 = arith.constant 0 : i32
    %scan3A_9 = arith.constant 640 : i32
    %scan3A_10 = arith.addi %scan3A_8, %scan3A_9 : i32
    %scan3A_11 = arith.constant 1 : i32
    scf.for %scan3A_81 = %scan3A_8 to %scan3A_10 step %scan3A_11  : i32 {
      %mul3A_82 = arith.constant 16 : i32
      %mul3A_83 = arith.muli %scan3A_81, %mul3A_82 : i32
      %get3A = arith.index_cast %mul3A_83 : i32 to index
      %get3A_84 = tpu.vector_load %arg6[%get3A] {strides = array<i32>} : memref<10240xi32, #tpu.memory_space<vmem>>, vector<16xi32>,
      %get3A_85 = vector.shape_cast %get3A_84 : vector<16xi32> to vector<16xi32>
      %add3A_86 = vector.broadcast %mul3A_7 : i32 to vector<16xi32>
      %add3A_87 = arith.addi %get3A_85, %add3A_86 : vector<16xi32>
      %swap3A = arith.index_cast %mul3A_83 : i32 to index
      %swap3A_88 = tpu.vector_load %arg6[%swap3A] {strides = array<i32>} : memref<10240xi32, #tpu.memory_space<vmem>>, vector<16xi32>,
      %swap3A_89 = vector.shape_cast %swap3A_88 : vector<16xi32> to vector<16xi32>
      %swap3A_90 = vector.shape_cast %add3A_87 : vector<16xi32> to vector<16xi32>
      tpu.vector_store %arg6[%swap3A], %swap3A_90 {strides = array<i32>} : memref<10240xi32, #tpu.memory_space<vmem>>, vector<16xi32>,
    }
    %scan3A_12 = arith.constant 640 : i32
    %add3A_13 = arith.addi %mul3A_7, %mul3A_0 : i32
    "tpu.region"() ({
      %run_scoped3A = tpu.sem_alloc : memref<!tpu.dma_semaphore, #tpu.memory_space<semaphore_mem>>
      %dma_start3A_81 = arith.constant 0 : i32
      %dma_start3A_82 = tpu.memref_slice %arg11[%mul3A_0, %dma_start3A_81] : memref<10016x128xf32, #tpu.memory_space<vmem_shared>> -> memref<624x128xf32, #tpu.memory_space<vmem_shared>>
      %dma_start3A_83 = arith.constant 0 : i32
      %dma_start3A_84 = tpu.memref_slice %arg2[%add3A_13, %dma_start3A_83] : memref<40000x128xf32, #tpu.memory_space<hbm>> -> memref<624x128xf32, #tpu.memory_space<hbm>>
      tpu.enqueue_dma source(%dma_start3A_84 : memref<624x128xf32, #tpu.memory_space<hbm>>) target(%dma_start3A_82 : memref<624x128xf32, #tpu.memory_space<vmem_shared>>) target_semaphore(%run_scoped3A : memref<!tpu.dma_semaphore, #tpu.memory_space<semaphore_mem>>)
      %dma_wait3A_85 = arith.constant 0 : i32
      %dma_wait3A_86 = tpu.memref_slice %arg11[%mul3A_0, %dma_wait3A_85] : memref<10016x128xf32, #tpu.memory_space<vmem_shared>> -> memref<624x128xf32, #tpu.memory_space<vmem_shared>>
      %dma_wait3A_87 = arith.constant 0 : i32
      %dma_wait3A_88 = tpu.memref_slice %arg2[%add3A_13, %dma_wait3A_87] : memref<40000x128xf32, #tpu.memory_space<hbm>> -> memref<624x128xf32, #tpu.memory_space<hbm>>
      tpu.wait_dma2 semaphore(%run_scoped3A : memref<!tpu.dma_semaphore, #tpu.memory_space<semaphore_mem>>) src(%dma_wait3A_88 : memref<624x128xf32, #tpu.memory_space<hbm>>) dst(%dma_wait3A_86 : memref<624x128xf32, #tpu.memory_space<vmem_shared>>)
      tpu.yield
    }) : () -> ()
    %eq3A = arith.constant 0 : i32
    %eq3A_14 = arith.cmpi eq, %arg1, %eq3A : i32
    %convert_element_type3A = arith.extui %eq3A_14 : i1 to i32
    %cond3A = arith.constant 0 : i32
    %cond3A_15 = arith.cmpi ne, %convert_element_type3A, %cond3A : i32
    scf.if %cond3A_15 {
      %add3A_81 = arith.constant 9984 : i32
      %add3A_82 = arith.addi %mul3A_7, %add3A_81 : i32
      "tpu.region"() ({
        %run_scoped3A = tpu.sem_alloc : memref<!tpu.dma_semaphore, #tpu.memory_space<semaphore_mem>>
        %dma_start3A_83 = arith.constant 9984 : i32
        %dma_start3A_84 = arith.constant 0 : i32
        %dma_start3A_85 = tpu.memref_slice %arg11[%dma_start3A_83, %dma_start3A_84] : memref<10016x128xf32, #tpu.memory_space<vmem_shared>> -> memref<16x128xf32, #tpu.memory_space<vmem_shared>>
        %dma_start3A_86 = arith.constant 0 : i32
        %dma_start3A_87 = tpu.memref_slice %arg2[%add3A_82, %dma_start3A_86] : memref<40000x128xf32, #tpu.memory_space<hbm>> -> memref<16x128xf32, #tpu.memory_space<hbm>>
        tpu.enqueue_dma source(%dma_start3A_87 : memref<16x128xf32, #tpu.memory_space<hbm>>) target(%dma_start3A_85 : memref<16x128xf32, #tpu.memory_space<vmem_shared>>) target_semaphore(%run_scoped3A : memref<!tpu.dma_semaphore, #tpu.memory_space<semaphore_mem>>)
        %dma_wait3A_88 = arith.constant 9984 : i32
        %dma_wait3A_89 = arith.constant 0 : i32
        %dma_wait3A_90 = tpu.memref_slice %arg11[%dma_wait3A_88, %dma_wait3A_89] : memref<10016x128xf32, #tpu.memory_space<vmem_shared>> -> memref<16x128xf32, #tpu.memory_space<vmem_shared>>
        %dma_wait3A_91 = arith.constant 0 : i32
        %dma_wait3A_92 = tpu.memref_slice %arg2[%add3A_82, %dma_wait3A_91] : memref<40000x128xf32, #tpu.memory_space<hbm>> -> memref<16x128xf32, #tpu.memory_space<hbm>>
        tpu.wait_dma2 semaphore(%run_scoped3A : memref<!tpu.dma_semaphore, #tpu.memory_space<semaphore_mem>>) src(%dma_wait3A_92 : memref<16x128xf32, #tpu.memory_space<hbm>>) dst(%dma_wait3A_90 : memref<16x128xf32, #tpu.memory_space<vmem_shared>>)
        tpu.yield
      }) : () -> ()
    } else {
    }
    %barrier3A = arith.constant 0 : index
    tpu.barrier barrier_id(%barrier3A)
    %mul3A_16 = arith.constant 10240 : i32
    %mul3A_17 = arith.muli %arg1, %mul3A_16 : i32
    "tpu.region"() ({
      %run_scoped3A = tpu.sem_alloc : memref<!tpu.dma_semaphore, #tpu.memory_space<semaphore_mem>>
      %dma_start3A_81 = tpu.memref_slice %arg4[%mul3A_17] : memref<163840xi32, #tpu.memory_space<hbm>> -> memref<128xi32, #tpu.memory_space<hbm>>
      %dma_start3A_82 = tpu.memref_slice %arg4[%mul3A_17] : memref<163840xi32, #tpu.memory_space<hbm>> -> memref<128xi32, #tpu.memory_space<hbm>>
      tpu.enqueue_dma source(%dma_start3A_82 : memref<128xi32, #tpu.memory_space<hbm>>) target(%arg7 : memref<128xi32, #tpu.memory_space<vmem>>) target_semaphore(%run_scoped3A : memref<!tpu.dma_semaphore, #tpu.memory_space<semaphore_mem>>)
      %dma_wait3A_83 = tpu.memref_slice %arg4[%mul3A_17] : memref<163840xi32, #tpu.memory_space<hbm>> -> memref<128xi32, #tpu.memory_space<hbm>>
      %dma_wait3A_84 = tpu.memref_slice %arg4[%mul3A_17] : memref<163840xi32, #tpu.memory_space<hbm>> -> memref<128xi32, #tpu.memory_space<hbm>>
      tpu.wait_dma2 semaphore(%run_scoped3A : memref<!tpu.dma_semaphore, #tpu.memory_space<semaphore_mem>>) src(%dma_wait3A_84 : memref<128xi32, #tpu.memory_space<hbm>>) dst(%arg7 : memref<128xi32, #tpu.memory_space<vmem>>)
      tpu.yield
    }) : () -> ()
    %dma_start3A = arith.constant 0 : i32
    %dma_start3A_18 = tpu.memref_slice %arg6[%dma_start3A] : memref<10240xi32, #tpu.memory_space<vmem>> -> memref<128xi32, #tpu.memory_space<vmem>>
    %dma_start3A_19 = arith.constant 0 : i32
    %dma_start3A_20 = arith.constant 0 : i32
    %dma_start3A_21 = tpu.memref_slice %arg2[%dma_start3A_19, %dma_start3A_20] : memref<40000x128xf32, #tpu.memory_space<hbm>> -> memref<40000x128xf32, #tpu.memory_space<hbm>>
    tpu.enqueue_indirect_dma source(%dma_start3A_21 : memref<40000x128xf32, #tpu.memory_space<hbm>>) target(%arg9 : memref<128x128xf32, #tpu.memory_space<vmem>>) offsets(%dma_start3A_18 : memref<128xi32, #tpu.memory_space<vmem>>) semaphore(%arg12 : memref<!tpu.dma_semaphore, #tpu.memory_space<semaphore_mem>>)
    %scan3A_22 = arith.constant 0 : i32
    %scan3A_23 = arith.constant 0 : i32
    %scan3A_24 = arith.constant 40 : i32
    %scan3A_25 = arith.addi %scan3A_23, %scan3A_24 : i32
    %scan3A_26 = arith.constant 1 : i32
    scf.for %scan3A_81 = %scan3A_23 to %scan3A_25 step %scan3A_26  : i32 {
      %mul3A_82 = arith.constant 2 : i32
      %mul3A_83 = arith.muli %mul3A_82, %scan3A_81 : i32
      %add3A_84 = arith.constant 0 : i32
      %add3A_85 = arith.addi %mul3A_83, %add3A_84 : i32
      %mul3A_86 = arith.constant 128 : i32
      %mul3A_87 = arith.muli %add3A_85, %mul3A_86 : i32
      %dma_wait3A_88 = tpu.memref_slice %arg6[%mul3A_87] : memref<10240xi32, #tpu.memory_space<vmem>> -> memref<128xi32, #tpu.memory_space<vmem>>
      %dma_wait3A_89 = arith.constant 0 : i32
      %dma_wait3A_90 = arith.constant 0 : i32
      %dma_wait3A_91 = tpu.memref_slice %arg2[%dma_wait3A_89, %dma_wait3A_90] : memref<40000x128xf32, #tpu.memory_space<hbm>> -> memref<40000x128xf32, #tpu.memory_space<hbm>>
      tpu.wait_indirect_dma semaphore(%arg12 : memref<!tpu.dma_semaphore, #tpu.memory_space<semaphore_mem>>) src(%dma_wait3A_91 : memref<40000x128xf32, #tpu.memory_space<hbm>>) dst(%arg9 : memref<128x128xf32, #tpu.memory_space<vmem>>)
      %dma_start3A_92 = arith.constant 0 : i32
      %dma_start3A_93 = arith.constant 0 : i32
      %dma_start3A_94 = tpu.memref_slice %arg11[%dma_start3A_92, %dma_start3A_93] : memref<10016x128xf32, #tpu.memory_space<vmem_shared>> -> memref<10016x128xf32, #tpu.memory_space<vmem_shared>>
      tpu.enqueue_indirect_dma source(%arg9 : memref<128x128xf32, #tpu.memory_space<vmem>>) target(%dma_start3A_94 : memref<10016x128xf32, #tpu.memory_space<vmem_shared>>) offsets(%arg7 : memref<128xi32, #tpu.memory_space<vmem>>) semaphore(%arg13 : memref<!tpu.dma_semaphore, #tpu.memory_space<semaphore_mem>>) {add = true}
      %gt3A = arith.constant 0 : i32
      %gt3A_95 = arith.cmpi sgt, %add3A_85, %gt3A : i32
      %convert_element_type3A_96 = arith.extui %gt3A_95 : i1 to i32
      %cond3A_97 = arith.constant 0 : i32
      %cond3A_98 = arith.cmpi ne, %convert_element_type3A_96, %cond3A_97 : i32
      scf.if %cond3A_98 {
        %dma_wait3A_126 = arith.constant 0 : i32
        %dma_wait3A_127 = arith.constant 0 : i32
        %dma_wait3A_128 = tpu.memref_slice %arg11[%dma_wait3A_126, %dma_wait3A_127] : memref<10016x128xf32, #tpu.memory_space<vmem_shared>> -> memref<10016x128xf32, #tpu.memory_space<vmem_shared>>
        tpu.wait_indirect_dma semaphore(%arg14 : memref<!tpu.dma_semaphore, #tpu.memory_space<semaphore_mem>>) src(%arg10 : memref<128x128xf32, #tpu.memory_space<vmem>>) dst(%dma_wait3A_128 : memref<10016x128xf32, #tpu.memory_space<vmem_shared>>)
      } else {
      }
      %lt3A = arith.constant 79 : i32
      %lt3A_99 = arith.cmpi slt, %add3A_85, %lt3A : i32
      %convert_element_type3A_100 = arith.extui %lt3A_99 : i1 to i32
      %cond3A_101 = arith.constant 0 : i32
      %cond3A_102 = arith.cmpi ne, %convert_element_type3A_100, %cond3A_101 : i32
      scf.if %cond3A_102 {
        %mul3A_126 = arith.constant 10240 : i32
        %mul3A_127 = arith.muli %arg1, %mul3A_126 : i32
        %add3A_128 = arith.constant 1 : i32
        %add3A_129 = arith.addi %add3A_85, %add3A_128 : i32
        %mul3A_130 = arith.constant 128 : i32
        %mul3A_131 = arith.muli %add3A_129, %mul3A_130 : i32
        %add3A_132 = arith.addi %mul3A_127, %mul3A_131 : i32
        "tpu.region"() ({
          %run_scoped3A = tpu.sem_alloc : memref<!tpu.dma_semaphore, #tpu.memory_space<semaphore_mem>>
          %dma_start3A_141 = tpu.memref_slice %arg4[%add3A_132] : memref<163840xi32, #tpu.memory_space<hbm>> -> memref<128xi32, #tpu.memory_space<hbm>>
          %dma_start3A_142 = tpu.memref_slice %arg4[%add3A_132] : memref<163840xi32, #tpu.memory_space<hbm>> -> memref<128xi32, #tpu.memory_space<hbm>>
          tpu.enqueue_dma source(%dma_start3A_142 : memref<128xi32, #tpu.memory_space<hbm>>) target(%arg8 : memref<128xi32, #tpu.memory_space<vmem>>) target_semaphore(%run_scoped3A : memref<!tpu.dma_semaphore, #tpu.memory_space<semaphore_mem>>)
          %dma_wait3A_143 = tpu.memref_slice %arg4[%add3A_132] : memref<163840xi32, #tpu.memory_space<hbm>> -> memref<128xi32, #tpu.memory_space<hbm>>
          %dma_wait3A_144 = tpu.memref_slice %arg4[%add3A_132] : memref<163840xi32, #tpu.memory_space<hbm>> -> memref<128xi32, #tpu.memory_space<hbm>>
          tpu.wait_dma2 semaphore(%run_scoped3A : memref<!tpu.dma_semaphore, #tpu.memory_space<semaphore_mem>>) src(%dma_wait3A_144 : memref<128xi32, #tpu.memory_space<hbm>>) dst(%arg8 : memref<128xi32, #tpu.memory_space<vmem>>)
          tpu.yield
        }) : () -> ()
        %add3A_133 = arith.constant 1 : i32
        %add3A_134 = arith.addi %add3A_85, %add3A_133 : i32
        %mul3A_135 = arith.constant 128 : i32
        %mul3A_136 = arith.muli %add3A_134, %mul3A_135 : i32
        %dma_start3A_137 = tpu.memref_slice %arg6[%mul3A_136] : memref<10240xi32, #tpu.memory_space<vmem>> -> memref<128xi32, #tpu.memory_space<vmem>>
        %dma_start3A_138 = arith.constant 0 : i32
        %dma_start3A_139 = arith.constant 0 : i32
        %dma_start3A_140 = tpu.memref_slice %arg2[%dma_start3A_138, %dma_start3A_139] : memref<40000x128xf32, #tpu.memory_space<hbm>> -> memref<40000x128xf32, #tpu.memory_space<hbm>>
        tpu.enqueue_indirect_dma source(%dma_start3A_140 : memref<40000x128xf32, #tpu.memory_space<hbm>>) target(%arg10 : memref<128x128xf32, #tpu.memory_space<vmem>>) offsets(%dma_start3A_137 : memref<128xi32, #tpu.memory_space<vmem>>) semaphore(%arg12 : memref<!tpu.dma_semaphore, #tpu.memory_space<semaphore_mem>>)
      } else {
      }
      %mul3A_103 = arith.constant 2 : i32
      %mul3A_104 = arith.muli %mul3A_103, %scan3A_81 : i32
      %add3A_105 = arith.constant 1 : i32
      %add3A_106 = arith.addi %mul3A_104, %add3A_105 : i32
      %mul3A_107 = arith.constant 128 : i32
      %mul3A_108 = arith.muli %add3A_106, %mul3A_107 : i32
      %dma_wait3A_109 = tpu.memref_slice %arg6[%mul3A_108] : memref<10240xi32, #tpu.memory_space<vmem>> -> memref<128xi32, #tpu.memory_space<vmem>>
      %dma_wait3A_110 = arith.constant 0 : i32
      %dma_wait3A_111 = arith.constant 0 : i32
      %dma_wait3A_112 = tpu.memref_slice %arg2[%dma_wait3A_110, %dma_wait3A_111] : memref<40000x128xf32, #tpu.memory_space<hbm>> -> memref<40000x128xf32, #tpu.memory_space<hbm>>
      tpu.wait_indirect_dma semaphore(%arg12 : memref<!tpu.dma_semaphore, #tpu.memory_space<semaphore_mem>>) src(%dma_wait3A_112 : memref<40000x128xf32, #tpu.memory_space<hbm>>) dst(%arg10 : memref<128x128xf32, #tpu.memory_space<vmem>>)
      %dma_start3A_113 = arith.constant 0 : i32
      %dma_start3A_114 = arith.constant 0 : i32
      %dma_start3A_115 = tpu.memref_slice %arg11[%dma_start3A_113, %dma_start3A_114] : memref<10016x128xf32, #tpu.memory_space<vmem_shared>> -> memref<10016x128xf32, #tpu.memory_space<vmem_shared>>
      tpu.enqueue_indirect_dma source(%arg10 : memref<128x128xf32, #tpu.memory_space<vmem>>) target(%dma_start3A_115 : memref<10016x128xf32, #tpu.memory_space<vmem_shared>>) offsets(%arg8 : memref<128xi32, #tpu.memory_space<vmem>>) semaphore(%arg14 : memref<!tpu.dma_semaphore, #tpu.memory_space<semaphore_mem>>) {add = true}
      %gt3A_116 = arith.constant 0 : i32
      %gt3A_117 = arith.cmpi sgt, %add3A_106, %gt3A_116 : i32
      %convert_element_type3A_118 = arith.extui %gt3A_117 : i1 to i32
      %cond3A_119 = arith.constant 0 : i32
      %cond3A_120 = arith.cmpi ne, %convert_element_type3A_118, %cond3A_119 : i32
      scf.if %cond3A_120 {
        %dma_wait3A_126 = arith.constant 0 : i32
        %dma_wait3A_127 = arith.constant 0 : i32
        %dma_wait3A_128 = tpu.memref_slice %arg11[%dma_wait3A_126, %dma_wait3A_127] : memref<10016x128xf32, #tpu.memory_space<vmem_shared>> -> memref<10016x128xf32, #tpu.memory_space<vmem_shared>>
        tpu.wait_indirect_dma semaphore(%arg13 : memref<!tpu.dma_semaphore, #tpu.memory_space<semaphore_mem>>) src(%arg9 : memref<128x128xf32, #tpu.memory_space<vmem>>) dst(%dma_wait3A_128 : memref<10016x128xf32, #tpu.memory_space<vmem_shared>>)
      } else {
      }
      %lt3A_121 = arith.constant 79 : i32
      %lt3A_122 = arith.cmpi slt, %add3A_106, %lt3A_121 : i32
      %convert_element_type3A_123 = arith.extui %lt3A_122 : i1 to i32
      %cond3A_124 = arith.constant 0 : i32
      %cond3A_125 = arith.cmpi ne, %convert_element_type3A_123, %cond3A_124 : i32
      scf.if %cond3A_125 {
        %mul3A_126 = arith.constant 10240 : i32
        %mul3A_127 = arith.muli %arg1, %mul3A_126 : i32
        %add3A_128 = arith.constant 1 : i32
        %add3A_129 = arith.addi %add3A_106, %add3A_128 : i32
        %mul3A_130 = arith.constant 128 : i32
        %mul3A_131 = arith.muli %add3A_129, %mul3A_130 : i32
        %add3A_132 = arith.addi %mul3A_127, %mul3A_131 : i32
        "tpu.region"() ({
          %run_scoped3A = tpu.sem_alloc : memref<!tpu.dma_semaphore, #tpu.memory_space<semaphore_mem>>
          %dma_start3A_141 = tpu.memref_slice %arg4[%add3A_132] : memref<163840xi32, #tpu.memory_space<hbm>> -> memref<128xi32, #tpu.memory_space<hbm>>
          %dma_start3A_142 = tpu.memref_slice %arg4[%add3A_132] : memref<163840xi32, #tpu.memory_space<hbm>> -> memref<128xi32, #tpu.memory_space<hbm>>
          tpu.enqueue_dma source(%dma_start3A_142 : memref<128xi32, #tpu.memory_space<hbm>>) target(%arg7 : memref<128xi32, #tpu.memory_space<vmem>>) target_semaphore(%run_scoped3A : memref<!tpu.dma_semaphore, #tpu.memory_space<semaphore_mem>>)
          %dma_wait3A_143 = tpu.memref_slice %arg4[%add3A_132] : memref<163840xi32, #tpu.memory_space<hbm>> -> memref<128xi32, #tpu.memory_space<hbm>>
          %dma_wait3A_144 = tpu.memref_slice %arg4[%add3A_132] : memref<163840xi32, #tpu.memory_space<hbm>> -> memref<128xi32, #tpu.memory_space<hbm>>
          tpu.wait_dma2 semaphore(%run_scoped3A : memref<!tpu.dma_semaphore, #tpu.memory_space<semaphore_mem>>) src(%dma_wait3A_144 : memref<128xi32, #tpu.memory_space<hbm>>) dst(%arg7 : memref<128xi32, #tpu.memory_space<vmem>>)
          tpu.yield
        }) : () -> ()
        %add3A_133 = arith.constant 1 : i32
        %add3A_134 = arith.addi %add3A_106, %add3A_133 : i32
        %mul3A_135 = arith.constant 128 : i32
        %mul3A_136 = arith.muli %add3A_134, %mul3A_135 : i32
        %dma_start3A_137 = tpu.memref_slice %arg6[%mul3A_136] : memref<10240xi32, #tpu.memory_space<vmem>> -> memref<128xi32, #tpu.memory_space<vmem>>
        %dma_start3A_138 = arith.constant 0 : i32
        %dma_start3A_139 = arith.constant 0 : i32
        %dma_start3A_140 = tpu.memref_slice %arg2[%dma_start3A_138, %dma_start3A_139] : memref<40000x128xf32, #tpu.memory_space<hbm>> -> memref<40000x128xf32, #tpu.memory_space<hbm>>
        tpu.enqueue_indirect_dma source(%dma_start3A_140 : memref<40000x128xf32, #tpu.memory_space<hbm>>) target(%arg9 : memref<128x128xf32, #tpu.memory_space<vmem>>) offsets(%dma_start3A_137 : memref<128xi32, #tpu.memory_space<vmem>>) semaphore(%arg12 : memref<!tpu.dma_semaphore, #tpu.memory_space<semaphore_mem>>)
      } else {
      }
    }
    %scan3A_27 = arith.constant 40 : i32
    %dma_wait3A = arith.constant 0 : i32
    %dma_wait3A_28 = arith.constant 0 : i32
    %dma_wait3A_29 = tpu.memref_slice %arg11[%dma_wait3A, %dma_wait3A_28] : memref<10016x128xf32, #tpu.memory_space<vmem_shared>> -> memref<10016x128xf32, #tpu.memory_space<vmem_shared>>
    tpu.wait_indirect_dma semaphore(%arg14 : memref<!tpu.dma_semaphore, #tpu.memory_space<semaphore_mem>>) src(%arg10 : memref<128x128xf32, #tpu.memory_space<vmem>>) dst(%dma_wait3A_29 : memref<10016x128xf32, #tpu.memory_space<vmem_shared>>)
    %barrier3A_30 = arith.constant 0 : index
    tpu.barrier barrier_id(%barrier3A_30)
    %add3A_31 = arith.addi %mul3A_7, %mul3A_0 : i32
    "tpu.region"() ({
      %run_scoped3A = tpu.sem_alloc : memref<!tpu.dma_semaphore, #tpu.memory_space<semaphore_mem>>
      %dma_start3A_81 = arith.constant 0 : i32
      %dma_start3A_82 = tpu.memref_slice %arg5[%add3A_31, %dma_start3A_81] : memref<40000x128xf32, #tpu.memory_space<hbm>> -> memref<624x128xf32, #tpu.memory_space<hbm>>
      %dma_start3A_83 = arith.constant 0 : i32
      %dma_start3A_84 = tpu.memref_slice %arg11[%mul3A_0, %dma_start3A_83] : memref<10016x128xf32, #tpu.memory_space<vmem_shared>> -> memref<624x128xf32, #tpu.memory_space<vmem_shared>>
      tpu.enqueue_dma source(%dma_start3A_84 : memref<624x128xf32, #tpu.memory_space<vmem_shared>>) target(%dma_start3A_82 : memref<624x128xf32, #tpu.memory_space<hbm>>) target_semaphore(%run_scoped3A : memref<!tpu.dma_semaphore, #tpu.memory_space<semaphore_mem>>)
      %dma_wait3A_85 = arith.constant 0 : i32
      %dma_wait3A_86 = tpu.memref_slice %arg5[%add3A_31, %dma_wait3A_85] : memref<40000x128xf32, #tpu.memory_space<hbm>> -> memref<624x128xf32, #tpu.memory_space<hbm>>
      %dma_wait3A_87 = arith.constant 0 : i32
      %dma_wait3A_88 = tpu.memref_slice %arg11[%mul3A_0, %dma_wait3A_87] : memref<10016x128xf32, #tpu.memory_space<vmem_shared>> -> memref<624x128xf32, #tpu.memory_space<vmem_shared>>
      tpu.wait_dma2 semaphore(%run_scoped3A : memref<!tpu.dma_semaphore, #tpu.memory_space<semaphore_mem>>) src(%dma_wait3A_88 : memref<624x128xf32, #tpu.memory_space<vmem_shared>>) dst(%dma_wait3A_86 : memref<624x128xf32, #tpu.memory_space<hbm>>)
      tpu.yield
    }) : () -> ()
    %eq3A_32 = arith.constant 0 : i32
    %eq3A_33 = arith.cmpi eq, %arg1, %eq3A_32 : i32
    %convert_element_type3A_34 = arith.extui %eq3A_33 : i1 to i32
    %cond3A_35 = arith.constant 0 : i32
    %cond3A_36 = arith.cmpi ne, %convert_element_type3A_34, %cond3A_35 : i32
    scf.if %cond3A_36 {
      %add3A_81 = arith.constant 9984 : i32
      %add3A_82 = arith.addi %mul3A_7, %add3A_81 : i32
      "tpu.region"() ({
        %run_scoped3A = tpu.sem_alloc : memref<!tpu.dma_semaphore, #tpu.memory_space<semaphore_mem>>
        %dma_start3A_83 = arith.constant 0 : i32
        %dma_start3A_84 = tpu.memref_slice %arg5[%add3A_82, %dma_start3A_83] : memref<40000x128xf32, #tpu.memory_space<hbm>> -> memref<16x128xf32, #tpu.memory_space<hbm>>
        %dma_start3A_85 = arith.constant 9984 : i32
        %dma_start3A_86 = arith.constant 0 : i32
        %dma_start3A_87 = tpu.memref_slice %arg11[%dma_start3A_85, %dma_start3A_86] : memref<10016x128xf32, #tpu.memory_space<vmem_shared>> -> memref<16x128xf32, #tpu.memory_space<vmem_shared>>
        tpu.enqueue_dma source(%dma_start3A_87 : memref<16x128xf32, #tpu.memory_space<vmem_shared>>) target(%dma_start3A_84 : memref<16x128xf32, #tpu.memory_space<hbm>>) target_semaphore(%run_scoped3A : memref<!tpu.dma_semaphore, #tpu.memory_space<semaphore_mem>>)
        %dma_wait3A_88 = arith.constant 0 : i32
        %dma_wait3A_89 = tpu.memref_slice %arg5[%add3A_82, %dma_wait3A_88] : memref<40000x128xf32, #tpu.memory_space<hbm>> -> memref<16x128xf32, #tpu.memory_space<hbm>>
        %dma_wait3A_90 = arith.constant 9984 : i32
        %dma_wait3A_91 = arith.constant 0 : i32
        %dma_wait3A_92 = tpu.memref_slice %arg11[%dma_wait3A_90, %dma_wait3A_91] : memref<10016x128xf32, #tpu.memory_space<vmem_shared>> -> memref<16x128xf32, #tpu.memory_space<vmem_shared>>
        tpu.wait_dma2 semaphore(%run_scoped3A : memref<!tpu.dma_semaphore, #tpu.memory_space<semaphore_mem>>) src(%dma_wait3A_92 : memref<16x128xf32, #tpu.memory_space<vmem_shared>>) dst(%dma_wait3A_89 : memref<16x128xf32, #tpu.memory_space<hbm>>)
        tpu.yield
      }) : () -> ()
    } else {
    }
    %barrier3A_37 = arith.constant 0 : index
    tpu.barrier barrier_id(%barrier3A_37)
    %mul3A_38 = arith.constant 2 : i32
    %mul3A_39 = arith.muli %mul3A_38, %arg0 : i32
    %add3A_40 = arith.constant 1 : i32
    %add3A_41 = arith.addi %mul3A_39, %add3A_40 : i32
    %mul3A_42 = arith.constant 10000 : i32
    %mul3A_43 = arith.muli %add3A_41, %mul3A_42 : i32
    %scan3A_44 = arith.constant 0 : i32
    %scan3A_45 = arith.constant 0 : i32
    %scan3A_46 = arith.constant 640 : i32
    %scan3A_47 = arith.addi %scan3A_45, %scan3A_46 : i32
    %scan3A_48 = arith.constant 1 : i32
    scf.for %scan3A_81 = %scan3A_45 to %scan3A_47 step %scan3A_48  : i32 {
      %mul3A_82 = arith.constant 16 : i32
      %mul3A_83 = arith.muli %scan3A_81, %mul3A_82 : i32
      %get3A = arith.index_cast %mul3A_83 : i32 to index
      %get3A_84 = tpu.vector_load %arg6[%get3A] {strides = array<i32>} : memref<10240xi32, #tpu.memory_space<vmem>>, vector<16xi32>,
      %get3A_85 = vector.shape_cast %get3A_84 : vector<16xi32> to vector<16xi32>
      %add3A_86 = arith.constant 10000 : i32
      %add3A_87 = vector.broadcast %add3A_86 : i32 to vector<16xi32>
      %add3A_88 = arith.addi %get3A_85, %add3A_87 : vector<16xi32>
      %swap3A = arith.index_cast %mul3A_83 : i32 to index
      %swap3A_89 = tpu.vector_load %arg6[%swap3A] {strides = array<i32>} : memref<10240xi32, #tpu.memory_space<vmem>>, vector<16xi32>,
      %swap3A_90 = vector.shape_cast %swap3A_89 : vector<16xi32> to vector<16xi32>
      %swap3A_91 = vector.shape_cast %add3A_88 : vector<16xi32> to vector<16xi32>
      tpu.vector_store %arg6[%swap3A], %swap3A_91 {strides = array<i32>} : memref<10240xi32, #tpu.memory_space<vmem>>, vector<16xi32>,
    }
    %scan3A_49 = arith.constant 640 : i32
    %add3A_50 = arith.addi %mul3A_43, %mul3A_0 : i32
    "tpu.region"() ({
      %run_scoped3A = tpu.sem_alloc : memref<!tpu.dma_semaphore, #tpu.memory_space<semaphore_mem>>
      %dma_start3A_81 = arith.constant 0 : i32
      %dma_start3A_82 = tpu.memref_slice %arg11[%mul3A_0, %dma_start3A_81] : memref<10016x128xf32, #tpu.memory_space<vmem_shared>> -> memref<624x128xf32, #tpu.memory_space<vmem_shared>>
      %dma_start3A_83 = arith.constant 0 : i32
      %dma_start3A_84 = tpu.memref_slice %arg2[%add3A_50, %dma_start3A_83] : memref<40000x128xf32, #tpu.memory_space<hbm>> -> memref<624x128xf32, #tpu.memory_space<hbm>>
      tpu.enqueue_dma source(%dma_start3A_84 : memref<624x128xf32, #tpu.memory_space<hbm>>) target(%dma_start3A_82 : memref<624x128xf32, #tpu.memory_space<vmem_shared>>) target_semaphore(%run_scoped3A : memref<!tpu.dma_semaphore, #tpu.memory_space<semaphore_mem>>)
      %dma_wait3A_85 = arith.constant 0 : i32
      %dma_wait3A_86 = tpu.memref_slice %arg11[%mul3A_0, %dma_wait3A_85] : memref<10016x128xf32, #tpu.memory_space<vmem_shared>> -> memref<624x128xf32, #tpu.memory_space<vmem_shared>>
      %dma_wait3A_87 = arith.constant 0 : i32
      %dma_wait3A_88 = tpu.memref_slice %arg2[%add3A_50, %dma_wait3A_87] : memref<40000x128xf32, #tpu.memory_space<hbm>> -> memref<624x128xf32, #tpu.memory_space<hbm>>
      tpu.wait_dma2 semaphore(%run_scoped3A : memref<!tpu.dma_semaphore, #tpu.memory_space<semaphore_mem>>) src(%dma_wait3A_88 : memref<624x128xf32, #tpu.memory_space<hbm>>) dst(%dma_wait3A_86 : memref<624x128xf32, #tpu.memory_space<vmem_shared>>)
      tpu.yield
    }) : () -> ()
    %eq3A_51 = arith.constant 0 : i32
    %eq3A_52 = arith.cmpi eq, %arg1, %eq3A_51 : i32
    %convert_element_type3A_53 = arith.extui %eq3A_52 : i1 to i32
    %cond3A_54 = arith.constant 0 : i32
    %cond3A_55 = arith.cmpi ne, %convert_element_type3A_53, %cond3A_54 : i32
    scf.if %cond3A_55 {
      %add3A_81 = arith.constant 9984 : i32
      %add3A_82 = arith.addi %mul3A_43, %add3A_81 : i32
      "tpu.region"() ({
        %run_scoped3A = tpu.sem_alloc : memref<!tpu.dma_semaphore, #tpu.memory_space<semaphore_mem>>
        %dma_start3A_83 = arith.constant 9984 : i32
        %dma_start3A_84 = arith.constant 0 : i32
        %dma_start3A_85 = tpu.memref_slice %arg11[%dma_start3A_83, %dma_start3A_84] : memref<10016x128xf32, #tpu.memory_space<vmem_shared>> -> memref<16x128xf32, #tpu.memory_space<vmem_shared>>
        %dma_start3A_86 = arith.constant 0 : i32
        %dma_start3A_87 = tpu.memref_slice %arg2[%add3A_82, %dma_start3A_86] : memref<40000x128xf32, #tpu.memory_space<hbm>> -> memref<16x128xf32, #tpu.memory_space<hbm>>
        tpu.enqueue_dma source(%dma_start3A_87 : memref<16x128xf32, #tpu.memory_space<hbm>>) target(%dma_start3A_85 : memref<16x128xf32, #tpu.memory_space<vmem_shared>>) target_semaphore(%run_scoped3A : memref<!tpu.dma_semaphore, #tpu.memory_space<semaphore_mem>>)
        %dma_wait3A_88 = arith.constant 9984 : i32
        %dma_wait3A_89 = arith.constant 0 : i32
        %dma_wait3A_90 = tpu.memref_slice %arg11[%dma_wait3A_88, %dma_wait3A_89] : memref<10016x128xf32, #tpu.memory_space<vmem_shared>> -> memref<16x128xf32, #tpu.memory_space<vmem_shared>>
        %dma_wait3A_91 = arith.constant 0 : i32
        %dma_wait3A_92 = tpu.memref_slice %arg2[%add3A_82, %dma_wait3A_91] : memref<40000x128xf32, #tpu.memory_space<hbm>> -> memref<16x128xf32, #tpu.memory_space<hbm>>
        tpu.wait_dma2 semaphore(%run_scoped3A : memref<!tpu.dma_semaphore, #tpu.memory_space<semaphore_mem>>) src(%dma_wait3A_92 : memref<16x128xf32, #tpu.memory_space<hbm>>) dst(%dma_wait3A_90 : memref<16x128xf32, #tpu.memory_space<vmem_shared>>)
        tpu.yield
      }) : () -> ()
    } else {
    }
    %barrier3A_56 = arith.constant 0 : index
    tpu.barrier barrier_id(%barrier3A_56)
    %mul3A_57 = arith.constant 10240 : i32
    %mul3A_58 = arith.muli %arg1, %mul3A_57 : i32
    "tpu.region"() ({
      %run_scoped3A = tpu.sem_alloc : memref<!tpu.dma_semaphore, #tpu.memory_space<semaphore_mem>>
      %dma_start3A_81 = tpu.memref_slice %arg4[%mul3A_58] : memref<163840xi32, #tpu.memory_space<hbm>> -> memref<128xi32, #tpu.memory_space<hbm>>
      %dma_start3A_82 = tpu.memref_slice %arg4[%mul3A_58] : memref<163840xi32, #tpu.memory_space<hbm>> -> memref<128xi32, #tpu.memory_space<hbm>>
      tpu.enqueue_dma source(%dma_start3A_82 : memref<128xi32, #tpu.memory_space<hbm>>) target(%arg7 : memref<128xi32, #tpu.memory_space<vmem>>) target_semaphore(%run_scoped3A : memref<!tpu.dma_semaphore, #tpu.memory_space<semaphore_mem>>)
      %dma_wait3A_83 = tpu.memref_slice %arg4[%mul3A_58] : memref<163840xi32, #tpu.memory_space<hbm>> -> memref<128xi32, #tpu.memory_space<hbm>>
      %dma_wait3A_84 = tpu.memref_slice %arg4[%mul3A_58] : memref<163840xi32, #tpu.memory_space<hbm>> -> memref<128xi32, #tpu.memory_space<hbm>>
      tpu.wait_dma2 semaphore(%run_scoped3A : memref<!tpu.dma_semaphore, #tpu.memory_space<semaphore_mem>>) src(%dma_wait3A_84 : memref<128xi32, #tpu.memory_space<hbm>>) dst(%arg7 : memref<128xi32, #tpu.memory_space<vmem>>)
      tpu.yield
    }) : () -> ()
    %dma_start3A_59 = arith.constant 0 : i32
    %dma_start3A_60 = tpu.memref_slice %arg6[%dma_start3A_59] : memref<10240xi32, #tpu.memory_space<vmem>> -> memref<128xi32, #tpu.memory_space<vmem>>
    %dma_start3A_61 = arith.constant 0 : i32
    %dma_start3A_62 = arith.constant 0 : i32
    %dma_start3A_63 = tpu.memref_slice %arg2[%dma_start3A_61, %dma_start3A_62] : memref<40000x128xf32, #tpu.memory_space<hbm>> -> memref<40000x128xf32, #tpu.memory_space<hbm>>
    tpu.enqueue_indirect_dma source(%dma_start3A_63 : memref<40000x128xf32, #tpu.memory_space<hbm>>) target(%arg9 : memref<128x128xf32, #tpu.memory_space<vmem>>) offsets(%dma_start3A_60 : memref<128xi32, #tpu.memory_space<vmem>>) semaphore(%arg12 : memref<!tpu.dma_semaphore, #tpu.memory_space<semaphore_mem>>)
    %scan3A_64 = arith.constant 0 : i32
    %scan3A_65 = arith.constant 0 : i32
    %scan3A_66 = arith.constant 40 : i32
    %scan3A_67 = arith.addi %scan3A_65, %scan3A_66 : i32
    %scan3A_68 = arith.constant 1 : i32
    scf.for %scan3A_81 = %scan3A_65 to %scan3A_67 step %scan3A_68  : i32 {
      %mul3A_82 = arith.constant 2 : i32
      %mul3A_83 = arith.muli %mul3A_82, %scan3A_81 : i32
      %add3A_84 = arith.constant 0 : i32
      %add3A_85 = arith.addi %mul3A_83, %add3A_84 : i32
      %mul3A_86 = arith.constant 128 : i32
      %mul3A_87 = arith.muli %add3A_85, %mul3A_86 : i32
      %dma_wait3A_88 = tpu.memref_slice %arg6[%mul3A_87] : memref<10240xi32, #tpu.memory_space<vmem>> -> memref<128xi32, #tpu.memory_space<vmem>>
      %dma_wait3A_89 = arith.constant 0 : i32
      %dma_wait3A_90 = arith.constant 0 : i32
      %dma_wait3A_91 = tpu.memref_slice %arg2[%dma_wait3A_89, %dma_wait3A_90] : memref<40000x128xf32, #tpu.memory_space<hbm>> -> memref<40000x128xf32, #tpu.memory_space<hbm>>
      tpu.wait_indirect_dma semaphore(%arg12 : memref<!tpu.dma_semaphore, #tpu.memory_space<semaphore_mem>>) src(%dma_wait3A_91 : memref<40000x128xf32, #tpu.memory_space<hbm>>) dst(%arg9 : memref<128x128xf32, #tpu.memory_space<vmem>>)
      %dma_start3A_92 = arith.constant 0 : i32
      %dma_start3A_93 = arith.constant 0 : i32
      %dma_start3A_94 = tpu.memref_slice %arg11[%dma_start3A_92, %dma_start3A_93] : memref<10016x128xf32, #tpu.memory_space<vmem_shared>> -> memref<10016x128xf32, #tpu.memory_space<vmem_shared>>
      tpu.enqueue_indirect_dma source(%arg9 : memref<128x128xf32, #tpu.memory_space<vmem>>) target(%dma_start3A_94 : memref<10016x128xf32, #tpu.memory_space<vmem_shared>>) offsets(%arg7 : memref<128xi32, #tpu.memory_space<vmem>>) semaphore(%arg13 : memref<!tpu.dma_semaphore, #tpu.memory_space<semaphore_mem>>) {add = true}
      %gt3A = arith.constant 0 : i32
      %gt3A_95 = arith.cmpi sgt, %add3A_85, %gt3A : i32
      %convert_element_type3A_96 = arith.extui %gt3A_95 : i1 to i32
      %cond3A_97 = arith.constant 0 : i32
      %cond3A_98 = arith.cmpi ne, %convert_element_type3A_96, %cond3A_97 : i32
      scf.if %cond3A_98 {
        %dma_wait3A_126 = arith.constant 0 : i32
        %dma_wait3A_127 = arith.constant 0 : i32
        %dma_wait3A_128 = tpu.memref_slice %arg11[%dma_wait3A_126, %dma_wait3A_127] : memref<10016x128xf32, #tpu.memory_space<vmem_shared>> -> memref<10016x128xf32, #tpu.memory_space<vmem_shared>>
        tpu.wait_indirect_dma semaphore(%arg14 : memref<!tpu.dma_semaphore, #tpu.memory_space<semaphore_mem>>) src(%arg10 : memref<128x128xf32, #tpu.memory_space<vmem>>) dst(%dma_wait3A_128 : memref<10016x128xf32, #tpu.memory_space<vmem_shared>>)
      } else {
      }
      %lt3A = arith.constant 79 : i32
      %lt3A_99 = arith.cmpi slt, %add3A_85, %lt3A : i32
      %convert_element_type3A_100 = arith.extui %lt3A_99 : i1 to i32
      %cond3A_101 = arith.constant 0 : i32
      %cond3A_102 = arith.cmpi ne, %convert_element_type3A_100, %cond3A_101 : i32
      scf.if %cond3A_102 {
        %mul3A_126 = arith.constant 10240 : i32
        %mul3A_127 = arith.muli %arg1, %mul3A_126 : i32
        %add3A_128 = arith.constant 1 : i32
        %add3A_129 = arith.addi %add3A_85, %add3A_128 : i32
        %mul3A_130 = arith.constant 128 : i32
        %mul3A_131 = arith.muli %add3A_129, %mul3A_130 : i32
        %add3A_132 = arith.addi %mul3A_127, %mul3A_131 : i32
        "tpu.region"() ({
          %run_scoped3A = tpu.sem_alloc : memref<!tpu.dma_semaphore, #tpu.memory_space<semaphore_mem>>
          %dma_start3A_141 = tpu.memref_slice %arg4[%add3A_132] : memref<163840xi32, #tpu.memory_space<hbm>> -> memref<128xi32, #tpu.memory_space<hbm>>
          %dma_start3A_142 = tpu.memref_slice %arg4[%add3A_132] : memref<163840xi32, #tpu.memory_space<hbm>> -> memref<128xi32, #tpu.memory_space<hbm>>
          tpu.enqueue_dma source(%dma_start3A_142 : memref<128xi32, #tpu.memory_space<hbm>>) target(%arg8 : memref<128xi32, #tpu.memory_space<vmem>>) target_semaphore(%run_scoped3A : memref<!tpu.dma_semaphore, #tpu.memory_space<semaphore_mem>>)
          %dma_wait3A_143 = tpu.memref_slice %arg4[%add3A_132] : memref<163840xi32, #tpu.memory_space<hbm>> -> memref<128xi32, #tpu.memory_space<hbm>>
          %dma_wait3A_144 = tpu.memref_slice %arg4[%add3A_132] : memref<163840xi32, #tpu.memory_space<hbm>> -> memref<128xi32, #tpu.memory_space<hbm>>
          tpu.wait_dma2 semaphore(%run_scoped3A : memref<!tpu.dma_semaphore, #tpu.memory_space<semaphore_mem>>) src(%dma_wait3A_144 : memref<128xi32, #tpu.memory_space<hbm>>) dst(%arg8 : memref<128xi32, #tpu.memory_space<vmem>>)
          tpu.yield
        }) : () -> ()
        %add3A_133 = arith.constant 1 : i32
        %add3A_134 = arith.addi %add3A_85, %add3A_133 : i32
        %mul3A_135 = arith.constant 128 : i32
        %mul3A_136 = arith.muli %add3A_134, %mul3A_135 : i32
        %dma_start3A_137 = tpu.memref_slice %arg6[%mul3A_136] : memref<10240xi32, #tpu.memory_space<vmem>> -> memref<128xi32, #tpu.memory_space<vmem>>
        %dma_start3A_138 = arith.constant 0 : i32
        %dma_start3A_139 = arith.constant 0 : i32
        %dma_start3A_140 = tpu.memref_slice %arg2[%dma_start3A_138, %dma_start3A_139] : memref<40000x128xf32, #tpu.memory_space<hbm>> -> memref<40000x128xf32, #tpu.memory_space<hbm>>
        tpu.enqueue_indirect_dma source(%dma_start3A_140 : memref<40000x128xf32, #tpu.memory_space<hbm>>) target(%arg10 : memref<128x128xf32, #tpu.memory_space<vmem>>) offsets(%dma_start3A_137 : memref<128xi32, #tpu.memory_space<vmem>>) semaphore(%arg12 : memref<!tpu.dma_semaphore, #tpu.memory_space<semaphore_mem>>)
      } else {
      }
      %mul3A_103 = arith.constant 2 : i32
      %mul3A_104 = arith.muli %mul3A_103, %scan3A_81 : i32
      %add3A_105 = arith.constant 1 : i32
      %add3A_106 = arith.addi %mul3A_104, %add3A_105 : i32
      %mul3A_107 = arith.constant 128 : i32
      %mul3A_108 = arith.muli %add3A_106, %mul3A_107 : i32
      %dma_wait3A_109 = tpu.memref_slice %arg6[%mul3A_108] : memref<10240xi32, #tpu.memory_space<vmem>> -> memref<128xi32, #tpu.memory_space<vmem>>
      %dma_wait3A_110 = arith.constant 0 : i32
      %dma_wait3A_111 = arith.constant 0 : i32
      %dma_wait3A_112 = tpu.memref_slice %arg2[%dma_wait3A_110, %dma_wait3A_111] : memref<40000x128xf32, #tpu.memory_space<hbm>> -> memref<40000x128xf32, #tpu.memory_space<hbm>>
      tpu.wait_indirect_dma semaphore(%arg12 : memref<!tpu.dma_semaphore, #tpu.memory_space<semaphore_mem>>) src(%dma_wait3A_112 : memref<40000x128xf32, #tpu.memory_space<hbm>>) dst(%arg10 : memref<128x128xf32, #tpu.memory_space<vmem>>)
      %dma_start3A_113 = arith.constant 0 : i32
      %dma_start3A_114 = arith.constant 0 : i32
      %dma_start3A_115 = tpu.memref_slice %arg11[%dma_start3A_113, %dma_start3A_114] : memref<10016x128xf32, #tpu.memory_space<vmem_shared>> -> memref<10016x128xf32, #tpu.memory_space<vmem_shared>>
      tpu.enqueue_indirect_dma source(%arg10 : memref<128x128xf32, #tpu.memory_space<vmem>>) target(%dma_start3A_115 : memref<10016x128xf32, #tpu.memory_space<vmem_shared>>) offsets(%arg8 : memref<128xi32, #tpu.memory_space<vmem>>) semaphore(%arg14 : memref<!tpu.dma_semaphore, #tpu.memory_space<semaphore_mem>>) {add = true}
      %gt3A_116 = arith.constant 0 : i32
      %gt3A_117 = arith.cmpi sgt, %add3A_106, %gt3A_116 : i32
      %convert_element_type3A_118 = arith.extui %gt3A_117 : i1 to i32
      %cond3A_119 = arith.constant 0 : i32
      %cond3A_120 = arith.cmpi ne, %convert_element_type3A_118, %cond3A_119 : i32
      scf.if %cond3A_120 {
        %dma_wait3A_126 = arith.constant 0 : i32
        %dma_wait3A_127 = arith.constant 0 : i32
        %dma_wait3A_128 = tpu.memref_slice %arg11[%dma_wait3A_126, %dma_wait3A_127] : memref<10016x128xf32, #tpu.memory_space<vmem_shared>> -> memref<10016x128xf32, #tpu.memory_space<vmem_shared>>
        tpu.wait_indirect_dma semaphore(%arg13 : memref<!tpu.dma_semaphore, #tpu.memory_space<semaphore_mem>>) src(%arg9 : memref<128x128xf32, #tpu.memory_space<vmem>>) dst(%dma_wait3A_128 : memref<10016x128xf32, #tpu.memory_space<vmem_shared>>)
      } else {
      }
      %lt3A_121 = arith.constant 79 : i32
      %lt3A_122 = arith.cmpi slt, %add3A_106, %lt3A_121 : i32
      %convert_element_type3A_123 = arith.extui %lt3A_122 : i1 to i32
      %cond3A_124 = arith.constant 0 : i32
      %cond3A_125 = arith.cmpi ne, %convert_element_type3A_123, %cond3A_124 : i32
      scf.if %cond3A_125 {
        %mul3A_126 = arith.constant 10240 : i32
        %mul3A_127 = arith.muli %arg1, %mul3A_126 : i32
        %add3A_128 = arith.constant 1 : i32
        %add3A_129 = arith.addi %add3A_106, %add3A_128 : i32
        %mul3A_130 = arith.constant 128 : i32
        %mul3A_131 = arith.muli %add3A_129, %mul3A_130 : i32
        %add3A_132 = arith.addi %mul3A_127, %mul3A_131 : i32
        "tpu.region"() ({
          %run_scoped3A = tpu.sem_alloc : memref<!tpu.dma_semaphore, #tpu.memory_space<semaphore_mem>>
          %dma_start3A_141 = tpu.memref_slice %arg4[%add3A_132] : memref<163840xi32, #tpu.memory_space<hbm>> -> memref<128xi32, #tpu.memory_space<hbm>>
          %dma_start3A_142 = tpu.memref_slice %arg4[%add3A_132] : memref<163840xi32, #tpu.memory_space<hbm>> -> memref<128xi32, #tpu.memory_space<hbm>>
          tpu.enqueue_dma source(%dma_start3A_142 : memref<128xi32, #tpu.memory_space<hbm>>) target(%arg7 : memref<128xi32, #tpu.memory_space<vmem>>) target_semaphore(%run_scoped3A : memref<!tpu.dma_semaphore, #tpu.memory_space<semaphore_mem>>)
          %dma_wait3A_143 = tpu.memref_slice %arg4[%add3A_132] : memref<163840xi32, #tpu.memory_space<hbm>> -> memref<128xi32, #tpu.memory_space<hbm>>
          %dma_wait3A_144 = tpu.memref_slice %arg4[%add3A_132] : memref<163840xi32, #tpu.memory_space<hbm>> -> memref<128xi32, #tpu.memory_space<hbm>>
          tpu.wait_dma2 semaphore(%run_scoped3A : memref<!tpu.dma_semaphore, #tpu.memory_space<semaphore_mem>>) src(%dma_wait3A_144 : memref<128xi32, #tpu.memory_space<hbm>>) dst(%arg7 : memref<128xi32, #tpu.memory_space<vmem>>)
          tpu.yield
        }) : () -> ()
        %add3A_133 = arith.constant 1 : i32
        %add3A_134 = arith.addi %add3A_106, %add3A_133 : i32
        %mul3A_135 = arith.constant 128 : i32
        %mul3A_136 = arith.muli %add3A_134, %mul3A_135 : i32
        %dma_start3A_137 = tpu.memref_slice %arg6[%mul3A_136] : memref<10240xi32, #tpu.memory_space<vmem>> -> memref<128xi32, #tpu.memory_space<vmem>>
        %dma_start3A_138 = arith.constant 0 : i32
        %dma_start3A_139 = arith.constant 0 : i32
        %dma_start3A_140 = tpu.memref_slice %arg2[%dma_start3A_138, %dma_start3A_139] : memref<40000x128xf32, #tpu.memory_space<hbm>> -> memref<40000x128xf32, #tpu.memory_space<hbm>>
        tpu.enqueue_indirect_dma source(%dma_start3A_140 : memref<40000x128xf32, #tpu.memory_space<hbm>>) target(%arg9 : memref<128x128xf32, #tpu.memory_space<vmem>>) offsets(%dma_start3A_137 : memref<128xi32, #tpu.memory_space<vmem>>) semaphore(%arg12 : memref<!tpu.dma_semaphore, #tpu.memory_space<semaphore_mem>>)
      } else {
      }
    }
    %scan3A_69 = arith.constant 40 : i32
    %dma_wait3A_70 = arith.constant 0 : i32
    %dma_wait3A_71 = arith.constant 0 : i32
    %dma_wait3A_72 = tpu.memref_slice %arg11[%dma_wait3A_70, %dma_wait3A_71] : memref<10016x128xf32, #tpu.memory_space<vmem_shared>> -> memref<10016x128xf32, #tpu.memory_space<vmem_shared>>
    tpu.wait_indirect_dma semaphore(%arg14 : memref<!tpu.dma_semaphore, #tpu.memory_space<semaphore_mem>>) src(%arg10 : memref<128x128xf32, #tpu.memory_space<vmem>>) dst(%dma_wait3A_72 : memref<10016x128xf32, #tpu.memory_space<vmem_shared>>)
    %barrier3A_73 = arith.constant 0 : index
    tpu.barrier barrier_id(%barrier3A_73)
    %add3A_74 = arith.addi %mul3A_43, %mul3A_0 : i32
    "tpu.region"() ({
      %run_scoped3A = tpu.sem_alloc : memref<!tpu.dma_semaphore, #tpu.memory_space<semaphore_mem>>
      %dma_start3A_81 = arith.constant 0 : i32
      %dma_start3A_82 = tpu.memref_slice %arg5[%add3A_74, %dma_start3A_81] : memref<40000x128xf32, #tpu.memory_space<hbm>> -> memref<624x128xf32, #tpu.memory_space<hbm>>
      %dma_start3A_83 = arith.constant 0 : i32
      %dma_start3A_84 = tpu.memref_slice %arg11[%mul3A_0, %dma_start3A_83] : memref<10016x128xf32, #tpu.memory_space<vmem_shared>> -> memref<624x128xf32, #tpu.memory_space<vmem_shared>>
      tpu.enqueue_dma source(%dma_start3A_84 : memref<624x128xf32, #tpu.memory_space<vmem_shared>>) target(%dma_start3A_82 : memref<624x128xf32, #tpu.memory_space<hbm>>) target_semaphore(%run_scoped3A : memref<!tpu.dma_semaphore, #tpu.memory_space<semaphore_mem>>)
      %dma_wait3A_85 = arith.constant 0 : i32
      %dma_wait3A_86 = tpu.memref_slice %arg5[%add3A_74, %dma_wait3A_85] : memref<40000x128xf32, #tpu.memory_space<hbm>> -> memref<624x128xf32, #tpu.memory_space<hbm>>
      %dma_wait3A_87 = arith.constant 0 : i32
      %dma_wait3A_88 = tpu.memref_slice %arg11[%mul3A_0, %dma_wait3A_87] : memref<10016x128xf32, #tpu.memory_space<vmem_shared>> -> memref<624x128xf32, #tpu.memory_space<vmem_shared>>
      tpu.wait_dma2 semaphore(%run_scoped3A : memref<!tpu.dma_semaphore, #tpu.memory_space<semaphore_mem>>) src(%dma_wait3A_88 : memref<624x128xf32, #tpu.memory_space<vmem_shared>>) dst(%dma_wait3A_86 : memref<624x128xf32, #tpu.memory_space<hbm>>)
      tpu.yield
    }) : () -> ()
    %eq3A_75 = arith.constant 0 : i32
    %eq3A_76 = arith.cmpi eq, %arg1, %eq3A_75 : i32
    %convert_element_type3A_77 = arith.extui %eq3A_76 : i1 to i32
    %cond3A_78 = arith.constant 0 : i32
    %cond3A_79 = arith.cmpi ne, %convert_element_type3A_77, %cond3A_78 : i32
    scf.if %cond3A_79 {
      %add3A_81 = arith.constant 9984 : i32
      %add3A_82 = arith.addi %mul3A_43, %add3A_81 : i32
      "tpu.region"() ({
        %run_scoped3A = tpu.sem_alloc : memref<!tpu.dma_semaphore, #tpu.memory_space<semaphore_mem>>
        %dma_start3A_83 = arith.constant 0 : i32
        %dma_start3A_84 = tpu.memref_slice %arg5[%add3A_82, %dma_start3A_83] : memref<40000x128xf32, #tpu.memory_space<hbm>> -> memref<16x128xf32, #tpu.memory_space<hbm>>
        %dma_start3A_85 = arith.constant 9984 : i32
        %dma_start3A_86 = arith.constant 0 : i32
        %dma_start3A_87 = tpu.memref_slice %arg11[%dma_start3A_85, %dma_start3A_86] : memref<10016x128xf32, #tpu.memory_space<vmem_shared>> -> memref<16x128xf32, #tpu.memory_space<vmem_shared>>
        tpu.enqueue_dma source(%dma_start3A_87 : memref<16x128xf32, #tpu.memory_space<vmem_shared>>) target(%dma_start3A_84 : memref<16x128xf32, #tpu.memory_space<hbm>>) target_semaphore(%run_scoped3A : memref<!tpu.dma_semaphore, #tpu.memory_space<semaphore_mem>>)
        %dma_wait3A_88 = arith.constant 0 : i32
        %dma_wait3A_89 = tpu.memref_slice %arg5[%add3A_82, %dma_wait3A_88] : memref<40000x128xf32, #tpu.memory_space<hbm>> -> memref<16x128xf32, #tpu.memory_space<hbm>>
        %dma_wait3A_90 = arith.constant 9984 : i32
        %dma_wait3A_91 = arith.constant 0 : i32
        %dma_wait3A_92 = tpu.memref_slice %arg11[%dma_wait3A_90, %dma_wait3A_91] : memref<10016x128xf32, #tpu.memory_space<vmem_shared>> -> memref<16x128xf32, #tpu.memory_space<vmem_shared>>
        tpu.wait_dma2 semaphore(%run_scoped3A : memref<!tpu.dma_semaphore, #tpu.memory_space<semaphore_mem>>) src(%dma_wait3A_92 : memref<16x128xf32, #tpu.memory_space<vmem_shared>>) dst(%dma_wait3A_89 : memref<16x128xf32, #tpu.memory_space<hbm>>)
        tpu.yield
      }) : () -> ()
    } else {
    }
    %barrier3A_80 = arith.constant 0 : index
    tpu.barrier barrier_id(%barrier3A_80)
    return
  }
}

module attributes {stable_mosaic.version = 14 : i64} {
  func.func @_h0_body(%arg0: i32, %arg1: memref<1000x256xf32, #tpu.memory_space<vmem>>, %arg2: memref<256x512xf32, #tpu.memory_space<vmem>>, %arg3: memref<4x1000x128xf32, #tpu.memory_space<vmem>>) attributes {dimension_semantics = [#tpu.dimension_semantics<arbitrary>], iteration_bounds = array<i64: 10>, scalar_prefetch = 0 : i64, scratch_operands = 0 : i64, tpu.core_type = #tpu.core_type<tc>, window_params = [{transform_indices = @transform_0, window_bounds = array<i64: 1000, 256>}, {pipeline_mode = #tpu.pipeline_mode<synchronous>, transform_indices = @transform_1, window_bounds = array<i64: 256, 512>}, {transform_indices = @transform_2, window_bounds = array<i64: 4, 1000, 128>}]} {
    %get3A = arith.constant 0 : index
    %get3A_0 = arith.constant 0 : index
    %get3A_1 = vector.load %arg1[%get3A, %get3A_0] : memref<1000x256xf32, #tpu.memory_space<vmem>>, vector<1000x256xf32>
    %get3A_2 = arith.constant 0 : index
    %get3A_3 = arith.constant 0 : index
    %get3A_4 = vector.load %arg2[%get3A_2, %get3A_3] : memref<256x512xf32, #tpu.memory_space<vmem>>, vector<256x512xf32>
    %dot_general3A = arith.constant dense<0.000000e+00> : vector<1000x512xf32>
    %dot_general3A_5 = tpu.matmul %get3A_1, %get3A_4, %dot_general3A {dimension_numbers = #tpu.dot_dimension_numbers<[1], [0], [0], [1], [0, 0, 1, 1], [], []>, transpose_lhs_hint = false} : vector<1000x256xf32>, vector<256x512xf32>, vector<1000x512xf32> -> vector<1000x512xf32>
    %slice3A = vector.extract_strided_slice %dot_general3A_5 {offsets = [0, 0], sizes = [1000, 128], strides = [1, 1]} : vector<1000x512xf32> to vector<1000x128xf32>
    %swap3A = arith.constant 0 : index
    %swap3A_6 = arith.constant 0 : index
    %swap3A_7 = arith.constant 0 : index
    %swap3A_8 = vector.load %arg3[%swap3A, %swap3A_6, %swap3A_7] : memref<4x1000x128xf32, #tpu.memory_space<vmem>>, vector<1x1000x128xf32>
    %swap3A_9 = vector.shape_cast %swap3A_8 : vector<1x1000x128xf32> to vector<1000x128xf32>
    %swap3A_10 = vector.shape_cast %slice3A : vector<1000x128xf32> to vector<1x1000x128xf32>
    tpu.vector_store %arg3[%swap3A, %swap3A_6, %swap3A_7], %swap3A_10 {strides = array<i32>} : memref<4x1000x128xf32, #tpu.memory_space<vmem>>, vector<1x1000x128xf32>,
    %slice3A_11 = vector.extract_strided_slice %dot_general3A_5 {offsets = [0, 128], sizes = [1000, 128], strides = [1, 1]} : vector<1000x512xf32> to vector<1000x128xf32>
    %swap3A_12 = arith.constant 1 : index
    %swap3A_13 = arith.constant 0 : index
    %swap3A_14 = arith.constant 0 : index
    %swap3A_15 = vector.load %arg3[%swap3A_12, %swap3A_13, %swap3A_14] : memref<4x1000x128xf32, #tpu.memory_space<vmem>>, vector<1x1000x128xf32>
    %swap3A_16 = vector.shape_cast %swap3A_15 : vector<1x1000x128xf32> to vector<1000x128xf32>
    %swap3A_17 = vector.shape_cast %slice3A_11 : vector<1000x128xf32> to vector<1x1000x128xf32>
    tpu.vector_store %arg3[%swap3A_12, %swap3A_13, %swap3A_14], %swap3A_17 {strides = array<i32>} : memref<4x1000x128xf32, #tpu.memory_space<vmem>>, vector<1x1000x128xf32>,
    %slice3A_18 = vector.extract_strided_slice %dot_general3A_5 {offsets = [0, 256], sizes = [1000, 128], strides = [1, 1]} : vector<1000x512xf32> to vector<1000x128xf32>
    %swap3A_19 = arith.constant 2 : index
    %swap3A_20 = arith.constant 0 : index
    %swap3A_21 = arith.constant 0 : index
    %swap3A_22 = vector.load %arg3[%swap3A_19, %swap3A_20, %swap3A_21] : memref<4x1000x128xf32, #tpu.memory_space<vmem>>, vector<1x1000x128xf32>
    %swap3A_23 = vector.shape_cast %swap3A_22 : vector<1x1000x128xf32> to vector<1000x128xf32>
    %swap3A_24 = vector.shape_cast %slice3A_18 : vector<1000x128xf32> to vector<1x1000x128xf32>
    tpu.vector_store %arg3[%swap3A_19, %swap3A_20, %swap3A_21], %swap3A_24 {strides = array<i32>} : memref<4x1000x128xf32, #tpu.memory_space<vmem>>, vector<1x1000x128xf32>,
    %slice3A_25 = vector.extract_strided_slice %dot_general3A_5 {offsets = [0, 384], sizes = [1000, 128], strides = [1, 1]} : vector<1000x512xf32> to vector<1000x128xf32>
    %swap3A_26 = arith.constant 3 : index
    %swap3A_27 = arith.constant 0 : index
    %swap3A_28 = arith.constant 0 : index
    %swap3A_29 = vector.load %arg3[%swap3A_26, %swap3A_27, %swap3A_28] : memref<4x1000x128xf32, #tpu.memory_space<vmem>>, vector<1x1000x128xf32>
    %swap3A_30 = vector.shape_cast %swap3A_29 : vector<1x1000x128xf32> to vector<1000x128xf32>
    %swap3A_31 = vector.shape_cast %slice3A_25 : vector<1000x128xf32> to vector<1x1000x128xf32>
    tpu.vector_store %arg3[%swap3A_26, %swap3A_27, %swap3A_28], %swap3A_31 {strides = array<i32>} : memref<4x1000x128xf32, #tpu.memory_space<vmem>>, vector<1x1000x128xf32>,
    return
  }
  func.func @transform_0(%arg0: i32) -> (i32, i32) {
    %c0_i32 = arith.constant 0 : i32
    %c0_i32_0 = arith.constant 0 : i32
    return %arg0, %c0_i32 : i32, i32
  }
  func.func @transform_1(%arg0: i32) -> (i32, i32) {
    %c0_i32 = arith.constant 0 : i32
    %c0_i32_0 = arith.constant 0 : i32
    %c0_i32_1 = arith.constant 0 : i32
    return %c0_i32, %c0_i32_0 : i32, i32
  }
  func.func @transform_2(%arg0: i32) -> (i32, i32, i32) {
    %c0_i32 = arith.constant 0 : i32
    %c0_i32_0 = arith.constant 0 : i32
    %c0_i32_1 = arith.constant 0 : i32
    return %c0_i32, %arg0, %c0_i32_0 : i32, i32, i32
  }
}

module attributes {stable_mosaic.version = 14 : i64} {
  func.func @_scale_body(%arg0: i32, %arg1: memref<2x1000x128xf32, #tpu.memory_space<vmem>>, %arg2: memref<4x1000x128xf32, #tpu.memory_space<vmem>>, %arg3: memref<1000x1xf32, #tpu.memory_space<vmem>>, %arg4: memref<4x1000x128xf32, #tpu.memory_space<vmem>>) attributes {dimension_semantics = [#tpu.dimension_semantics<arbitrary>], iteration_bounds = array<i64: 10>, scalar_prefetch = 0 : i64, scratch_operands = 0 : i64, tpu.core_type = #tpu.core_type<tc>, window_params = [{transform_indices = @transform_0, window_bounds = array<i64: 2, 1000, 128>}, {transform_indices = @transform_1, window_bounds = array<i64: 4, 1000, 128>}, {transform_indices = @transform_2, window_bounds = array<i64: 1000, 1>}, {transform_indices = @transform_3, window_bounds = array<i64: 4, 1000, 128>}]} {
    %get3A = arith.constant 0 : index
    %get3A_0 = arith.constant 0 : index
    %get3A_1 = arith.constant 0 : index
    %get3A_2 = vector.load %arg1[%get3A, %get3A_0, %get3A_1] : memref<2x1000x128xf32, #tpu.memory_space<vmem>>, vector<2x1000x128xf32>
    %slice3A = vector.extract_strided_slice %get3A_2 {offsets = [0, 0, 0], sizes = [1, 1000, 1], strides = [1, 1, 1]} : vector<2x1000x128xf32> to vector<1x1000x1xf32>
    %squeeze3A = vector.shape_cast %slice3A : vector<1x1000x1xf32> to vector<1000xf32>
    %slice3A_3 = vector.extract_strided_slice %get3A_2 {offsets = [1, 0, 0], sizes = [1, 1000, 1], strides = [1, 1, 1]} : vector<2x1000x128xf32> to vector<1x1000x1xf32>
    %squeeze3A_4 = vector.shape_cast %slice3A_3 : vector<1x1000x1xf32> to vector<1000xf32>
    %add3A = arith.addf %squeeze3A, %squeeze3A_4 : vector<1000xf32>
    %sub3A = arith.constant 1.000000e+00 : f32
    %sub3A_5 = vector.broadcast %sub3A : f32 to vector<1000xf32>
    %sub3A_6 = arith.subf %add3A, %sub3A_5 : vector<1000xf32>
    %sqrt3A = math.sqrt %sub3A_6 : vector<1000xf32>
    %div3A = arith.constant 1.000000e+00 : f32
    %div3A_7 = vector.broadcast %div3A : f32 to vector<1000xf32>
    %div3A_8 = arith.divf %div3A_7, %sqrt3A : vector<1000xf32>
    %broadcast_in_dim3A = vector.shape_cast %div3A_8 : vector<1000xf32> to vector<1000x1xf32>
    %swap3A = arith.constant 0 : index
    %swap3A_9 = arith.constant 0 : index
    %swap3A_10 = vector.load %arg3[%swap3A, %swap3A_9] : memref<1000x1xf32, #tpu.memory_space<vmem>>, vector<1000x1xf32>
    tpu.vector_store %arg3[%swap3A, %swap3A_9], %broadcast_in_dim3A {strides = array<i32>} : memref<1000x1xf32, #tpu.memory_space<vmem>>, vector<1000x1xf32>,
    %get3A_11 = arith.constant 0 : index
    %get3A_12 = arith.constant 0 : index
    %get3A_13 = arith.constant 0 : index
    %get3A_14 = vector.load %arg2[%get3A_11, %get3A_12, %get3A_13] : memref<4x1000x128xf32, #tpu.memory_space<vmem>>, vector<1x1000x128xf32>
    %get3A_15 = vector.shape_cast %get3A_14 : vector<1x1000x128xf32> to vector<1000x128xf32>
    %mul3A = vector.broadcast %broadcast_in_dim3A : vector<1000x1xf32> to vector<1000x128xf32>
    %mul3A_16 = arith.mulf %get3A_15, %mul3A : vector<1000x128xf32>
    %swap3A_17 = arith.constant 0 : index
    %swap3A_18 = arith.constant 0 : index
    %swap3A_19 = arith.constant 0 : index
    %swap3A_20 = vector.load %arg4[%swap3A_17, %swap3A_18, %swap3A_19] : memref<4x1000x128xf32, #tpu.memory_space<vmem>>, vector<1x1000x128xf32>
    %swap3A_21 = vector.shape_cast %swap3A_20 : vector<1x1000x128xf32> to vector<1000x128xf32>
    %swap3A_22 = vector.shape_cast %mul3A_16 : vector<1000x128xf32> to vector<1x1000x128xf32>
    tpu.vector_store %arg4[%swap3A_17, %swap3A_18, %swap3A_19], %swap3A_22 {strides = array<i32>} : memref<4x1000x128xf32, #tpu.memory_space<vmem>>, vector<1x1000x128xf32>,
    %get3A_23 = arith.constant 1 : index
    %get3A_24 = arith.constant 0 : index
    %get3A_25 = arith.constant 0 : index
    %get3A_26 = vector.load %arg2[%get3A_23, %get3A_24, %get3A_25] : memref<4x1000x128xf32, #tpu.memory_space<vmem>>, vector<1x1000x128xf32>
    %get3A_27 = vector.shape_cast %get3A_26 : vector<1x1000x128xf32> to vector<1000x128xf32>
    %mul3A_28 = vector.broadcast %broadcast_in_dim3A : vector<1000x1xf32> to vector<1000x128xf32>
    %mul3A_29 = arith.mulf %get3A_27, %mul3A_28 : vector<1000x128xf32>
    %swap3A_30 = arith.constant 1 : index
    %swap3A_31 = arith.constant 0 : index
    %swap3A_32 = arith.constant 0 : index
    %swap3A_33 = vector.load %arg4[%swap3A_30, %swap3A_31, %swap3A_32] : memref<4x1000x128xf32, #tpu.memory_space<vmem>>, vector<1x1000x128xf32>
    %swap3A_34 = vector.shape_cast %swap3A_33 : vector<1x1000x128xf32> to vector<1000x128xf32>
    %swap3A_35 = vector.shape_cast %mul3A_29 : vector<1000x128xf32> to vector<1x1000x128xf32>
    tpu.vector_store %arg4[%swap3A_30, %swap3A_31, %swap3A_32], %swap3A_35 {strides = array<i32>} : memref<4x1000x128xf32, #tpu.memory_space<vmem>>, vector<1x1000x128xf32>,
    %get3A_36 = arith.constant 2 : index
    %get3A_37 = arith.constant 0 : index
    %get3A_38 = arith.constant 0 : index
    %get3A_39 = vector.load %arg2[%get3A_36, %get3A_37, %get3A_38] : memref<4x1000x128xf32, #tpu.memory_space<vmem>>, vector<1x1000x128xf32>
    %get3A_40 = vector.shape_cast %get3A_39 : vector<1x1000x128xf32> to vector<1000x128xf32>
    %mul3A_41 = vector.broadcast %broadcast_in_dim3A : vector<1000x1xf32> to vector<1000x128xf32>
    %mul3A_42 = arith.mulf %get3A_40, %mul3A_41 : vector<1000x128xf32>
    %swap3A_43 = arith.constant 2 : index
    %swap3A_44 = arith.constant 0 : index
    %swap3A_45 = arith.constant 0 : index
    %swap3A_46 = vector.load %arg4[%swap3A_43, %swap3A_44, %swap3A_45] : memref<4x1000x128xf32, #tpu.memory_space<vmem>>, vector<1x1000x128xf32>
    %swap3A_47 = vector.shape_cast %swap3A_46 : vector<1x1000x128xf32> to vector<1000x128xf32>
    %swap3A_48 = vector.shape_cast %mul3A_42 : vector<1000x128xf32> to vector<1x1000x128xf32>
    tpu.vector_store %arg4[%swap3A_43, %swap3A_44, %swap3A_45], %swap3A_48 {strides = array<i32>} : memref<4x1000x128xf32, #tpu.memory_space<vmem>>, vector<1x1000x128xf32>,
    %get3A_49 = arith.constant 3 : index
    %get3A_50 = arith.constant 0 : index
    %get3A_51 = arith.constant 0 : index
    %get3A_52 = vector.load %arg2[%get3A_49, %get3A_50, %get3A_51] : memref<4x1000x128xf32, #tpu.memory_space<vmem>>, vector<1x1000x128xf32>
    %get3A_53 = vector.shape_cast %get3A_52 : vector<1x1000x128xf32> to vector<1000x128xf32>
    %mul3A_54 = vector.broadcast %broadcast_in_dim3A : vector<1000x1xf32> to vector<1000x128xf32>
    %mul3A_55 = arith.mulf %get3A_53, %mul3A_54 : vector<1000x128xf32>
    %swap3A_56 = arith.constant 3 : index
    %swap3A_57 = arith.constant 0 : index
    %swap3A_58 = arith.constant 0 : index
    %swap3A_59 = vector.load %arg4[%swap3A_56, %swap3A_57, %swap3A_58] : memref<4x1000x128xf32, #tpu.memory_space<vmem>>, vector<1x1000x128xf32>
    %swap3A_60 = vector.shape_cast %swap3A_59 : vector<1x1000x128xf32> to vector<1000x128xf32>
    %swap3A_61 = vector.shape_cast %mul3A_55 : vector<1000x128xf32> to vector<1x1000x128xf32>
    tpu.vector_store %arg4[%swap3A_56, %swap3A_57, %swap3A_58], %swap3A_61 {strides = array<i32>} : memref<4x1000x128xf32, #tpu.memory_space<vmem>>, vector<1x1000x128xf32>,
    return
  }
  func.func @transform_0(%arg0: i32) -> (i32, i32, i32) {
    %c0_i32 = arith.constant 0 : i32
    %c0_i32_0 = arith.constant 0 : i32
    %c0_i32_1 = arith.constant 0 : i32
    return %c0_i32, %arg0, %c0_i32_0 : i32, i32, i32
  }
  func.func @transform_1(%arg0: i32) -> (i32, i32, i32) {
    %c0_i32 = arith.constant 0 : i32
    %c0_i32_0 = arith.constant 0 : i32
    %c0_i32_1 = arith.constant 0 : i32
    return %c0_i32, %arg0, %c0_i32_0 : i32, i32, i32
  }
  func.func @transform_2(%arg0: i32) -> (i32, i32) {
    %c0_i32 = arith.constant 0 : i32
    %c0_i32_0 = arith.constant 0 : i32
    return %arg0, %c0_i32 : i32, i32
  }
  func.func @transform_3(%arg0: i32) -> (i32, i32, i32) {
    %c0_i32 = arith.constant 0 : i32
    %c0_i32_0 = arith.constant 0 : i32
    %c0_i32_1 = arith.constant 0 : i32
    return %c0_i32, %arg0, %c0_i32_0 : i32, i32, i32
  }
}

module attributes {stable_mosaic.version = 14 : i64} {
  func.func @_layer_body(%arg0: i32, %arg1: memref<4x1000x128xf32, #tpu.memory_space<vmem>>, %arg2: memref<1000x1xf32, #tpu.memory_space<vmem>>, %arg3: memref<1x512xf32, #tpu.memory_space<vmem>>, %arg4: memref<512x512xf32, #tpu.memory_space<vmem>>, %arg5: memref<4x1000x128xf32, #tpu.memory_space<vmem>>) attributes {dimension_semantics = [#tpu.dimension_semantics<arbitrary>], iteration_bounds = array<i64: 10>, scalar_prefetch = 0 : i64, scratch_operands = 0 : i64, tpu.core_type = #tpu.core_type<tc>, window_params = [{transform_indices = @transform_0, window_bounds = array<i64: 4, 1000, 128>}, {transform_indices = @transform_1, window_bounds = array<i64: 1000, 1>}, {pipeline_mode = #tpu.pipeline_mode<synchronous>, transform_indices = @transform_2, window_bounds = array<i64: 1, 512>}, {pipeline_mode = #tpu.pipeline_mode<synchronous>, transform_indices = @transform_3, window_bounds = array<i64: 512, 512>}, {transform_indices = @transform_4, window_bounds = array<i64: 4, 1000, 128>}]} {
    %get3A = arith.constant 0 : index
    %get3A_0 = arith.constant 0 : index
    %get3A_1 = vector.load %arg2[%get3A, %get3A_0] : memref<1000x1xf32, #tpu.memory_space<vmem>>, vector<1000x1xf32>
    %get3A_2 = arith.constant 0 : index
    %get3A_3 = arith.constant 0 : index
    %get3A_4 = arith.constant 0 : index
    %get3A_5 = vector.load %arg1[%get3A_2, %get3A_3, %get3A_4] : memref<4x1000x128xf32, #tpu.memory_space<vmem>>, vector<1x1000x128xf32>
    %get3A_6 = vector.shape_cast %get3A_5 : vector<1x1000x128xf32> to vector<1000x128xf32>
    %get3A_7 = arith.constant 1 : index
    %get3A_8 = arith.constant 0 : index
    %get3A_9 = arith.constant 0 : index
    %get3A_10 = vector.load %arg1[%get3A_7, %get3A_8, %get3A_9] : memref<4x1000x128xf32, #tpu.memory_space<vmem>>, vector<1x1000x128xf32>
    %get3A_11 = vector.shape_cast %get3A_10 : vector<1x1000x128xf32> to vector<1000x128xf32>
    %get3A_12 = arith.constant 2 : index
    %get3A_13 = arith.constant 0 : index
    %get3A_14 = arith.constant 0 : index
    %get3A_15 = vector.load %arg1[%get3A_12, %get3A_13, %get3A_14] : memref<4x1000x128xf32, #tpu.memory_space<vmem>>, vector<1x1000x128xf32>
    %get3A_16 = vector.shape_cast %get3A_15 : vector<1x1000x128xf32> to vector<1000x128xf32>
    %get3A_17 = arith.constant 3 : index
    %get3A_18 = arith.constant 0 : index
    %get3A_19 = arith.constant 0 : index
    %get3A_20 = vector.load %arg1[%get3A_17, %get3A_18, %get3A_19] : memref<4x1000x128xf32, #tpu.memory_space<vmem>>, vector<1x1000x128xf32>
    %get3A_21 = vector.shape_cast %get3A_20 : vector<1x1000x128xf32> to vector<1000x128xf32>
    %concatenate3A = tpu.concatenate %get3A_6, %get3A_11, %get3A_16, %get3A_21 in 1 : vector<1000x128xf32>, vector<1000x128xf32>, vector<1000x128xf32>, vector<1000x128xf32> -> vector<1000x512xf32>
    %mul3A = vector.broadcast %get3A_1 : vector<1000x1xf32> to vector<1000x512xf32>
    %mul3A_22 = arith.mulf %concatenate3A, %mul3A : vector<1000x512xf32>
    %get3A_23 = arith.constant 0 : index
    %get3A_24 = arith.constant 0 : index
    %get3A_25 = vector.load %arg3[%get3A_23, %get3A_24] : memref<1x512xf32, #tpu.memory_space<vmem>>, vector<1x512xf32>
    %add3A = vector.broadcast %get3A_25 : vector<1x512xf32> to vector<1000x512xf32>
    %add3A_26 = arith.addf %mul3A_22, %add3A : vector<1000x512xf32>
    %max3A = arith.constant 0.000000e+00 : f32
    %max3A_27 = vector.broadcast %max3A : f32 to vector<1000x512xf32>
    %max3A_28 = arith.maximumf %add3A_26, %max3A_27 : vector<1000x512xf32>
    %get3A_29 = arith.constant 0 : index
    %get3A_30 = arith.constant 0 : index
    %get3A_31 = vector.load %arg4[%get3A_29, %get3A_30] : memref<512x512xf32, #tpu.memory_space<vmem>>, vector<512x512xf32>
    %dot_general3A = arith.constant dense<0.000000e+00> : vector<1000x512xf32>
    %dot_general3A_32 = tpu.matmul %max3A_28, %get3A_31, %dot_general3A {dimension_numbers = #tpu.dot_dimension_numbers<[1], [0], [0], [1], [0, 0, 1, 1], [], []>, transpose_lhs_hint = false} : vector<1000x512xf32>, vector<512x512xf32>, vector<1000x512xf32> -> vector<1000x512xf32>
    %mul3A_33 = vector.broadcast %get3A_1 : vector<1000x1xf32> to vector<1000x512xf32>
    %mul3A_34 = arith.mulf %dot_general3A_32, %mul3A_33 : vector<1000x512xf32>
    %slice3A = vector.extract_strided_slice %mul3A_34 {offsets = [0, 0], sizes = [1000, 128], strides = [1, 1]} : vector<1000x512xf32> to vector<1000x128xf32>
    %swap3A = arith.constant 0 : index
    %swap3A_35 = arith.constant 0 : index
    %swap3A_36 = arith.constant 0 : index
    %swap3A_37 = vector.load %arg5[%swap3A, %swap3A_35, %swap3A_36] : memref<4x1000x128xf32, #tpu.memory_space<vmem>>, vector<1x1000x128xf32>
    %swap3A_38 = vector.shape_cast %swap3A_37 : vector<1x1000x128xf32> to vector<1000x128xf32>
    %swap3A_39 = vector.shape_cast %slice3A : vector<1000x128xf32> to vector<1x1000x128xf32>
    tpu.vector_store %arg5[%swap3A, %swap3A_35, %swap3A_36], %swap3A_39 {strides = array<i32>} : memref<4x1000x128xf32, #tpu.memory_space<vmem>>, vector<1x1000x128xf32>,
    %slice3A_40 = vector.extract_strided_slice %mul3A_34 {offsets = [0, 128], sizes = [1000, 128], strides = [1, 1]} : vector<1000x512xf32> to vector<1000x128xf32>
    %swap3A_41 = arith.constant 1 : index
    %swap3A_42 = arith.constant 0 : index
    %swap3A_43 = arith.constant 0 : index
    %swap3A_44 = vector.load %arg5[%swap3A_41, %swap3A_42, %swap3A_43] : memref<4x1000x128xf32, #tpu.memory_space<vmem>>, vector<1x1000x128xf32>
    %swap3A_45 = vector.shape_cast %swap3A_44 : vector<1x1000x128xf32> to vector<1000x128xf32>
    %swap3A_46 = vector.shape_cast %slice3A_40 : vector<1000x128xf32> to vector<1x1000x128xf32>
    tpu.vector_store %arg5[%swap3A_41, %swap3A_42, %swap3A_43], %swap3A_46 {strides = array<i32>} : memref<4x1000x128xf32, #tpu.memory_space<vmem>>, vector<1x1000x128xf32>,
    %slice3A_47 = vector.extract_strided_slice %mul3A_34 {offsets = [0, 256], sizes = [1000, 128], strides = [1, 1]} : vector<1000x512xf32> to vector<1000x128xf32>
    %swap3A_48 = arith.constant 2 : index
    %swap3A_49 = arith.constant 0 : index
    %swap3A_50 = arith.constant 0 : index
    %swap3A_51 = vector.load %arg5[%swap3A_48, %swap3A_49, %swap3A_50] : memref<4x1000x128xf32, #tpu.memory_space<vmem>>, vector<1x1000x128xf32>
    %swap3A_52 = vector.shape_cast %swap3A_51 : vector<1x1000x128xf32> to vector<1000x128xf32>
    %swap3A_53 = vector.shape_cast %slice3A_47 : vector<1000x128xf32> to vector<1x1000x128xf32>
    tpu.vector_store %arg5[%swap3A_48, %swap3A_49, %swap3A_50], %swap3A_53 {strides = array<i32>} : memref<4x1000x128xf32, #tpu.memory_space<vmem>>, vector<1x1000x128xf32>,
    %slice3A_54 = vector.extract_strided_slice %mul3A_34 {offsets = [0, 384], sizes = [1000, 128], strides = [1, 1]} : vector<1000x512xf32> to vector<1000x128xf32>
    %swap3A_55 = arith.constant 3 : index
    %swap3A_56 = arith.constant 0 : index
    %swap3A_57 = arith.constant 0 : index
    %swap3A_58 = vector.load %arg5[%swap3A_55, %swap3A_56, %swap3A_57] : memref<4x1000x128xf32, #tpu.memory_space<vmem>>, vector<1x1000x128xf32>
    %swap3A_59 = vector.shape_cast %swap3A_58 : vector<1x1000x128xf32> to vector<1000x128xf32>
    %swap3A_60 = vector.shape_cast %slice3A_54 : vector<1000x128xf32> to vector<1x1000x128xf32>
    tpu.vector_store %arg5[%swap3A_55, %swap3A_56, %swap3A_57], %swap3A_60 {strides = array<i32>} : memref<4x1000x128xf32, #tpu.memory_space<vmem>>, vector<1x1000x128xf32>,
    return
  }
  func.func @transform_0(%arg0: i32) -> (i32, i32, i32) {
    %c0_i32 = arith.constant 0 : i32
    %c0_i32_0 = arith.constant 0 : i32
    %c0_i32_1 = arith.constant 0 : i32
    return %c0_i32, %arg0, %c0_i32_0 : i32, i32, i32
  }
  func.func @transform_1(%arg0: i32) -> (i32, i32) {
    %c0_i32 = arith.constant 0 : i32
    %c0_i32_0 = arith.constant 0 : i32
    return %arg0, %c0_i32 : i32, i32
  }
  func.func @transform_2(%arg0: i32) -> (i32, i32) {
    %c0_i32 = arith.constant 0 : i32
    %c0_i32_0 = arith.constant 0 : i32
    %c0_i32_1 = arith.constant 0 : i32
    return %c0_i32, %c0_i32_0 : i32, i32
  }
  func.func @transform_3(%arg0: i32) -> (i32, i32) {
    %c0_i32 = arith.constant 0 : i32
    %c0_i32_0 = arith.constant 0 : i32
    %c0_i32_1 = arith.constant 0 : i32
    return %c0_i32, %c0_i32_0 : i32, i32
  }
  func.func @transform_4(%arg0: i32) -> (i32, i32, i32) {
    %c0_i32 = arith.constant 0 : i32
    %c0_i32_0 = arith.constant 0 : i32
    %c0_i32_1 = arith.constant 0 : i32
    return %c0_i32, %arg0, %c0_i32_0 : i32, i32, i32
  }
}

module attributes {stable_mosaic.version = 14 : i64} {
  func.func @_pool_body(%arg0: i32, %arg1: memref<4x1000x128xf32, #tpu.memory_space<vmem>>, %arg2: memref<1000x1xf32, #tpu.memory_space<vmem>>, %arg3: memref<4x128xf32, #tpu.memory_space<vmem>>, %arg4: memref<1000x1xi32, #tpu.memory_space<vmem>>, %arg5: memref<64x1024xf32, #tpu.memory_space<vmem>>, %arg6: memref<64x512xf32, #tpu.memory_space<vmem>>, %arg7: memref<64x512xf32, #tpu.memory_space<vmem>>, %arg8: memref<64x1xf32, #tpu.memory_space<vmem>>) attributes {dimension_semantics = [#tpu.dimension_semantics<arbitrary>], iteration_bounds = array<i64: 10>, scalar_prefetch = 0 : i64, scratch_operands = 3 : i64, tpu.core_type = #tpu.core_type<tc>, window_params = [{transform_indices = @transform_0, window_bounds = array<i64: 4, 1000, 128>}, {transform_indices = @transform_1, window_bounds = array<i64: 1000, 1>}, {pipeline_mode = #tpu.pipeline_mode<synchronous>, transform_indices = @transform_2, window_bounds = array<i64: 4, 128>}, {transform_indices = @transform_3, window_bounds = array<i64: 1000, 1>}, {pipeline_mode = #tpu.pipeline_mode<synchronous>, transform_indices = @transform_4, window_bounds = array<i64: 64, 1024>}]} {
    %eq3A = arith.constant 0 : i32
    %eq3A_0 = arith.cmpi eq, %arg0, %eq3A : i32
    %convert_element_type3A = arith.extui %eq3A_0 : i1 to i32
    %cond3A = arith.constant 0 : i32
    %cond3A_1 = arith.cmpi ne, %convert_element_type3A, %cond3A : i32
    scf.if %cond3A_1 {
      %broadcast_in_dim3A_104 = arith.constant 0xFF800000 : f32
      %broadcast_in_dim3A_105 = vector.broadcast %broadcast_in_dim3A_104 : f32 to vector<64x512xf32>
      %swap3A_106 = arith.constant 0 : index
      %swap3A_107 = arith.constant 0 : index
      %swap3A_108 = vector.load %arg6[%swap3A_106, %swap3A_107] : memref<64x512xf32, #tpu.memory_space<vmem>>, vector<64x512xf32>
      tpu.vector_store %arg6[%swap3A_106, %swap3A_107], %broadcast_in_dim3A_105 {strides = array<i32>} : memref<64x512xf32, #tpu.memory_space<vmem>>, vector<64x512xf32>,
      %broadcast_in_dim3A_109 = arith.constant 0.000000e+00 : f32
      %broadcast_in_dim3A_110 = vector.broadcast %broadcast_in_dim3A_109 : f32 to vector<64x512xf32>
      %swap3A_111 = arith.constant 0 : index
      %swap3A_112 = arith.constant 0 : index
      %swap3A_113 = vector.load %arg7[%swap3A_111, %swap3A_112] : memref<64x512xf32, #tpu.memory_space<vmem>>, vector<64x512xf32>
      tpu.vector_store %arg7[%swap3A_111, %swap3A_112], %broadcast_in_dim3A_110 {strides = array<i32>} : memref<64x512xf32, #tpu.memory_space<vmem>>, vector<64x512xf32>,
      %broadcast_in_dim3A_114 = arith.constant 0.000000e+00 : f32
      %broadcast_in_dim3A_115 = vector.broadcast %broadcast_in_dim3A_114 : f32 to vector<64x1xf32>
      %swap3A_116 = arith.constant 0 : index
      %swap3A_117 = arith.constant 0 : index
      %swap3A_118 = vector.load %arg8[%swap3A_116, %swap3A_117] : memref<64x1xf32, #tpu.memory_space<vmem>>, vector<64x1xf32>
      tpu.vector_store %arg8[%swap3A_116, %swap3A_117], %broadcast_in_dim3A_115 {strides = array<i32>} : memref<64x1xf32, #tpu.memory_space<vmem>>, vector<64x1xf32>,
    } else {
    }
    %get3A = arith.constant 0 : index
    %get3A_2 = arith.constant 0 : index
    %get3A_3 = vector.load %arg2[%get3A, %get3A_2] : memref<1000x1xf32, #tpu.memory_space<vmem>>, vector<1000x1xf32>
    %get3A_4 = arith.constant 0 : index
    %get3A_5 = arith.constant 0 : index
    %get3A_6 = arith.constant 0 : index
    %get3A_7 = vector.load %arg1[%get3A_4, %get3A_5, %get3A_6] : memref<4x1000x128xf32, #tpu.memory_space<vmem>>, vector<1x1000x128xf32>
    %get3A_8 = vector.shape_cast %get3A_7 : vector<1x1000x128xf32> to vector<1000x128xf32>
    %mul3A = vector.broadcast %get3A_3 : vector<1000x1xf32> to vector<1000x128xf32>
    %mul3A_9 = arith.mulf %get3A_8, %mul3A : vector<1000x128xf32>
    %get3A_10 = arith.constant 0 : index
    %get3A_11 = arith.constant 0 : index
    %get3A_12 = vector.load %arg3[%get3A_10, %get3A_11] : memref<4x128xf32, #tpu.memory_space<vmem>>, vector<1x128xf32>
    %get3A_13 = vector.shape_cast %get3A_12 : vector<1x128xf32> to vector<128xf32>
    %broadcast_in_dim3A = vector.shape_cast %get3A_13 : vector<128xf32> to vector<1x128xf32>
    %add3A = vector.broadcast %broadcast_in_dim3A : vector<1x128xf32> to vector<1000x128xf32>
    %add3A_14 = arith.addf %mul3A_9, %add3A : vector<1000x128xf32>
    %get3A_15 = arith.constant 1 : index
    %get3A_16 = arith.constant 0 : index
    %get3A_17 = arith.constant 0 : index
    %get3A_18 = vector.load %arg1[%get3A_15, %get3A_16, %get3A_17] : memref<4x1000x128xf32, #tpu.memory_space<vmem>>, vector<1x1000x128xf32>
    %get3A_19 = vector.shape_cast %get3A_18 : vector<1x1000x128xf32> to vector<1000x128xf32>
    %mul3A_20 = vector.broadcast %get3A_3 : vector<1000x1xf32> to vector<1000x128xf32>
    %mul3A_21 = arith.mulf %get3A_19, %mul3A_20 : vector<1000x128xf32>
    %get3A_22 = arith.constant 1 : index
    %get3A_23 = arith.constant 0 : index
    %get3A_24 = vector.load %arg3[%get3A_22, %get3A_23] : memref<4x128xf32, #tpu.memory_space<vmem>>, vector<1x128xf32>
    %get3A_25 = vector.shape_cast %get3A_24 : vector<1x128xf32> to vector<128xf32>
    %broadcast_in_dim3A_26 = vector.shape_cast %get3A_25 : vector<128xf32> to vector<1x128xf32>
    %add3A_27 = vector.broadcast %broadcast_in_dim3A_26 : vector<1x128xf32> to vector<1000x128xf32>
    %add3A_28 = arith.addf %mul3A_21, %add3A_27 : vector<1000x128xf32>
    %get3A_29 = arith.constant 2 : index
    %get3A_30 = arith.constant 0 : index
    %get3A_31 = arith.constant 0 : index
    %get3A_32 = vector.load %arg1[%get3A_29, %get3A_30, %get3A_31] : memref<4x1000x128xf32, #tpu.memory_space<vmem>>, vector<1x1000x128xf32>
    %get3A_33 = vector.shape_cast %get3A_32 : vector<1x1000x128xf32> to vector<1000x128xf32>
    %mul3A_34 = vector.broadcast %get3A_3 : vector<1000x1xf32> to vector<1000x128xf32>
    %mul3A_35 = arith.mulf %get3A_33, %mul3A_34 : vector<1000x128xf32>
    %get3A_36 = arith.constant 2 : index
    %get3A_37 = arith.constant 0 : index
    %get3A_38 = vector.load %arg3[%get3A_36, %get3A_37] : memref<4x128xf32, #tpu.memory_space<vmem>>, vector<1x128xf32>
    %get3A_39 = vector.shape_cast %get3A_38 : vector<1x128xf32> to vector<128xf32>
    %broadcast_in_dim3A_40 = vector.shape_cast %get3A_39 : vector<128xf32> to vector<1x128xf32>
    %add3A_41 = vector.broadcast %broadcast_in_dim3A_40 : vector<1x128xf32> to vector<1000x128xf32>
    %add3A_42 = arith.addf %mul3A_35, %add3A_41 : vector<1000x128xf32>
    %get3A_43 = arith.constant 3 : index
    %get3A_44 = arith.constant 0 : index
    %get3A_45 = arith.constant 0 : index
    %get3A_46 = vector.load %arg1[%get3A_43, %get3A_44, %get3A_45] : memref<4x1000x128xf32, #tpu.memory_space<vmem>>, vector<1x1000x128xf32>
    %get3A_47 = vector.shape_cast %get3A_46 : vector<1x1000x128xf32> to vector<1000x128xf32>
    %mul3A_48 = vector.broadcast %get3A_3 : vector<1000x1xf32> to vector<1000x128xf32>
    %mul3A_49 = arith.mulf %get3A_47, %mul3A_48 : vector<1000x128xf32>
    %get3A_50 = arith.constant 3 : index
    %get3A_51 = arith.constant 0 : index
    %get3A_52 = vector.load %arg3[%get3A_50, %get3A_51] : memref<4x128xf32, #tpu.memory_space<vmem>>, vector<1x128xf32>
    %get3A_53 = vector.shape_cast %get3A_52 : vector<1x128xf32> to vector<128xf32>
    %broadcast_in_dim3A_54 = vector.shape_cast %get3A_53 : vector<128xf32> to vector<1x128xf32>
    %add3A_55 = vector.broadcast %broadcast_in_dim3A_54 : vector<1x128xf32> to vector<1000x128xf32>
    %add3A_56 = arith.addf %mul3A_49, %add3A_55 : vector<1000x128xf32>
    %concatenate3A = tpu.concatenate %add3A_14, %add3A_28, %add3A_42, %add3A_56 in 1 : vector<1000x128xf32>, vector<1000x128xf32>, vector<1000x128xf32>, vector<1000x128xf32> -> vector<1000x512xf32>
    %get3A_57 = arith.constant 0 : index
    %get3A_58 = arith.constant 0 : index
    %get3A_59 = vector.load %arg4[%get3A_57, %get3A_58] : memref<1000x1xi32, #tpu.memory_space<vmem>>, vector<1000x1xi32>
    %squeeze3A = vector.shape_cast %get3A_59 : vector<1000x1xi32> to vector<1000xi32>
    %broadcast_in_dim3A_60 = vector.shape_cast %squeeze3A : vector<1000xi32> to vector<1x1000xi32>
    %iota3A = tpu.iota {dimensions = array<i32: 0>} : vector<64x1000xi32>
    %eq3A_61 = vector.broadcast %broadcast_in_dim3A_60 : vector<1x1000xi32> to vector<64x1000xi32>
    %eq3A_62 = arith.cmpi eq, %eq3A_61, %iota3A : vector<64x1000xi32>
    %convert_element_type3A_63 = arith.extui %eq3A_62 : vector<64x1000xi1> to vector<64x1000xi32>
    %convert_element_type3A_64 = arith.sitofp %convert_element_type3A_63 : vector<64x1000xi32> to vector<64x1000xf32>
    %get3A_65 = arith.constant 0 : index
    %get3A_66 = arith.constant 0 : index
    %get3A_67 = vector.load %arg7[%get3A_65, %get3A_66] : memref<64x512xf32, #tpu.memory_space<vmem>>, vector<64x512xf32>
    %dot_general3A = arith.constant dense<0.000000e+00> : vector<64x512xf32>
    %dot_general3A_68 = tpu.matmul %convert_element_type3A_64, %concatenate3A, %dot_general3A {dimension_numbers = #tpu.dot_dimension_numbers<[1], [0], [0], [1], [0, 0, 1, 1], [], []>, precision = #tpu.contract_precision<fp32>, transpose_lhs_hint = false} : vector<64x1000xf32>, vector<1000x512xf32>, vector<64x512xf32> -> vector<64x512xf32>
    %add3A_69 = arith.addf %get3A_67, %dot_general3A_68 : vector<64x512xf32>
    %swap3A = arith.constant 0 : index
    %swap3A_70 = arith.constant 0 : index
    %swap3A_71 = vector.load %arg7[%swap3A, %swap3A_70] : memref<64x512xf32, #tpu.memory_space<vmem>>, vector<64x512xf32>
    tpu.vector_store %arg7[%swap3A, %swap3A_70], %add3A_69 {strides = array<i32>} : memref<64x512xf32, #tpu.memory_space<vmem>>, vector<64x512xf32>,
    %get3A_72 = arith.constant 0 : index
    %get3A_73 = arith.constant 0 : index
    %get3A_74 = vector.load %arg8[%get3A_72, %get3A_73] : memref<64x1xf32, #tpu.memory_space<vmem>>, vector<64x1xf32>
    %reduce_sum3A = arith.constant dense<0.000000e+00> : vector<64xf32>
    %reduce_sum3A_75 = vector.multi_reduction <add>, %convert_element_type3A_64, %reduce_sum3A [1] : vector<64x1000xf32> to vector<64xf32>
    %broadcast_in_dim3A_76 = vector.shape_cast %reduce_sum3A_75 : vector<64xf32> to vector<64x1xf32>
    %add3A_77 = arith.addf %get3A_74, %broadcast_in_dim3A_76 : vector<64x1xf32>
    %swap3A_78 = arith.constant 0 : index
    %swap3A_79 = arith.constant 0 : index
    %swap3A_80 = vector.load %arg8[%swap3A_78, %swap3A_79] : memref<64x1xf32, #tpu.memory_space<vmem>>, vector<64x1xf32>
    tpu.vector_store %arg8[%swap3A_78, %swap3A_79], %add3A_77 {strides = array<i32>} : memref<64x1xf32, #tpu.memory_space<vmem>>, vector<64x1xf32>,
    %get3A_81 = arith.constant 0 : index
    %get3A_82 = arith.constant 0 : index
    %get3A_83 = vector.load %arg4[%get3A_81, %get3A_82] : memref<1000x1xi32, #tpu.memory_space<vmem>>, vector<1x1xi32>
    %get3A_84 = vector.extract %get3A_83[0, 0] : i32 from vector<1x1xi32>
    %get3A_85 = arith.constant 999 : index
    %get3A_86 = arith.constant 0 : index
    %get3A_87 = vector.load %arg4[%get3A_85, %get3A_86] : memref<1000x1xi32, #tpu.memory_space<vmem>>, vector<1x1xi32>
    %get3A_88 = vector.extract %get3A_87[0, 0] : i32 from vector<1x1xi32>
    %add3A_89 = arith.constant 1 : i32
    %add3A_90 = arith.addi %get3A_88, %add3A_89 : i32
    %while3A = arith.constant 0 : i32
    %while3A_91 = arith.subi %add3A_90, %get3A_84 : i32
    %while3A_92 = arith.addi %get3A_84, %while3A_91 : i32
    %while3A_93 = arith.constant 1 : i32
    %while3A_94 = arith.divsi %while3A_91, %while3A_93 : i32
    %while3A_95 = arith.muli %while3A_94, %while3A_93 : i32
    %while3A_96 = arith.addi %get3A_84, %while3A_95 : i32
    %while3A_97 = arith.constant 1 : i32
    scf.for %while3A_104 = %get3A_84 to %while3A_96 step %while3A_97  : i32 {
      %eq3A_105 = vector.broadcast %while3A_104 : i32 to vector<1000xi32>
      %eq3A_106 = arith.cmpi eq, %squeeze3A, %eq3A_105 : vector<1000xi32>
      %broadcast_in_dim3A_107 = vector.shape_cast %eq3A_106 : vector<1000xi1> to vector<1000x1xi1>
      %jit3A = arith.constant 0xFF800000 : f32
      %broadcast_in_dim3A_108 = vector.shape_cast %broadcast_in_dim3A_107 : vector<1000x1xi1> to vector<1000x1xi1>
      %broadcast_in_dim3A_109 = vector.broadcast %broadcast_in_dim3A_108 : vector<1000x1xi1> to vector<1000x512xi1>
      %broadcast_in_dim3A_110 = vector.broadcast %jit3A : f32 to vector<1000x512xf32>
      %select_n3A = arith.select %broadcast_in_dim3A_109, %concatenate3A, %broadcast_in_dim3A_110 : vector<1000x512xi1>, vector<1000x512xf32>
      %reduce_max3A = arith.constant dense<0xFF800000> : vector<512xf32>
      %reduce_max3A_111 = vector.multi_reduction <maximumf>, %select_n3A, %reduce_max3A [0] : vector<1000x512xf32> to vector<512xf32>
      %broadcast_in_dim3A_112 = vector.shape_cast %reduce_max3A_111 : vector<512xf32> to vector<1x512xf32>
      %get3A_113 = arith.index_cast %while3A_104 : i32 to index
      %get3A_114 = arith.constant 0 : index
      %get3A_115 = vector.load %arg6[%get3A_113, %get3A_114] : memref<64x512xf32, #tpu.memory_space<vmem>>, vector<1x512xf32>
      %max3A = arith.maximumf %get3A_115, %broadcast_in_dim3A_112 : vector<1x512xf32>
      %swap3A_116 = arith.index_cast %while3A_104 : i32 to index
      %swap3A_117 = arith.constant 0 : index
      %swap3A_118 = vector.load %arg6[%swap3A_116, %swap3A_117] : memref<64x512xf32, #tpu.memory_space<vmem>>, vector<1x512xf32>
      tpu.vector_store %arg6[%swap3A_116, %swap3A_117], %max3A {strides = array<i32>} : memref<64x512xf32, #tpu.memory_space<vmem>>, vector<1x512xf32>,
    }
    %while3A_98 = arith.constant 1 : i32
    scf.for %while3A_104 = %while3A_96 to %while3A_92 step %while3A_98  : i32 {
      %eq3A_105 = vector.broadcast %while3A_104 : i32 to vector<1000xi32>
      %eq3A_106 = arith.cmpi eq, %squeeze3A, %eq3A_105 : vector<1000xi32>
      %broadcast_in_dim3A_107 = vector.shape_cast %eq3A_106 : vector<1000xi1> to vector<1000x1xi1>
      %jit3A = arith.constant 0xFF800000 : f32
      %broadcast_in_dim3A_108 = vector.shape_cast %broadcast_in_dim3A_107 : vector<1000x1xi1> to vector<1000x1xi1>
      %broadcast_in_dim3A_109 = vector.broadcast %broadcast_in_dim3A_108 : vector<1000x1xi1> to vector<1000x512xi1>
      %broadcast_in_dim3A_110 = vector.broadcast %jit3A : f32 to vector<1000x512xf32>
      %select_n3A = arith.select %broadcast_in_dim3A_109, %concatenate3A, %broadcast_in_dim3A_110 : vector<1000x512xi1>, vector<1000x512xf32>
      %reduce_max3A = arith.constant dense<0xFF800000> : vector<512xf32>
      %reduce_max3A_111 = vector.multi_reduction <maximumf>, %select_n3A, %reduce_max3A [0] : vector<1000x512xf32> to vector<512xf32>
      %broadcast_in_dim3A_112 = vector.shape_cast %reduce_max3A_111 : vector<512xf32> to vector<1x512xf32>
      %get3A_113 = arith.index_cast %while3A_104 : i32 to index
      %get3A_114 = arith.constant 0 : index
      %get3A_115 = vector.load %arg6[%get3A_113, %get3A_114] : memref<64x512xf32, #tpu.memory_space<vmem>>, vector<1x512xf32>
      %max3A = arith.maximumf %get3A_115, %broadcast_in_dim3A_112 : vector<1x512xf32>
      %swap3A_116 = arith.index_cast %while3A_104 : i32 to index
      %swap3A_117 = arith.constant 0 : index
      %swap3A_118 = vector.load %arg6[%swap3A_116, %swap3A_117] : memref<64x512xf32, #tpu.memory_space<vmem>>, vector<1x512xf32>
      tpu.vector_store %arg6[%swap3A_116, %swap3A_117], %max3A {strides = array<i32>} : memref<64x512xf32, #tpu.memory_space<vmem>>, vector<1x512xf32>,
    }
    %eq3A_99 = arith.constant 9 : i32
    %eq3A_100 = arith.cmpi eq, %arg0, %eq3A_99 : i32
    %convert_element_type3A_101 = arith.extui %eq3A_100 : i1 to i32
    %cond3A_102 = arith.constant 0 : i32
    %cond3A_103 = arith.cmpi ne, %convert_element_type3A_101, %cond3A_102 : i32
    scf.if %cond3A_103 {
      %get3A_104 = arith.constant 0 : index
      %get3A_105 = arith.constant 0 : index
      %get3A_106 = vector.load %arg8[%get3A_104, %get3A_105] : memref<64x1xf32, #tpu.memory_space<vmem>>, vector<64x1xf32>
      %gt3A = arith.constant 0.000000e+00 : f32
      %gt3A_107 = vector.broadcast %gt3A : f32 to vector<64x1xf32>
      %gt3A_108 = arith.cmpf ogt, %get3A_106, %gt3A_107 : vector<64x1xf32>
      %get3A_109 = arith.constant 0 : index
      %get3A_110 = arith.constant 0 : index
      %get3A_111 = vector.load %arg6[%get3A_109, %get3A_110] : memref<64x512xf32, #tpu.memory_space<vmem>>, vector<64x512xf32>
      %jit3A = arith.constant 0.000000e+00 : f32
      %broadcast_in_dim3A_112 = vector.shape_cast %gt3A_108 : vector<64x1xi1> to vector<64x1xi1>
      %broadcast_in_dim3A_113 = vector.broadcast %broadcast_in_dim3A_112 : vector<64x1xi1> to vector<64x512xi1>
      %broadcast_in_dim3A_114 = vector.broadcast %jit3A : f32 to vector<64x512xf32>
      %select_n3A = arith.select %broadcast_in_dim3A_113, %get3A_111, %broadcast_in_dim3A_114 : vector<64x512xi1>, vector<64x512xf32>
      %swap3A_115 = arith.constant 0 : index
      %swap3A_116 = arith.constant 0 : index
      %swap3A_117 = vector.load %arg5[%swap3A_115, %swap3A_116] : memref<64x1024xf32, #tpu.memory_space<vmem>>, vector<64x512xf32>
      tpu.vector_store %arg5[%swap3A_115, %swap3A_116], %select_n3A {strides = array<i32>} : memref<64x1024xf32, #tpu.memory_space<vmem>>, vector<64x512xf32>,
      %get3A_118 = arith.constant 0 : index
      %get3A_119 = arith.constant 0 : index
      %get3A_120 = vector.load %arg7[%get3A_118, %get3A_119] : memref<64x512xf32, #tpu.memory_space<vmem>>, vector<64x512xf32>
      %max3A = arith.constant 1.000000e+00 : f32
      %max3A_121 = vector.broadcast %max3A : f32 to vector<64x1xf32>
      %max3A_122 = arith.maximumf %get3A_106, %max3A_121 : vector<64x1xf32>
      %div3A = vector.broadcast %max3A_122 : vector<64x1xf32> to vector<64x512xf32>
      %div3A_123 = arith.divf %get3A_120, %div3A : vector<64x512xf32>
      %swap3A_124 = arith.constant 0 : index
      %swap3A_125 = arith.constant 512 : index
      %swap3A_126 = vector.load %arg5[%swap3A_124, %swap3A_125] : memref<64x1024xf32, #tpu.memory_space<vmem>>, vector<64x512xf32>
      tpu.vector_store %arg5[%swap3A_124, %swap3A_125], %div3A_123 {strides = array<i32>} : memref<64x1024xf32, #tpu.memory_space<vmem>>, vector<64x512xf32>,
    } else {
    }
    return
  }
  func.func @transform_0(%arg0: i32) -> (i32, i32, i32) {
    %c0_i32 = arith.constant 0 : i32
    %c0_i32_0 = arith.constant 0 : i32
    %c0_i32_1 = arith.constant 0 : i32
    return %c0_i32, %arg0, %c0_i32_0 : i32, i32, i32
  }
  func.func @transform_1(%arg0: i32) -> (i32, i32) {
    %c0_i32 = arith.constant 0 : i32
    %c0_i32_0 = arith.constant 0 : i32
    return %arg0, %c0_i32 : i32, i32
  }
  func.func @transform_2(%arg0: i32) -> (i32, i32) {
    %c0_i32 = arith.constant 0 : i32
    %c0_i32_0 = arith.constant 0 : i32
    %c0_i32_1 = arith.constant 0 : i32
    return %c0_i32, %c0_i32_0 : i32, i32
  }
  func.func @transform_3(%arg0: i32) -> (i32, i32) {
    %c0_i32 = arith.constant 0 : i32
    %c0_i32_0 = arith.constant 0 : i32
    return %arg0, %c0_i32 : i32, i32
  }
  func.func @transform_4(%arg0: i32) -> (i32, i32) {
    %c0_i32 = arith.constant 0 : i32
    %c0_i32_0 = arith.constant 0 : i32
    %c0_i32_1 = arith.constant 0 : i32
    return %c0_i32, %c0_i32_0 : i32, i32
  }
}

module attributes {stable_mosaic.version = 14 : i64} {
  func.func @_head_body(%arg0: i32, %arg1: memref<64x1024xf32, #tpu.memory_space<vmem>>, %arg2: memref<1024x512xf32, #tpu.memory_space<vmem>>, %arg3: memref<1x512xf32, #tpu.memory_space<vmem>>, %arg4: memref<1x512xf32, #tpu.memory_space<vmem>>, %arg5: memref<1x512xf32, #tpu.memory_space<vmem>>, %arg6: memref<512x256xf32, #tpu.memory_space<vmem>>, %arg7: memref<1x256xf32, #tpu.memory_space<vmem>>, %arg8: memref<1x256xf32, #tpu.memory_space<vmem>>, %arg9: memref<1x256xf32, #tpu.memory_space<vmem>>, %arg10: memref<256x128xf32, #tpu.memory_space<vmem>>, %arg11: memref<1x128xf32, #tpu.memory_space<vmem>>, %arg12: memref<64x128xf32, #tpu.memory_space<vmem>>) attributes {dimension_semantics = [#tpu.dimension_semantics<arbitrary>], iteration_bounds = array<i64: 1>, scalar_prefetch = 0 : i64, scratch_operands = 0 : i64, tpu.core_type = #tpu.core_type<tc>, window_params = [{pipeline_mode = #tpu.pipeline_mode<synchronous>, transform_indices = @transform_0, window_bounds = array<i64: 64, 1024>}, {pipeline_mode = #tpu.pipeline_mode<synchronous>, transform_indices = @transform_1, window_bounds = array<i64: 1024, 512>}, {pipeline_mode = #tpu.pipeline_mode<synchronous>, transform_indices = @transform_2, window_bounds = array<i64: 1, 512>}, {pipeline_mode = #tpu.pipeline_mode<synchronous>, transform_indices = @transform_3, window_bounds = array<i64: 1, 512>}, {pipeline_mode = #tpu.pipeline_mode<synchronous>, transform_indices = @transform_4, window_bounds = array<i64: 1, 512>}, {pipeline_mode = #tpu.pipeline_mode<synchronous>, transform_indices = @transform_5, window_bounds = array<i64: 512, 256>}, {pipeline_mode = #tpu.pipeline_mode<synchronous>, transform_indices = @transform_6, window_bounds = array<i64: 1, 256>}, {pipeline_mode = #tpu.pipeline_mode<synchronous>, transform_indices = @transform_7, window_bounds = array<i64: 1, 256>}, {pipeline_mode = #tpu.pipeline_mode<synchronous>, transform_indices = @transform_8, window_bounds = array<i64: 1, 256>}, {pipeline_mode = #tpu.pipeline_mode<synchronous>, transform_indices = @transform_9, window_bounds = array<i64: 256, 128>}, {pipeline_mode = #tpu.pipeline_mode<synchronous>, transform_indices = @transform_10, window_bounds = array<i64: 1, 128>}, {pipeline_mode = #tpu.pipeline_mode<synchronous>, transform_indices = @transform_11, window_bounds = array<i64: 64, 128>}]} {
    %get3A = arith.constant 0 : index
    %get3A_0 = arith.constant 0 : index
    %get3A_1 = vector.load %arg1[%get3A, %get3A_0] : memref<64x1024xf32, #tpu.memory_space<vmem>>, vector<64x1024xf32>
    %get3A_2 = arith.constant 0 : index
    %get3A_3 = arith.constant 0 : index
    %get3A_4 = vector.load %arg2[%get3A_2, %get3A_3] : memref<1024x512xf32, #tpu.memory_space<vmem>>, vector<1024x512xf32>
    %dot_general3A = arith.constant dense<0.000000e+00> : vector<64x512xf32>
    %dot_general3A_5 = tpu.matmul %get3A_1, %get3A_4, %dot_general3A {dimension_numbers = #tpu.dot_dimension_numbers<[1], [0], [0], [1], [0, 0, 1, 1], [], []>, transpose_lhs_hint = false} : vector<64x1024xf32>, vector<1024x512xf32>, vector<64x512xf32> -> vector<64x512xf32>
    %get3A_6 = arith.constant 0 : index
    %get3A_7 = arith.constant 0 : index
    %get3A_8 = vector.load %arg3[%get3A_6, %get3A_7] : memref<1x512xf32, #tpu.memory_space<vmem>>, vector<1x512xf32>
    %add3A = vector.broadcast %get3A_8 : vector<1x512xf32> to vector<64x512xf32>
    %add3A_9 = arith.addf %dot_general3A_5, %add3A : vector<64x512xf32>
    %reduce_sum3A = arith.constant dense<0.000000e+00> : vector<512xf32>
    %reduce_sum3A_10 = vector.multi_reduction <add>, %add3A_9, %reduce_sum3A [0] : vector<64x512xf32> to vector<512xf32>
    %broadcast_in_dim3A = vector.shape_cast %reduce_sum3A_10 : vector<512xf32> to vector<1x512xf32>
    %div3A = arith.constant 6.400000e+01 : f32
    %div3A_11 = vector.broadcast %div3A : f32 to vector<1x512xf32>
    %div3A_12 = arith.divf %broadcast_in_dim3A, %div3A_11 : vector<1x512xf32>
    %sub3A = vector.broadcast %div3A_12 : vector<1x512xf32> to vector<64x512xf32>
    %sub3A_13 = arith.subf %add3A_9, %sub3A : vector<64x512xf32>
    %integer_pow3A = arith.mulf %sub3A_13, %sub3A_13 : vector<64x512xf32>
    %reduce_sum3A_14 = arith.constant dense<0.000000e+00> : vector<512xf32>
    %reduce_sum3A_15 = vector.multi_reduction <add>, %integer_pow3A, %reduce_sum3A_14 [0] : vector<64x512xf32> to vector<512xf32>
    %broadcast_in_dim3A_16 = vector.shape_cast %reduce_sum3A_15 : vector<512xf32> to vector<1x512xf32>
    %div3A_17 = arith.constant 6.400000e+01 : f32
    %div3A_18 = vector.broadcast %div3A_17 : f32 to vector<1x512xf32>
    %div3A_19 = arith.divf %broadcast_in_dim3A_16, %div3A_18 : vector<1x512xf32>
    %get3A_20 = arith.constant 0 : index
    %get3A_21 = arith.constant 0 : index
    %get3A_22 = vector.load %arg4[%get3A_20, %get3A_21] : memref<1x512xf32, #tpu.memory_space<vmem>>, vector<1x512xf32>
    %sub3A_23 = vector.broadcast %div3A_12 : vector<1x512xf32> to vector<64x512xf32>
    %sub3A_24 = arith.subf %add3A_9, %sub3A_23 : vector<64x512xf32>
    %mul3A = vector.broadcast %get3A_22 : vector<1x512xf32> to vector<64x512xf32>
    %mul3A_25 = arith.mulf %mul3A, %sub3A_24 : vector<64x512xf32>
    %add3A_26 = arith.constant 9.99999974E-6 : f32
    %add3A_27 = vector.broadcast %add3A_26 : f32 to vector<1x512xf32>
    %add3A_28 = arith.addf %div3A_19, %add3A_27 : vector<1x512xf32>
    %sqrt3A = math.sqrt %add3A_28 : vector<1x512xf32>
    %div3A_29 = vector.broadcast %sqrt3A : vector<1x512xf32> to vector<64x512xf32>
    %div3A_30 = arith.divf %mul3A_25, %div3A_29 : vector<64x512xf32>
    %get3A_31 = arith.constant 0 : index
    %get3A_32 = arith.constant 0 : index
    %get3A_33 = vector.load %arg5[%get3A_31, %get3A_32] : memref<1x512xf32, #tpu.memory_space<vmem>>, vector<1x512xf32>
    %add3A_34 = vector.broadcast %get3A_33 : vector<1x512xf32> to vector<64x512xf32>
    %add3A_35 = arith.addf %div3A_30, %add3A_34 : vector<64x512xf32>
    %max3A = arith.constant 0.000000e+00 : f32
    %max3A_36 = vector.broadcast %max3A : f32 to vector<64x512xf32>
    %max3A_37 = arith.maximumf %add3A_35, %max3A_36 : vector<64x512xf32>
    %get3A_38 = arith.constant 0 : index
    %get3A_39 = arith.constant 0 : index
    %get3A_40 = vector.load %arg6[%get3A_38, %get3A_39] : memref<512x256xf32, #tpu.memory_space<vmem>>, vector<512x256xf32>
    %dot_general3A_41 = arith.constant dense<0.000000e+00> : vector<64x256xf32>
    %dot_general3A_42 = tpu.matmul %max3A_37, %get3A_40, %dot_general3A_41 {dimension_numbers = #tpu.dot_dimension_numbers<[1], [0], [0], [1], [0, 0, 1, 1], [], []>, transpose_lhs_hint = false} : vector<64x512xf32>, vector<512x256xf32>, vector<64x256xf32> -> vector<64x256xf32>
    %get3A_43 = arith.constant 0 : index
    %get3A_44 = arith.constant 0 : index
    %get3A_45 = vector.load %arg7[%get3A_43, %get3A_44] : memref<1x256xf32, #tpu.memory_space<vmem>>, vector<1x256xf32>
    %add3A_46 = vector.broadcast %get3A_45 : vector<1x256xf32> to vector<64x256xf32>
    %add3A_47 = arith.addf %dot_general3A_42, %add3A_46 : vector<64x256xf32>
    %reduce_sum3A_48 = arith.constant dense<0.000000e+00> : vector<256xf32>
    %reduce_sum3A_49 = vector.multi_reduction <add>, %add3A_47, %reduce_sum3A_48 [0] : vector<64x256xf32> to vector<256xf32>
    %broadcast_in_dim3A_50 = vector.shape_cast %reduce_sum3A_49 : vector<256xf32> to vector<1x256xf32>
    %div3A_51 = arith.constant 6.400000e+01 : f32
    %div3A_52 = vector.broadcast %div3A_51 : f32 to vector<1x256xf32>
    %div3A_53 = arith.divf %broadcast_in_dim3A_50, %div3A_52 : vector<1x256xf32>
    %sub3A_54 = vector.broadcast %div3A_53 : vector<1x256xf32> to vector<64x256xf32>
    %sub3A_55 = arith.subf %add3A_47, %sub3A_54 : vector<64x256xf32>
    %integer_pow3A_56 = arith.mulf %sub3A_55, %sub3A_55 : vector<64x256xf32>
    %reduce_sum3A_57 = arith.constant dense<0.000000e+00> : vector<256xf32>
    %reduce_sum3A_58 = vector.multi_reduction <add>, %integer_pow3A_56, %reduce_sum3A_57 [0] : vector<64x256xf32> to vector<256xf32>
    %broadcast_in_dim3A_59 = vector.shape_cast %reduce_sum3A_58 : vector<256xf32> to vector<1x256xf32>
    %div3A_60 = arith.constant 6.400000e+01 : f32
    %div3A_61 = vector.broadcast %div3A_60 : f32 to vector<1x256xf32>
    %div3A_62 = arith.divf %broadcast_in_dim3A_59, %div3A_61 : vector<1x256xf32>
    %get3A_63 = arith.constant 0 : index
    %get3A_64 = arith.constant 0 : index
    %get3A_65 = vector.load %arg8[%get3A_63, %get3A_64] : memref<1x256xf32, #tpu.memory_space<vmem>>, vector<1x256xf32>
    %sub3A_66 = vector.broadcast %div3A_53 : vector<1x256xf32> to vector<64x256xf32>
    %sub3A_67 = arith.subf %add3A_47, %sub3A_66 : vector<64x256xf32>
    %mul3A_68 = vector.broadcast %get3A_65 : vector<1x256xf32> to vector<64x256xf32>
    %mul3A_69 = arith.mulf %mul3A_68, %sub3A_67 : vector<64x256xf32>
    %add3A_70 = arith.constant 9.99999974E-6 : f32
    %add3A_71 = vector.broadcast %add3A_70 : f32 to vector<1x256xf32>
    %add3A_72 = arith.addf %div3A_62, %add3A_71 : vector<1x256xf32>
    %sqrt3A_73 = math.sqrt %add3A_72 : vector<1x256xf32>
    %div3A_74 = vector.broadcast %sqrt3A_73 : vector<1x256xf32> to vector<64x256xf32>
    %div3A_75 = arith.divf %mul3A_69, %div3A_74 : vector<64x256xf32>
    %get3A_76 = arith.constant 0 : index
    %get3A_77 = arith.constant 0 : index
    %get3A_78 = vector.load %arg9[%get3A_76, %get3A_77] : memref<1x256xf32, #tpu.memory_space<vmem>>, vector<1x256xf32>
    %add3A_79 = vector.broadcast %get3A_78 : vector<1x256xf32> to vector<64x256xf32>
    %add3A_80 = arith.addf %div3A_75, %add3A_79 : vector<64x256xf32>
    %max3A_81 = arith.constant 0.000000e+00 : f32
    %max3A_82 = vector.broadcast %max3A_81 : f32 to vector<64x256xf32>
    %max3A_83 = arith.maximumf %add3A_80, %max3A_82 : vector<64x256xf32>
    %get3A_84 = arith.constant 0 : index
    %get3A_85 = arith.constant 0 : index
    %get3A_86 = vector.load %arg10[%get3A_84, %get3A_85] : memref<256x128xf32, #tpu.memory_space<vmem>>, vector<256x128xf32>
    %dot_general3A_87 = arith.constant dense<0.000000e+00> : vector<64x128xf32>
    %dot_general3A_88 = tpu.matmul %max3A_83, %get3A_86, %dot_general3A_87 {dimension_numbers = #tpu.dot_dimension_numbers<[1], [0], [0], [1], [0, 0, 1, 1], [], []>, transpose_lhs_hint = false} : vector<64x256xf32>, vector<256x128xf32>, vector<64x128xf32> -> vector<64x128xf32>
    %get3A_89 = arith.constant 0 : index
    %get3A_90 = arith.constant 0 : index
    %get3A_91 = vector.load %arg11[%get3A_89, %get3A_90] : memref<1x128xf32, #tpu.memory_space<vmem>>, vector<1x128xf32>
    %add3A_92 = vector.broadcast %get3A_91 : vector<1x128xf32> to vector<64x128xf32>
    %add3A_93 = arith.addf %dot_general3A_88, %add3A_92 : vector<64x128xf32>
    %swap3A = arith.constant 0 : index
    %swap3A_94 = arith.constant 0 : index
    %swap3A_95 = vector.load %arg12[%swap3A, %swap3A_94] : memref<64x128xf32, #tpu.memory_space<vmem>>, vector<64x128xf32>
    tpu.vector_store %arg12[%swap3A, %swap3A_94], %add3A_93 {strides = array<i32>} : memref<64x128xf32, #tpu.memory_space<vmem>>, vector<64x128xf32>,
    return
  }
  func.func @transform_0(%arg0: i32) -> (i32, i32) {
    %c0_i32 = arith.constant 0 : i32
    %c0_i32_0 = arith.constant 0 : i32
    %c0_i32_1 = arith.constant 0 : i32
    return %c0_i32, %c0_i32_0 : i32, i32
  }
  func.func @transform_1(%arg0: i32) -> (i32, i32) {
    %c0_i32 = arith.constant 0 : i32
    %c0_i32_0 = arith.constant 0 : i32
    %c0_i32_1 = arith.constant 0 : i32
    return %c0_i32, %c0_i32_0 : i32, i32
  }
  func.func @transform_2(%arg0: i32) -> (i32, i32) {
    %c0_i32 = arith.constant 0 : i32
    %c0_i32_0 = arith.constant 0 : i32
    %c0_i32_1 = arith.constant 0 : i32
    return %c0_i32, %c0_i32_0 : i32, i32
  }
  func.func @transform_3(%arg0: i32) -> (i32, i32) {
    %c0_i32 = arith.constant 0 : i32
    %c0_i32_0 = arith.constant 0 : i32
    %c0_i32_1 = arith.constant 0 : i32
    return %c0_i32, %c0_i32_0 : i32, i32
  }
  func.func @transform_4(%arg0: i32) -> (i32, i32) {
    %c0_i32 = arith.constant 0 : i32
    %c0_i32_0 = arith.constant 0 : i32
    %c0_i32_1 = arith.constant 0 : i32
    return %c0_i32, %c0_i32_0 : i32, i32
  }
  func.func @transform_5(%arg0: i32) -> (i32, i32) {
    %c0_i32 = arith.constant 0 : i32
    %c0_i32_0 = arith.constant 0 : i32
    %c0_i32_1 = arith.constant 0 : i32
    return %c0_i32, %c0_i32_0 : i32, i32
  }
  func.func @transform_6(%arg0: i32) -> (i32, i32) {
    %c0_i32 = arith.constant 0 : i32
    %c0_i32_0 = arith.constant 0 : i32
    %c0_i32_1 = arith.constant 0 : i32
    return %c0_i32, %c0_i32_0 : i32, i32
  }
  func.func @transform_7(%arg0: i32) -> (i32, i32) {
    %c0_i32 = arith.constant 0 : i32
    %c0_i32_0 = arith.constant 0 : i32
    %c0_i32_1 = arith.constant 0 : i32
    return %c0_i32, %c0_i32_0 : i32, i32
  }
  func.func @transform_8(%arg0: i32) -> (i32, i32) {
    %c0_i32 = arith.constant 0 : i32
    %c0_i32_0 = arith.constant 0 : i32
    %c0_i32_1 = arith.constant 0 : i32
    return %c0_i32, %c0_i32_0 : i32, i32
  }
  func.func @transform_9(%arg0: i32) -> (i32, i32) {
    %c0_i32 = arith.constant 0 : i32
    %c0_i32_0 = arith.constant 0 : i32
    %c0_i32_1 = arith.constant 0 : i32
    return %c0_i32, %c0_i32_0 : i32, i32
  }
  func.func @transform_10(%arg0: i32) -> (i32, i32) {
    %c0_i32 = arith.constant 0 : i32
    %c0_i32_0 = arith.constant 0 : i32
    %c0_i32_1 = arith.constant 0 : i32
    return %c0_i32, %c0_i32_0 : i32, i32
  }
  func.func @transform_11(%arg0: i32) -> (i32, i32) {
    %c0_i32 = arith.constant 0 : i32
    %c0_i32_0 = arith.constant 0 : i32
    %c0_i32_1 = arith.constant 0 : i32
    return %c0_i32, %c0_i32_0 : i32, i32
  }
}

</mosaic_0001>

<sc_bundles>
// kernel: kernel.12.cloned.1.call-start
scs
__scs_entry_jumppad:
0x0: {  	(pc) =	sbr.rel $0x88, $3  }
0x1: {  	(tag) =	ssettag $0x0;
	lr =	simm.s32 $0x1  }
0x2: {  	[smem:$0x3F8E] =	sst lr;
	_ =	strace $0xD0000000  }
0x3: {  	_ = 	snop  }
0x4: {  	_ = 	snop  }
0x5: {  	_ = 	snop  }
0x6: {  	_ = 	snop  }
0x7: {  	_ = 	snop  }
__scs_overlays_trampoline_lowered:
0x8: {  	[smem:$0x3F9D] =	sst s0  }
0x9: {  	[smem:$0x3F9E] =	sst s1  }
0xa: {  	[smem:$0x3F9F] =	sst s2  }
0xb: {  	[smem:$0x3FA0] =	sst s3  }
0xc: {  	[smem:$0x3FA1] =	sst s4  }
0xd: {  	[smem:$0x3FA2] =	sst s5  }
0xe: {  	[smem:$0x3FA3] =	sst s6  }
0xf: {  	[smem:$0x3FA4] =	sst s7  }
0x10: {  	[smem:$0x3FA5] =	sst s8  }
0x11: {  	[smem:$0x3FA6] =	sst s9;
	s0 =	simm.s32 @!p0 $0x0  }
0x12: {  	s1 =	sld [smem:$0x3F8C];
	s0 =	simm.s32 @p0 $0x1  }
0x13: {  	[smem:$0x3FA7] =	sst s0;
	s0 =	simm.s32 @!p1 $0x0  }
0x14: {  	s2 =	sld [smem:$0x3F8B];
	s0 =	simm.s32 @p1 $0x1  }
0x15: {  	[smem:$0x3FA8] =	sst s0;
	s0 =	simm.s32 @!p2 $0x0  }
0x16: {  	s3 =	sld [smem:$0x3FDB];
	s0 =	simm.s32 @p2 $0x1  }
0x17: {  	s4 =	simm.s32 $0x1BF5;
	[smem:$0x3FAA] =	sst s0  }
0x18: {  	s0 =	sld [smem:$0x3F8D];
	_ =	swait.ge [sflag:s4], $0x0  }
0x19: {  	s7 =	sld [smem:$0x3F8E]  }
0x1a: {  	s8 =	sadd.s32 $0xFFFFE003, lr  }
0x1b: {  	s9 =	sadd.s32 $0xFFFFFEF7, lr;
	s5 =	simm.s32 $0xFFFFFFFF;
	p2 =	slt.u32 s8, $0xFFFFF086  }
0x1c: {  	p1 =	slt.u32 s9, $0xF7A;
	s5 =	simm.s32 @!p2 $0x0  }
0x1d: {  	s5 =	simm.s32 @p1 $0x1;
	p0 =	seq.s32 s7, s2  }
0x1e: {  	s7 =	smul.u32 @!p0 $0xF7A, s2;
	p2 =	seq.s32 @!p0 s5, $0x0  }
0x1f: {  	s9 =	smul.u32 $0xF7A, s1;
	s8 =	simm.s32 @!p0 $0x1BF5;
	p2 =	por !p2, p0  }
0x20: {  	[sflag:s8] =	ssyncset.s32 @!p0 $0xFFFFF086;
	s6 =	sadd.s32 @!p0 s3, s7;
	s7 =	simm.s32 @!p0 $0x108  }
0x21: {  	s3 =	sadd.s32 s3, s9;
	s6 =	sadd.s32 @!p0 $0x88, s6;
	s7 =	simm.s32 @p2 $0x1082  }
0x22: {  	[simem:s7], [sflag:s8] =	dma.local @!p0 [hbm:s6], $0xF7A  }
0x23: {  	s9 =	sor.u32 $0xD0000000, s2;
	s6 =	simm.s32 $0x108;
	_ =	swait.ge @!p0 [sflag:s8], $0x0  }
0x24: {  	s3 =	sadd.s32 $0x88, s3;
	s6 =	simm.s32 @!p1 $0x1082;
	[sflag:s4] =	ssyncset.s32 $0xFFFFF086  }
0x25: {  	[simem:s6], [sflag:s4] =	dma.local [hbm:s3], $0xF7A  }
0x26: {  	[smem:$0x3F8E] =	sst s1;
	(tag) =	ssettag s2;
	_ =	strace s9  }
0x27: {  	s1 =	sld [smem:$0x3F9E]  }
0x28: {  	s2 =	sld [smem:$0x3F9F]  }
0x29: {  	s4 =	sld [smem:$0x3FA1]  }
0x2a: {  	p0 =	seq.s32 s5, $0x0;
	s5 =	sld [smem:$0x3FA2]  }
0x2b: {  	s6 =	sld [smem:$0x3FA3]  }
0x2c: {  	s7 =	sld [smem:$0x3FA4]  }
0x2d: {  	s3 =	simm.s32 $0x108;
	s8 =	sld [smem:$0x3FA5]  }
0x2e: {  	s3 =	simm.s32 @!p0 $0x1082;
	s9 =	sld [smem:$0x3FA6]  }
0x2f: {  	lr =	sadd.s32 s0, s3;
	s0 =	sld [smem:$0x3F9D]  }
0x30: {  	s3 =	sld [smem:$0x3FA0]  }
0x31: {  	[smem:$0x3FA9] =	sst s10  }
0x32: {  	s10 =	sld [smem:$0x3FA7];
	_ =	sdelay $0x3  }
0x33: {  	p0 =	seq.s32 s10, $0x1;
	s10 =	sld [smem:$0x3FA9];
	_ =	sdelay $0x3  }
0x34: {  	[smem:$0x3FA9] =	sst s10  }
0x35: {  	s10 =	sld [smem:$0x3FA8];
	_ =	sdelay $0x3  }
0x36: {  	p1 =	seq.s32 s10, $0x1;
	s10 =	sld [smem:$0x3FA9];
	_ =	sdelay $0x3  }
0x37: {  	[smem:$0x3FA9] =	sst s10  }
0x38: {  	s10 =	sld [smem:$0x3FAA]  }
0x39: {  	_ = 	snop;
	(pc) =	sbr.ind lr, $3  }
0x3a: {  	_ = 	snop  }
0x3b: {  	_ = 	snop  }
0x3c: {  	p2 =	seq.s32 s10, $0x1;
	s10 =	sld [smem:$0x3FA9]  }
0x3d: {  	_ =	shalt  }
0x3e: {  	_ =	shalt  }
0x3f: {  	_ =	shalt  }
0x40: {  	_ =	shalt  }
0x41: {  	_ =	shalt  }
0x42: {  	_ =	shalt  }
0x43: {  	_ =	shalt  }
0x44: {  	_ =	shalt  }
0x45: {  	_ =	shalt  }
0x46: {  	_ =	shalt  }
0x47: {  	_ =	shalt  }
0x48: {  	_ =	shalt  }
0x49: {  	_ =	shalt  }
0x4a: {  	_ =	shalt  }
0x4b: {  	_ =	shalt  }
0x4c: {  	_ =	shalt  }
0x4d: {  	_ =	shalt  }
0x4e: {  	_ =	shalt  }
0x4f: {  	_ =	shalt  }
0x50: {  	_ =	shalt  }
0x51: {  	_ =	shalt  }
0x52: {  	_ =	shalt  }
0x53: {  	_ =	shalt  }
0x54: {  	_ =	shalt  }
0x55: {  	_ =	shalt  }
0x56: {  	_ =	shalt  }
0x57: {  	_ =	shalt  }
0x58: {  	_ =	shalt  }
0x59: {  	_ =	shalt  }
0x5a: {  	_ =	shalt  }
0x5b: {  	_ =	shalt  }
0x5c: {  	_ =	shalt  }
0x5d: {  	_ =	shalt  }
0x5e: {  	_ =	shalt  }
0x5f: {  	_ =	shalt  }
0x60: {  	_ =	shalt  }
0x61: {  	_ =	shalt  }
0x62: {  	_ =	shalt  }
0x63: {  	_ =	shalt  }
0x64: {  	_ =	shalt  }
0x65: {  	_ =	shalt  }
0x66: {  	_ =	shalt  }
0x67: {  	_ =	shalt  }
0x68: {  	_ =	shalt  }
0x69: {  	_ =	shalt  }
0x6a: {  	_ =	shalt  }
0x6b: {  	_ =	shalt  }
0x6c: {  	_ =	shalt  }
0x6d: {  	_ =	shalt  }
0x6e: {  	_ =	shalt  }
0x6f: {  	_ =	shalt  }
0x70: {  	_ =	shalt  }
0x71: {  	_ =	shalt  }
0x72: {  	_ =	shalt  }
0x73: {  	_ =	shalt  }
0x74: {  	_ =	shalt  }
0x75: {  	_ =	shalt  }
0x76: {  	_ =	shalt  }
0x77: {  	_ =	shalt  }
0x78: {  	_ =	shalt  }
0x79: {  	_ =	shalt  }
0x7a: {  	_ =	shalt  }
0x7b: {  	_ =	shalt  }
0x7c: {  	_ =	shalt  }
0x7d: {  	_ =	shalt  }
0x7e: {  	_ =	shalt  }
0x7f: {  	_ =	shalt  }
0x80: {  	_ =	shalt  }
0x81: {  	_ =	shalt  }
0x82: {  	_ =	shalt  }
0x83: {  	_ =	shalt  }
0x84: {  	_ =	shalt  }
0x85: {  	_ =	shalt  }
0x86: {  	_ =	shalt  }
0x87: {  	_ =	shalt  }
.Lfunc_end0:
.L_simem_size_0:
called_computation_lowered:
.L_overlay_start_0:
0x88: {  	s2 =	sld [smem:$0x3FD9]  }
0x89: {  	s3 =	sld [smem:$0x3FFE];
	_ =	sdelay $0x1  }
0x8a: {  	s1 =	srdreg.scid  }
0x8b: {  	s0 =	sand.u32 $0x1, s1  }
0x8c: {  	s16 =	sshll.u32 s0, $0xA;
	s2 =	sadd.s32 s3, s2  }
0x8d: {  	s2 =	sadd.s32 s2, s16  }
0x8e: {  	[smem:$0x3FB5] =	sst s2  }
0x8f: {  	_ = 	snop  }
0x90: {  	(tm) =	ssettm $0x1  }
0x91: {  	s17 =	sld [smem:$0x3FFB];
	_ =	sdelay $0x3  }
0x92: {  	_ =	strace s17  }
0x93: {  	s2 =	sld [smem:$0x3FFC];
	_ =	sdelay $0x3  }
0x94: {  	_ =	strace s2  }
0x95: {  	s2 =	sld [smem:$0x3FFD];
	_ =	sdelay $0x3  }
0x96: {  	_ =	strace s2  }
0x97: {  	_ =	strace $0x8FFFFFFF  }
0x98: {  	s18 =	sld [smem:$0x3FDB];
	_ =	sdelay $0x1  }
0x99: {  	s19 =	simm.s32 $_scs_section_size  }
0x9a: {  	s4 =	simm.s32 $_size__tile_overlayer_lowered;
	s5 =	simm.s32 $_tile_overlayer_lowered  }
0x9b: {  	s22 =	simm.s32 $0x1BFF;
	s21 =	sshll.u32 s5, $0x1;
	s2 =	sadd.s32 s19, s18  }
0x9c: {  	s6 =	simm.s32 $0x0;
	s20 =	sshll.u32 s4, $0x1;
	s4 =	sadd.s32 s21, s2  }
0x9d: {  	[timem:s6], [sflag:s22] =	dma.local [hbm:s4], s20  }
0x9e: {  	_ =	swait.ge [sflag:s22], s20  }
0x9f: {  	s3 =	ssub.s32 $0x0, s20;
	[sflag:s22] =	ssyncset.done $0x0  }
0xa0: {  	[sflag:s22] =	ssyncadd.s32 s3;
	_ =	sdelay $0x1  }
0xa1: {  	s23 =	simm.s32 $0x1B8B  }
0xa2: {  	_ =	swait.ge [sflag:s23], $0x1  }
0xa3: {  	[sflag:s23] =	ssyncset.done $0x0  }
0xa4: {  	s25 =	simm.s32 $0x1B8E;
	s24 =	sld [smem:$0x3FFE];
	[sflag:s23] =	ssyncadd.s32 $0xFFFFFFFF  }
0xa5: {  	s26 =	simm.s32 $execute0_lowered;
	[smem:$0x3FD2] =	sst s25  }
0xa6: {  	s4 =	sshll.u32 s26, $0x1;
	_ =	strace $0x80000046;
	[dreg:$0x1] =	wrdreg $0xFFFFFFFF  }
0xa7: {  	s28 =	simm.s32 $_size_execute0_lowered;
	s2 =	sadd.s32 s2, s4;
	[dreg:$0x0] =	wrdreg $0x0  }
0xa8: {  	s4 =	sshll.u32 s28, $0x1;
	[dreg:$0x2] =	wrdreg s2  }
0xa9: {  	[dreg:$0x3] =	wrdreg s4  }
0xaa: {  	[dreg:$0x4] =	wrdreg $0xC0  }
0xab: {  	_ =	task [dreg:s6], $0x5FFFF  }
0xac: {  	[dreg:$0x1] =	wrdreg $0xFFFFFFFF  }
0xad: {  	[dreg:$0x0] =	wrdreg $0x60  }
0xae: {  	[dreg:$0x2] =	wrdreg s24  }
0xaf: {  	[dreg:$0x3] =	wrdreg $0x40800  }
0xb0: {  	[dreg:$0x4] =	wrdreg $0x9  }
0xb1: {  	_ =	task.clear_ibuf [dreg:s6], $0x5FFFF;
	_ =	strace $0x90000046  }
0xb2: {  	s29 =	simm.s32 $0x9;
	_ =	strace $0x80000048  }
0xb3: {  	_ =	swait.ge [sflag:s29], $0x1  }
0xb4: {  	[sflag:s29] =	ssyncadd.s32 $0xFFFFFFFF  }
0xb5: {  	_ =	strace $0x90000048  }
0xb6: {  	_ =	sfence  }
0xb7: {  	s30 =	sld [smem:$0x0];
	_ =	sdelay $0x2  }
0xb8: {  	s31 =	sshll.u32 s1, $0xD;
	s1 =	sshrl.u32 s1, $0x2  }
0xb9: {  	s3 =	sand.u32 $0x4000, s31;
	s1 =	sadd.s32 s1, s30  }
0xba: {  	s0 =	sor.u32 s3, s0;
	s1 =	sshll.u32 s1, $0x11  }
0xbb: {  	s0 =	sor.u32 s1, s0  }
0xbc: {  	s0 =	sadd.s32 $0x8F2B, s0  }
0xbd: {  	[sflag:s0] =	ssyncadd.remote.s32 $0x1  }
0xbe: {  	_ =	sfence.sel $0xFFFF  }
0xbf: {  	[dreg:$0x0] =	wrdreg $0xFFFFFFFF;
	(pc) =	sbr.abs _section_cstart, $3  }
0xc0: {  	[dreg:$0x1] =	wrdreg $0xFFFFFFFF  }
0xc1: {  	_ =	task.clear_ibuf [dreg:s6], $0x2FFFF;
	_ =	strace $0x9FFFFFFF  }
0xc2: {  	(tm) =	ssettm $0x7FFFFFFF  }
0xc3: {  	_ =	shalt  }
tec
execute0_lowered:
.L_overlay_start_1:
0x0: {  	(tag) =	ssettag $0x1  }
0x1: {  	s5 =	rddreg [dreg:$0x0]  }
0x2: {  	s1 =	rddreg [dreg:$0x1]  }
0x3: {  	s0 =	rddreg [dreg:$0x2];
	s10 =	stileid.u32  }
0x4: {  	s2 =	simm.s32 $0x0;
	s4 =	srdreg.scid;
	s3 =	smul.u32 $0x500, s10  }
0x5: {  	[smem:$0x7FF] =	sst s2;
	s7 =	smul.u32 $0x2700, s10  }
0x6: {  	s6 =	sand.u32 $0x1, s4;
	s8 =	smul.u32 $0x4E000, s10;
	s11 =	sadd.s32 $0x2FA00, s5  }
0x7: {  	s15 =	sadd.s32 $0x138000, s1;
	p0 =	sne.s32 s10, $0x0;
	s13 =	smul.u32 $0x27100, s6  }
0x8: {  	s31 =	sshll.u32 s10, $0x6;
	s10 =	simm.s32 $0x80;
	s28 =	smul.u32 $0x138800, s6  }
0x9: {  	_ =	strace $0x80000047;
	s4 =	ssub.s32 $0x2, s6;
	s29 =	smul.u32 $0x280, s6  }
0xa: {  	s9 =	sadd.s32 s3, s5;
	s3 =	sadd.s32 $0x8800, s5;
	s12 =	sshrl.u32 s4, $0x1  }
0xb: {  	s26 =	sshrl.u32 s8, $0x2;
	s5 =	sadd.s32 $0x2F800, s5;
	s12 =	ssub.s32 s4, s12  }
0xc: {  	s14 =	sadd.s32 s26, s1;
	s4 =	sadd.s32 s3, s7;
	s7 =	sadd.s32 s7, s13  }
0xd: {  	s8 =	sshrl.u32 s28, $0x3;
	s9 =	sadd.s32 s29, s9;
	s6 =	sadd.s32 s11, s7  }
0xe: {  	s30 =	sadd.s32 s11, s8;
	s8 =	smax.u32 s12, $0x1;
	s9 =	sadd.s32 $0x3800, s9  }
0xf: {  	s11 =	simm.s32 $0x1;
	s12 =	sor.u32 $0x1C01, s31;
	s13 =	sshrl.u32 s14, $0x3  }
0x10: {  	s14 =	sshrl.u32 @!p0 s15, $0x3;
	s15 =	simm.s32 $0x0;
	s7 =	sadd.s32 $0x27000, s30  }
.LBB2_1:
0x11: {  	[tilespmem:s10], [sflag:$0x1] =	stream.linear.gather [hbm4b:s3+s2], $0x4000, $0x38;
	[tilespmem:$0x17980] =	vst v63  }
0x12: {  	_ =	swait.ge [sflag:s11], $0x4000  }
0x13: {  	[sflag:s11] =	ssyncset.done $0x0  }
0x14: {  	[sflag:s11] =	ssyncadd.s32 $0xFFFFC000  }
0x15: {  	[spmem:s13], [sflag:s12] =	dma.local [hbm:s4], $0x2700  }
0x16: {  	_ =	swait.ge [sflag:s11], $0x2700  }
0x17: {  	[sflag:s11] =	ssyncset.done $0x0  }
0x18: {  	s16 =	simm.s32 @!p0 $0x1;
	[sflag:s11] =	ssyncadd.s32 $0xFFFFD900  }
0x19: {  	[spmem:s14], [sflag:s12] =	dma.local @!p0 [hbm:s5], $0x100  }
0x1a: {  	_ =	swait.ge @!p0 [sflag:s16], $0x100  }
0x1b: {  	[sflag:s16] =	ssyncset.done @!p0 $0x0  }
0x1c: {  	[sflag:s16] =	ssyncadd.s32 @!p0 $0xFFFFFF00  }
0x1d: {  	s31 =	sadd.s32 $0x0, s9;
	[bflag:$0x0] =	sbarrier.arrive $0xFFFF  }
0x1e: {  	[tilespmem:s2], [sflag:$0x1] =	stream.linear.gather [hbm4b:s31+s2], $0x80, $0x38;
	[tilespmem:$0x17980] =	vst v63  }
0x1f: {  	_ =	swait.ge [sflag:s11], $0x80  }
0x20: {  	[sflag:s11] =	ssyncset.done $0x0  }
0x21: {  	[sflag:s11] =	ssyncadd.s32 $0xFFFFFF80  }
0x22: {  	[spmem:s1] =	stream.indirect.scatter.add.f32 [tilespmem:s10], [sflag:$0x1], $0x80, s2, s10, $0xb8;
	[tilespmem:$0x17980] =	vst v63  }
0x23: {  	_ =	swait.ge [sflag:s11], $0x4000  }
0x24: {  	s17 =	simm.s32 $0x20;
	s16 =	simm.s32 $0x10;
	[sflag:s11] =	ssyncset.done $0x0  }
.LBB2_2:
0x25: {  	s18 =	sadd.s32 s16, s9  }
0x26: {  	[sflag:s11] =	ssyncadd.s32 $0xFFFFC000;
	s16 =	smov.u32 s17;
	s19 =	sadd.s32 $0x10, s17  }
0x27: {  	[tilespmem:s2], [sflag:$0x1] =	stream.linear.gather [hbm4b:s18+s2], $0x80, $0x38;
	[tilespmem:$0x17980] =	vst v63  }
0x28: {  	p1 =	sne.s32 s17, $0x270;
	_ =	swait.ge [sflag:s11], $0x80  }
.Ltmp0:
0x29: {  	[sflag:s11] =	ssyncset.done $0x0;
	(pc) =	sbr.rel @p1 .LBB2_2-.Ltmp0, $4  }
0x2a: {  	[sflag:s11] =	ssyncadd.s32 $0xFFFFFF80  }
0x2b: {  	[spmem:s1] =	stream.indirect.scatter.add.f32 [tilespmem:s10], [sflag:$0x1], $0x80, s2, s10, $0xb8;
	[tilespmem:$0x17980] =	vst v63  }
0x2c: {  	_ =	swait.ge [sflag:s11], $0x4000  }
0x2d: {  	s17 =	smov.u32 s19;
	[sflag:s11] =	ssyncset.done $0x0  }
0x2e: {  	s16 =	sadd.s32 s16, s9;
	[sflag:s11] =	ssyncadd.s32 $0xFFFFC000  }
0x2f: {  	[tilespmem:s2], [sflag:$0x1] =	stream.linear.gather [hbm4b:s16+s2], $0x80, $0x38;
	[tilespmem:$0x17980] =	vst v63  }
0x30: {  	_ =	swait.ge [sflag:s11], $0x80  }
0x31: {  	[sflag:s11] =	ssyncset.done $0x0  }
0x32: {  	[sflag:s11] =	ssyncadd.s32 $0xFFFFFF80  }
0x33: {  	[spmem:s1] =	stream.indirect.scatter.add.f32 [tilespmem:s10], [sflag:$0x1], $0x80, s2, s10, $0xb8;
	[tilespmem:$0x17980] =	vst v63  }
0x34: {  	_ =	swait.ge [sflag:s11], $0x4000  }
0x35: {  	[sflag:s11] =	ssyncset.done $0x0  }
0x36: {  	[sflag:s11] =	ssyncadd.s32 $0xFFFFC000  }
0x37: {  	[bflag:$0x0] =	sbarrier.arrive $0xFFFF  }
0x38: {  	[hbm:s6], [sflag:s12] =	dma.local [spmem:s13], $0x2700  }
0x39: {  	s15 =	sadd.s32 $0x1, s15;
	_ =	swait.ge [sflag:s11], $0x2700  }
0x3a: {  	p1 =	sne.s32 s15, s8;
	[sflag:s11] =	ssyncset.done $0x0  }
.Ltmp1:
0x3b: {  	s16 =	simm.s32 @!p0 $0x1;
	[sflag:s11] =	ssyncadd.s32 $0xFFFFD900;
	(pc) =	sbr.rel @p1 .LBB2_1-.Ltmp1, $4  }
0x3c: {  	[hbm:s7], [sflag:s12] =	dma.local @!p0 [spmem:s14], $0x100  }
0x3d: {  	_ =	swait.ge @!p0 [sflag:s16], $0x100  }
0x3e: {  	[sflag:s16] =	ssyncset.done @!p0 $0x0  }
0x3f: {  	[sflag:s16] =	ssyncadd.s32 @!p0 $0xFFFFFF00  }
0x40: {  	_ =	sfence.sel $0x180000  }
0x41: {  	[bflag:$0x0] =	sbarrier.arrive $0xFFFF  }
0x42: {  	_ =	strace $0x90000047  }
0x43: {  	s0 =	sadd.s32 @!p0 $0x100000, s0;
	[bflag:$0x2] =	sbarrier.arrive $0xFFFF  }
0x44: {  	[sflag:s0] =	ssyncadd.tile.s32 @!p0 $0x1;
	_ =	shalt  }
.Lfunc_end2:
_tile_overlayer_lowered:
.L_overlay_start_2:
0x45: {  	(tag) =	ssettag $0x2  }
0x46: {  	s0 =	rddreg [dreg:$0x0];
	s2 =	stileid.u32  }
0x47: {  	s1 =	rddreg [dreg:$0x1];
	p0 =	sne.s32 s2, $0x0  }
0x48: {  	s3 =	rddreg [dreg:$0x2];
	[bflag:$0x3] =	sbarrier.arrive $0xFFFF;
	s2 =	simm.s32 @!p0 $0x1C01  }
0x49: {  	[timem:s3], [sflag:s2] =	dma.local @!p0 [hbm:s0], s1  }
0x4a: {  	s0 =	simm.s32 @!p0 $0x1  }
0x4b: {  	_ =	swait.ge @!p0 [sflag:s0], s1  }
0x4c: {  	s1 =	ssub.s32 @!p0 $0x0, s1;
	[sflag:s0] =	ssyncset.done @!p0 $0x0  }
0x4d: {  	[sflag:s0] =	ssyncadd.s32 @!p0 s1  }
0x4e: {  	[bflag:$0x3] =	sbarrier.arrive $0xFFFF  }
0x4f: {  	_ =	shalt  }

// kernel: kernel.15.cloned.1.call-start
scs
__scs_entry_jumppad:
0x0: {  	(pc) =	sbr.rel $0x88, $3  }
0x1: {  	(tag) =	ssettag $0x0;
	lr =	simm.s32 $0x1  }
0x2: {  	[smem:$0x3F8E] =	sst lr;
	_ =	strace $0xD0000000  }
0x3: {  	_ = 	snop  }
0x4: {  	_ = 	snop  }
0x5: {  	_ = 	snop  }
0x6: {  	_ = 	snop  }
0x7: {  	_ = 	snop  }
__scs_overlays_trampoline_lowered:
0x8: {  	[smem:$0x3F9D] =	sst s0  }
0x9: {  	[smem:$0x3F9E] =	sst s1  }
0xa: {  	[smem:$0x3F9F] =	sst s2  }
0xb: {  	[smem:$0x3FA0] =	sst s3  }
0xc: {  	[smem:$0x3FA1] =	sst s4  }
0xd: {  	[smem:$0x3FA2] =	sst s5  }
0xe: {  	[smem:$0x3FA3] =	sst s6  }
0xf: {  	[smem:$0x3FA4] =	sst s7  }
0x10: {  	[smem:$0x3FA5] =	sst s8  }
0x11: {  	[smem:$0x3FA6] =	sst s9;
	s0 =	simm.s32 @!p0 $0x0  }
0x12: {  	s1 =	sld [smem:$0x3F8C];
	s0 =	simm.s32 @p0 $0x1  }
0x13: {  	[smem:$0x3FA7] =	sst s0;
	s0 =	simm.s32 @!p1 $0x0  }
0x14: {  	s2 =	sld [smem:$0x3F8B];
	s0 =	simm.s32 @p1 $0x1  }
0x15: {  	[smem:$0x3FA8] =	sst s0;
	s0 =	simm.s32 @!p2 $0x0  }
0x16: {  	s3 =	sld [smem:$0x3FDB];
	s0 =	simm.s32 @p2 $0x1  }
0x17: {  	s4 =	simm.s32 $0x1BF5;
	[smem:$0x3FAA] =	sst s0  }
0x18: {  	s0 =	sld [smem:$0x3F8D];
	_ =	swait.ge [sflag:s4], $0x0  }
0x19: {  	s7 =	sld [smem:$0x3F8E]  }
0x1a: {  	s8 =	sadd.s32 $0xFFFFE003, lr  }
0x1b: {  	s9 =	sadd.s32 $0xFFFFFEF7, lr;
	s5 =	simm.s32 $0xFFFFFFFF;
	p2 =	slt.u32 s8, $0xFFFFF086  }
0x1c: {  	p1 =	slt.u32 s9, $0xF7A;
	s5 =	simm.s32 @!p2 $0x0  }
0x1d: {  	s5 =	simm.s32 @p1 $0x1;
	p0 =	seq.s32 s7, s2  }
0x1e: {  	s7 =	smul.u32 @!p0 $0xF7A, s2;
	p2 =	seq.s32 @!p0 s5, $0x0  }
0x1f: {  	s9 =	smul.u32 $0xF7A, s1;
	s8 =	simm.s32 @!p0 $0x1BF5;
	p2 =	por !p2, p0  }
0x20: {  	[sflag:s8] =	ssyncset.s32 @!p0 $0xFFFFF086;
	s6 =	sadd.s32 @!p0 s3, s7;
	s7 =	simm.s32 @!p0 $0x108  }
0x21: {  	s3 =	sadd.s32 s3, s9;
	s6 =	sadd.s32 @!p0 $0x88, s6;
	s7 =	simm.s32 @p2 $0x1082  }
0x22: {  	[simem:s7], [sflag:s8] =	dma.local @!p0 [hbm:s6], $0xF7A  }
0x23: {  	s9 =	sor.u32 $0xD0000000, s2;
	s6 =	simm.s32 $0x108;
	_ =	swait.ge @!p0 [sflag:s8], $0x0  }
0x24: {  	s3 =	sadd.s32 $0x88, s3;
	s6 =	simm.s32 @!p1 $0x1082;
	[sflag:s4] =	ssyncset.s32 $0xFFFFF086  }
0x25: {  	[simem:s6], [sflag:s4] =	dma.local [hbm:s3], $0xF7A  }
0x26: {  	[smem:$0x3F8E] =	sst s1;
	(tag) =	ssettag s2;
	_ =	strace s9  }
0x27: {  	s1 =	sld [smem:$0x3F9E]  }
0x28: {  	s2 =	sld [smem:$0x3F9F]  }
0x29: {  	s4 =	sld [smem:$0x3FA1]  }
0x2a: {  	p0 =	seq.s32 s5, $0x0;
	s5 =	sld [smem:$0x3FA2]  }
0x2b: {  	s6 =	sld [smem:$0x3FA3]  }
0x2c: {  	s7 =	sld [smem:$0x3FA4]  }
0x2d: {  	s3 =	simm.s32 $0x108;
	s8 =	sld [smem:$0x3FA5]  }
0x2e: {  	s3 =	simm.s32 @!p0 $0x1082;
	s9 =	sld [smem:$0x3FA6]  }
0x2f: {  	lr =	sadd.s32 s0, s3;
	s0 =	sld [smem:$0x3F9D]  }
0x30: {  	s3 =	sld [smem:$0x3FA0]  }
0x31: {  	[smem:$0x3FA9] =	sst s10  }
0x32: {  	s10 =	sld [smem:$0x3FA7];
	_ =	sdelay $0x3  }
0x33: {  	p0 =	seq.s32 s10, $0x1;
	s10 =	sld [smem:$0x3FA9];
	_ =	sdelay $0x3  }
0x34: {  	[smem:$0x3FA9] =	sst s10  }
0x35: {  	s10 =	sld [smem:$0x3FA8];
	_ =	sdelay $0x3  }
0x36: {  	p1 =	seq.s32 s10, $0x1;
	s10 =	sld [smem:$0x3FA9];
	_ =	sdelay $0x3  }
0x37: {  	[smem:$0x3FA9] =	sst s10  }
0x38: {  	s10 =	sld [smem:$0x3FAA]  }
0x39: {  	_ = 	snop;
	(pc) =	sbr.ind lr, $3  }
0x3a: {  	_ = 	snop  }
0x3b: {  	_ = 	snop  }
0x3c: {  	p2 =	seq.s32 s10, $0x1;
	s10 =	sld [smem:$0x3FA9]  }
0x3d: {  	_ =	shalt  }
0x3e: {  	_ =	shalt  }
0x3f: {  	_ =	shalt  }
0x40: {  	_ =	shalt  }
0x41: {  	_ =	shalt  }
0x42: {  	_ =	shalt  }
0x43: {  	_ =	shalt  }
0x44: {  	_ =	shalt  }
0x45: {  	_ =	shalt  }
0x46: {  	_ =	shalt  }
0x47: {  	_ =	shalt  }
0x48: {  	_ =	shalt  }
0x49: {  	_ =	shalt  }
0x4a: {  	_ =	shalt  }
0x4b: {  	_ =	shalt  }
0x4c: {  	_ =	shalt  }
0x4d: {  	_ =	shalt  }
0x4e: {  	_ =	shalt  }
0x4f: {  	_ =	shalt  }
0x50: {  	_ =	shalt  }
0x51: {  	_ =	shalt  }
0x52: {  	_ =	shalt  }
0x53: {  	_ =	shalt  }
0x54: {  	_ =	shalt  }
0x55: {  	_ =	shalt  }
0x56: {  	_ =	shalt  }
0x57: {  	_ =	shalt  }
0x58: {  	_ =	shalt  }
0x59: {  	_ =	shalt  }
0x5a: {  	_ =	shalt  }
0x5b: {  	_ =	shalt  }
0x5c: {  	_ =	shalt  }
0x5d: {  	_ =	shalt  }
0x5e: {  	_ =	shalt  }
0x5f: {  	_ =	shalt  }
0x60: {  	_ =	shalt  }
0x61: {  	_ =	shalt  }
0x62: {  	_ =	shalt  }
0x63: {  	_ =	shalt  }
0x64: {  	_ =	shalt  }
0x65: {  	_ =	shalt  }
0x66: {  	_ =	shalt  }
0x67: {  	_ =	shalt  }
0x68: {  	_ =	shalt  }
0x69: {  	_ =	shalt  }
0x6a: {  	_ =	shalt  }
0x6b: {  	_ =	shalt  }
0x6c: {  	_ =	shalt  }
0x6d: {  	_ =	shalt  }
0x6e: {  	_ =	shalt  }
0x6f: {  	_ =	shalt  }
0x70: {  	_ =	shalt  }
0x71: {  	_ =	shalt  }
0x72: {  	_ =	shalt  }
0x73: {  	_ =	shalt  }
0x74: {  	_ =	shalt  }
0x75: {  	_ =	shalt  }
0x76: {  	_ =	shalt  }
0x77: {  	_ =	shalt  }
0x78: {  	_ =	shalt  }
0x79: {  	_ =	shalt  }
0x7a: {  	_ =	shalt  }
0x7b: {  	_ =	shalt  }
0x7c: {  	_ =	shalt  }
0x7d: {  	_ =	shalt  }
0x7e: {  	_ =	shalt  }
0x7f: {  	_ =	shalt  }
0x80: {  	_ =	shalt  }
0x81: {  	_ =	shalt  }
0x82: {  	_ =	shalt  }
0x83: {  	_ =	shalt  }
0x84: {  	_ =	shalt  }
0x85: {  	_ =	shalt  }
0x86: {  	_ =	shalt  }
0x87: {  	_ =	shalt  }
.Lfunc_end0:
.L_simem_size_0:
called_computation.1_lowered:
.L_overlay_start_0:
0x88: {  	s2 =	sld [smem:$0x3FD9]  }
0x89: {  	s3 =	sld [smem:$0x3FFE];
	_ =	sdelay $0x1  }
0x8a: {  	s1 =	srdreg.scid  }
0x8b: {  	s0 =	sand.u32 $0x1, s1  }
0x8c: {  	s16 =	sshll.u32 s0, $0xA;
	s2 =	sadd.s32 s3, s2  }
0x8d: {  	s2 =	sadd.s32 s2, s16  }
0x8e: {  	[smem:$0x3FB5] =	sst s2  }
0x8f: {  	_ = 	snop  }
0x90: {  	(tm) =	ssettm $0x1  }
0x91: {  	s17 =	sld [smem:$0x3FFB];
	_ =	sdelay $0x3  }
0x92: {  	_ =	strace s17  }
0x93: {  	s2 =	sld [smem:$0x3FFC];
	_ =	sdelay $0x3  }
0x94: {  	_ =	strace s2  }
0x95: {  	s2 =	sld [smem:$0x3FFD];
	_ =	sdelay $0x3  }
0x96: {  	_ =	strace s2  }
0x97: {  	_ =	strace $0x8FFFFFFF  }
0x98: {  	s18 =	sld [smem:$0x3FDB];
	_ =	sdelay $0x1  }
0x99: {  	s19 =	simm.s32 $_scs_section_size  }
0x9a: {  	s4 =	simm.s32 $_size__tile_overlayer_lowered;
	s5 =	simm.s32 $_tile_overlayer_lowered  }
0x9b: {  	s22 =	simm.s32 $0x1BFF;
	s21 =	sshll.u32 s5, $0x1;
	s2 =	sadd.s32 s19, s18  }
0x9c: {  	s6 =	simm.s32 $0x0;
	s20 =	sshll.u32 s4, $0x1;
	s4 =	sadd.s32 s21, s2  }
0x9d: {  	[timem:s6], [sflag:s22] =	dma.local [hbm:s4], s20  }
0x9e: {  	_ =	swait.ge [sflag:s22], s20  }
0x9f: {  	s3 =	ssub.s32 $0x0, s20;
	[sflag:s22] =	ssyncset.done $0x0  }
0xa0: {  	[sflag:s22] =	ssyncadd.s32 s3;
	_ =	sdelay $0x1  }
0xa1: {  	s23 =	simm.s32 $0x1B8B  }
0xa2: {  	_ =	swait.ge [sflag:s23], $0x1  }
0xa3: {  	[sflag:s23] =	ssyncset.done $0x0  }
0xa4: {  	s25 =	simm.s32 $0x1B8E;
	s24 =	sld [smem:$0x3FFE];
	[sflag:s23] =	ssyncadd.s32 $0xFFFFFFFF  }
0xa5: {  	s26 =	simm.s32 $execute0_lowered;
	[smem:$0x3FD2] =	sst s25  }
0xa6: {  	s4 =	sshll.u32 s26, $0x1;
	_ =	strace $0x80000049;
	[dreg:$0x1] =	wrdreg $0xFFFFFFFF  }
0xa7: {  	s28 =	simm.s32 $_size_execute0_lowered;
	s2 =	sadd.s32 s2, s4;
	[dreg:$0x0] =	wrdreg $0x0  }
0xa8: {  	s4 =	sshll.u32 s28, $0x1;
	[dreg:$0x2] =	wrdreg s2  }
0xa9: {  	[dreg:$0x3] =	wrdreg s4  }
0xaa: {  	[dreg:$0x4] =	wrdreg $0xC0  }
0xab: {  	_ =	task [dreg:s6], $0x5FFFF  }
0xac: {  	[dreg:$0x1] =	wrdreg $0xFFFFFFFF  }
0xad: {  	[dreg:$0x0] =	wrdreg $0x60  }
0xae: {  	[dreg:$0x2] =	wrdreg s24  }
0xaf: {  	[dreg:$0x3] =	wrdreg $0xA9000  }
0xb0: {  	[dreg:$0x4] =	wrdreg $0x9  }
0xb1: {  	_ =	task.clear_ibuf [dreg:s6], $0x5FFFF;
	_ =	strace $0x90000049  }
0xb2: {  	s29 =	simm.s32 $0x9;
	_ =	strace $0x8000004B  }
0xb3: {  	_ =	swait.ge [sflag:s29], $0x1  }
0xb4: {  	[sflag:s29] =	ssyncadd.s32 $0xFFFFFFFF  }
0xb5: {  	_ =	strace $0x9000004B  }
0xb6: {  	_ =	sfence  }
0xb7: {  	s30 =	sld [smem:$0x0];
	_ =	sdelay $0x2  }
0xb8: {  	s31 =	sshll.u32 s1, $0xD;
	s1 =	sshrl.u32 s1, $0x2  }
0xb9: {  	s3 =	sand.u32 $0x4000, s31;
	s1 =	sadd.s32 s1, s30  }
0xba: {  	s0 =	sor.u32 s3, s0;
	s1 =	sshll.u32 s1, $0x11  }
0xbb: {  	s0 =	sor.u32 s1, s0  }
0xbc: {  	s0 =	sadd.s32 $0x8F2B, s0  }
0xbd: {  	[sflag:s0] =	ssyncadd.remote.s32 $0x1  }
0xbe: {  	_ =	sfence.sel $0xFFFF  }
0xbf: {  	[dreg:$0x0] =	wrdreg $0xFFFFFFFF;
	(pc) =	sbr.abs _section_cstart, $3  }
0xc0: {  	[dreg:$0x1] =	wrdreg $0xFFFFFFFF  }
0xc1: {  	_ =	task.clear_ibuf [dreg:s6], $0x2FFFF;
	_ =	strace $0x9FFFFFFF  }
0xc2: {  	(tm) =	ssettm $0x7FFFFFFF  }
0xc3: {  	_ =	shalt  }
tec
execute0_lowered:
.L_overlay_start_1:
0x0: {  	(tag) =	ssettag $0x1  }
0x1: {  	s0 =	rddreg [dreg:$0x0]  }
0x2: {  	s1 =	rddreg [dreg:$0x1];
	s2 =	simm.s32 $0x0  }
0x3: {  	s13 =	stileid.u32;
	s5 =	srdreg.scid;
	s28 =	simm.s32 $0x2880  }
0x4: {  	s29 =	simm.s32 $0x6900;
	s30 =	simm.s32 $0x2;
	s3 =	smul.u32 $0x2800, s13  }
0x5: {  	s31 =	simm.s32 $0x100;
	[smem:$0x7FF] =	sst s2;
	s6 =	smul.u32 $0x270, s13  }
0x6: {  	s4 =	sadd.s32 $0x11F000, s0;
	s5 =	sand.u32 $0x1, s5;
	s12 =	smul.u32 $0x4E000, s13  }
0x7: {  	s11 =	sadd.s32 $0x3800, s0;
	s18 =	sadd.s32 $0x138000, s1;
	s25 =	smul.u32 $0x500, s13  }
0x8: {  	p0 =	sne.s32 s13, $0x0;
	_ =	strace $0x8000004A;
	s9 =	smul.u32 $0x4E20, s5  }
0x9: {  	s8 =	ssub.s32 $0x2, s5;
	s5 =	smul.u32 $0x271000, s5;
	[dreg:$0x6] =	wrdreg s18  }
0xa: {  	s3 =	sshrl.u32 s3, $0x3;
	s10 =	sshrl.u32 s8, $0x1;
	s16 =	sshrl.u32 s12, $0x2  }
0xb: {  	s26 =	sadd.s32 s25, s11;
	s25 =	simm.s32 $0x2900;
	s7 =	sadd.s32 s3, s0  }
0xc: {  	s0 =	sadd.s32 $0x8800, s0;
	s8 =	ssub.s32 s8, s10;
	s6 =	sadd.s32 s6, s9  }
0xd: {  	s5 =	sshrl.u32 s5, $0x3;
	s10 =	sadd.s32 s11, s3;
	s3 =	simm.s32 $0x2780  }
0xe: {  	s7 =	sadd.s32 $0x11A000, s7;
	s6 =	sshll.u32 s6, $0x4;
	s19 =	sadd.s32 $0x27000, s5  }
0xf: {  	s5 =	sadd.s32 $0x4E100, s5;
	[dreg:$0x3] =	wrdreg s7;
	s7 =	sadd.s32 s16, s1  }
0x10: {  	s18 =	sadd.s32 $0x10, s10;
	s17 =	sadd.s32 s4, s6;
	[dreg:$0x4] =	wrdreg s7  }
0x11: {  	s20 =	sadd.s32 s4, s19;
	s21 =	sadd.s32 s0, s6;
	[dreg:$0x5] =	wrdreg s17  }
0x12: {  	s22 =	sadd.s32 s0, s19;
	s23 =	sadd.s32 $0x27100, s6;
	[dreg:$0x7] =	wrdreg s20  }
0x13: {  	s24 =	sadd.s32 s4, s5;
	s16 =	sadd.s32 s0, s5;
	[dreg:$0x8] =	wrdreg s21  }
0x14: {  	s19 =	sadd.s32 $0x20, s10;
	s5 =	simm.s32 $0x0;
	[dreg:$0x9] =	wrdreg s22  }
0x15: {  	s6 =	sadd.s32 s4, s23;
	[dreg:$0xb] =	wrdreg s24;
	s15 =	sadd.s32 s0, s23  }
0x16: {  	s17 =	smax.u32 s8, $0x1;
	s20 =	sadd.s32 $0x4F0, s10;
	s21 =	sadd.s32 $0x40, s26  }
0x17: {  	s22 =	simm.s32 $0x4;
	s23 =	simm.s32 $0x2800;
	s24 =	simm.s32 $0x80  }
0x18: {  	v0 =	vmov s9;
	s26 =	simm.s32 $0x1;
	s0 =	simm.s32 $0x3;
	[dreg:$0xa] =	wrdreg s6  }
.LBB2_1:
0x19: {  	s6 =	rddreg [dreg:$0x3]  }
0x1a: {  	[tilespmem:s2], [sflag:$0x4] =	stream.linear.gather [hbm4b:s6+s2], $0x2800, $0x38;
	[tilespmem:$0x1E200] =	vst v63  }
0x1b: {  	_ =	swait.ge [sflag:s22], $0x2800  }
0x1c: {  	[sflag:s22] =	ssyncset.done $0x0  }
0x1d: {  	s7 =	simm.s32 $0x40;
	s6 =	simm.s32 $0x0;
	[sflag:s22] =	ssyncadd.s32 $0xFFFFD800  }
.LBB2_2:
0x1e: {  	p1 =	sne.s32 s7, $0x9FC0;
	v1 =	vld [tilespmem:s6+$0x0];
	_ =	sdelay $0x1  }
.Ltmp0:
0x1f: {  	(pc) =	sbr.rel @p1 .LBB2_2-.Ltmp0, $3  }
0x20: {  	_ =	sdelay $0x1  }
0x21: {  	v1 =	vadd.s32 v0, v1  }
0x22: {  	[tilespmem:s6+$0x0] =	vst v1;
	s6 =	sshra.s32 s7, $0x2;
	s7 =	sadd.s32 $0x40, s7  }
0x23: {  	v1 =	vld [tilespmem:s6+$0x0];
	_ =	sdelay $0x3  }
0x24: {  	s7 =	stileid.u32  }
0x25: {  	s14 =	rddreg [dreg:$0x4];
	s7 =	sshll.u32 s7, $0x6;
	v1 =	vadd.s32 v0, v1  }
0x26: {  	s8 =	rddreg [dreg:$0x5];
	[tilespmem:s6+$0x0] =	vst v1;
	s6 =	sor.u32 $0x1C04, s7;
	s7 =	sshrl.u32 s14, $0x3  }
0x27: {  	[spmem:s7], [sflag:s6] =	dma.local [hbm:s8], $0x2700  }
0x28: {  	_ =	swait.ge [sflag:s22], $0x2700  }
0x29: {  	[sflag:s22] =	ssyncset.done $0x0;
	s8 =	rddreg [dreg:$0x6]  }
0x2a: {  	s9 =	rddreg [dreg:$0x7];
	[sflag:s22] =	ssyncadd.s32 $0xFFFFD900;
	s8 =	sshrl.u32 @!p0 s8, $0x3  }
0x2b: {  	[spmem:s8], [sflag:s6] =	dma.local @!p0 [hbm:s9], $0x100  }
0x2c: {  	s9 =	simm.s32 @!p0 $0x4  }
0x2d: {  	_ =	swait.ge @!p0 [sflag:s9], $0x100  }
0x2e: {  	[sflag:s9] =	ssyncset.done @!p0 $0x0  }
0x2f: {  	[sflag:s9] =	ssyncadd.s32 @!p0 $0xFFFFFF00  }
0x30: {  	[bflag:$0x0] =	sbarrier.arrive $0xFFFF  }
0x31: {  	[tilespmem:s23], [sflag:$0x4] =	stream.linear.gather [hbm4b:s10+s2], $0x80, $0x38;
	[tilespmem:$0x1E200] =	vst v63  }
0x32: {  	_ =	swait.ge [sflag:s22], $0x80  }
0x33: {  	[sflag:s22] =	ssyncset.done $0x0  }
0x34: {  	[sflag:s22] =	ssyncadd.s32 $0xFFFFFF80  }
0x35: {  	[tilespmem:s25], [sflag:$0x1] =	stream.indirect.gather [hbm4b:s4+s24], $0x80, s2, s24, $0xb8;
	[tilespmem:$0x1E200] =	vst v63  }
0x36: {  	_ =	swait.ge [sflag:s26], $0x4000  }
0x37: {  	[sflag:s26] =	ssyncset.done $0x0  }
0x38: {  	[sflag:s26] =	ssyncadd.s32 $0xFFFFC000  }
0x39: {  	[spmem:s1] =	stream.indirect.scatter.add.f32 [tilespmem:s25], [sflag:$0x2], $0x80, s23, s24, $0xb8;
	[tilespmem:$0x1E200] =	vst v63  }
0x3a: {  	_ = 	snop  }
0x3b: {  	[tilespmem:s28], [sflag:$0x4] =	stream.linear.gather [hbm4b:s18+s2], $0x80, $0x38;
	[tilespmem:$0x1E200] =	vst v63  }
0x3c: {  	_ =	swait.ge [sflag:s22], $0x80  }
0x3d: {  	[sflag:s22] =	ssyncset.done $0x0  }
0x3e: {  	[sflag:s22] =	ssyncadd.s32 $0xFFFFFF80  }
0x3f: {  	[tilespmem:s29], [sflag:$0x1] =	stream.indirect.gather [hbm4b:s4+s24], $0x80, s24, s24, $0xb8;
	[tilespmem:$0x1E200] =	vst v63  }
0x40: {  	_ =	swait.ge [sflag:s26], $0x4000  }
0x41: {  	[sflag:s26] =	ssyncset.done $0x0  }
0x42: {  	[sflag:s26] =	ssyncadd.s32 $0xFFFFC000  }
0x43: {  	[spmem:s1] =	stream.indirect.scatter.add.f32 [tilespmem:s29], [sflag:$0x3], $0x80, s28, s24, $0xb8;
	[tilespmem:$0x1E200] =	vst v63  }
0x44: {  	_ =	swait.ge [sflag:s30], $0x4000  }
0x45: {  	[sflag:s30] =	ssyncset.done $0x0  }
0x46: {  	[sflag:s30] =	ssyncadd.s32 $0xFFFFC000  }
0x47: {  	[tilespmem:s23], [sflag:$0x4] =	stream.linear.gather [hbm4b:s19+s2], $0x80, $0x38;
	[tilespmem:$0x1E200] =	vst v63  }
0x48: {  	_ =	swait.ge [sflag:s22], $0x80  }
0x49: {  	[sflag:s22] =	ssyncset.done $0x0  }
0x4a: {  	[sflag:s22] =	ssyncadd.s32 $0xFFFFFF80  }
0x4b: {  	[tilespmem:s25], [sflag:$0x1] =	stream.indirect.gather [hbm4b:s4+s24], $0x80, s31, s24, $0xb8;
	[tilespmem:$0x1E200] =	vst v63  }
0x4c: {  	_ =	swait.ge [sflag:s26], $0x4000  }
0x4d: {  	[sflag:s26] =	ssyncset.done $0x0  }
0x4e: {  	[sflag:s26] =	ssyncadd.s32 $0xFFFFC000  }
0x4f: {  	[spmem:s1] =	stream.indirect.scatter.add.f32 [tilespmem:s25], [sflag:$0x2], $0x80, s23, s24, $0xb8;
	[tilespmem:$0x1E200] =	vst v63  }
0x50: {  	_ =	swait.ge [sflag:s0], $0x4000  }
0x51: {  	[sflag:s0] =	ssyncset.done $0x0  }
0x52: {  	s9 =	sadd.s32 $0xFFFFFFF0, s21;
	[sflag:s0] =	ssyncadd.s32 $0xFFFFC000  }
0x53: {  	[tilespmem:s28], [sflag:$0x4] =	stream.linear.gather [hbm4b:s9+s2], $0x80, $0x38;
	[tilespmem:$0x1E200] =	vst v63  }
0x54: {  	_ =	swait.ge [sflag:s22], $0x80  }
0x55: {  	[sflag:s22] =	ssyncset.done $0x0  }
0x56: {  	s11 =	simm.s32 $0x180;
	[sflag:s22] =	ssyncadd.s32 $0xFFFFFF80  }
0x57: {  	[tilespmem:s29], [sflag:$0x1] =	stream.indirect.gather [hbm4b:s4+s24], $0x80, s11, s24, $0xb8;
	[tilespmem:$0x1E200] =	vst v63  }
0x58: {  	_ =	swait.ge [sflag:s26], $0x4000  }
0x59: {  	[sflag:s26] =	ssyncset.done $0x0  }
0x5a: {  	[sflag:s26] =	ssyncadd.s32 $0xFFFFC000  }
0x5b: {  	[spmem:s1] =	stream.indirect.scatter.add.f32 [tilespmem:s29], [sflag:$0x3], $0x80, s28, s24, $0xb8;
	[tilespmem:$0x1E200] =	vst v63  }
0x5c: {  	_ =	swait.ge [sflag:s30], $0x4000  }
0x5d: {  	[sflag:s30] =	ssyncset.done $0x0  }
0x5e: {  	[sflag:s30] =	ssyncadd.s32 $0xFFFFC000  }
0x5f: {  	[tilespmem:s23], [sflag:$0x4] =	stream.linear.gather [hbm4b:s21+s2], $0x80, $0x38;
	[tilespmem:$0x1E200] =	vst v63  }
0x60: {  	_ =	swait.ge [sflag:s22], $0x80  }
0x61: {  	s13 =	simm.s32 $0x200;
	[sflag:s22] =	ssyncset.done $0x0  }
0x62: {  	s12 =	sadd.s32 $0x20, s21;
	s11 =	simm.s32 $0xFFFF6C00;
	[sflag:s22] =	ssyncadd.s32 $0xFFFFFF80  }
.LBB2_4:
0x63: {  	[tilespmem:s25], [sflag:$0x1] =	stream.indirect.gather [hbm4b:s4+s24], $0x80, s13, s24, $0xb8;
	[tilespmem:$0x1E200] =	vst v63  }
0x64: {  	s13 =	smov.u32 s11  }
0x65: {  	p1 =	sne.s32 s11, $0xFFFFFC00;
	s11 =	sadd.s32 $0x400, s11;
	_ =	swait.ge [sflag:s26], $0x4000  }
0x66: {  	[sflag:s26] =	ssyncset.done $0x0  }
0x67: {  	[sflag:s26] =	ssyncadd.s32 $0xFFFFC000  }
0x68: {  	[spmem:s1] =	stream.indirect.scatter.add.f32 [tilespmem:s25], [sflag:$0x2], $0x80, s23, s24, $0xb8;
	[tilespmem:$0x1E200] =	vst v63  }
0x69: {  	_ =	swait.ge [sflag:s0], $0x4000  }
0x6a: {  	[sflag:s0] =	ssyncset.done $0x0  }
0x6b: {  	s14 =	sadd.s32 $0xFFFFFFF0, s12;
	[sflag:s0] =	ssyncadd.s32 $0xFFFFC000  }
0x6c: {  	[tilespmem:s28], [sflag:$0x4] =	stream.linear.gather [hbm4b:s14+s2], $0x80, $0x38;
	[tilespmem:$0x1E200] =	vst v63  }
0x6d: {  	_ =	swait.ge [sflag:s22], $0x80  }
0x6e: {  	s13 =	sshra.s32 s13, $0x2;
	[sflag:s22] =	ssyncset.done $0x0  }
0x6f: {  	s14 =	sadd.s32 $0x2780, s13;
	[sflag:s22] =	ssyncadd.s32 $0xFFFFFF80  }
0x70: {  	[tilespmem:s29], [sflag:$0x1] =	stream.indirect.gather [hbm4b:s4+s24], $0x80, s14, s24, $0xb8;
	[tilespmem:$0x1E200] =	vst v63  }
0x71: {  	_ =	swait.ge [sflag:s26], $0x4000  }
0x72: {  	[sflag:s26] =	ssyncset.done $0x0  }
0x73: {  	[sflag:s26] =	ssyncadd.s32 $0xFFFFC000  }
0x74: {  	[spmem:s1] =	stream.indirect.scatter.add.f32 [tilespmem:s29], [sflag:$0x3], $0x80, s28, s24, $0xb8;
	[tilespmem:$0x1E200] =	vst v63  }
0x75: {  	_ =	swait.ge [sflag:s30], $0x4000  }
0x76: {  	[sflag:s30] =	ssyncset.done $0x0  }
.Ltmp1:
0x77: {  	[sflag:s30] =	ssyncadd.s32 $0xFFFFC000;
	(pc) =	sbr.rel @p1 .LBB2_4-.Ltmp1, $4  }
0x78: {  	[tilespmem:s23], [sflag:$0x4] =	stream.linear.gather [hbm4b:s12+s2], $0x80, $0x38;
	[tilespmem:$0x1E200] =	vst v63  }
0x79: {  	_ =	swait.ge [sflag:s22], $0x80  }
0x7a: {  	[sflag:s22] =	ssyncset.done $0x0  }
0x7b: {  	s13 =	sadd.s32 $0x2800, s13;
	s12 =	sadd.s32 $0x20, s12;
	[sflag:s22] =	ssyncadd.s32 $0xFFFFFF80  }
0x7c: {  	[tilespmem:s25], [sflag:$0x1] =	stream.indirect.gather [hbm4b:s4+s24], $0x80, s13, s24, $0xb8;
	[tilespmem:$0x1E200] =	vst v63  }
0x7d: {  	_ =	swait.ge [sflag:s26], $0x4000  }
0x7e: {  	[sflag:s26] =	ssyncset.done $0x0  }
0x7f: {  	[sflag:s26] =	ssyncadd.s32 $0xFFFFC000  }
0x80: {  	[spmem:s1] =	stream.indirect.scatter.add.f32 [tilespmem:s25], [sflag:$0x2], $0x80, s23, s24, $0xb8;
	[tilespmem:$0x1E200] =	vst v63  }
0x81: {  	_ =	swait.ge [sflag:s0], $0x4000  }
0x82: {  	[sflag:s0] =	ssyncset.done $0x0  }
0x83: {  	[sflag:s0] =	ssyncadd.s32 $0xFFFFC000  }
0x84: {  	[tilespmem:s28], [sflag:$0x4] =	stream.linear.gather [hbm4b:s20+s2], $0x80, $0x38;
	[tilespmem:$0x1E200] =	vst v63  }
0x85: {  	_ =	swait.ge [sflag:s22], $0x80  }
0x86: {  	[sflag:s22] =	ssyncset.done $0x0  }
0x87: {  	[sflag:s22] =	ssyncadd.s32 $0xFFFFFF80  }
0x88: {  	[tilespmem:s29], [sflag:$0x1] =	stream.indirect.gather [hbm4b:s4+s24], $0x80, s3, s24, $0xb8;
	[tilespmem:$0x1E200] =	vst v63  }
0x89: {  	_ =	swait.ge [sflag:s26], $0x4000  }
0x8a: {  	[sflag:s26] =	ssyncset.done $0x0  }
0x8b: {  	[sflag:s26] =	ssyncadd.s32 $0xFFFFC000  }
0x8c: {  	[spmem:s1] =	stream.indirect.scatter.add.f32 [tilespmem:s29], [sflag:$0x3], $0x80, s28, s24, $0xb8;
	[tilespmem:$0x1E200] =	vst v63  }
0x8d: {  	_ =	swait.ge [sflag:s30], $0x4000  }
0x8e: {  	[sflag:s30] =	ssyncset.done $0x0  }
0x8f: {  	[sflag:s30] =	ssyncadd.s32 $0xFFFFC000  }
0x90: {  	_ =	swait.ge [sflag:s0], $0x4000  }
0x91: {  	[sflag:s0] =	ssyncset.done $0x0  }
0x92: {  	[sflag:s0] =	ssyncadd.s32 $0xFFFFC000  }
0x93: {  	[bflag:$0x0] =	sbarrier.arrive $0xFFFF  }
0x94: {  	s11 =	rddreg [dreg:$0x8]  }
0x95: {  	[hbm:s11], [sflag:s6] =	dma.local [spmem:s7], $0x2700  }
0x96: {  	_ =	swait.ge [sflag:s22], $0x2700  }
0x97: {  	[sflag:s22] =	ssyncset.done $0x0  }
0x98: {  	s11 =	rddreg [dreg:$0x9];
	[sflag:s22] =	ssyncadd.s32 $0xFFFFD900  }
0x99: {  	[hbm:s11], [sflag:s6] =	dma.local @!p0 [spmem:s8], $0x100  }
0x9a: {  	s11 =	simm.s32 @!p0 $0x4  }
0x9b: {  	_ =	swait.ge @!p0 [sflag:s11], $0x100  }
0x9c: {  	[sflag:s11] =	ssyncset.done @!p0 $0x0  }
0x9d: {  	[sflag:s11] =	ssyncadd.s32 @!p0 $0xFFFFFF00  }
0x9e: {  	s12 =	simm.s32 $0x40;
	s11 =	simm.s32 $0x0;
	[bflag:$0x0] =	sbarrier.arrive $0xFFFF  }
.LBB2_6:
0x9f: {  	p1 =	sne.s32 s12, $0x9FC0;
	v1 =	vld [tilespmem:s11+$0x0];
	_ =	sdelay $0x1  }
.Ltmp2:
0xa0: {  	(pc) =	sbr.rel @p1 .LBB2_6-.Ltmp2, $3  }
0xa1: {  	_ =	sdelay $0x1  }
0xa2: {  	v1 =	vadd.s32 $0x2710, v1  }
0xa3: {  	[tilespmem:s11+$0x0] =	vst v1;
	s11 =	sshra.s32 s12, $0x2;
	s12 =	sadd.s32 $0x40, s12  }
0xa4: {  	v1 =	vld [tilespmem:s11+$0x0];
	_ =	sdelay $0x4  }
0xa5: {  	v1 =	vadd.s32 $0x2710, v1  }
0xa6: {  	s13 =	rddreg [dreg:$0xa];
	[tilespmem:s11+$0x0] =	vst v1  }
0xa7: {  	[spmem:s7], [sflag:s6] =	dma.local [hbm:s13], $0x2700  }
0xa8: {  	_ =	swait.ge [sflag:s22], $0x2700  }
0xa9: {  	[sflag:s22] =	ssyncset.done $0x0  }
0xaa: {  	s11 =	rddreg [dreg:$0xb];
	[sflag:s22] =	ssyncadd.s32 $0xFFFFD900  }
0xab: {  	[spmem:s8], [sflag:s6] =	dma.local @!p0 [hbm:s11], $0x100  }
0xac: {  	s11 =	simm.s32 @!p0 $0x4  }
0xad: {  	_ =	swait.ge @!p0 [sflag:s11], $0x100  }
0xae: {  	[sflag:s11] =	ssyncset.done @!p0 $0x0  }
0xaf: {  	[sflag:s11] =	ssyncadd.s32 @!p0 $0xFFFFFF00  }
0xb0: {  	[bflag:$0x0] =	sbarrier.arrive $0xFFFF  }
0xb1: {  	[tilespmem:s23], [sflag:$0x4] =	stream.linear.gather [hbm4b:s10+s2], $0x80, $0x38;
	[tilespmem:$0x1E200] =	vst v63  }
0xb2: {  	_ =	swait.ge [sflag:s22], $0x80  }
0xb3: {  	[sflag:s22] =	ssyncset.done $0x0  }
0xb4: {  	[sflag:s22] =	ssyncadd.s32 $0xFFFFFF80  }
0xb5: {  	[tilespmem:s25], [sflag:$0x1] =	stream.indirect.gather [hbm4b:s4+s24], $0x80, s2, s24, $0xb8;
	[tilespmem:$0x1E200] =	vst v63  }
0xb6: {  	_ =	swait.ge [sflag:s26], $0x4000  }
0xb7: {  	[sflag:s26] =	ssyncset.done $0x0  }
0xb8: {  	[sflag:s26] =	ssyncadd.s32 $0xFFFFC000  }
0xb9: {  	[spmem:s1] =	stream.indirect.scatter.add.f32 [tilespmem:s25], [sflag:$0x2], $0x80, s23, s24, $0xb8;
	[tilespmem:$0x1E200] =	vst v63  }
0xba: {  	_ = 	snop  }
0xbb: {  	[tilespmem:s28], [sflag:$0x4] =	stream.linear.gather [hbm4b:s18+s2], $0x80, $0x38;
	[tilespmem:$0x1E200] =	vst v63  }
0xbc: {  	_ =	swait.ge [sflag:s22], $0x80  }
0xbd: {  	[sflag:s22] =	ssyncset.done $0x0  }
0xbe: {  	[sflag:s22] =	ssyncadd.s32 $0xFFFFFF80  }
0xbf: {  	[tilespmem:s29], [sflag:$0x1] =	stream.indirect.gather [hbm4b:s4+s24], $0x80, s24, s24, $0xb8;
	[tilespmem:$0x1E200] =	vst v63  }
0xc0: {  	_ =	swait.ge [sflag:s26], $0x4000  }
0xc1: {  	[sflag:s26] =	ssyncset.done $0x0  }
0xc2: {  	[sflag:s26] =	ssyncadd.s32 $0xFFFFC000  }
0xc3: {  	[spmem:s1] =	stream.indirect.scatter.add.f32 [tilespmem:s29], [sflag:$0x3], $0x80, s28, s24, $0xb8;
	[tilespmem:$0x1E200] =	vst v63  }
0xc4: {  	_ =	swait.ge [sflag:s30], $0x4000  }
0xc5: {  	[sflag:s30] =	ssyncset.done $0x0  }
0xc6: {  	[sflag:s30] =	ssyncadd.s32 $0xFFFFC000  }
0xc7: {  	[tilespmem:s23], [sflag:$0x4] =	stream.linear.gather [hbm4b:s19+s2], $0x80, $0x38;
	[tilespmem:$0x1E200] =	vst v63  }
0xc8: {  	_ =	swait.ge [sflag:s22], $0x80  }
0xc9: {  	[sflag:s22] =	ssyncset.done $0x0  }
0xca: {  	[sflag:s22] =	ssyncadd.s32 $0xFFFFFF80  }
0xcb: {  	[tilespmem:s25], [sflag:$0x1] =	stream.indirect.gather [hbm4b:s4+s24], $0x80, s31, s24, $0xb8;
	[tilespmem:$0x1E200] =	vst v63  }
0xcc: {  	_ =	swait.ge [sflag:s26], $0x4000  }
0xcd: {  	[sflag:s26] =	ssyncset.done $0x0  }
0xce: {  	[sflag:s26] =	ssyncadd.s32 $0xFFFFC000  }
0xcf: {  	[spmem:s1] =	stream.indirect.scatter.add.f32 [tilespmem:s25], [sflag:$0x2], $0x80, s23, s24, $0xb8;
	[tilespmem:$0x1E200] =	vst v63  }
0xd0: {  	_ =	swait.ge [sflag:s0], $0x4000  }
0xd1: {  	[sflag:s0] =	ssyncset.done $0x0  }
0xd2: {  	[sflag:s0] =	ssyncadd.s32 $0xFFFFC000  }
0xd3: {  	[tilespmem:s28], [sflag:$0x4] =	stream.linear.gather [hbm4b:s9+s2], $0x80, $0x38;
	[tilespmem:$0x1E200] =	vst v63  }
0xd4: {  	_ =	swait.ge [sflag:s22], $0x80  }
0xd5: {  	[sflag:s22] =	ssyncset.done $0x0  }
0xd6: {  	s14 =	simm.s32 $0x180;
	[sflag:s22] =	ssyncadd.s32 $0xFFFFFF80  }
0xd7: {  	[tilespmem:s29], [sflag:$0x1] =	stream.indirect.gather [hbm4b:s4+s24], $0x80, s14, s24, $0xb8;
	[tilespmem:$0x1E200] =	vst v63  }
0xd8: {  	_ =	swait.ge [sflag:s26], $0x4000  }
0xd9: {  	[sflag:s26] =	ssyncset.done $0x0  }
0xda: {  	[sflag:s26] =	ssyncadd.s32 $0xFFFFC000  }
0xdb: {  	[spmem:s1] =	stream.indirect.scatter.add.f32 [tilespmem:s29], [sflag:$0x3], $0x80, s28, s24, $0xb8;
	[tilespmem:$0x1E200] =	vst v63  }
0xdc: {  	_ =	swait.ge [sflag:s30], $0x4000  }
0xdd: {  	[sflag:s30] =	ssyncset.done $0x0  }
0xde: {  	[sflag:s30] =	ssyncadd.s32 $0xFFFFC000  }
0xdf: {  	[tilespmem:s23], [sflag:$0x4] =	stream.linear.gather [hbm4b:s21+s2], $0x80, $0x38;
	[tilespmem:$0x1E200] =	vst v63  }
0xe0: {  	_ =	swait.ge [sflag:s22], $0x80  }
0xe1: {  	s12 =	simm.s32 $0x200;
	[sflag:s22] =	ssyncset.done $0x0  }
0xe2: {  	s11 =	sadd.s32 $0x20, s21;
	s9 =	simm.s32 $0xFFFF6C00;
	[sflag:s22] =	ssyncadd.s32 $0xFFFFFF80  }
.LBB2_8:
0xe3: {  	[tilespmem:s25], [sflag:$0x1] =	stream.indirect.gather [hbm4b:s4+s24], $0x80, s12, s24, $0xb8;
	[tilespmem:$0x1E200] =	vst v63  }
0xe4: {  	s12 =	smov.u32 s9  }
0xe5: {  	p1 =	sne.s32 s9, $0xFFFFFC00;
	s9 =	sadd.s32 $0x400, s9;
	_ =	swait.ge [sflag:s26], $0x4000  }
0xe6: {  	[sflag:s26] =	ssyncset.done $0x0  }
0xe7: {  	[sflag:s26] =	ssyncadd.s32 $0xFFFFC000  }
0xe8: {  	[spmem:s1] =	stream.indirect.scatter.add.f32 [tilespmem:s25], [sflag:$0x2], $0x80, s23, s24, $0xb8;
	[tilespmem:$0x1E200] =	vst v63  }
0xe9: {  	_ =	swait.ge [sflag:s0], $0x4000  }
0xea: {  	[sflag:s0] =	ssyncset.done $0x0  }
0xeb: {  	s13 =	sadd.s32 $0xFFFFFFF0, s11;
	[sflag:s0] =	ssyncadd.s32 $0xFFFFC000  }
0xec: {  	[tilespmem:s28], [sflag:$0x4] =	stream.linear.gather [hbm4b:s13+s2], $0x80, $0x38;
	[tilespmem:$0x1E200] =	vst v63  }
0xed: {  	_ =	swait.ge [sflag:s22], $0x80  }
0xee: {  	s12 =	sshra.s32 s12, $0x2;
	[sflag:s22] =	ssyncset.done $0x0  }
0xef: {  	s13 =	sadd.s32 $0x2780, s12;
	[sflag:s22] =	ssyncadd.s32 $0xFFFFFF80  }
0xf0: {  	[tilespmem:s29], [sflag:$0x1] =	stream.indirect.gather [hbm4b:s4+s24], $0x80, s13, s24, $0xb8;
	[tilespmem:$0x1E200] =	vst v63  }
0xf1: {  	_ =	swait.ge [sflag:s26], $0x4000  }
0xf2: {  	[sflag:s26] =	ssyncset.done $0x0  }
0xf3: {  	[sflag:s26] =	ssyncadd.s32 $0xFFFFC000  }
0xf4: {  	[spmem:s1] =	stream.indirect.scatter.add.f32 [tilespmem:s29], [sflag:$0x3], $0x80, s28, s24, $0xb8;
	[tilespmem:$0x1E200] =	vst v63  }
0xf5: {  	_ =	swait.ge [sflag:s30], $0x4000  }
0xf6: {  	[sflag:s30] =	ssyncset.done $0x0  }
.Ltmp3:
0xf7: {  	[sflag:s30] =	ssyncadd.s32 $0xFFFFC000;
	(pc) =	sbr.rel @p1 .LBB2_8-.Ltmp3, $4  }
0xf8: {  	[tilespmem:s23], [sflag:$0x4] =	stream.linear.gather [hbm4b:s11+s2], $0x80, $0x38;
	[tilespmem:$0x1E200] =	vst v63  }
0xf9: {  	_ =	swait.ge [sflag:s22], $0x80  }
0xfa: {  	[sflag:s22] =	ssyncset.done $0x0  }
0xfb: {  	s12 =	sadd.s32 $0x2800, s12;
	s11 =	sadd.s32 $0x20, s11;
	[sflag:s22] =	ssyncadd.s32 $0xFFFFFF80  }
0xfc: {  	[tilespmem:s25], [sflag:$0x1] =	stream.indirect.gather [hbm4b:s4+s24], $0x80, s12, s24, $0xb8;
	[tilespmem:$0x1E200] =	vst v63  }
0xfd: {  	_ =	swait.ge [sflag:s26], $0x4000  }
0xfe: {  	[sflag:s26] =	ssyncset.done $0x0  }
0xff: {  	[sflag:s26] =	ssyncadd.s32 $0xFFFFC000  }
0x100: {  	[spmem:s1] =	stream.indirect.scatter.add.f32 [tilespmem:s25], [sflag:$0x2], $0x80, s23, s24, $0xb8;
	[tilespmem:$0x1E200] =	vst v63  }
0x101: {  	_ =	swait.ge [sflag:s0], $0x4000  }
0x102: {  	[sflag:s0] =	ssyncset.done $0x0  }
0x103: {  	[sflag:s0] =	ssyncadd.s32 $0xFFFFC000  }
0x104: {  	[tilespmem:s28], [sflag:$0x4] =	stream.linear.gather [hbm4b:s20+s2], $0x80, $0x38;
	[tilespmem:$0x1E200] =	vst v63  }
0x105: {  	_ =	swait.ge [sflag:s22], $0x80  }
0x106: {  	[sflag:s22] =	ssyncset.done $0x0  }
0x107: {  	[sflag:s22] =	ssyncadd.s32 $0xFFFFFF80  }
0x108: {  	[tilespmem:s29], [sflag:$0x1] =	stream.indirect.gather [hbm4b:s4+s24], $0x80, s3, s24, $0xb8;
	[tilespmem:$0x1E200] =	vst v63  }
0x109: {  	_ =	swait.ge [sflag:s26], $0x4000  }
0x10a: {  	[sflag:s26] =	ssyncset.done $0x0  }
0x10b: {  	[sflag:s26] =	ssyncadd.s32 $0xFFFFC000  }
0x10c: {  	[spmem:s1] =	stream.indirect.scatter.add.f32 [tilespmem:s29], [sflag:$0x3], $0x80, s28, s24, $0xb8;
	[tilespmem:$0x1E200] =	vst v63  }
0x10d: {  	_ =	swait.ge [sflag:s30], $0x4000  }
0x10e: {  	[sflag:s30] =	ssyncset.done $0x0  }
0x10f: {  	[sflag:s30] =	ssyncadd.s32 $0xFFFFC000  }
0x110: {  	_ =	swait.ge [sflag:s0], $0x4000  }
0x111: {  	[sflag:s0] =	ssyncset.done $0x0  }
0x112: {  	[sflag:s0] =	ssyncadd.s32 $0xFFFFC000  }
0x113: {  	[bflag:$0x0] =	sbarrier.arrive $0xFFFF  }
0x114: {  	[hbm:s15], [sflag:s6] =	dma.local [spmem:s7], $0x2700  }
0x115: {  	_ =	swait.ge [sflag:s22], $0x2700  }
0x116: {  	[sflag:s22] =	ssyncset.done $0x0  }
0x117: {  	s5 =	sadd.s32 $0x1, s5;
	[sflag:s22] =	ssyncadd.s32 $0xFFFFD900  }
0x118: {  	[hbm:s16], [sflag:s6] =	dma.local @!p0 [spmem:s8], $0x100  }
0x119: {  	p1 =	sne.s32 s5, s17;
	s6 =	simm.s32 @!p0 $0x4  }
.Ltmp4:
0x11a: {  	_ =	swait.ge @!p0 [sflag:s6], $0x100;
	(pc) =	sbr.rel @p1 .LBB2_1-.Ltmp4, $3  }
0x11b: {  	[sflag:s6] =	ssyncset.done @!p0 $0x0  }
0x11c: {  	[sflag:s6] =	ssyncadd.s32 @!p0 $0xFFFFFF00  }
0x11d: {  	[bflag:$0x0] =	sbarrier.arrive $0xFFFF;
	_ =	sdelay $0x1  }
0x11e: {  	_ =	sfence.sel $0x180000  }
0x11f: {  	[bflag:$0x0] =	sbarrier.arrive $0xFFFF  }
0x120: {  	_ =	strace $0x9000004A  }
0x121: {  	[bflag:$0x2] =	sbarrier.arrive $0xFFFF  }
0x122: {  	s0 =	rddreg [dreg:$0x2]  }
0x123: {  	s0 =	sadd.s32 @!p0 $0x100000, s0  }
0x124: {  	[sflag:s0] =	ssyncadd.tile.s32 @!p0 $0x1;
	_ =	shalt  }
.Lfunc_end2:
_tile_overlayer_lowered:
.L_overlay_start_2:
0x125: {  	(tag) =	ssettag $0x2  }
0x126: {  	s0 =	rddreg [dreg:$0x0];
	s2 =	stileid.u32  }
0x127: {  	s1 =	rddreg [dreg:$0x1];
	p0 =	sne.s32 s2, $0x0  }
0x128: {  	s3 =	rddreg [dreg:$0x2];
	[bflag:$0x3] =	sbarrier.arrive $0xFFFF;
	s2 =	simm.s32 @!p0 $0x1C04  }
0x129: {  	[timem:s3], [sflag:s2] =	dma.local @!p0 [hbm:s0], s1  }
0x12a: {  	s0 =	simm.s32 @!p0 $0x4  }
0x12b: {  	_ =	swait.ge @!p0 [sflag:s0], s1  }
0x12c: {  	s1 =	ssub.s32 @!p0 $0x0, s1;
	[sflag:s0] =	ssyncset.done @!p0 $0x0  }
0x12d: {  	[sflag:s0] =	ssyncadd.s32 @!p0 s1  }
0x12e: {  	[bflag:$0x3] =	sbarrier.arrive $0xFFFF  }
0x12f: {  	_ =	shalt  }

// kernel: kernel.18.cloned.1.call-start
scs
__scs_entry_jumppad:
0x0: {  	(pc) =	sbr.rel $0x88, $3  }
0x1: {  	(tag) =	ssettag $0x0;
	lr =	simm.s32 $0x1  }
0x2: {  	[smem:$0x3F8E] =	sst lr;
	_ =	strace $0xD0000000  }
0x3: {  	_ = 	snop  }
0x4: {  	_ = 	snop  }
0x5: {  	_ = 	snop  }
0x6: {  	_ = 	snop  }
0x7: {  	_ = 	snop  }
__scs_overlays_trampoline_lowered:
0x8: {  	[smem:$0x3F9D] =	sst s0  }
0x9: {  	[smem:$0x3F9E] =	sst s1  }
0xa: {  	[smem:$0x3F9F] =	sst s2  }
0xb: {  	[smem:$0x3FA0] =	sst s3  }
0xc: {  	[smem:$0x3FA1] =	sst s4  }
0xd: {  	[smem:$0x3FA2] =	sst s5  }
0xe: {  	[smem:$0x3FA3] =	sst s6  }
0xf: {  	[smem:$0x3FA4] =	sst s7  }
0x10: {  	[smem:$0x3FA5] =	sst s8  }
0x11: {  	[smem:$0x3FA6] =	sst s9;
	s0 =	simm.s32 @!p0 $0x0  }
0x12: {  	s1 =	sld [smem:$0x3F8C];
	s0 =	simm.s32 @p0 $0x1  }
0x13: {  	[smem:$0x3FA7] =	sst s0;
	s0 =	simm.s32 @!p1 $0x0  }
0x14: {  	s2 =	sld [smem:$0x3F8B];
	s0 =	simm.s32 @p1 $0x1  }
0x15: {  	[smem:$0x3FA8] =	sst s0;
	s0 =	simm.s32 @!p2 $0x0  }
0x16: {  	s3 =	sld [smem:$0x3FDB];
	s0 =	simm.s32 @p2 $0x1  }
0x17: {  	s4 =	simm.s32 $0x1BF5;
	[smem:$0x3FAA] =	sst s0  }
0x18: {  	s0 =	sld [smem:$0x3F8D];
	_ =	swait.ge [sflag:s4], $0x0  }
0x19: {  	s7 =	sld [smem:$0x3F8E]  }
0x1a: {  	s8 =	sadd.s32 $0xFFFFE003, lr  }
0x1b: {  	s9 =	sadd.s32 $0xFFFFFEF7, lr;
	s5 =	simm.s32 $0xFFFFFFFF;
	p2 =	slt.u32 s8, $0xFFFFF086  }
0x1c: {  	p1 =	slt.u32 s9, $0xF7A;
	s5 =	simm.s32 @!p2 $0x0  }
0x1d: {  	s5 =	simm.s32 @p1 $0x1;
	p0 =	seq.s32 s7, s2  }
0x1e: {  	s7 =	smul.u32 @!p0 $0xF7A, s2;
	p2 =	seq.s32 @!p0 s5, $0x0  }
0x1f: {  	s9 =	smul.u32 $0xF7A, s1;
	s8 =	simm.s32 @!p0 $0x1BF5;
	p2 =	por !p2, p0  }
0x20: {  	[sflag:s8] =	ssyncset.s32 @!p0 $0xFFFFF086;
	s6 =	sadd.s32 @!p0 s3, s7;
	s7 =	simm.s32 @!p0 $0x108  }
0x21: {  	s3 =	sadd.s32 s3, s9;
	s6 =	sadd.s32 @!p0 $0x88, s6;
	s7 =	simm.s32 @p2 $0x1082  }
0x22: {  	[simem:s7], [sflag:s8] =	dma.local @!p0 [hbm:s6], $0xF7A  }
0x23: {  	s9 =	sor.u32 $0xD0000000, s2;
	s6 =	simm.s32 $0x108;
	_ =	swait.ge @!p0 [sflag:s8], $0x0  }
0x24: {  	s3 =	sadd.s32 $0x88, s3;
	s6 =	simm.s32 @!p1 $0x1082;
	[sflag:s4] =	ssyncset.s32 $0xFFFFF086  }
0x25: {  	[simem:s6], [sflag:s4] =	dma.local [hbm:s3], $0xF7A  }
0x26: {  	[smem:$0x3F8E] =	sst s1;
	(tag) =	ssettag s2;
	_ =	strace s9  }
0x27: {  	s1 =	sld [smem:$0x3F9E]  }
0x28: {  	s2 =	sld [smem:$0x3F9F]  }
0x29: {  	s4 =	sld [smem:$0x3FA1]  }
0x2a: {  	p0 =	seq.s32 s5, $0x0;
	s5 =	sld [smem:$0x3FA2]  }
0x2b: {  	s6 =	sld [smem:$0x3FA3]  }
0x2c: {  	s7 =	sld [smem:$0x3FA4]  }
0x2d: {  	s3 =	simm.s32 $0x108;
	s8 =	sld [smem:$0x3FA5]  }
0x2e: {  	s3 =	simm.s32 @!p0 $0x1082;
	s9 =	sld [smem:$0x3FA6]  }
0x2f: {  	lr =	sadd.s32 s0, s3;
	s0 =	sld [smem:$0x3F9D]  }
0x30: {  	s3 =	sld [smem:$0x3FA0]  }
0x31: {  	[smem:$0x3FA9] =	sst s10  }
0x32: {  	s10 =	sld [smem:$0x3FA7];
	_ =	sdelay $0x3  }
0x33: {  	p0 =	seq.s32 s10, $0x1;
	s10 =	sld [smem:$0x3FA9];
	_ =	sdelay $0x3  }
0x34: {  	[smem:$0x3FA9] =	sst s10  }
0x35: {  	s10 =	sld [smem:$0x3FA8];
	_ =	sdelay $0x3  }
0x36: {  	p1 =	seq.s32 s10, $0x1;
	s10 =	sld [smem:$0x3FA9];
	_ =	sdelay $0x3  }
0x37: {  	[smem:$0x3FA9] =	sst s10  }
0x38: {  	s10 =	sld [smem:$0x3FAA]  }
0x39: {  	_ = 	snop;
	(pc) =	sbr.ind lr, $3  }
0x3a: {  	_ = 	snop  }
0x3b: {  	_ = 	snop  }
0x3c: {  	p2 =	seq.s32 s10, $0x1;
	s10 =	sld [smem:$0x3FA9]  }
0x3d: {  	_ =	shalt  }
0x3e: {  	_ =	shalt  }
0x3f: {  	_ =	shalt  }
0x40: {  	_ =	shalt  }
0x41: {  	_ =	shalt  }
0x42: {  	_ =	shalt  }
0x43: {  	_ =	shalt  }
0x44: {  	_ =	shalt  }
0x45: {  	_ =	shalt  }
0x46: {  	_ =	shalt  }
0x47: {  	_ =	shalt  }
0x48: {  	_ =	shalt  }
0x49: {  	_ =	shalt  }
0x4a: {  	_ =	shalt  }
0x4b: {  	_ =	shalt  }
0x4c: {  	_ =	shalt  }
0x4d: {  	_ =	shalt  }
0x4e: {  	_ =	shalt  }
0x4f: {  	_ =	shalt  }
0x50: {  	_ =	shalt  }
0x51: {  	_ =	shalt  }
0x52: {  	_ =	shalt  }
0x53: {  	_ =	shalt  }
0x54: {  	_ =	shalt  }
0x55: {  	_ =	shalt  }
0x56: {  	_ =	shalt  }
0x57: {  	_ =	shalt  }
0x58: {  	_ =	shalt  }
0x59: {  	_ =	shalt  }
0x5a: {  	_ =	shalt  }
0x5b: {  	_ =	shalt  }
0x5c: {  	_ =	shalt  }
0x5d: {  	_ =	shalt  }
0x5e: {  	_ =	shalt  }
0x5f: {  	_ =	shalt  }
0x60: {  	_ =	shalt  }
0x61: {  	_ =	shalt  }
0x62: {  	_ =	shalt  }
0x63: {  	_ =	shalt  }
0x64: {  	_ =	shalt  }
0x65: {  	_ =	shalt  }
0x66: {  	_ =	shalt  }
0x67: {  	_ =	shalt  }
0x68: {  	_ =	shalt  }
0x69: {  	_ =	shalt  }
0x6a: {  	_ =	shalt  }
0x6b: {  	_ =	shalt  }
0x6c: {  	_ =	shalt  }
0x6d: {  	_ =	shalt  }
0x6e: {  	_ =	shalt  }
0x6f: {  	_ =	shalt  }
0x70: {  	_ =	shalt  }
0x71: {  	_ =	shalt  }
0x72: {  	_ =	shalt  }
0x73: {  	_ =	shalt  }
0x74: {  	_ =	shalt  }
0x75: {  	_ =	shalt  }
0x76: {  	_ =	shalt  }
0x77: {  	_ =	shalt  }
0x78: {  	_ =	shalt  }
0x79: {  	_ =	shalt  }
0x7a: {  	_ =	shalt  }
0x7b: {  	_ =	shalt  }
0x7c: {  	_ =	shalt  }
0x7d: {  	_ =	shalt  }
0x7e: {  	_ =	shalt  }
0x7f: {  	_ =	shalt  }
0x80: {  	_ =	shalt  }
0x81: {  	_ =	shalt  }
0x82: {  	_ =	shalt  }
0x83: {  	_ =	shalt  }
0x84: {  	_ =	shalt  }
0x85: {  	_ =	shalt  }
0x86: {  	_ =	shalt  }
0x87: {  	_ =	shalt  }
.Lfunc_end0:
.L_simem_size_0:
called_computation.2_lowered:
.L_overlay_start_0:
0x88: {  	s2 =	sld [smem:$0x3FD9]  }
0x89: {  	s3 =	sld [smem:$0x3FFE];
	_ =	sdelay $0x1  }
0x8a: {  	s1 =	srdreg.scid  }
0x8b: {  	s0 =	sand.u32 $0x1, s1  }
0x8c: {  	s16 =	sshll.u32 s0, $0xA;
	s2 =	sadd.s32 s3, s2  }
0x8d: {  	s2 =	sadd.s32 s2, s16  }
0x8e: {  	[smem:$0x3FB5] =	sst s2  }
0x8f: {  	_ = 	snop  }
0x90: {  	(tm) =	ssettm $0x1  }
0x91: {  	s17 =	sld [smem:$0x3FFB];
	_ =	sdelay $0x3  }
0x92: {  	_ =	strace s17  }
0x93: {  	s2 =	sld [smem:$0x3FFC];
	_ =	sdelay $0x3  }
0x94: {  	_ =	strace s2  }
0x95: {  	s2 =	sld [smem:$0x3FFD];
	_ =	sdelay $0x3  }
0x96: {  	_ =	strace s2  }
0x97: {  	_ =	strace $0x8FFFFFFF  }
0x98: {  	s18 =	sld [smem:$0x3FDB];
	_ =	sdelay $0x1  }
0x99: {  	s19 =	simm.s32 $_scs_section_size  }
0x9a: {  	s4 =	simm.s32 $_size__tile_overlayer_lowered;
	s5 =	simm.s32 $_tile_overlayer_lowered  }
0x9b: {  	s22 =	simm.s32 $0x1BFF;
	s21 =	sshll.u32 s5, $0x1;
	s2 =	sadd.s32 s19, s18  }
0x9c: {  	s6 =	simm.s32 $0x0;
	s20 =	sshll.u32 s4, $0x1;
	s4 =	sadd.s32 s21, s2  }
0x9d: {  	[timem:s6], [sflag:s22] =	dma.local [hbm:s4], s20  }
0x9e: {  	_ =	swait.ge [sflag:s22], s20  }
0x9f: {  	s3 =	ssub.s32 $0x0, s20;
	[sflag:s22] =	ssyncset.done $0x0  }
0xa0: {  	[sflag:s22] =	ssyncadd.s32 s3;
	_ =	sdelay $0x1  }
0xa1: {  	s23 =	simm.s32 $0x1B8B  }
0xa2: {  	_ =	swait.ge [sflag:s23], $0x1  }
0xa3: {  	[sflag:s23] =	ssyncset.done $0x0  }
0xa4: {  	s25 =	simm.s32 $0x1B8E;
	s24 =	sld [smem:$0x3FFE];
	[sflag:s23] =	ssyncadd.s32 $0xFFFFFFFF  }
0xa5: {  	s26 =	simm.s32 $execute0_lowered;
	[smem:$0x3FD2] =	sst s25  }
0xa6: {  	s4 =	sshll.u32 s26, $0x1;
	_ =	strace $0x8000004C;
	[dreg:$0x1] =	wrdreg $0xFFFFFFFF  }
0xa7: {  	s28 =	simm.s32 $_size_execute0_lowered;
	s2 =	sadd.s32 s2, s4;
	[dreg:$0x0] =	wrdreg $0x0  }
0xa8: {  	s4 =	sshll.u32 s28, $0x1;
	[dreg:$0x2] =	wrdreg s2  }
0xa9: {  	[dreg:$0x3] =	wrdreg s4  }
0xaa: {  	[dreg:$0x4] =	wrdreg $0xC0  }
0xab: {  	_ =	task [dreg:s6], $0x5FFFF  }
0xac: {  	[dreg:$0x1] =	wrdreg $0xFFFFFFFF  }
0xad: {  	[dreg:$0x0] =	wrdreg $0x60  }
0xae: {  	[dreg:$0x2] =	wrdreg s24  }
0xaf: {  	[dreg:$0x3] =	wrdreg $0xA9000  }
0xb0: {  	[dreg:$0x4] =	wrdreg $0x9  }
0xb1: {  	_ =	task.clear_ibuf [dreg:s6], $0x5FFFF;
	_ =	strace $0x9000004C  }
0xb2: {  	s29 =	simm.s32 $0x9;
	_ =	strace $0x8000004E  }
0xb3: {  	_ =	swait.ge [sflag:s29], $0x1  }
0xb4: {  	[sflag:s29] =	ssyncadd.s32 $0xFFFFFFFF  }
0xb5: {  	_ =	strace $0x9000004E  }
0xb6: {  	_ =	sfence  }
0xb7: {  	s30 =	sld [smem:$0x0];
	_ =	sdelay $0x2  }
0xb8: {  	s31 =	sshll.u32 s1, $0xD;
	s1 =	sshrl.u32 s1, $0x2  }
0xb9: {  	s3 =	sand.u32 $0x4000, s31;
	s1 =	sadd.s32 s1, s30  }
0xba: {  	s0 =	sor.u32 s3, s0;
	s1 =	sshll.u32 s1, $0x11  }
0xbb: {  	s0 =	sor.u32 s1, s0  }
0xbc: {  	s0 =	sadd.s32 $0x8F2B, s0  }
0xbd: {  	[sflag:s0] =	ssyncadd.remote.s32 $0x1  }
0xbe: {  	_ =	sfence.sel $0xFFFF  }
0xbf: {  	[dreg:$0x0] =	wrdreg $0xFFFFFFFF;
	(pc) =	sbr.abs _section_cstart, $3  }
0xc0: {  	[dreg:$0x1] =	wrdreg $0xFFFFFFFF  }
0xc1: {  	_ =	task.clear_ibuf [dreg:s6], $0x2FFFF;
	_ =	strace $0x9FFFFFFF  }
0xc2: {  	(tm) =	ssettm $0x7FFFFFFF  }
0xc3: {  	_ =	shalt  }
tec
execute0_lowered:
.L_overlay_start_1:
0x0: {  	(tag) =	ssettag $0x1  }
0x1: {  	s0 =	rddreg [dreg:$0x0]  }
0x2: {  	s1 =	rddreg [dreg:$0x1];
	s2 =	simm.s32 $0x0  }
0x3: {  	s13 =	stileid.u32;
	s5 =	srdreg.scid;
	s28 =	simm.s32 $0x2880  }
0x4: {  	s29 =	simm.s32 $0x6900;
	s30 =	simm.s32 $0x2;
	s3 =	smul.u32 $0x2800, s13  }
0x5: {  	s31 =	simm.s32 $0x100;
	[smem:$0x7FF] =	sst s2;
	s6 =	smul.u32 $0x270, s13  }
0x6: {  	s4 =	sadd.s32 $0x11F000, s0;
	s5 =	sand.u32 $0x1, s5;
	s12 =	smul.u32 $0x4E000, s13  }
0x7: {  	s11 =	sadd.s32 $0x3800, s0;
	s18 =	sadd.s32 $0x138000, s1;
	s25 =	smul.u32 $0x500, s13  }
0x8: {  	p0 =	sne.s32 s13, $0x0;
	_ =	strace $0x8000004D;
	s9 =	smul.u32 $0x4E20, s5  }
0x9: {  	s8 =	ssub.s32 $0x2, s5;
	s5 =	smul.u32 $0x271000, s5;
	[dreg:$0x6] =	wrdreg s18  }
0xa: {  	s3 =	sshrl.u32 s3, $0x3;
	s10 =	sshrl.u32 s8, $0x1;
	s16 =	sshrl.u32 s12, $0x2  }
0xb: {  	s26 =	sadd.s32 s25, s11;
	s25 =	simm.s32 $0x2900;
	s7 =	sadd.s32 s3, s0  }
0xc: {  	s0 =	sadd.s32 $0x8800, s0;
	s8 =	ssub.s32 s8, s10;
	s6 =	sadd.s32 s6, s9  }
0xd: {  	s5 =	sshrl.u32 s5, $0x3;
	s10 =	sadd.s32 s11, s3;
	s3 =	simm.s32 $0x2780  }
0xe: {  	s7 =	sadd.s32 $0x11A000, s7;
	s6 =	sshll.u32 s6, $0x4;
	s19 =	sadd.s32 $0x27000, s5  }
0xf: {  	s5 =	sadd.s32 $0x4E100, s5;
	[dreg:$0x3] =	wrdreg s7;
	s7 =	sadd.s32 s16, s1  }
0x10: {  	s18 =	sadd.s32 $0x10, s10;
	s17 =	sadd.s32 s4, s6;
	[dreg:$0x4] =	wrdreg s7  }
0x11: {  	s20 =	sadd.s32 s4, s19;
	s21 =	sadd.s32 s0, s6;
	[dreg:$0x5] =	wrdreg s17  }
0x12: {  	s22 =	sadd.s32 s0, s19;
	s23 =	sadd.s32 $0x27100, s6;
	[dreg:$0x7] =	wrdreg s20  }
0x13: {  	s24 =	sadd.s32 s4, s5;
	s16 =	sadd.s32 s0, s5;
	[dreg:$0x8] =	wrdreg s21  }
0x14: {  	s19 =	sadd.s32 $0x20, s10;
	s5 =	simm.s32 $0x0;
	[dreg:$0x9] =	wrdreg s22  }
0x15: {  	s6 =	sadd.s32 s4, s23;
	[dreg:$0xb] =	wrdreg s24;
	s15 =	sadd.s32 s0, s23  }
0x16: {  	s17 =	smax.u32 s8, $0x1;
	s20 =	sadd.s32 $0x4F0, s10;
	s21 =	sadd.s32 $0x40, s26  }
0x17: {  	s22 =	simm.s32 $0x4;
	s23 =	simm.s32 $0x2800;
	s24 =	simm.s32 $0x80  }
0x18: {  	v0 =	vmov s9;
	s26 =	simm.s32 $0x1;
	s0 =	simm.s32 $0x3;
	[dreg:$0xa] =	wrdreg s6  }
.LBB2_1:
0x19: {  	s6 =	rddreg [dreg:$0x3]  }
0x1a: {  	[tilespmem:s2], [sflag:$0x4] =	stream.linear.gather [hbm4b:s6+s2], $0x2800, $0x38;
	[tilespmem:$0x1E200] =	vst v63  }
0x1b: {  	_ =	swait.ge [sflag:s22], $0x2800  }
0x1c: {  	[sflag:s22] =	ssyncset.done $0x0  }
0x1d: {  	s7 =	simm.s32 $0x40;
	s6 =	simm.s32 $0x0;
	[sflag:s22] =	ssyncadd.s32 $0xFFFFD800  }
.LBB2_2:
0x1e: {  	p1 =	sne.s32 s7, $0x9FC0;
	v1 =	vld [tilespmem:s6+$0x0];
	_ =	sdelay $0x1  }
.Ltmp0:
0x1f: {  	(pc) =	sbr.rel @p1 .LBB2_2-.Ltmp0, $3  }
0x20: {  	_ =	sdelay $0x1  }
0x21: {  	v1 =	vadd.s32 v0, v1  }
0x22: {  	[tilespmem:s6+$0x0] =	vst v1;
	s6 =	sshra.s32 s7, $0x2;
	s7 =	sadd.s32 $0x40, s7  }
0x23: {  	v1 =	vld [tilespmem:s6+$0x0];
	_ =	sdelay $0x3  }
0x24: {  	s7 =	stileid.u32  }
0x25: {  	s14 =	rddreg [dreg:$0x4];
	s7 =	sshll.u32 s7, $0x6;
	v1 =	vadd.s32 v0, v1  }
0x26: {  	s8 =	rddreg [dreg:$0x5];
	[tilespmem:s6+$0x0] =	vst v1;
	s6 =	sor.u32 $0x1C04, s7;
	s7 =	sshrl.u32 s14, $0x3  }
0x27: {  	[spmem:s7], [sflag:s6] =	dma.local [hbm:s8], $0x2700  }
0x28: {  	_ =	swait.ge [sflag:s22], $0x2700  }
0x29: {  	[sflag:s22] =	ssyncset.done $0x0;
	s8 =	rddreg [dreg:$0x6]  }
0x2a: {  	s9 =	rddreg [dreg:$0x7];
	[sflag:s22] =	ssyncadd.s32 $0xFFFFD900;
	s8 =	sshrl.u32 @!p0 s8, $0x3  }
0x2b: {  	[spmem:s8], [sflag:s6] =	dma.local @!p0 [hbm:s9], $0x100  }
0x2c: {  	s9 =	simm.s32 @!p0 $0x4  }
0x2d: {  	_ =	swait.ge @!p0 [sflag:s9], $0x100  }
0x2e: {  	[sflag:s9] =	ssyncset.done @!p0 $0x0  }
0x2f: {  	[sflag:s9] =	ssyncadd.s32 @!p0 $0xFFFFFF00  }
0x30: {  	[bflag:$0x0] =	sbarrier.arrive $0xFFFF  }
0x31: {  	[tilespmem:s23], [sflag:$0x4] =	stream.linear.gather [hbm4b:s10+s2], $0x80, $0x38;
	[tilespmem:$0x1E200] =	vst v63  }
0x32: {  	_ =	swait.ge [sflag:s22], $0x80  }
0x33: {  	[sflag:s22] =	ssyncset.done $0x0  }
0x34: {  	[sflag:s22] =	ssyncadd.s32 $0xFFFFFF80  }
0x35: {  	[tilespmem:s25], [sflag:$0x1] =	stream.indirect.gather [hbm4b:s4+s24], $0x80, s2, s24, $0xb8;
	[tilespmem:$0x1E200] =	vst v63  }
0x36: {  	_ =	swait.ge [sflag:s26], $0x4000  }
0x37: {  	[sflag:s26] =	ssyncset.done $0x0  }
0x38: {  	[sflag:s26] =	ssyncadd.s32 $0xFFFFC000  }
0x39: {  	[spmem:s1] =	stream.indirect.scatter.add.f32 [tilespmem:s25], [sflag:$0x2], $0x80, s23, s24, $0xb8;
	[tilespmem:$0x1E200] =	vst v63  }
0x3a: {  	_ = 	snop  }
0x3b: {  	[tilespmem:s28], [sflag:$0x4] =	stream.linear.gather [hbm4b:s18+s2], $0x80, $0x38;
	[tilespmem:$0x1E200] =	vst v63  }
0x3c: {  	_ =	swait.ge [sflag:s22], $0x80  }
0x3d: {  	[sflag:s22] =	ssyncset.done $0x0  }
0x3e: {  	[sflag:s22] =	ssyncadd.s32 $0xFFFFFF80  }
0x3f: {  	[tilespmem:s29], [sflag:$0x1] =	stream.indirect.gather [hbm4b:s4+s24], $0x80, s24, s24, $0xb8;
	[tilespmem:$0x1E200] =	vst v63  }
0x40: {  	_ =	swait.ge [sflag:s26], $0x4000  }
0x41: {  	[sflag:s26] =	ssyncset.done $0x0  }
0x42: {  	[sflag:s26] =	ssyncadd.s32 $0xFFFFC000  }
0x43: {  	[spmem:s1] =	stream.indirect.scatter.add.f32 [tilespmem:s29], [sflag:$0x3], $0x80, s28, s24, $0xb8;
	[tilespmem:$0x1E200] =	vst v63  }
0x44: {  	_ =	swait.ge [sflag:s30], $0x4000  }
0x45: {  	[sflag:s30] =	ssyncset.done $0x0  }
0x46: {  	[sflag:s30] =	ssyncadd.s32 $0xFFFFC000  }
0x47: {  	[tilespmem:s23], [sflag:$0x4] =	stream.linear.gather [hbm4b:s19+s2], $0x80, $0x38;
	[tilespmem:$0x1E200] =	vst v63  }
0x48: {  	_ =	swait.ge [sflag:s22], $0x80  }
0x49: {  	[sflag:s22] =	ssyncset.done $0x0  }
0x4a: {  	[sflag:s22] =	ssyncadd.s32 $0xFFFFFF80  }
0x4b: {  	[tilespmem:s25], [sflag:$0x1] =	stream.indirect.gather [hbm4b:s4+s24], $0x80, s31, s24, $0xb8;
	[tilespmem:$0x1E200] =	vst v63  }
0x4c: {  	_ =	swait.ge [sflag:s26], $0x4000  }
0x4d: {  	[sflag:s26] =	ssyncset.done $0x0  }
0x4e: {  	[sflag:s26] =	ssyncadd.s32 $0xFFFFC000  }
0x4f: {  	[spmem:s1] =	stream.indirect.scatter.add.f32 [tilespmem:s25], [sflag:$0x2], $0x80, s23, s24, $0xb8;
	[tilespmem:$0x1E200] =	vst v63  }
0x50: {  	_ =	swait.ge [sflag:s0], $0x4000  }
0x51: {  	[sflag:s0] =	ssyncset.done $0x0  }
0x52: {  	s9 =	sadd.s32 $0xFFFFFFF0, s21;
	[sflag:s0] =	ssyncadd.s32 $0xFFFFC000  }
0x53: {  	[tilespmem:s28], [sflag:$0x4] =	stream.linear.gather [hbm4b:s9+s2], $0x80, $0x38;
	[tilespmem:$0x1E200] =	vst v63  }
0x54: {  	_ =	swait.ge [sflag:s22], $0x80  }
0x55: {  	[sflag:s22] =	ssyncset.done $0x0  }
0x56: {  	s11 =	simm.s32 $0x180;
	[sflag:s22] =	ssyncadd.s32 $0xFFFFFF80  }
0x57: {  	[tilespmem:s29], [sflag:$0x1] =	stream.indirect.gather [hbm4b:s4+s24], $0x80, s11, s24, $0xb8;
	[tilespmem:$0x1E200] =	vst v63  }
0x58: {  	_ =	swait.ge [sflag:s26], $0x4000  }
0x59: {  	[sflag:s26] =	ssyncset.done $0x0  }
0x5a: {  	[sflag:s26] =	ssyncadd.s32 $0xFFFFC000  }
0x5b: {  	[spmem:s1] =	stream.indirect.scatter.add.f32 [tilespmem:s29], [sflag:$0x3], $0x80, s28, s24, $0xb8;
	[tilespmem:$0x1E200] =	vst v63  }
0x5c: {  	_ =	swait.ge [sflag:s30], $0x4000  }
0x5d: {  	[sflag:s30] =	ssyncset.done $0x0  }
0x5e: {  	[sflag:s30] =	ssyncadd.s32 $0xFFFFC000  }
0x5f: {  	[tilespmem:s23], [sflag:$0x4] =	stream.linear.gather [hbm4b:s21+s2], $0x80, $0x38;
	[tilespmem:$0x1E200] =	vst v63  }
0x60: {  	_ =	swait.ge [sflag:s22], $0x80  }
0x61: {  	s13 =	simm.s32 $0x200;
	[sflag:s22] =	ssyncset.done $0x0  }
0x62: {  	s12 =	sadd.s32 $0x20, s21;
	s11 =	simm.s32 $0xFFFF6C00;
	[sflag:s22] =	ssyncadd.s32 $0xFFFFFF80  }
.LBB2_4:
0x63: {  	[tilespmem:s25], [sflag:$0x1] =	stream.indirect.gather [hbm4b:s4+s24], $0x80, s13, s24, $0xb8;
	[tilespmem:$0x1E200] =	vst v63  }
0x64: {  	s13 =	smov.u32 s11  }
0x65: {  	p1 =	sne.s32 s11, $0xFFFFFC00;
	s11 =	sadd.s32 $0x400, s11;
	_ =	swait.ge [sflag:s26], $0x4000  }
0x66: {  	[sflag:s26] =	ssyncset.done $0x0  }
0x67: {  	[sflag:s26] =	ssyncadd.s32 $0xFFFFC000  }
0x68: {  	[spmem:s1] =	stream.indirect.scatter.add.f32 [tilespmem:s25], [sflag:$0x2], $0x80, s23, s24, $0xb8;
	[tilespmem:$0x1E200] =	vst v63  }
0x69: {  	_ =	swait.ge [sflag:s0], $0x4000  }
0x6a: {  	[sflag:s0] =	ssyncset.done $0x0  }
0x6b: {  	s14 =	sadd.s32 $0xFFFFFFF0, s12;
	[sflag:s0] =	ssyncadd.s32 $0xFFFFC000  }
0x6c: {  	[tilespmem:s28], [sflag:$0x4] =	stream.linear.gather [hbm4b:s14+s2], $0x80, $0x38;
	[tilespmem:$0x1E200] =	vst v63  }
0x6d: {  	_ =	swait.ge [sflag:s22], $0x80  }
0x6e: {  	s13 =	sshra.s32 s13, $0x2;
	[sflag:s22] =	ssyncset.done $0x0  }
0x6f: {  	s14 =	sadd.s32 $0x2780, s13;
	[sflag:s22] =	ssyncadd.s32 $0xFFFFFF80  }
0x70: {  	[tilespmem:s29], [sflag:$0x1] =	stream.indirect.gather [hbm4b:s4+s24], $0x80, s14, s24, $0xb8;
	[tilespmem:$0x1E200] =	vst v63  }
0x71: {  	_ =	swait.ge [sflag:s26], $0x4000  }
0x72: {  	[sflag:s26] =	ssyncset.done $0x0  }
0x73: {  	[sflag:s26] =	ssyncadd.s32 $0xFFFFC000  }
0x74: {  	[spmem:s1] =	stream.indirect.scatter.add.f32 [tilespmem:s29], [sflag:$0x3], $0x80, s28, s24, $0xb8;
	[tilespmem:$0x1E200] =	vst v63  }
0x75: {  	_ =	swait.ge [sflag:s30], $0x4000  }
0x76: {  	[sflag:s30] =	ssyncset.done $0x0  }
.Ltmp1:
0x77: {  	[sflag:s30] =	ssyncadd.s32 $0xFFFFC000;
	(pc) =	sbr.rel @p1 .LBB2_4-.Ltmp1, $4  }
0x78: {  	[tilespmem:s23], [sflag:$0x4] =	stream.linear.gather [hbm4b:s12+s2], $0x80, $0x38;
	[tilespmem:$0x1E200] =	vst v63  }
0x79: {  	_ =	swait.ge [sflag:s22], $0x80  }
0x7a: {  	[sflag:s22] =	ssyncset.done $0x0  }
0x7b: {  	s13 =	sadd.s32 $0x2800, s13;
	s12 =	sadd.s32 $0x20, s12;
	[sflag:s22] =	ssyncadd.s32 $0xFFFFFF80  }
0x7c: {  	[tilespmem:s25], [sflag:$0x1] =	stream.indirect.gather [hbm4b:s4+s24], $0x80, s13, s24, $0xb8;
	[tilespmem:$0x1E200] =	vst v63  }
0x7d: {  	_ =	swait.ge [sflag:s26], $0x4000  }
0x7e: {  	[sflag:s26] =	ssyncset.done $0x0  }
0x7f: {  	[sflag:s26] =	ssyncadd.s32 $0xFFFFC000  }
0x80: {  	[spmem:s1] =	stream.indirect.scatter.add.f32 [tilespmem:s25], [sflag:$0x2], $0x80, s23, s24, $0xb8;
	[tilespmem:$0x1E200] =	vst v63  }
0x81: {  	_ =	swait.ge [sflag:s0], $0x4000  }
0x82: {  	[sflag:s0] =	ssyncset.done $0x0  }
0x83: {  	[sflag:s0] =	ssyncadd.s32 $0xFFFFC000  }
0x84: {  	[tilespmem:s28], [sflag:$0x4] =	stream.linear.gather [hbm4b:s20+s2], $0x80, $0x38;
	[tilespmem:$0x1E200] =	vst v63  }
0x85: {  	_ =	swait.ge [sflag:s22], $0x80  }
0x86: {  	[sflag:s22] =	ssyncset.done $0x0  }
0x87: {  	[sflag:s22] =	ssyncadd.s32 $0xFFFFFF80  }
0x88: {  	[tilespmem:s29], [sflag:$0x1] =	stream.indirect.gather [hbm4b:s4+s24], $0x80, s3, s24, $0xb8;
	[tilespmem:$0x1E200] =	vst v63  }
0x89: {  	_ =	swait.ge [sflag:s26], $0x4000  }
0x8a: {  	[sflag:s26] =	ssyncset.done $0x0  }
0x8b: {  	[sflag:s26] =	ssyncadd.s32 $0xFFFFC000  }
0x8c: {  	[spmem:s1] =	stream.indirect.scatter.add.f32 [tilespmem:s29], [sflag:$0x3], $0x80, s28, s24, $0xb8;
	[tilespmem:$0x1E200] =	vst v63  }
0x8d: {  	_ =	swait.ge [sflag:s30], $0x4000  }
0x8e: {  	[sflag:s30] =	ssyncset.done $0x0  }
0x8f: {  	[sflag:s30] =	ssyncadd.s32 $0xFFFFC000  }
0x90: {  	_ =	swait.ge [sflag:s0], $0x4000  }
0x91: {  	[sflag:s0] =	ssyncset.done $0x0  }
0x92: {  	[sflag:s0] =	ssyncadd.s32 $0xFFFFC000  }
0x93: {  	[bflag:$0x0] =	sbarrier.arrive $0xFFFF  }
0x94: {  	s11 =	rddreg [dreg:$0x8]  }
0x95: {  	[hbm:s11], [sflag:s6] =	dma.local [spmem:s7], $0x2700  }
0x96: {  	_ =	swait.ge [sflag:s22], $0x2700  }
0x97: {  	[sflag:s22] =	ssyncset.done $0x0  }
0x98: {  	s11 =	rddreg [dreg:$0x9];
	[sflag:s22] =	ssyncadd.s32 $0xFFFFD900  }
0x99: {  	[hbm:s11], [sflag:s6] =	dma.local @!p0 [spmem:s8], $0x100  }
0x9a: {  	s11 =	simm.s32 @!p0 $0x4  }
0x9b: {  	_ =	swait.ge @!p0 [sflag:s11], $0x100  }
0x9c: {  	[sflag:s11] =	ssyncset.done @!p0 $0x0  }
0x9d: {  	[sflag:s11] =	ssyncadd.s32 @!p0 $0xFFFFFF00  }
0x9e: {  	s12 =	simm.s32 $0x40;
	s11 =	simm.s32 $0x0;
	[bflag:$0x0] =	sbarrier.arrive $0xFFFF  }
.LBB2_6:
0x9f: {  	p1 =	sne.s32 s12, $0x9FC0;
	v1 =	vld [tilespmem:s11+$0x0];
	_ =	sdelay $0x1  }
.Ltmp2:
0xa0: {  	(pc) =	sbr.rel @p1 .LBB2_6-.Ltmp2, $3  }
0xa1: {  	_ =	sdelay $0x1  }
0xa2: {  	v1 =	vadd.s32 $0x2710, v1  }
0xa3: {  	[tilespmem:s11+$0x0] =	vst v1;
	s11 =	sshra.s32 s12, $0x2;
	s12 =	sadd.s32 $0x40, s12  }
0xa4: {  	v1 =	vld [tilespmem:s11+$0x0];
	_ =	sdelay $0x4  }
0xa5: {  	v1 =	vadd.s32 $0x2710, v1  }
0xa6: {  	s13 =	rddreg [dreg:$0xa];
	[tilespmem:s11+$0x0] =	vst v1  }
0xa7: {  	[spmem:s7], [sflag:s6] =	dma.local [hbm:s13], $0x2700  }
0xa8: {  	_ =	swait.ge [sflag:s22], $0x2700  }
0xa9: {  	[sflag:s22] =	ssyncset.done $0x0  }
0xaa: {  	s11 =	rddreg [dreg:$0xb];
	[sflag:s22] =	ssyncadd.s32 $0xFFFFD900  }
0xab: {  	[spmem:s8], [sflag:s6] =	dma.local @!p0 [hbm:s11], $0x100  }
0xac: {  	s11 =	simm.s32 @!p0 $0x4  }
0xad: {  	_ =	swait.ge @!p0 [sflag:s11], $0x100  }
0xae: {  	[sflag:s11] =	ssyncset.done @!p0 $0x0  }
0xaf: {  	[sflag:s11] =	ssyncadd.s32 @!p0 $0xFFFFFF00  }
0xb0: {  	[bflag:$0x0] =	sbarrier.arrive $0xFFFF  }
0xb1: {  	[tilespmem:s23], [sflag:$0x4] =	stream.linear.gather [hbm4b:s10+s2], $0x80, $0x38;
	[tilespmem:$0x1E200] =	vst v63  }
0xb2: {  	_ =	swait.ge [sflag:s22], $0x80  }
0xb3: {  	[sflag:s22] =	ssyncset.done $0x0  }
0xb4: {  	[sflag:s22] =	ssyncadd.s32 $0xFFFFFF80  }
0xb5: {  	[tilespmem:s25], [sflag:$0x1] =	stream.indirect.gather [hbm4b:s4+s24], $0x80, s2, s24, $0xb8;
	[tilespmem:$0x1E200] =	vst v63  }
0xb6: {  	_ =	swait.ge [sflag:s26], $0x4000  }
0xb7: {  	[sflag:s26] =	ssyncset.done $0x0  }
0xb8: {  	[sflag:s26] =	ssyncadd.s32 $0xFFFFC000  }
0xb9: {  	[spmem:s1] =	stream.indirect.scatter.add.f32 [tilespmem:s25], [sflag:$0x2], $0x80, s23, s24, $0xb8;
	[tilespmem:$0x1E200] =	vst v63  }
0xba: {  	_ = 	snop  }
0xbb: {  	[tilespmem:s28], [sflag:$0x4] =	stream.linear.gather [hbm4b:s18+s2], $0x80, $0x38;
	[tilespmem:$0x1E200] =	vst v63  }
0xbc: {  	_ =	swait.ge [sflag:s22], $0x80  }
0xbd: {  	[sflag:s22] =	ssyncset.done $0x0  }
0xbe: {  	[sflag:s22] =	ssyncadd.s32 $0xFFFFFF80  }
0xbf: {  	[tilespmem:s29], [sflag:$0x1] =	stream.indirect.gather [hbm4b:s4+s24], $0x80, s24, s24, $0xb8;
	[tilespmem:$0x1E200] =	vst v63  }
0xc0: {  	_ =	swait.ge [sflag:s26], $0x4000  }
0xc1: {  	[sflag:s26] =	ssyncset.done $0x0  }
0xc2: {  	[sflag:s26] =	ssyncadd.s32 $0xFFFFC000  }
0xc3: {  	[spmem:s1] =	stream.indirect.scatter.add.f32 [tilespmem:s29], [sflag:$0x3], $0x80, s28, s24, $0xb8;
	[tilespmem:$0x1E200] =	vst v63  }
0xc4: {  	_ =	swait.ge [sflag:s30], $0x4000  }
0xc5: {  	[sflag:s30] =	ssyncset.done $0x0  }
0xc6: {  	[sflag:s30] =	ssyncadd.s32 $0xFFFFC000  }
0xc7: {  	[tilespmem:s23], [sflag:$0x4] =	stream.linear.gather [hbm4b:s19+s2], $0x80, $0x38;
	[tilespmem:$0x1E200] =	vst v63  }
0xc8: {  	_ =	swait.ge [sflag:s22], $0x80  }
0xc9: {  	[sflag:s22] =	ssyncset.done $0x0  }
0xca: {  	[sflag:s22] =	ssyncadd.s32 $0xFFFFFF80  }
0xcb: {  	[tilespmem:s25], [sflag:$0x1] =	stream.indirect.gather [hbm4b:s4+s24], $0x80, s31, s24, $0xb8;
	[tilespmem:$0x1E200] =	vst v63  }
0xcc: {  	_ =	swait.ge [sflag:s26], $0x4000  }
0xcd: {  	[sflag:s26] =	ssyncset.done $0x0  }
0xce: {  	[sflag:s26] =	ssyncadd.s32 $0xFFFFC000  }
0xcf: {  	[spmem:s1] =	stream.indirect.scatter.add.f32 [tilespmem:s25], [sflag:$0x2], $0x80, s23, s24, $0xb8;
	[tilespmem:$0x1E200] =	vst v63  }
0xd0: {  	_ =	swait.ge [sflag:s0], $0x4000  }
0xd1: {  	[sflag:s0] =	ssyncset.done $0x0  }
0xd2: {  	[sflag:s0] =	ssyncadd.s32 $0xFFFFC000  }
0xd3: {  	[tilespmem:s28], [sflag:$0x4] =	stream.linear.gather [hbm4b:s9+s2], $0x80, $0x38;
	[tilespmem:$0x1E200] =	vst v63  }
0xd4: {  	_ =	swait.ge [sflag:s22], $0x80  }
0xd5: {  	[sflag:s22] =	ssyncset.done $0x0  }
0xd6: {  	s14 =	simm.s32 $0x180;
	[sflag:s22] =	ssyncadd.s32 $0xFFFFFF80  }
0xd7: {  	[tilespmem:s29], [sflag:$0x1] =	stream.indirect.gather [hbm4b:s4+s24], $0x80, s14, s24, $0xb8;
	[tilespmem:$0x1E200] =	vst v63  }
0xd8: {  	_ =	swait.ge [sflag:s26], $0x4000  }
0xd9: {  	[sflag:s26] =	ssyncset.done $0x0  }
0xda: {  	[sflag:s26] =	ssyncadd.s32 $0xFFFFC000  }
0xdb: {  	[spmem:s1] =	stream.indirect.scatter.add.f32 [tilespmem:s29], [sflag:$0x3], $0x80, s28, s24, $0xb8;
	[tilespmem:$0x1E200] =	vst v63  }
0xdc: {  	_ =	swait.ge [sflag:s30], $0x4000  }
0xdd: {  	[sflag:s30] =	ssyncset.done $0x0  }
0xde: {  	[sflag:s30] =	ssyncadd.s32 $0xFFFFC000  }
0xdf: {  	[tilespmem:s23], [sflag:$0x4] =	stream.linear.gather [hbm4b:s21+s2], $0x80, $0x38;
	[tilespmem:$0x1E200] =	vst v63  }
0xe0: {  	_ =	swait.ge [sflag:s22], $0x80  }
0xe1: {  	s12 =	simm.s32 $0x200;
	[sflag:s22] =	ssyncset.done $0x0  }
0xe2: {  	s11 =	sadd.s32 $0x20, s21;
	s9 =	simm.s32 $0xFFFF6C00;
	[sflag:s22] =	ssyncadd.s32 $0xFFFFFF80  }
.LBB2_8:
0xe3: {  	[tilespmem:s25], [sflag:$0x1] =	stream.indirect.gather [hbm4b:s4+s24], $0x80, s12, s24, $0xb8;
	[tilespmem:$0x1E200] =	vst v63  }
0xe4: {  	s12 =	smov.u32 s9  }
0xe5: {  	p1 =	sne.s32 s9, $0xFFFFFC00;
	s9 =	sadd.s32 $0x400, s9;
	_ =	swait.ge [sflag:s26], $0x4000  }
0xe6: {  	[sflag:s26] =	ssyncset.done $0x0  }
0xe7: {  	[sflag:s26] =	ssyncadd.s32 $0xFFFFC000  }
0xe8: {  	[spmem:s1] =	stream.indirect.scatter.add.f32 [tilespmem:s25], [sflag:$0x2], $0x80, s23, s24, $0xb8;
	[tilespmem:$0x1E200] =	vst v63  }
0xe9: {  	_ =	swait.ge [sflag:s0], $0x4000  }
0xea: {  	[sflag:s0] =	ssyncset.done $0x0  }
0xeb: {  	s13 =	sadd.s32 $0xFFFFFFF0, s11;
	[sflag:s0] =	ssyncadd.s32 $0xFFFFC000  }
0xec: {  	[tilespmem:s28], [sflag:$0x4] =	stream.linear.gather [hbm4b:s13+s2], $0x80, $0x38;
	[tilespmem:$0x1E200] =	vst v63  }
0xed: {  	_ =	swait.ge [sflag:s22], $0x80  }
0xee: {  	s12 =	sshra.s32 s12, $0x2;
	[sflag:s22] =	ssyncset.done $0x0  }
0xef: {  	s13 =	sadd.s32 $0x2780, s12;
	[sflag:s22] =	ssyncadd.s32 $0xFFFFFF80  }
0xf0: {  	[tilespmem:s29], [sflag:$0x1] =	stream.indirect.gather [hbm4b:s4+s24], $0x80, s13, s24, $0xb8;
	[tilespmem:$0x1E200] =	vst v63  }
0xf1: {  	_ =	swait.ge [sflag:s26], $0x4000  }
0xf2: {  	[sflag:s26] =	ssyncset.done $0x0  }
0xf3: {  	[sflag:s26] =	ssyncadd.s32 $0xFFFFC000  }
0xf4: {  	[spmem:s1] =	stream.indirect.scatter.add.f32 [tilespmem:s29], [sflag:$0x3], $0x80, s28, s24, $0xb8;
	[tilespmem:$0x1E200] =	vst v63  }
0xf5: {  	_ =	swait.ge [sflag:s30], $0x4000  }
0xf6: {  	[sflag:s30] =	ssyncset.done $0x0  }
.Ltmp3:
0xf7: {  	[sflag:s30] =	ssyncadd.s32 $0xFFFFC000;
	(pc) =	sbr.rel @p1 .LBB2_8-.Ltmp3, $4  }
0xf8: {  	[tilespmem:s23], [sflag:$0x4] =	stream.linear.gather [hbm4b:s11+s2], $0x80, $0x38;
	[tilespmem:$0x1E200] =	vst v63  }
0xf9: {  	_ =	swait.ge [sflag:s22], $0x80  }
0xfa: {  	[sflag:s22] =	ssyncset.done $0x0  }
0xfb: {  	s12 =	sadd.s32 $0x2800, s12;
	s11 =	sadd.s32 $0x20, s11;
	[sflag:s22] =	ssyncadd.s32 $0xFFFFFF80  }
0xfc: {  	[tilespmem:s25], [sflag:$0x1] =	stream.indirect.gather [hbm4b:s4+s24], $0x80, s12, s24, $0xb8;
	[tilespmem:$0x1E200] =	vst v63  }
0xfd: {  	_ =	swait.ge [sflag:s26], $0x4000  }
0xfe: {  	[sflag:s26] =	ssyncset.done $0x0  }
0xff: {  	[sflag:s26] =	ssyncadd.s32 $0xFFFFC000  }
0x100: {  	[spmem:s1] =	stream.indirect.scatter.add.f32 [tilespmem:s25], [sflag:$0x2], $0x80, s23, s24, $0xb8;
	[tilespmem:$0x1E200] =	vst v63  }
0x101: {  	_ =	swait.ge [sflag:s0], $0x4000  }
0x102: {  	[sflag:s0] =	ssyncset.done $0x0  }
0x103: {  	[sflag:s0] =	ssyncadd.s32 $0xFFFFC000  }
0x104: {  	[tilespmem:s28], [sflag:$0x4] =	stream.linear.gather [hbm4b:s20+s2], $0x80, $0x38;
	[tilespmem:$0x1E200] =	vst v63  }
0x105: {  	_ =	swait.ge [sflag:s22], $0x80  }
0x106: {  	[sflag:s22] =	ssyncset.done $0x0  }
0x107: {  	[sflag:s22] =	ssyncadd.s32 $0xFFFFFF80  }
0x108: {  	[tilespmem:s29], [sflag:$0x1] =	stream.indirect.gather [hbm4b:s4+s24], $0x80, s3, s24, $0xb8;
	[tilespmem:$0x1E200] =	vst v63  }
0x109: {  	_ =	swait.ge [sflag:s26], $0x4000  }
0x10a: {  	[sflag:s26] =	ssyncset.done $0x0  }
0x10b: {  	[sflag:s26] =	ssyncadd.s32 $0xFFFFC000  }
0x10c: {  	[spmem:s1] =	stream.indirect.scatter.add.f32 [tilespmem:s29], [sflag:$0x3], $0x80, s28, s24, $0xb8;
	[tilespmem:$0x1E200] =	vst v63  }
0x10d: {  	_ =	swait.ge [sflag:s30], $0x4000  }
0x10e: {  	[sflag:s30] =	ssyncset.done $0x0  }
0x10f: {  	[sflag:s30] =	ssyncadd.s32 $0xFFFFC000  }
0x110: {  	_ =	swait.ge [sflag:s0], $0x4000  }
0x111: {  	[sflag:s0] =	ssyncset.done $0x0  }
0x112: {  	[sflag:s0] =	ssyncadd.s32 $0xFFFFC000  }
0x113: {  	[bflag:$0x0] =	sbarrier.arrive $0xFFFF  }
0x114: {  	[hbm:s15], [sflag:s6] =	dma.local [spmem:s7], $0x2700  }
0x115: {  	_ =	swait.ge [sflag:s22], $0x2700  }
0x116: {  	[sflag:s22] =	ssyncset.done $0x0  }
0x117: {  	s5 =	sadd.s32 $0x1, s5;
	[sflag:s22] =	ssyncadd.s32 $0xFFFFD900  }
0x118: {  	[hbm:s16], [sflag:s6] =	dma.local @!p0 [spmem:s8], $0x100  }
0x119: {  	p1 =	sne.s32 s5, s17;
	s6 =	simm.s32 @!p0 $0x4  }
.Ltmp4:
0x11a: {  	_ =	swait.ge @!p0 [sflag:s6], $0x100;
	(pc) =	sbr.rel @p1 .LBB2_1-.Ltmp4, $3  }
0x11b: {  	[sflag:s6] =	ssyncset.done @!p0 $0x0  }
0x11c: {  	[sflag:s6] =	ssyncadd.s32 @!p0 $0xFFFFFF00  }
0x11d: {  	[bflag:$0x0] =	sbarrier.arrive $0xFFFF;
	_ =	sdelay $0x1  }
0x11e: {  	_ =	sfence.sel $0x180000  }
0x11f: {  	[bflag:$0x0] =	sbarrier.arrive $0xFFFF  }
0x120: {  	_ =	strace $0x9000004D  }
0x121: {  	[bflag:$0x2] =	sbarrier.arrive $0xFFFF  }
0x122: {  	s0 =	rddreg [dreg:$0x2]  }
0x123: {  	s0 =	sadd.s32 @!p0 $0x100000, s0  }
0x124: {  	[sflag:s0] =	ssyncadd.tile.s32 @!p0 $0x1;
	_ =	shalt  }
.Lfunc_end2:
_tile_overlayer_lowered:
.L_overlay_start_2:
0x125: {  	(tag) =	ssettag $0x2  }
0x126: {  	s0 =	rddreg [dreg:$0x0];
	s2 =	stileid.u32  }
0x127: {  	s1 =	rddreg [dreg:$0x1];
	p0 =	sne.s32 s2, $0x0  }
0x128: {  	s3 =	rddreg [dreg:$0x2];
	[bflag:$0x3] =	sbarrier.arrive $0xFFFF;
	s2 =	simm.s32 @!p0 $0x1C04  }
0x129: {  	[timem:s3], [sflag:s2] =	dma.local @!p0 [hbm:s0], s1  }
0x12a: {  	s0 =	simm.s32 @!p0 $0x4  }
0x12b: {  	_ =	swait.ge @!p0 [sflag:s0], s1  }
0x12c: {  	s1 =	ssub.s32 @!p0 $0x0, s1;
	[sflag:s0] =	ssyncset.done @!p0 $0x0  }
0x12d: {  	[sflag:s0] =	ssyncadd.s32 @!p0 s1  }
0x12e: {  	[bflag:$0x3] =	sbarrier.arrive $0xFFFF  }
0x12f: {  	_ =	shalt  }

// kernel: kernel.21.cloned.1.call-start
scs
__scs_entry_jumppad:
0x0: {  	(pc) =	sbr.rel $0x88, $3  }
0x1: {  	(tag) =	ssettag $0x0;
	lr =	simm.s32 $0x1  }
0x2: {  	[smem:$0x3F8E] =	sst lr;
	_ =	strace $0xD0000000  }
0x3: {  	_ = 	snop  }
0x4: {  	_ = 	snop  }
0x5: {  	_ = 	snop  }
0x6: {  	_ = 	snop  }
0x7: {  	_ = 	snop  }
__scs_overlays_trampoline_lowered:
0x8: {  	[smem:$0x3F9D] =	sst s0  }
0x9: {  	[smem:$0x3F9E] =	sst s1  }
0xa: {  	[smem:$0x3F9F] =	sst s2  }
0xb: {  	[smem:$0x3FA0] =	sst s3  }
0xc: {  	[smem:$0x3FA1] =	sst s4  }
0xd: {  	[smem:$0x3FA2] =	sst s5  }
0xe: {  	[smem:$0x3FA3] =	sst s6  }
0xf: {  	[smem:$0x3FA4] =	sst s7  }
0x10: {  	[smem:$0x3FA5] =	sst s8  }
0x11: {  	[smem:$0x3FA6] =	sst s9;
	s0 =	simm.s32 @!p0 $0x0  }
0x12: {  	s1 =	sld [smem:$0x3F8C];
	s0 =	simm.s32 @p0 $0x1  }
0x13: {  	[smem:$0x3FA7] =	sst s0;
	s0 =	simm.s32 @!p1 $0x0  }
0x14: {  	s2 =	sld [smem:$0x3F8B];
	s0 =	simm.s32 @p1 $0x1  }
0x15: {  	[smem:$0x3FA8] =	sst s0;
	s0 =	simm.s32 @!p2 $0x0  }
0x16: {  	s3 =	sld [smem:$0x3FDB];
	s0 =	simm.s32 @p2 $0x1  }
0x17: {  	s4 =	simm.s32 $0x1BF5;
	[smem:$0x3FAA] =	sst s0  }
0x18: {  	s0 =	sld [smem:$0x3F8D];
	_ =	swait.ge [sflag:s4], $0x0  }
0x19: {  	s7 =	sld [smem:$0x3F8E]  }
0x1a: {  	s8 =	sadd.s32 $0xFFFFE003, lr  }
0x1b: {  	s9 =	sadd.s32 $0xFFFFFEF7, lr;
	s5 =	simm.s32 $0xFFFFFFFF;
	p2 =	slt.u32 s8, $0xFFFFF086  }
0x1c: {  	p1 =	slt.u32 s9, $0xF7A;
	s5 =	simm.s32 @!p2 $0x0  }
0x1d: {  	s5 =	simm.s32 @p1 $0x1;
	p0 =	seq.s32 s7, s2  }
0x1e: {  	s7 =	smul.u32 @!p0 $0xF7A, s2;
	p2 =	seq.s32 @!p0 s5, $0x0  }
0x1f: {  	s9 =	smul.u32 $0xF7A, s1;
	s8 =	simm.s32 @!p0 $0x1BF5;
	p2 =	por !p2, p0  }
0x20: {  	[sflag:s8] =	ssyncset.s32 @!p0 $0xFFFFF086;
	s6 =	sadd.s32 @!p0 s3, s7;
	s7 =	simm.s32 @!p0 $0x108  }
0x21: {  	s3 =	sadd.s32 s3, s9;
	s6 =	sadd.s32 @!p0 $0x88, s6;
	s7 =	simm.s32 @p2 $0x1082  }
0x22: {  	[simem:s7], [sflag:s8] =	dma.local @!p0 [hbm:s6], $0xF7A  }
0x23: {  	s9 =	sor.u32 $0xD0000000, s2;
	s6 =	simm.s32 $0x108;
	_ =	swait.ge @!p0 [sflag:s8], $0x0  }
0x24: {  	s3 =	sadd.s32 $0x88, s3;
	s6 =	simm.s32 @!p1 $0x1082;
	[sflag:s4] =	ssyncset.s32 $0xFFFFF086  }
0x25: {  	[simem:s6], [sflag:s4] =	dma.local [hbm:s3], $0xF7A  }
0x26: {  	[smem:$0x3F8E] =	sst s1;
	(tag) =	ssettag s2;
	_ =	strace s9  }
0x27: {  	s1 =	sld [smem:$0x3F9E]  }
0x28: {  	s2 =	sld [smem:$0x3F9F]  }
0x29: {  	s4 =	sld [smem:$0x3FA1]  }
0x2a: {  	p0 =	seq.s32 s5, $0x0;
	s5 =	sld [smem:$0x3FA2]  }
0x2b: {  	s6 =	sld [smem:$0x3FA3]  }
0x2c: {  	s7 =	sld [smem:$0x3FA4]  }
0x2d: {  	s3 =	simm.s32 $0x108;
	s8 =	sld [smem:$0x3FA5]  }
0x2e: {  	s3 =	simm.s32 @!p0 $0x1082;
	s9 =	sld [smem:$0x3FA6]  }
0x2f: {  	lr =	sadd.s32 s0, s3;
	s0 =	sld [smem:$0x3F9D]  }
0x30: {  	s3 =	sld [smem:$0x3FA0]  }
0x31: {  	[smem:$0x3FA9] =	sst s10  }
0x32: {  	s10 =	sld [smem:$0x3FA7];
	_ =	sdelay $0x3  }
0x33: {  	p0 =	seq.s32 s10, $0x1;
	s10 =	sld [smem:$0x3FA9];
	_ =	sdelay $0x3  }
0x34: {  	[smem:$0x3FA9] =	sst s10  }
0x35: {  	s10 =	sld [smem:$0x3FA8];
	_ =	sdelay $0x3  }
0x36: {  	p1 =	seq.s32 s10, $0x1;
	s10 =	sld [smem:$0x3FA9];
	_ =	sdelay $0x3  }
0x37: {  	[smem:$0x3FA9] =	sst s10  }
0x38: {  	s10 =	sld [smem:$0x3FAA]  }
0x39: {  	_ = 	snop;
	(pc) =	sbr.ind lr, $3  }
0x3a: {  	_ = 	snop  }
0x3b: {  	_ = 	snop  }
0x3c: {  	p2 =	seq.s32 s10, $0x1;
	s10 =	sld [smem:$0x3FA9]  }
0x3d: {  	_ =	shalt  }
0x3e: {  	_ =	shalt  }
0x3f: {  	_ =	shalt  }
0x40: {  	_ =	shalt  }
0x41: {  	_ =	shalt  }
0x42: {  	_ =	shalt  }
0x43: {  	_ =	shalt  }
0x44: {  	_ =	shalt  }
0x45: {  	_ =	shalt  }
0x46: {  	_ =	shalt  }
0x47: {  	_ =	shalt  }
0x48: {  	_ =	shalt  }
0x49: {  	_ =	shalt  }
0x4a: {  	_ =	shalt  }
0x4b: {  	_ =	shalt  }
0x4c: {  	_ =	shalt  }
0x4d: {  	_ =	shalt  }
0x4e: {  	_ =	shalt  }
0x4f: {  	_ =	shalt  }
0x50: {  	_ =	shalt  }
0x51: {  	_ =	shalt  }
0x52: {  	_ =	shalt  }
0x53: {  	_ =	shalt  }
0x54: {  	_ =	shalt  }
0x55: {  	_ =	shalt  }
0x56: {  	_ =	shalt  }
0x57: {  	_ =	shalt  }
0x58: {  	_ =	shalt  }
0x59: {  	_ =	shalt  }
0x5a: {  	_ =	shalt  }
0x5b: {  	_ =	shalt  }
0x5c: {  	_ =	shalt  }
0x5d: {  	_ =	shalt  }
0x5e: {  	_ =	shalt  }
0x5f: {  	_ =	shalt  }
0x60: {  	_ =	shalt  }
0x61: {  	_ =	shalt  }
0x62: {  	_ =	shalt  }
0x63: {  	_ =	shalt  }
0x64: {  	_ =	shalt  }
0x65: {  	_ =	shalt  }
0x66: {  	_ =	shalt  }
0x67: {  	_ =	shalt  }
0x68: {  	_ =	shalt  }
0x69: {  	_ =	shalt  }
0x6a: {  	_ =	shalt  }
0x6b: {  	_ =	shalt  }
0x6c: {  	_ =	shalt  }
0x6d: {  	_ =	shalt  }
0x6e: {  	_ =	shalt  }
0x6f: {  	_ =	shalt  }
0x70: {  	_ =	shalt  }
0x71: {  	_ =	shalt  }
0x72: {  	_ =	shalt  }
0x73: {  	_ =	shalt  }
0x74: {  	_ =	shalt  }
0x75: {  	_ =	shalt  }
0x76: {  	_ =	shalt  }
0x77: {  	_ =	shalt  }
0x78: {  	_ =	shalt  }
0x79: {  	_ =	shalt  }
0x7a: {  	_ =	shalt  }
0x7b: {  	_ =	shalt  }
0x7c: {  	_ =	shalt  }
0x7d: {  	_ =	shalt  }
0x7e: {  	_ =	shalt  }
0x7f: {  	_ =	shalt  }
0x80: {  	_ =	shalt  }
0x81: {  	_ =	shalt  }
0x82: {  	_ =	shalt  }
0x83: {  	_ =	shalt  }
0x84: {  	_ =	shalt  }
0x85: {  	_ =	shalt  }
0x86: {  	_ =	shalt  }
0x87: {  	_ =	shalt  }
.Lfunc_end0:
.L_simem_size_0:
called_computation.3_lowered:
.L_overlay_start_0:
0x88: {  	s2 =	sld [smem:$0x3FD9]  }
0x89: {  	s3 =	sld [smem:$0x3FFE];
	_ =	sdelay $0x1  }
0x8a: {  	s1 =	srdreg.scid  }
0x8b: {  	s0 =	sand.u32 $0x1, s1  }
0x8c: {  	s16 =	sshll.u32 s0, $0xA;
	s2 =	sadd.s32 s3, s2  }
0x8d: {  	s2 =	sadd.s32 s2, s16  }
0x8e: {  	[smem:$0x3FB5] =	sst s2  }
0x8f: {  	_ = 	snop  }
0x90: {  	(tm) =	ssettm $0x1  }
0x91: {  	s17 =	sld [smem:$0x3FFB];
	_ =	sdelay $0x3  }
0x92: {  	_ =	strace s17  }
0x93: {  	s2 =	sld [smem:$0x3FFC];
	_ =	sdelay $0x3  }
0x94: {  	_ =	strace s2  }
0x95: {  	s2 =	sld [smem:$0x3FFD];
	_ =	sdelay $0x3  }
0x96: {  	_ =	strace s2  }
0x97: {  	_ =	strace $0x8FFFFFFF  }
0x98: {  	s18 =	sld [smem:$0x3FDB];
	_ =	sdelay $0x1  }
0x99: {  	s19 =	simm.s32 $_scs_section_size  }
0x9a: {  	s4 =	simm.s32 $_size__tile_overlayer_lowered;
	s5 =	simm.s32 $_tile_overlayer_lowered  }
0x9b: {  	s22 =	simm.s32 $0x1BFF;
	s21 =	sshll.u32 s5, $0x1;
	s2 =	sadd.s32 s19, s18  }
0x9c: {  	s6 =	simm.s32 $0x0;
	s20 =	sshll.u32 s4, $0x1;
	s4 =	sadd.s32 s21, s2  }
0x9d: {  	[timem:s6], [sflag:s22] =	dma.local [hbm:s4], s20  }
0x9e: {  	_ =	swait.ge [sflag:s22], s20  }
0x9f: {  	s3 =	ssub.s32 $0x0, s20;
	[sflag:s22] =	ssyncset.done $0x0  }
0xa0: {  	[sflag:s22] =	ssyncadd.s32 s3;
	_ =	sdelay $0x1  }
0xa1: {  	s23 =	simm.s32 $0x1B8B  }
0xa2: {  	_ =	swait.ge [sflag:s23], $0x1  }
0xa3: {  	[sflag:s23] =	ssyncset.done $0x0  }
0xa4: {  	s25 =	simm.s32 $0x1B8E;
	s24 =	sld [smem:$0x3FFE];
	[sflag:s23] =	ssyncadd.s32 $0xFFFFFFFF  }
0xa5: {  	s26 =	simm.s32 $execute0_lowered;
	[smem:$0x3FD2] =	sst s25  }
0xa6: {  	s4 =	sshll.u32 s26, $0x1;
	_ =	strace $0x8000004F;
	[dreg:$0x1] =	wrdreg $0xFFFFFFFF  }
0xa7: {  	s28 =	simm.s32 $_size_execute0_lowered;
	s2 =	sadd.s32 s2, s4;
	[dreg:$0x0] =	wrdreg $0x0  }
0xa8: {  	s4 =	sshll.u32 s28, $0x1;
	[dreg:$0x2] =	wrdreg s2  }
0xa9: {  	[dreg:$0x3] =	wrdreg s4  }
0xaa: {  	[dreg:$0x4] =	wrdreg $0xC0  }
0xab: {  	_ =	task [dreg:s6], $0x5FFFF  }
0xac: {  	[dreg:$0x1] =	wrdreg $0xFFFFFFFF  }
0xad: {  	[dreg:$0x0] =	wrdreg $0x60  }
0xae: {  	[dreg:$0x2] =	wrdreg s24  }
0xaf: {  	[dreg:$0x3] =	wrdreg $0xA9000  }
0xb0: {  	[dreg:$0x4] =	wrdreg $0x9  }
0xb1: {  	_ =	task.clear_ibuf [dreg:s6], $0x5FFFF;
	_ =	strace $0x9000004F  }
0xb2: {  	s29 =	simm.s32 $0x9;
	_ =	strace $0x80000051  }
0xb3: {  	_ =	swait.ge [sflag:s29], $0x1  }
0xb4: {  	[sflag:s29] =	ssyncadd.s32 $0xFFFFFFFF  }
0xb5: {  	_ =	strace $0x90000051  }
0xb6: {  	_ =	sfence  }
0xb7: {  	s30 =	sld [smem:$0x0];
	_ =	sdelay $0x2  }
0xb8: {  	s31 =	sshll.u32 s1, $0xD;
	s1 =	sshrl.u32 s1, $0x2  }
0xb9: {  	s3 =	sand.u32 $0x4000, s31;
	s1 =	sadd.s32 s1, s30  }
0xba: {  	s0 =	sor.u32 s3, s0;
	s1 =	sshll.u32 s1, $0x11  }
0xbb: {  	s0 =	sor.u32 s1, s0  }
0xbc: {  	s0 =	sadd.s32 $0x8F2B, s0  }
0xbd: {  	[sflag:s0] =	ssyncadd.remote.s32 $0x1  }
0xbe: {  	_ =	sfence.sel $0xFFFF  }
0xbf: {  	[dreg:$0x0] =	wrdreg $0xFFFFFFFF;
	(pc) =	sbr.abs _section_cstart, $3  }
0xc0: {  	[dreg:$0x1] =	wrdreg $0xFFFFFFFF  }
0xc1: {  	_ =	task.clear_ibuf [dreg:s6], $0x2FFFF;
	_ =	strace $0x9FFFFFFF  }
0xc2: {  	(tm) =	ssettm $0x7FFFFFFF  }
0xc3: {  	_ =	shalt  }
tec
execute0_lowered:
.L_overlay_start_1:
0x0: {  	(tag) =	ssettag $0x1  }
0x1: {  	s0 =	rddreg [dreg:$0x0]  }
0x2: {  	s1 =	rddreg [dreg:$0x1];
	s2 =	simm.s32 $0x0  }
0x3: {  	s13 =	stileid.u32;
	s5 =	srdreg.scid;
	s28 =	simm.s32 $0x2880  }
0x4: {  	s29 =	simm.s32 $0x6900;
	s30 =	simm.s32 $0x2;
	s3 =	smul.u32 $0x2800, s13  }
0x5: {  	s31 =	simm.s32 $0x100;
	[smem:$0x7FF] =	sst s2;
	s6 =	smul.u32 $0x270, s13  }
0x6: {  	s4 =	sadd.s32 $0x11F000, s0;
	s5 =	sand.u32 $0x1, s5;
	s12 =	smul.u32 $0x4E000, s13  }
0x7: {  	s11 =	sadd.s32 $0x3800, s0;
	s18 =	sadd.s32 $0x138000, s1;
	s25 =	smul.u32 $0x500, s13  }
0x8: {  	p0 =	sne.s32 s13, $0x0;
	_ =	strace $0x80000050;
	s9 =	smul.u32 $0x4E20, s5  }
0x9: {  	s8 =	ssub.s32 $0x2, s5;
	s5 =	smul.u32 $0x271000, s5;
	[dreg:$0x6] =	wrdreg s18  }
0xa: {  	s3 =	sshrl.u32 s3, $0x3;
	s10 =	sshrl.u32 s8, $0x1;
	s16 =	sshrl.u32 s12, $0x2  }
0xb: {  	s26 =	sadd.s32 s25, s11;
	s25 =	simm.s32 $0x2900;
	s7 =	sadd.s32 s3, s0  }
0xc: {  	s0 =	sadd.s32 $0x8800, s0;
	s8 =	ssub.s32 s8, s10;
	s6 =	sadd.s32 s6, s9  }
0xd: {  	s5 =	sshrl.u32 s5, $0x3;
	s10 =	sadd.s32 s11, s3;
	s3 =	simm.s32 $0x2780  }
0xe: {  	s7 =	sadd.s32 $0x11A000, s7;
	s6 =	sshll.u32 s6, $0x4;
	s19 =	sadd.s32 $0x27000, s5  }
0xf: {  	s5 =	sadd.s32 $0x4E100, s5;
	[dreg:$0x3] =	wrdreg s7;
	s7 =	sadd.s32 s16, s1  }
0x10: {  	s18 =	sadd.s32 $0x10, s10;
	s17 =	sadd.s32 s4, s6;
	[dreg:$0x4] =	wrdreg s7  }
0x11: {  	s20 =	sadd.s32 s4, s19;
	s21 =	sadd.s32 s0, s6;
	[dreg:$0x5] =	wrdreg s17  }
0x12: {  	s22 =	sadd.s32 s0, s19;
	s23 =	sadd.s32 $0x27100, s6;
	[dreg:$0x7] =	wrdreg s20  }
0x13: {  	s24 =	sadd.s32 s4, s5;
	s16 =	sadd.s32 s0, s5;
	[dreg:$0x8] =	wrdreg s21  }
0x14: {  	s19 =	sadd.s32 $0x20, s10;
	s5 =	simm.s32 $0x0;
	[dreg:$0x9] =	wrdreg s22  }
0x15: {  	s6 =	sadd.s32 s4, s23;
	[dreg:$0xb] =	wrdreg s24;
	s15 =	sadd.s32 s0, s23  }
0x16: {  	s17 =	smax.u32 s8, $0x1;
	s20 =	sadd.s32 $0x4F0, s10;
	s21 =	sadd.s32 $0x40, s26  }
0x17: {  	s22 =	simm.s32 $0x4;
	s23 =	simm.s32 $0x2800;
	s24 =	simm.s32 $0x80  }
0x18: {  	v0 =	vmov s9;
	s26 =	simm.s32 $0x1;
	s0 =	simm.s32 $0x3;
	[dreg:$0xa] =	wrdreg s6  }
.LBB2_1:
0x19: {  	s6 =	rddreg [dreg:$0x3]  }
0x1a: {  	[tilespmem:s2], [sflag:$0x4] =	stream.linear.gather [hbm4b:s6+s2], $0x2800, $0x38;
	[tilespmem:$0x1E200] =	vst v63  }
0x1b: {  	_ =	swait.ge [sflag:s22], $0x2800  }
0x1c: {  	[sflag:s22] =	ssyncset.done $0x0  }
0x1d: {  	s7 =	simm.s32 $0x40;
	s6 =	simm.s32 $0x0;
	[sflag:s22] =	ssyncadd.s32 $0xFFFFD800  }
.LBB2_2:
0x1e: {  	p1 =	sne.s32 s7, $0x9FC0;
	v1 =	vld [tilespmem:s6+$0x0];
	_ =	sdelay $0x1  }
.Ltmp0:
0x1f: {  	(pc) =	sbr.rel @p1 .LBB2_2-.Ltmp0, $3  }
0x20: {  	_ =	sdelay $0x1  }
0x21: {  	v1 =	vadd.s32 v0, v1  }
0x22: {  	[tilespmem:s6+$0x0] =	vst v1;
	s6 =	sshra.s32 s7, $0x2;
	s7 =	sadd.s32 $0x40, s7  }
0x23: {  	v1 =	vld [tilespmem:s6+$0x0];
	_ =	sdelay $0x3  }
0x24: {  	s7 =	stileid.u32  }
0x25: {  	s14 =	rddreg [dreg:$0x4];
	s7 =	sshll.u32 s7, $0x6;
	v1 =	vadd.s32 v0, v1  }
0x26: {  	s8 =	rddreg [dreg:$0x5];
	[tilespmem:s6+$0x0] =	vst v1;
	s6 =	sor.u32 $0x1C04, s7;
	s7 =	sshrl.u32 s14, $0x3  }
0x27: {  	[spmem:s7], [sflag:s6] =	dma.local [hbm:s8], $0x2700  }
0x28: {  	_ =	swait.ge [sflag:s22], $0x2700  }
0x29: {  	[sflag:s22] =	ssyncset.done $0x0;
	s8 =	rddreg [dreg:$0x6]  }
0x2a: {  	s9 =	rddreg [dreg:$0x7];
	[sflag:s22] =	ssyncadd.s32 $0xFFFFD900;
	s8 =	sshrl.u32 @!p0 s8, $0x3  }
0x2b: {  	[spmem:s8], [sflag:s6] =	dma.local @!p0 [hbm:s9], $0x100  }
0x2c: {  	s9 =	simm.s32 @!p0 $0x4  }
0x2d: {  	_ =	swait.ge @!p0 [sflag:s9], $0x100  }
0x2e: {  	[sflag:s9] =	ssyncset.done @!p0 $0x0  }
0x2f: {  	[sflag:s9] =	ssyncadd.s32 @!p0 $0xFFFFFF00  }
0x30: {  	[bflag:$0x0] =	sbarrier.arrive $0xFFFF  }
0x31: {  	[tilespmem:s23], [sflag:$0x4] =	stream.linear.gather [hbm4b:s10+s2], $0x80, $0x38;
	[tilespmem:$0x1E200] =	vst v63  }
0x32: {  	_ =	swait.ge [sflag:s22], $0x80  }
0x33: {  	[sflag:s22] =	ssyncset.done $0x0  }
0x34: {  	[sflag:s22] =	ssyncadd.s32 $0xFFFFFF80  }
0x35: {  	[tilespmem:s25], [sflag:$0x1] =	stream.indirect.gather [hbm4b:s4+s24], $0x80, s2, s24, $0xb8;
	[tilespmem:$0x1E200] =	vst v63  }
0x36: {  	_ =	swait.ge [sflag:s26], $0x4000  }
0x37: {  	[sflag:s26] =	ssyncset.done $0x0  }
0x38: {  	[sflag:s26] =	ssyncadd.s32 $0xFFFFC000  }
0x39: {  	[spmem:s1] =	stream.indirect.scatter.add.f32 [tilespmem:s25], [sflag:$0x2], $0x80, s23, s24, $0xb8;
	[tilespmem:$0x1E200] =	vst v63  }
0x3a: {  	_ = 	snop  }
0x3b: {  	[tilespmem:s28], [sflag:$0x4] =	stream.linear.gather [hbm4b:s18+s2], $0x80, $0x38;
	[tilespmem:$0x1E200] =	vst v63  }
0x3c: {  	_ =	swait.ge [sflag:s22], $0x80  }
0x3d: {  	[sflag:s22] =	ssyncset.done $0x0  }
0x3e: {  	[sflag:s22] =	ssyncadd.s32 $0xFFFFFF80  }
0x3f: {  	[tilespmem:s29], [sflag:$0x1] =	stream.indirect.gather [hbm4b:s4+s24], $0x80, s24, s24, $0xb8;
	[tilespmem:$0x1E200] =	vst v63  }
0x40: {  	_ =	swait.ge [sflag:s26], $0x4000  }
0x41: {  	[sflag:s26] =	ssyncset.done $0x0  }
0x42: {  	[sflag:s26] =	ssyncadd.s32 $0xFFFFC000  }
0x43: {  	[spmem:s1] =	stream.indirect.scatter.add.f32 [tilespmem:s29], [sflag:$0x3], $0x80, s28, s24, $0xb8;
	[tilespmem:$0x1E200] =	vst v63  }
0x44: {  	_ =	swait.ge [sflag:s30], $0x4000  }
0x45: {  	[sflag:s30] =	ssyncset.done $0x0  }
0x46: {  	[sflag:s30] =	ssyncadd.s32 $0xFFFFC000  }
0x47: {  	[tilespmem:s23], [sflag:$0x4] =	stream.linear.gather [hbm4b:s19+s2], $0x80, $0x38;
	[tilespmem:$0x1E200] =	vst v63  }
0x48: {  	_ =	swait.ge [sflag:s22], $0x80  }
0x49: {  	[sflag:s22] =	ssyncset.done $0x0  }
0x4a: {  	[sflag:s22] =	ssyncadd.s32 $0xFFFFFF80  }
0x4b: {  	[tilespmem:s25], [sflag:$0x1] =	stream.indirect.gather [hbm4b:s4+s24], $0x80, s31, s24, $0xb8;
	[tilespmem:$0x1E200] =	vst v63  }
0x4c: {  	_ =	swait.ge [sflag:s26], $0x4000  }
0x4d: {  	[sflag:s26] =	ssyncset.done $0x0  }
0x4e: {  	[sflag:s26] =	ssyncadd.s32 $0xFFFFC000  }
0x4f: {  	[spmem:s1] =	stream.indirect.scatter.add.f32 [tilespmem:s25], [sflag:$0x2], $0x80, s23, s24, $0xb8;
	[tilespmem:$0x1E200] =	vst v63  }
0x50: {  	_ =	swait.ge [sflag:s0], $0x4000  }
0x51: {  	[sflag:s0] =	ssyncset.done $0x0  }
0x52: {  	s9 =	sadd.s32 $0xFFFFFFF0, s21;
	[sflag:s0] =	ssyncadd.s32 $0xFFFFC000  }
0x53: {  	[tilespmem:s28], [sflag:$0x4] =	stream.linear.gather [hbm4b:s9+s2], $0x80, $0x38;
	[tilespmem:$0x1E200] =	vst v63  }
0x54: {  	_ =	swait.ge [sflag:s22], $0x80  }
0x55: {  	[sflag:s22] =	ssyncset.done $0x0  }
0x56: {  	s11 =	simm.s32 $0x180;
	[sflag:s22] =	ssyncadd.s32 $0xFFFFFF80  }
0x57: {  	[tilespmem:s29], [sflag:$0x1] =	stream.indirect.gather [hbm4b:s4+s24], $0x80, s11, s24, $0xb8;
	[tilespmem:$0x1E200] =	vst v63  }
0x58: {  	_ =	swait.ge [sflag:s26], $0x4000  }
0x59: {  	[sflag:s26] =	ssyncset.done $0x0  }
0x5a: {  	[sflag:s26] =	ssyncadd.s32 $0xFFFFC000  }
0x5b: {  	[spmem:s1] =	stream.indirect.scatter.add.f32 [tilespmem:s29], [sflag:$0x3], $0x80, s28, s24, $0xb8;
	[tilespmem:$0x1E200] =	vst v63  }
0x5c: {  	_ =	swait.ge [sflag:s30], $0x4000  }
0x5d: {  	[sflag:s30] =	ssyncset.done $0x0  }
0x5e: {  	[sflag:s30] =	ssyncadd.s32 $0xFFFFC000  }
0x5f: {  	[tilespmem:s23], [sflag:$0x4] =	stream.linear.gather [hbm4b:s21+s2], $0x80, $0x38;
	[tilespmem:$0x1E200] =	vst v63  }
0x60: {  	_ =	swait.ge [sflag:s22], $0x80  }
0x61: {  	s13 =	simm.s32 $0x200;
	[sflag:s22] =	ssyncset.done $0x0  }
0x62: {  	s12 =	sadd.s32 $0x20, s21;
	s11 =	simm.s32 $0xFFFF6C00;
	[sflag:s22] =	ssyncadd.s32 $0xFFFFFF80  }
.LBB2_4:
0x63: {  	[tilespmem:s25], [sflag:$0x1] =	stream.indirect.gather [hbm4b:s4+s24], $0x80, s13, s24, $0xb8;
	[tilespmem:$0x1E200] =	vst v63  }
0x64: {  	s13 =	smov.u32 s11  }
0x65: {  	p1 =	sne.s32 s11, $0xFFFFFC00;
	s11 =	sadd.s32 $0x400, s11;
	_ =	swait.ge [sflag:s26], $0x4000  }
0x66: {  	[sflag:s26] =	ssyncset.done $0x0  }
0x67: {  	[sflag:s26] =	ssyncadd.s32 $0xFFFFC000  }
0x68: {  	[spmem:s1] =	stream.indirect.scatter.add.f32 [tilespmem:s25], [sflag:$0x2], $0x80, s23, s24, $0xb8;
	[tilespmem:$0x1E200] =	vst v63  }
0x69: {  	_ =	swait.ge [sflag:s0], $0x4000  }
0x6a: {  	[sflag:s0] =	ssyncset.done $0x0  }
0x6b: {  	s14 =	sadd.s32 $0xFFFFFFF0, s12;
	[sflag:s0] =	ssyncadd.s32 $0xFFFFC000  }
0x6c: {  	[tilespmem:s28], [sflag:$0x4] =	stream.linear.gather [hbm4b:s14+s2], $0x80, $0x38;
	[tilespmem:$0x1E200] =	vst v63  }
0x6d: {  	_ =	swait.ge [sflag:s22], $0x80  }
0x6e: {  	s13 =	sshra.s32 s13, $0x2;
	[sflag:s22] =	ssyncset.done $0x0  }
0x6f: {  	s14 =	sadd.s32 $0x2780, s13;
	[sflag:s22] =	ssyncadd.s32 $0xFFFFFF80  }
0x70: {  	[tilespmem:s29], [sflag:$0x1] =	stream.indirect.gather [hbm4b:s4+s24], $0x80, s14, s24, $0xb8;
	[tilespmem:$0x1E200] =	vst v63  }
0x71: {  	_ =	swait.ge [sflag:s26], $0x4000  }
0x72: {  	[sflag:s26] =	ssyncset.done $0x0  }
0x73: {  	[sflag:s26] =	ssyncadd.s32 $0xFFFFC000  }
0x74: {  	[spmem:s1] =	stream.indirect.scatter.add.f32 [tilespmem:s29], [sflag:$0x3], $0x80, s28, s24, $0xb8;
	[tilespmem:$0x1E200] =	vst v63  }
0x75: {  	_ =	swait.ge [sflag:s30], $0x4000  }
0x76: {  	[sflag:s30] =	ssyncset.done $0x0  }
.Ltmp1:
0x77: {  	[sflag:s30] =	ssyncadd.s32 $0xFFFFC000;
	(pc) =	sbr.rel @p1 .LBB2_4-.Ltmp1, $4  }
0x78: {  	[tilespmem:s23], [sflag:$0x4] =	stream.linear.gather [hbm4b:s12+s2], $0x80, $0x38;
	[tilespmem:$0x1E200] =	vst v63  }
0x79: {  	_ =	swait.ge [sflag:s22], $0x80  }
0x7a: {  	[sflag:s22] =	ssyncset.done $0x0  }
0x7b: {  	s13 =	sadd.s32 $0x2800, s13;
	s12 =	sadd.s32 $0x20, s12;
	[sflag:s22] =	ssyncadd.s32 $0xFFFFFF80  }
0x7c: {  	[tilespmem:s25], [sflag:$0x1] =	stream.indirect.gather [hbm4b:s4+s24], $0x80, s13, s24, $0xb8;
	[tilespmem:$0x1E200] =	vst v63  }
0x7d: {  	_ =	swait.ge [sflag:s26], $0x4000  }
0x7e: {  	[sflag:s26] =	ssyncset.done $0x0  }
0x7f: {  	[sflag:s26] =	ssyncadd.s32 $0xFFFFC000  }
0x80: {  	[spmem:s1] =	stream.indirect.scatter.add.f32 [tilespmem:s25], [sflag:$0x2], $0x80, s23, s24, $0xb8;
	[tilespmem:$0x1E200] =	vst v63  }
0x81: {  	_ =	swait.ge [sflag:s0], $0x4000  }
0x82: {  	[sflag:s0] =	ssyncset.done $0x0  }
0x83: {  	[sflag:s0] =	ssyncadd.s32 $0xFFFFC000  }
0x84: {  	[tilespmem:s28], [sflag:$0x4] =	stream.linear.gather [hbm4b:s20+s2], $0x80, $0x38;
	[tilespmem:$0x1E200] =	vst v63  }
0x85: {  	_ =	swait.ge [sflag:s22], $0x80  }
0x86: {  	[sflag:s22] =	ssyncset.done $0x0  }
0x87: {  	[sflag:s22] =	ssyncadd.s32 $0xFFFFFF80  }
0x88: {  	[tilespmem:s29], [sflag:$0x1] =	stream.indirect.gather [hbm4b:s4+s24], $0x80, s3, s24, $0xb8;
	[tilespmem:$0x1E200] =	vst v63  }
0x89: {  	_ =	swait.ge [sflag:s26], $0x4000  }
0x8a: {  	[sflag:s26] =	ssyncset.done $0x0  }
0x8b: {  	[sflag:s26] =	ssyncadd.s32 $0xFFFFC000  }
0x8c: {  	[spmem:s1] =	stream.indirect.scatter.add.f32 [tilespmem:s29], [sflag:$0x3], $0x80, s28, s24, $0xb8;
	[tilespmem:$0x1E200] =	vst v63  }
0x8d: {  	_ =	swait.ge [sflag:s30], $0x4000  }
0x8e: {  	[sflag:s30] =	ssyncset.done $0x0  }
0x8f: {  	[sflag:s30] =	ssyncadd.s32 $0xFFFFC000  }
0x90: {  	_ =	swait.ge [sflag:s0], $0x4000  }
0x91: {  	[sflag:s0] =	ssyncset.done $0x0  }
0x92: {  	[sflag:s0] =	ssyncadd.s32 $0xFFFFC000  }
0x93: {  	[bflag:$0x0] =	sbarrier.arrive $0xFFFF  }
0x94: {  	s11 =	rddreg [dreg:$0x8]  }
0x95: {  	[hbm:s11], [sflag:s6] =	dma.local [spmem:s7], $0x2700  }
0x96: {  	_ =	swait.ge [sflag:s22], $0x2700  }
0x97: {  	[sflag:s22] =	ssyncset.done $0x0  }
0x98: {  	s11 =	rddreg [dreg:$0x9];
	[sflag:s22] =	ssyncadd.s32 $0xFFFFD900  }
0x99: {  	[hbm:s11], [sflag:s6] =	dma.local @!p0 [spmem:s8], $0x100  }
0x9a: {  	s11 =	simm.s32 @!p0 $0x4  }
0x9b: {  	_ =	swait.ge @!p0 [sflag:s11], $0x100  }
0x9c: {  	[sflag:s11] =	ssyncset.done @!p0 $0x0  }
0x9d: {  	[sflag:s11] =	ssyncadd.s32 @!p0 $0xFFFFFF00  }
0x9e: {  	s12 =	simm.s32 $0x40;
	s11 =	simm.s32 $0x0;
	[bflag:$0x0] =	sbarrier.arrive $0xFFFF  }
.LBB2_6:
0x9f: {  	p1 =	sne.s32 s12, $0x9FC0;
	v1 =	vld [tilespmem:s11+$0x0];
	_ =	sdelay $0x1  }
.Ltmp2:
0xa0: {  	(pc) =	sbr.rel @p1 .LBB2_6-.Ltmp2, $3  }
0xa1: {  	_ =	sdelay $0x1  }
0xa2: {  	v1 =	vadd.s32 $0x2710, v1  }
0xa3: {  	[tilespmem:s11+$0x0] =	vst v1;
	s11 =	sshra.s32 s12, $0x2;
	s12 =	sadd.s32 $0x40, s12  }
0xa4: {  	v1 =	vld [tilespmem:s11+$0x0];
	_ =	sdelay $0x4  }
0xa5: {  	v1 =	vadd.s32 $0x2710, v1  }
0xa6: {  	s13 =	rddreg [dreg:$0xa];
	[tilespmem:s11+$0x0] =	vst v1  }
0xa7: {  	[spmem:s7], [sflag:s6] =	dma.local [hbm:s13], $0x2700  }
0xa8: {  	_ =	swait.ge [sflag:s22], $0x2700  }
0xa9: {  	[sflag:s22] =	ssyncset.done $0x0  }
0xaa: {  	s11 =	rddreg [dreg:$0xb];
	[sflag:s22] =	ssyncadd.s32 $0xFFFFD900  }
0xab: {  	[spmem:s8], [sflag:s6] =	dma.local @!p0 [hbm:s11], $0x100  }
0xac: {  	s11 =	simm.s32 @!p0 $0x4  }
0xad: {  	_ =	swait.ge @!p0 [sflag:s11], $0x100  }
0xae: {  	[sflag:s11] =	ssyncset.done @!p0 $0x0  }
0xaf: {  	[sflag:s11] =	ssyncadd.s32 @!p0 $0xFFFFFF00  }
0xb0: {  	[bflag:$0x0] =	sbarrier.arrive $0xFFFF  }
0xb1: {  	[tilespmem:s23], [sflag:$0x4] =	stream.linear.gather [hbm4b:s10+s2], $0x80, $0x38;
	[tilespmem:$0x1E200] =	vst v63  }
0xb2: {  	_ =	swait.ge [sflag:s22], $0x80  }
0xb3: {  	[sflag:s22] =	ssyncset.done $0x0  }
0xb4: {  	[sflag:s22] =	ssyncadd.s32 $0xFFFFFF80  }
0xb5: {  	[tilespmem:s25], [sflag:$0x1] =	stream.indirect.gather [hbm4b:s4+s24], $0x80, s2, s24, $0xb8;
	[tilespmem:$0x1E200] =	vst v63  }
0xb6: {  	_ =	swait.ge [sflag:s26], $0x4000  }
0xb7: {  	[sflag:s26] =	ssyncset.done $0x0  }
0xb8: {  	[sflag:s26] =	ssyncadd.s32 $0xFFFFC000  }
0xb9: {  	[spmem:s1] =	stream.indirect.scatter.add.f32 [tilespmem:s25], [sflag:$0x2], $0x80, s23, s24, $0xb8;
	[tilespmem:$0x1E200] =	vst v63  }
0xba: {  	_ = 	snop  }
0xbb: {  	[tilespmem:s28], [sflag:$0x4] =	stream.linear.gather [hbm4b:s18+s2], $0x80, $0x38;
	[tilespmem:$0x1E200] =	vst v63  }
0xbc: {  	_ =	swait.ge [sflag:s22], $0x80  }
0xbd: {  	[sflag:s22] =	ssyncset.done $0x0  }
0xbe: {  	[sflag:s22] =	ssyncadd.s32 $0xFFFFFF80  }
0xbf: {  	[tilespmem:s29], [sflag:$0x1] =	stream.indirect.gather [hbm4b:s4+s24], $0x80, s24, s24, $0xb8;
	[tilespmem:$0x1E200] =	vst v63  }
0xc0: {  	_ =	swait.ge [sflag:s26], $0x4000  }
0xc1: {  	[sflag:s26] =	ssyncset.done $0x0  }
0xc2: {  	[sflag:s26] =	ssyncadd.s32 $0xFFFFC000  }
0xc3: {  	[spmem:s1] =	stream.indirect.scatter.add.f32 [tilespmem:s29], [sflag:$0x3], $0x80, s28, s24, $0xb8;
	[tilespmem:$0x1E200] =	vst v63  }
0xc4: {  	_ =	swait.ge [sflag:s30], $0x4000  }
0xc5: {  	[sflag:s30] =	ssyncset.done $0x0  }
0xc6: {  	[sflag:s30] =	ssyncadd.s32 $0xFFFFC000  }
0xc7: {  	[tilespmem:s23], [sflag:$0x4] =	stream.linear.gather [hbm4b:s19+s2], $0x80, $0x38;
	[tilespmem:$0x1E200] =	vst v63  }
0xc8: {  	_ =	swait.ge [sflag:s22], $0x80  }
0xc9: {  	[sflag:s22] =	ssyncset.done $0x0  }
0xca: {  	[sflag:s22] =	ssyncadd.s32 $0xFFFFFF80  }
0xcb: {  	[tilespmem:s25], [sflag:$0x1] =	stream.indirect.gather [hbm4b:s4+s24], $0x80, s31, s24, $0xb8;
	[tilespmem:$0x1E200] =	vst v63  }
0xcc: {  	_ =	swait.ge [sflag:s26], $0x4000  }
0xcd: {  	[sflag:s26] =	ssyncset.done $0x0  }
0xce: {  	[sflag:s26] =	ssyncadd.s32 $0xFFFFC000  }
0xcf: {  	[spmem:s1] =	stream.indirect.scatter.add.f32 [tilespmem:s25], [sflag:$0x2], $0x80, s23, s24, $0xb8;
	[tilespmem:$0x1E200] =	vst v63  }
0xd0: {  	_ =	swait.ge [sflag:s0], $0x4000  }
0xd1: {  	[sflag:s0] =	ssyncset.done $0x0  }
0xd2: {  	[sflag:s0] =	ssyncadd.s32 $0xFFFFC000  }
0xd3: {  	[tilespmem:s28], [sflag:$0x4] =	stream.linear.gather [hbm4b:s9+s2], $0x80, $0x38;
	[tilespmem:$0x1E200] =	vst v63  }
0xd4: {  	_ =	swait.ge [sflag:s22], $0x80  }
0xd5: {  	[sflag:s22] =	ssyncset.done $0x0  }
0xd6: {  	s14 =	simm.s32 $0x180;
	[sflag:s22] =	ssyncadd.s32 $0xFFFFFF80  }
0xd7: {  	[tilespmem:s29], [sflag:$0x1] =	stream.indirect.gather [hbm4b:s4+s24], $0x80, s14, s24, $0xb8;
	[tilespmem:$0x1E200] =	vst v63  }
0xd8: {  	_ =	swait.ge [sflag:s26], $0x4000  }
0xd9: {  	[sflag:s26] =	ssyncset.done $0x0  }
0xda: {  	[sflag:s26] =	ssyncadd.s32 $0xFFFFC000  }
0xdb: {  	[spmem:s1] =	stream.indirect.scatter.add.f32 [tilespmem:s29], [sflag:$0x3], $0x80, s28, s24, $0xb8;
	[tilespmem:$0x1E200] =	vst v63  }
0xdc: {  	_ =	swait.ge [sflag:s30], $0x4000  }
0xdd: {  	[sflag:s30] =	ssyncset.done $0x0  }
0xde: {  	[sflag:s30] =	ssyncadd.s32 $0xFFFFC000  }
0xdf: {  	[tilespmem:s23], [sflag:$0x4] =	stream.linear.gather [hbm4b:s21+s2], $0x80, $0x38;
	[tilespmem:$0x1E200] =	vst v63  }
0xe0: {  	_ =	swait.ge [sflag:s22], $0x80  }
0xe1: {  	s12 =	simm.s32 $0x200;
	[sflag:s22] =	ssyncset.done $0x0  }
0xe2: {  	s11 =	sadd.s32 $0x20, s21;
	s9 =	simm.s32 $0xFFFF6C00;
	[sflag:s22] =	ssyncadd.s32 $0xFFFFFF80  }
.LBB2_8:
0xe3: {  	[tilespmem:s25], [sflag:$0x1] =	stream.indirect.gather [hbm4b:s4+s24], $0x80, s12, s24, $0xb8;
	[tilespmem:$0x1E200] =	vst v63  }
0xe4: {  	s12 =	smov.u32 s9  }
0xe5: {  	p1 =	sne.s32 s9, $0xFFFFFC00;
	s9 =	sadd.s32 $0x400, s9;
	_ =	swait.ge [sflag:s26], $0x4000  }
0xe6: {  	[sflag:s26] =	ssyncset.done $0x0  }
0xe7: {  	[sflag:s26] =	ssyncadd.s32 $0xFFFFC000  }
0xe8: {  	[spmem:s1] =	stream.indirect.scatter.add.f32 [tilespmem:s25], [sflag:$0x2], $0x80, s23, s24, $0xb8;
	[tilespmem:$0x1E200] =	vst v63  }
0xe9: {  	_ =	swait.ge [sflag:s0], $0x4000  }
0xea: {  	[sflag:s0] =	ssyncset.done $0x0  }
0xeb: {  	s13 =	sadd.s32 $0xFFFFFFF0, s11;
	[sflag:s0] =	ssyncadd.s32 $0xFFFFC000  }
0xec: {  	[tilespmem:s28], [sflag:$0x4] =	stream.linear.gather [hbm4b:s13+s2], $0x80, $0x38;
	[tilespmem:$0x1E200] =	vst v63  }
0xed: {  	_ =	swait.ge [sflag:s22], $0x80  }
0xee: {  	s12 =	sshra.s32 s12, $0x2;
	[sflag:s22] =	ssyncset.done $0x0  }
0xef: {  	s13 =	sadd.s32 $0x2780, s12;
	[sflag:s22] =	ssyncadd.s32 $0xFFFFFF80  }
0xf0: {  	[tilespmem:s29], [sflag:$0x1] =	stream.indirect.gather [hbm4b:s4+s24], $0x80, s13, s24, $0xb8;
	[tilespmem:$0x1E200] =	vst v63  }
0xf1: {  	_ =	swait.ge [sflag:s26], $0x4000  }
0xf2: {  	[sflag:s26] =	ssyncset.done $0x0  }
0xf3: {  	[sflag:s26] =	ssyncadd.s32 $0xFFFFC000  }
0xf4: {  	[spmem:s1] =	stream.indirect.scatter.add.f32 [tilespmem:s29], [sflag:$0x3], $0x80, s28, s24, $0xb8;
	[tilespmem:$0x1E200] =	vst v63  }
0xf5: {  	_ =	swait.ge [sflag:s30], $0x4000  }
0xf6: {  	[sflag:s30] =	ssyncset.done $0x0  }
.Ltmp3:
0xf7: {  	[sflag:s30] =	ssyncadd.s32 $0xFFFFC000;
	(pc) =	sbr.rel @p1 .LBB2_8-.Ltmp3, $4  }
0xf8: {  	[tilespmem:s23], [sflag:$0x4] =	stream.linear.gather [hbm4b:s11+s2], $0x80, $0x38;
	[tilespmem:$0x1E200] =	vst v63  }
0xf9: {  	_ =	swait.ge [sflag:s22], $0x80  }
0xfa: {  	[sflag:s22] =	ssyncset.done $0x0  }
0xfb: {  	s12 =	sadd.s32 $0x2800, s12;
	s11 =	sadd.s32 $0x20, s11;
	[sflag:s22] =	ssyncadd.s32 $0xFFFFFF80  }
0xfc: {  	[tilespmem:s25], [sflag:$0x1] =	stream.indirect.gather [hbm4b:s4+s24], $0x80, s12, s24, $0xb8;
	[tilespmem:$0x1E200] =	vst v63  }
0xfd: {  	_ =	swait.ge [sflag:s26], $0x4000  }
0xfe: {  	[sflag:s26] =	ssyncset.done $0x0  }
0xff: {  	[sflag:s26] =	ssyncadd.s32 $0xFFFFC000  }
0x100: {  	[spmem:s1] =	stream.indirect.scatter.add.f32 [tilespmem:s25], [sflag:$0x2], $0x80, s23, s24, $0xb8;
	[tilespmem:$0x1E200] =	vst v63  }
0x101: {  	_ =	swait.ge [sflag:s0], $0x4000  }
0x102: {  	[sflag:s0] =	ssyncset.done $0x0  }
0x103: {  	[sflag:s0] =	ssyncadd.s32 $0xFFFFC000  }
0x104: {  	[tilespmem:s28], [sflag:$0x4] =	stream.linear.gather [hbm4b:s20+s2], $0x80, $0x38;
	[tilespmem:$0x1E200] =	vst v63  }
0x105: {  	_ =	swait.ge [sflag:s22], $0x80  }
0x106: {  	[sflag:s22] =	ssyncset.done $0x0  }
0x107: {  	[sflag:s22] =	ssyncadd.s32 $0xFFFFFF80  }
0x108: {  	[tilespmem:s29], [sflag:$0x1] =	stream.indirect.gather [hbm4b:s4+s24], $0x80, s3, s24, $0xb8;
	[tilespmem:$0x1E200] =	vst v63  }
0x109: {  	_ =	swait.ge [sflag:s26], $0x4000  }
0x10a: {  	[sflag:s26] =	ssyncset.done $0x0  }
0x10b: {  	[sflag:s26] =	ssyncadd.s32 $0xFFFFC000  }
0x10c: {  	[spmem:s1] =	stream.indirect.scatter.add.f32 [tilespmem:s29], [sflag:$0x3], $0x80, s28, s24, $0xb8;
	[tilespmem:$0x1E200] =	vst v63  }
0x10d: {  	_ =	swait.ge [sflag:s30], $0x4000  }
0x10e: {  	[sflag:s30] =	ssyncset.done $0x0  }
0x10f: {  	[sflag:s30] =	ssyncadd.s32 $0xFFFFC000  }
0x110: {  	_ =	swait.ge [sflag:s0], $0x4000  }
0x111: {  	[sflag:s0] =	ssyncset.done $0x0  }
0x112: {  	[sflag:s0] =	ssyncadd.s32 $0xFFFFC000  }
0x113: {  	[bflag:$0x0] =	sbarrier.arrive $0xFFFF  }
0x114: {  	[hbm:s15], [sflag:s6] =	dma.local [spmem:s7], $0x2700  }
0x115: {  	_ =	swait.ge [sflag:s22], $0x2700  }
0x116: {  	[sflag:s22] =	ssyncset.done $0x0  }
0x117: {  	s5 =	sadd.s32 $0x1, s5;
	[sflag:s22] =	ssyncadd.s32 $0xFFFFD900  }
0x118: {  	[hbm:s16], [sflag:s6] =	dma.local @!p0 [spmem:s8], $0x100  }
0x119: {  	p1 =	sne.s32 s5, s17;
	s6 =	simm.s32 @!p0 $0x4  }
.Ltmp4:
0x11a: {  	_ =	swait.ge @!p0 [sflag:s6], $0x100;
	(pc) =	sbr.rel @p1 .LBB2_1-.Ltmp4, $3  }
0x11b: {  	[sflag:s6] =	ssyncset.done @!p0 $0x0  }
0x11c: {  	[sflag:s6] =	ssyncadd.s32 @!p0 $0xFFFFFF00  }
0x11d: {  	[bflag:$0x0] =	sbarrier.arrive $0xFFFF;
	_ =	sdelay $0x1  }
0x11e: {  	_ =	sfence.sel $0x180000  }
0x11f: {  	[bflag:$0x0] =	sbarrier.arrive $0xFFFF  }
0x120: {  	_ =	strace $0x90000050  }
0x121: {  	[bflag:$0x2] =	sbarrier.arrive $0xFFFF  }
0x122: {  	s0 =	rddreg [dreg:$0x2]  }
0x123: {  	s0 =	sadd.s32 @!p0 $0x100000, s0  }
0x124: {  	[sflag:s0] =	ssyncadd.tile.s32 @!p0 $0x1;
	_ =	shalt  }
.Lfunc_end2:
_tile_overlayer_lowered:
.L_overlay_start_2:
0x125: {  	(tag) =	ssettag $0x2  }
0x126: {  	s0 =	rddreg [dreg:$0x0];
	s2 =	stileid.u32  }
0x127: {  	s1 =	rddreg [dreg:$0x1];
	p0 =	sne.s32 s2, $0x0  }
0x128: {  	s3 =	rddreg [dreg:$0x2];
	[bflag:$0x3] =	sbarrier.arrive $0xFFFF;
	s2 =	simm.s32 @!p0 $0x1C04  }
0x129: {  	[timem:s3], [sflag:s2] =	dma.local @!p0 [hbm:s0], s1  }
0x12a: {  	s0 =	simm.s32 @!p0 $0x4  }
0x12b: {  	_ =	swait.ge @!p0 [sflag:s0], s1  }
0x12c: {  	s1 =	ssub.s32 @!p0 $0x0, s1;
	[sflag:s0] =	ssyncset.done @!p0 $0x0  }
0x12d: {  	[sflag:s0] =	ssyncadd.s32 @!p0 s1  }
0x12e: {  	[bflag:$0x3] =	sbarrier.arrive $0xFFFF  }
0x12f: {  	_ =	shalt  }

</sc_bundles>
